<compile_context>
chip_gen: v7x
topology: tpu7x:2x2x1
jax: 0.10.2.dev20260603
libtpu: 0.0.44.dev20260713+nightly
codegen_flags: <defaults>
</compile_context>

<pallas_src>
import functools

import jax
import jax.numpy as jnp
from jax import lax
from jax.experimental import pallas as pl
from jax.experimental.pallas import tpu as pltpu
from jax.experimental.pallas import tpu_sc as plsc

_N_PAD = 16384
_ROWS = 128
_COLS = 128
_K_OUT = 2048
_D = 128


def _cmpx(s, idx, li, k, j):
    if j < _COLS:
        axis, sh = 1, j
    else:
        axis, sh = 0, j // _COLS
    low = (li & j) == 0
    ps = jnp.where(low, jnp.roll(s, -sh, axis), jnp.roll(s, sh, axis))
    pi = jnp.where(low, jnp.roll(idx, -sh, axis), jnp.roll(idx, sh, axis))
    larger_self = (s > ps) | ((s == ps) & (idx < pi))
    take_self = larger_self == (((li & k) == 0) == low)
    return jnp.where(take_self, s, ps), jnp.where(take_self, idx, pi)


def _lin_iota(rows):
    return (lax.broadcasted_iota(jnp.int32, (rows, _COLS), 0) * _COLS
            + lax.broadcasted_iota(jnp.int32, (rows, _COLS), 1))


def _topk_gate_body(score_ref, gate_ref, perm_ref):
    s = score_ref[...]
    li128 = _lin_iota(_ROWS)
    idx = li128
    s_a, i_a, l_a = s[:80], idx[:80], li128[:80]
    k = 2
    while k <= 2048:
        j = k // 2
        while j >= 1:
            s_a, i_a = _cmpx(s_a, i_a, l_a, k, j)
            j //= 2
        k *= 2
    s = jnp.concatenate([s_a, s[80:]], axis=0)
    idx = jnp.concatenate([i_a, idx[80:]], axis=0)
    rows = _ROWS
    for _ in range(3):
        li = _lin_iota(rows)
        s, idx = _cmpx(s, idx, li, 4096, 2048)
        keep = []
        for p in range(rows // 32):
            a = 32 * p if p % 2 == 0 else 32 * p + 16
            keep.append((a, a + 16))
        s = jnp.concatenate([s[a:b] for a, b in keep], axis=0)
        idx = jnp.concatenate([idx[a:b] for a, b in keep], axis=0)
        rows //= 2
        li = _lin_iota(rows)
        j = 1024
        while j >= 1:
            s, idx = _cmpx(s, idx, li, 2048, j)
            j //= 2
    gate_ref[...] = jnp.tanh(s)
    perm_ref[...] = idx


def _scale_body(rows_ref, gate_ref, out_ref):
    out_ref[...] = rows_ref[...] * gate_ref[...]


@functools.lru_cache(maxsize=1)
def _build_calls():
    topk_gate = pl.pallas_call(
        _topk_gate_body,
        out_shape=(
            jax.ShapeDtypeStruct((_K_OUT // _COLS, _COLS), jnp.float32),
            jax.ShapeDtypeStruct((_K_OUT // _COLS, _COLS), jnp.int32),
        ),
    )

    scale = pl.pallas_call(
        _scale_body,
        out_shape=jax.ShapeDtypeStruct((_K_OUT, _D), jnp.float32),
    )

    mesh = plsc.VectorSubcoreMesh(core_axis_name="c", subcore_axis_name="s")
    n_workers = 32
    per_w = _K_OUT // n_workers

    @functools.partial(
        pl.kernel,
        mesh=mesh,
        out_type=[
            jax.ShapeDtypeStruct((_K_OUT, _D), jnp.float32),
            jax.ShapeDtypeStruct((_K_OUT,), jnp.int32),
        ],
        scratch_types=[
            pltpu.VMEM((per_w,), jnp.int32),
            pltpu.VMEM((per_w, _D), jnp.float32),
            pltpu.VMEM((per_w,), jnp.int32),
            pltpu.SemaphoreType.DMA,
        ],
    )
    def gather_rows(feat_hbm, perm_hbm, batch_hbm, x_hbm, b_hbm,
                    idx_v, rows_v, bv_v, sem):
        wid = lax.axis_index("s") * 2 + lax.axis_index("c")
        base = wid * per_w
        pltpu.sync_copy(perm_hbm.at[pl.ds(base, per_w)], idx_v)
        pltpu.async_copy(feat_hbm.at[idx_v], rows_v, sem).wait()
        pltpu.async_copy(batch_hbm.at[idx_v], bv_v, sem).wait()
        pltpu.sync_copy(rows_v, x_hbm.at[pl.ds(base, per_w)])
        pltpu.sync_copy(bv_v, b_hbm.at[pl.ds(base, per_w)])

    return topk_gate, scale, gather_rows


def kernel(node_feat, edge_index, batch, W_rel, b_rel, W_root):
    topk_gate, scale, gather_rows = _build_calls()
    src = edge_index[0]
    dst = edge_index[1]
    msgs = node_feat[src]
    agg = jax.ops.segment_sum(msgs, dst, num_segments=node_feat.shape[0])
    score = (agg @ W_rel.T + b_rel + node_feat @ W_root.T).reshape(-1)
    spad = jnp.pad(score, (0, _N_PAD - score.shape[0]),
                   constant_values=-jnp.inf).reshape(_ROWS, _COLS)
    gate2d, perm2d = topk_gate(spad)
    perm = perm2d.reshape(_K_OUT)
    rows, batch_out = gather_rows(node_feat, perm, batch)
    x_out = scale(rows, gate2d.reshape(_K_OUT, 1))
    return (x_out, batch_out)

# --- scband reference (transcript-rebuilt; emitter-appended) ---
"""Pipeline reference for scband-unpooling-5703716569426 (READ-ONLY COPY).

The authoritative reference and input builder live on the scoring server;
editing this copy changes nothing except your own understanding.
"""

import jax, jax.numpy as jnp
import numpy as np

N_NODES = 10000
N_EDGES = 320000
D_FEAT = 128
POOL_K = 2048


def setup_inputs(seed: int = 0) -> dict:
    key = jax.random.key(seed)
    k1, k2, k3, k4 = jax.random.split(key, 4)
    node_feat = jax.random.normal(k1, (N_NODES, D_FEAT), dtype=jnp.float32)
    edge_index = jax.random.randint(k2, (2, N_EDGES), 0, N_NODES, dtype=jnp.int32)
    batch = jnp.zeros((N_NODES,), dtype=jnp.int32)
    # SAGPooling's internal GraphConv(node_dim, 1): lin_rel (weight+bias) acts on
    # sum-aggregated neighbor features, lin_root (weight, no bias) acts on x itself.
    W_rel = jax.random.normal(k3, (1, D_FEAT), dtype=jnp.float32) * 0.05
    b_rel = jnp.zeros((1,), dtype=jnp.float32)
    W_root = jax.random.normal(k4, (1, D_FEAT), dtype=jnp.float32) * 0.05
    return {
        "node_feat": node_feat,
        "edge_index": edge_index,
        "batch": batch,
        "W_rel": W_rel,
        "b_rel": b_rel,
        "W_root": W_root,
    }


def reference(node_feat, edge_index, batch, W_rel, b_rel, W_root):
    # --- GraphConv(in=D_FEAT, out=1, aggr='add') to compute attention scores ---
    src = edge_index[0]
    dst = edge_index[1]
    msgs = node_feat[src]  # gather x_j over edges
    agg = jax.ops.segment_sum(msgs, dst, num_segments=node_feat.shape[0])  # scatter-add
    score = (agg @ W_rel.T + b_rel + node_feat @ W_root.T).reshape(-1)  # [N]
    # --- top-k node selection (ratio is an int -> fixed k); single graph (batch=0) ---
    k = min(POOL_K, score.shape[0])
    top_scores, perm = jax.lax.top_k(score, k)
    # --- gate selected node features by tanh(score), multiplier = 1 ---
    x_out = node_feat[perm] * jnp.tanh(top_scores)[:, None]
    batch_out = batch[perm]
    return (x_out, batch_out)

if __name__ == "__main__":
    import jax
    _d = setup_inputs()
    print(jax.jit(kernel)(*tuple(_d.values())))

</pallas_src>

<mosaic_0001>
#map = affine_map<(d0, d1) -> (0, 0)>
#map1 = affine_map<(d0, d1) -> (0)>
module attributes {stable_mosaic.version = 14 : i64} {
  func.func @gather_rows(%arg0: i32, %arg1: i32, %arg2: memref<10000x128xf32, #tpu.memory_space<hbm>>, %arg3: memref<2048xi32, #tpu.memory_space<hbm>>, %arg4: memref<10000xi32, #tpu.memory_space<hbm>>, %arg5: memref<2048x128xf32, #tpu.memory_space<hbm>>, %arg6: memref<2048xi32, #tpu.memory_space<hbm>>, %arg7: memref<64xi32, #tpu.memory_space<vmem>>, %arg8: memref<64x128xf32, #tpu.memory_space<vmem>>, %arg9: memref<64xi32, #tpu.memory_space<vmem>>, %arg10: memref<!tpu.dma_semaphore, #tpu.memory_space<semaphore_mem>>) attributes {dimension_semantics = [#tpu.dimension_semantics<core_parallel>, #tpu.dimension_semantics<subcore_parallel>], iteration_bounds = array<i64: 2, 16>, scalar_prefetch = 0 : i64, scratch_operands = 4 : i64, tpu.core_type = #tpu.core_type<sc_vector_subcore>, window_params = [{transform_indices = #map}, {transform_indices = #map1}, {transform_indices = #map1}, {transform_indices = #map}, {transform_indices = #map1}]} {
    %mul3A = arith.constant 2 : i32
    %mul3A_0 = arith.muli %arg1, %mul3A : i32
    %add3A = arith.addi %mul3A_0, %arg0 : i32
    %mul3A_1 = arith.constant 64 : i32
    %mul3A_2 = arith.muli %add3A, %mul3A_1 : i32
    "tpu.region"() ({
      %run_scoped3A = tpu.sem_alloc : memref<!tpu.dma_semaphore, #tpu.memory_space<semaphore_mem>>
      %dma_start3A_11 = tpu.memref_slice %arg3[%mul3A_2] : memref<2048xi32, #tpu.memory_space<hbm>> -> memref<64xi32, #tpu.memory_space<hbm>>
      %dma_start3A_12 = tpu.memref_slice %arg3[%mul3A_2] : memref<2048xi32, #tpu.memory_space<hbm>> -> memref<64xi32, #tpu.memory_space<hbm>>
      tpu.enqueue_dma source(%dma_start3A_12 : memref<64xi32, #tpu.memory_space<hbm>>) target(%arg7 : memref<64xi32, #tpu.memory_space<vmem>>) target_semaphore(%run_scoped3A : memref<!tpu.dma_semaphore, #tpu.memory_space<semaphore_mem>>)
      %dma_wait3A_13 = tpu.memref_slice %arg3[%mul3A_2] : memref<2048xi32, #tpu.memory_space<hbm>> -> memref<64xi32, #tpu.memory_space<hbm>>
      %dma_wait3A_14 = tpu.memref_slice %arg3[%mul3A_2] : memref<2048xi32, #tpu.memory_space<hbm>> -> memref<64xi32, #tpu.memory_space<hbm>>
      tpu.wait_dma2 semaphore(%run_scoped3A : memref<!tpu.dma_semaphore, #tpu.memory_space<semaphore_mem>>) src(%dma_wait3A_14 : memref<64xi32, #tpu.memory_space<hbm>>) dst(%arg7 : memref<64xi32, #tpu.memory_space<vmem>>)
      tpu.yield
    }) : () -> ()
    %dma_start3A = arith.constant 0 : i32
    %dma_start3A_3 = arith.constant 0 : i32
    %dma_start3A_4 = tpu.memref_slice %arg2[%dma_start3A, %dma_start3A_3] : memref<10000x128xf32, #tpu.memory_space<hbm>> -> memref<10000x128xf32, #tpu.memory_space<hbm>>
    tpu.enqueue_indirect_dma source(%dma_start3A_4 : memref<10000x128xf32, #tpu.memory_space<hbm>>) target(%arg8 : memref<64x128xf32, #tpu.memory_space<vmem>>) offsets(%arg7 : memref<64xi32, #tpu.memory_space<vmem>>) semaphore(%arg10 : memref<!tpu.dma_semaphore, #tpu.memory_space<semaphore_mem>>)
    %dma_wait3A = arith.constant 0 : i32
    %dma_wait3A_5 = arith.constant 0 : i32
    %dma_wait3A_6 = tpu.memref_slice %arg2[%dma_wait3A, %dma_wait3A_5] : memref<10000x128xf32, #tpu.memory_space<hbm>> -> memref<10000x128xf32, #tpu.memory_space<hbm>>
    tpu.wait_indirect_dma semaphore(%arg10 : memref<!tpu.dma_semaphore, #tpu.memory_space<semaphore_mem>>) src(%dma_wait3A_6 : memref<10000x128xf32, #tpu.memory_space<hbm>>) dst(%arg8 : memref<64x128xf32, #tpu.memory_space<vmem>>)
    %dma_start3A_7 = arith.constant 0 : i32
    %dma_start3A_8 = tpu.memref_slice %arg4[%dma_start3A_7] : memref<10000xi32, #tpu.memory_space<hbm>> -> memref<10000xi32, #tpu.memory_space<hbm>>
    tpu.enqueue_indirect_dma source(%dma_start3A_8 : memref<10000xi32, #tpu.memory_space<hbm>>) target(%arg9 : memref<64xi32, #tpu.memory_space<vmem>>) offsets(%arg7 : memref<64xi32, #tpu.memory_space<vmem>>) semaphore(%arg10 : memref<!tpu.dma_semaphore, #tpu.memory_space<semaphore_mem>>)
    %dma_wait3A_9 = arith.constant 0 : i32
    %dma_wait3A_10 = tpu.memref_slice %arg4[%dma_wait3A_9] : memref<10000xi32, #tpu.memory_space<hbm>> -> memref<10000xi32, #tpu.memory_space<hbm>>
    tpu.wait_indirect_dma semaphore(%arg10 : memref<!tpu.dma_semaphore, #tpu.memory_space<semaphore_mem>>) src(%dma_wait3A_10 : memref<10000xi32, #tpu.memory_space<hbm>>) dst(%arg9 : memref<64xi32, #tpu.memory_space<vmem>>)
    "tpu.region"() ({
      %run_scoped3A = tpu.sem_alloc : memref<!tpu.dma_semaphore, #tpu.memory_space<semaphore_mem>>
      %dma_start3A_11 = arith.constant 0 : i32
      %dma_start3A_12 = tpu.memref_slice %arg5[%mul3A_2, %dma_start3A_11] : memref<2048x128xf32, #tpu.memory_space<hbm>> -> memref<64x128xf32, #tpu.memory_space<hbm>>
      %dma_start3A_13 = arith.constant 0 : i32
      %dma_start3A_14 = tpu.memref_slice %arg5[%mul3A_2, %dma_start3A_13] : memref<2048x128xf32, #tpu.memory_space<hbm>> -> memref<64x128xf32, #tpu.memory_space<hbm>>
      tpu.enqueue_dma source(%arg8 : memref<64x128xf32, #tpu.memory_space<vmem>>) target(%dma_start3A_14 : memref<64x128xf32, #tpu.memory_space<hbm>>) target_semaphore(%run_scoped3A : memref<!tpu.dma_semaphore, #tpu.memory_space<semaphore_mem>>)
      %dma_wait3A_15 = arith.constant 0 : i32
      %dma_wait3A_16 = tpu.memref_slice %arg5[%mul3A_2, %dma_wait3A_15] : memref<2048x128xf32, #tpu.memory_space<hbm>> -> memref<64x128xf32, #tpu.memory_space<hbm>>
      %dma_wait3A_17 = arith.constant 0 : i32
      %dma_wait3A_18 = tpu.memref_slice %arg5[%mul3A_2, %dma_wait3A_17] : memref<2048x128xf32, #tpu.memory_space<hbm>> -> memref<64x128xf32, #tpu.memory_space<hbm>>
      tpu.wait_dma2 semaphore(%run_scoped3A : memref<!tpu.dma_semaphore, #tpu.memory_space<semaphore_mem>>) src(%arg8 : memref<64x128xf32, #tpu.memory_space<vmem>>) dst(%dma_wait3A_18 : memref<64x128xf32, #tpu.memory_space<hbm>>)
      tpu.yield
    }) : () -> ()
    "tpu.region"() ({
      %run_scoped3A = tpu.sem_alloc : memref<!tpu.dma_semaphore, #tpu.memory_space<semaphore_mem>>
      %dma_start3A_11 = tpu.memref_slice %arg6[%mul3A_2] : memref<2048xi32, #tpu.memory_space<hbm>> -> memref<64xi32, #tpu.memory_space<hbm>>
      %dma_start3A_12 = tpu.memref_slice %arg6[%mul3A_2] : memref<2048xi32, #tpu.memory_space<hbm>> -> memref<64xi32, #tpu.memory_space<hbm>>
      tpu.enqueue_dma source(%arg9 : memref<64xi32, #tpu.memory_space<vmem>>) target(%dma_start3A_12 : memref<64xi32, #tpu.memory_space<hbm>>) target_semaphore(%run_scoped3A : memref<!tpu.dma_semaphore, #tpu.memory_space<semaphore_mem>>)
      %dma_wait3A_13 = tpu.memref_slice %arg6[%mul3A_2] : memref<2048xi32, #tpu.memory_space<hbm>> -> memref<64xi32, #tpu.memory_space<hbm>>
      %dma_wait3A_14 = tpu.memref_slice %arg6[%mul3A_2] : memref<2048xi32, #tpu.memory_space<hbm>> -> memref<64xi32, #tpu.memory_space<hbm>>
      tpu.wait_dma2 semaphore(%run_scoped3A : memref<!tpu.dma_semaphore, #tpu.memory_space<semaphore_mem>>) src(%arg9 : memref<64xi32, #tpu.memory_space<vmem>>) dst(%dma_wait3A_14 : memref<64xi32, #tpu.memory_space<hbm>>)
      tpu.yield
    }) : () -> ()
    return
  }
}

module attributes {stable_mosaic.version = 14 : i64} {
  func.func @_topk_gate_body(%arg0: memref<128x128xf32, #tpu.memory_space<vmem>>, %arg1: memref<16x128xf32, #tpu.memory_space<vmem>>, %arg2: memref<16x128xi32, #tpu.memory_space<vmem>>) attributes {dimension_semantics = [], scalar_prefetch = 0 : i64, scratch_operands = 0 : i64, tpu.core_type = #tpu.core_type<tc>} {
    %get3A = arith.constant 0 : index
    %get3A_0 = arith.constant 0 : index
    %get3A_1 = vector.load %arg0[%get3A, %get3A_0] : memref<128x128xf32, #tpu.memory_space<vmem>>, vector<128x128xf32>
    %iota3A = tpu.iota {dimensions = array<i32: 0>} : vector<128x128xi32>
    %mul3A = arith.constant 128 : i32
    %mul3A_2 = vector.broadcast %mul3A : i32 to vector<128x128xi32>
    %mul3A_3 = arith.muli %iota3A, %mul3A_2 : vector<128x128xi32>
    %iota3A_4 = tpu.iota {dimensions = array<i32: 1>} : vector<128x128xi32>
    %add3A = arith.addi %mul3A_3, %iota3A_4 : vector<128x128xi32>
    %slice3A = vector.extract_strided_slice %get3A_1 {offsets = [0, 0], sizes = [80, 128], strides = [1, 1]} : vector<128x128xf32> to vector<80x128xf32>
    %slice3A_5 = vector.extract_strided_slice %add3A {offsets = [0, 0], sizes = [80, 128], strides = [1, 1]} : vector<128x128xi32> to vector<80x128xi32>
    %slice3A_6 = vector.extract_strided_slice %add3A {offsets = [0, 0], sizes = [80, 128], strides = [1, 1]} : vector<128x128xi32> to vector<80x128xi32>
    %and3A = arith.constant 1 : i32
    %and3A_7 = vector.broadcast %and3A : i32 to vector<80x128xi32>
    %and3A_8 = arith.andi %slice3A_6, %and3A_7 : vector<80x128xi32>
    %eq3A = arith.constant 0 : i32
    %eq3A_9 = vector.broadcast %eq3A : i32 to vector<80x128xi32>
    %eq3A_10 = arith.cmpi eq, %and3A_8, %eq3A_9 : vector<80x128xi32>
    %slice3A_11 = vector.extract_strided_slice %slice3A {offsets = [0, 1], sizes = [80, 127], strides = [1, 1]} : vector<80x128xf32> to vector<80x127xf32>
    %slice3A_12 = vector.extract_strided_slice %slice3A {offsets = [0, 0], sizes = [80, 1], strides = [1, 1]} : vector<80x128xf32> to vector<80x1xf32>
    %concatenate3A = tpu.concatenate %slice3A_11, %slice3A_12 in 1 : vector<80x127xf32>, vector<80x1xf32> -> vector<80x128xf32>
    %slice3A_13 = vector.extract_strided_slice %slice3A {offsets = [0, 127], sizes = [80, 1], strides = [1, 1]} : vector<80x128xf32> to vector<80x1xf32>
    %slice3A_14 = vector.extract_strided_slice %slice3A {offsets = [0, 0], sizes = [80, 127], strides = [1, 1]} : vector<80x128xf32> to vector<80x127xf32>
    %concatenate3A_15 = tpu.concatenate %slice3A_13, %slice3A_14 in 1 : vector<80x1xf32>, vector<80x127xf32> -> vector<80x128xf32>
    %select_n3A = arith.select %eq3A_10, %concatenate3A, %concatenate3A_15 : vector<80x128xi1>, vector<80x128xf32>
    %slice3A_16 = vector.extract_strided_slice %slice3A_5 {offsets = [0, 1], sizes = [80, 127], strides = [1, 1]} : vector<80x128xi32> to vector<80x127xi32>
    %slice3A_17 = vector.extract_strided_slice %slice3A_5 {offsets = [0, 0], sizes = [80, 1], strides = [1, 1]} : vector<80x128xi32> to vector<80x1xi32>
    %concatenate3A_18 = tpu.concatenate %slice3A_16, %slice3A_17 in 1 : vector<80x127xi32>, vector<80x1xi32> -> vector<80x128xi32>
    %slice3A_19 = vector.extract_strided_slice %slice3A_5 {offsets = [0, 127], sizes = [80, 1], strides = [1, 1]} : vector<80x128xi32> to vector<80x1xi32>
    %slice3A_20 = vector.extract_strided_slice %slice3A_5 {offsets = [0, 0], sizes = [80, 127], strides = [1, 1]} : vector<80x128xi32> to vector<80x127xi32>
    %concatenate3A_21 = tpu.concatenate %slice3A_19, %slice3A_20 in 1 : vector<80x1xi32>, vector<80x127xi32> -> vector<80x128xi32>
    %select_n3A_22 = arith.select %eq3A_10, %concatenate3A_18, %concatenate3A_21 : vector<80x128xi1>, vector<80x128xi32>
    %gt3A = arith.cmpf ogt, %slice3A, %select_n3A : vector<80x128xf32>
    %eq3A_23 = arith.cmpf oeq, %slice3A, %select_n3A : vector<80x128xf32>
    %lt3A = arith.cmpi slt, %slice3A_5, %select_n3A_22 : vector<80x128xi32>
    %and3A_24 = arith.andi %eq3A_23, %lt3A : vector<80x128xi1>
    %or3A = arith.ori %gt3A, %and3A_24 : vector<80x128xi1>
    %and3A_25 = arith.constant 2 : i32
    %and3A_26 = vector.broadcast %and3A_25 : i32 to vector<80x128xi32>
    %and3A_27 = arith.andi %slice3A_6, %and3A_26 : vector<80x128xi32>
    %eq3A_28 = arith.constant 0 : i32
    %eq3A_29 = vector.broadcast %eq3A_28 : i32 to vector<80x128xi32>
    %eq3A_30 = arith.cmpi eq, %and3A_27, %eq3A_29 : vector<80x128xi32>
    %eq3A_31 = arith.xori %eq3A_30, %eq3A_10 : vector<80x128xi1>
    %eq3A_32 = arith.constant dense<true> : vector<80x128xi1>
    %eq3A_33 = arith.xori %eq3A_31, %eq3A_32 : vector<80x128xi1>
    %eq3A_34 = arith.xori %or3A, %eq3A_33 : vector<80x128xi1>
    %eq3A_35 = arith.constant dense<true> : vector<80x128xi1>
    %eq3A_36 = arith.xori %eq3A_34, %eq3A_35 : vector<80x128xi1>
    %select_n3A_37 = arith.select %eq3A_36, %slice3A, %select_n3A : vector<80x128xi1>, vector<80x128xf32>
    %select_n3A_38 = arith.select %eq3A_36, %slice3A_5, %select_n3A_22 : vector<80x128xi1>, vector<80x128xi32>
    %and3A_39 = arith.constant 2 : i32
    %and3A_40 = vector.broadcast %and3A_39 : i32 to vector<80x128xi32>
    %and3A_41 = arith.andi %slice3A_6, %and3A_40 : vector<80x128xi32>
    %eq3A_42 = arith.constant 0 : i32
    %eq3A_43 = vector.broadcast %eq3A_42 : i32 to vector<80x128xi32>
    %eq3A_44 = arith.cmpi eq, %and3A_41, %eq3A_43 : vector<80x128xi32>
    %slice3A_45 = vector.extract_strided_slice %select_n3A_37 {offsets = [0, 2], sizes = [80, 126], strides = [1, 1]} : vector<80x128xf32> to vector<80x126xf32>
    %slice3A_46 = vector.extract_strided_slice %select_n3A_37 {offsets = [0, 0], sizes = [80, 2], strides = [1, 1]} : vector<80x128xf32> to vector<80x2xf32>
    %concatenate3A_47 = tpu.concatenate %slice3A_45, %slice3A_46 in 1 : vector<80x126xf32>, vector<80x2xf32> -> vector<80x128xf32>
    %slice3A_48 = vector.extract_strided_slice %select_n3A_37 {offsets = [0, 126], sizes = [80, 2], strides = [1, 1]} : vector<80x128xf32> to vector<80x2xf32>
    %slice3A_49 = vector.extract_strided_slice %select_n3A_37 {offsets = [0, 0], sizes = [80, 126], strides = [1, 1]} : vector<80x128xf32> to vector<80x126xf32>
    %concatenate3A_50 = tpu.concatenate %slice3A_48, %slice3A_49 in 1 : vector<80x2xf32>, vector<80x126xf32> -> vector<80x128xf32>
    %select_n3A_51 = arith.select %eq3A_44, %concatenate3A_47, %concatenate3A_50 : vector<80x128xi1>, vector<80x128xf32>
    %slice3A_52 = vector.extract_strided_slice %select_n3A_38 {offsets = [0, 2], sizes = [80, 126], strides = [1, 1]} : vector<80x128xi32> to vector<80x126xi32>
    %slice3A_53 = vector.extract_strided_slice %select_n3A_38 {offsets = [0, 0], sizes = [80, 2], strides = [1, 1]} : vector<80x128xi32> to vector<80x2xi32>
    %concatenate3A_54 = tpu.concatenate %slice3A_52, %slice3A_53 in 1 : vector<80x126xi32>, vector<80x2xi32> -> vector<80x128xi32>
    %slice3A_55 = vector.extract_strided_slice %select_n3A_38 {offsets = [0, 126], sizes = [80, 2], strides = [1, 1]} : vector<80x128xi32> to vector<80x2xi32>
    %slice3A_56 = vector.extract_strided_slice %select_n3A_38 {offsets = [0, 0], sizes = [80, 126], strides = [1, 1]} : vector<80x128xi32> to vector<80x126xi32>
    %concatenate3A_57 = tpu.concatenate %slice3A_55, %slice3A_56 in 1 : vector<80x2xi32>, vector<80x126xi32> -> vector<80x128xi32>
    %select_n3A_58 = arith.select %eq3A_44, %concatenate3A_54, %concatenate3A_57 : vector<80x128xi1>, vector<80x128xi32>
    %gt3A_59 = arith.cmpf ogt, %select_n3A_37, %select_n3A_51 : vector<80x128xf32>
    %eq3A_60 = arith.cmpf oeq, %select_n3A_37, %select_n3A_51 : vector<80x128xf32>
    %lt3A_61 = arith.cmpi slt, %select_n3A_38, %select_n3A_58 : vector<80x128xi32>
    %and3A_62 = arith.andi %eq3A_60, %lt3A_61 : vector<80x128xi1>
    %or3A_63 = arith.ori %gt3A_59, %and3A_62 : vector<80x128xi1>
    %and3A_64 = arith.constant 4 : i32
    %and3A_65 = vector.broadcast %and3A_64 : i32 to vector<80x128xi32>
    %and3A_66 = arith.andi %slice3A_6, %and3A_65 : vector<80x128xi32>
    %eq3A_67 = arith.constant 0 : i32
    %eq3A_68 = vector.broadcast %eq3A_67 : i32 to vector<80x128xi32>
    %eq3A_69 = arith.cmpi eq, %and3A_66, %eq3A_68 : vector<80x128xi32>
    %eq3A_70 = arith.xori %eq3A_69, %eq3A_44 : vector<80x128xi1>
    %eq3A_71 = arith.constant dense<true> : vector<80x128xi1>
    %eq3A_72 = arith.xori %eq3A_70, %eq3A_71 : vector<80x128xi1>
    %eq3A_73 = arith.xori %or3A_63, %eq3A_72 : vector<80x128xi1>
    %eq3A_74 = arith.constant dense<true> : vector<80x128xi1>
    %eq3A_75 = arith.xori %eq3A_73, %eq3A_74 : vector<80x128xi1>
    %select_n3A_76 = arith.select %eq3A_75, %select_n3A_37, %select_n3A_51 : vector<80x128xi1>, vector<80x128xf32>
    %select_n3A_77 = arith.select %eq3A_75, %select_n3A_38, %select_n3A_58 : vector<80x128xi1>, vector<80x128xi32>
    %and3A_78 = arith.constant 1 : i32
    %and3A_79 = vector.broadcast %and3A_78 : i32 to vector<80x128xi32>
    %and3A_80 = arith.andi %slice3A_6, %and3A_79 : vector<80x128xi32>
    %eq3A_81 = arith.constant 0 : i32
    %eq3A_82 = vector.broadcast %eq3A_81 : i32 to vector<80x128xi32>
    %eq3A_83 = arith.cmpi eq, %and3A_80, %eq3A_82 : vector<80x128xi32>
    %slice3A_84 = vector.extract_strided_slice %select_n3A_76 {offsets = [0, 1], sizes = [80, 127], strides = [1, 1]} : vector<80x128xf32> to vector<80x127xf32>
    %slice3A_85 = vector.extract_strided_slice %select_n3A_76 {offsets = [0, 0], sizes = [80, 1], strides = [1, 1]} : vector<80x128xf32> to vector<80x1xf32>
    %concatenate3A_86 = tpu.concatenate %slice3A_84, %slice3A_85 in 1 : vector<80x127xf32>, vector<80x1xf32> -> vector<80x128xf32>
    %slice3A_87 = vector.extract_strided_slice %select_n3A_76 {offsets = [0, 127], sizes = [80, 1], strides = [1, 1]} : vector<80x128xf32> to vector<80x1xf32>
    %slice3A_88 = vector.extract_strided_slice %select_n3A_76 {offsets = [0, 0], sizes = [80, 127], strides = [1, 1]} : vector<80x128xf32> to vector<80x127xf32>
    %concatenate3A_89 = tpu.concatenate %slice3A_87, %slice3A_88 in 1 : vector<80x1xf32>, vector<80x127xf32> -> vector<80x128xf32>
    %select_n3A_90 = arith.select %eq3A_83, %concatenate3A_86, %concatenate3A_89 : vector<80x128xi1>, vector<80x128xf32>
    %slice3A_91 = vector.extract_strided_slice %select_n3A_77 {offsets = [0, 1], sizes = [80, 127], strides = [1, 1]} : vector<80x128xi32> to vector<80x127xi32>
    %slice3A_92 = vector.extract_strided_slice %select_n3A_77 {offsets = [0, 0], sizes = [80, 1], strides = [1, 1]} : vector<80x128xi32> to vector<80x1xi32>
    %concatenate3A_93 = tpu.concatenate %slice3A_91, %slice3A_92 in 1 : vector<80x127xi32>, vector<80x1xi32> -> vector<80x128xi32>
    %slice3A_94 = vector.extract_strided_slice %select_n3A_77 {offsets = [0, 127], sizes = [80, 1], strides = [1, 1]} : vector<80x128xi32> to vector<80x1xi32>
    %slice3A_95 = vector.extract_strided_slice %select_n3A_77 {offsets = [0, 0], sizes = [80, 127], strides = [1, 1]} : vector<80x128xi32> to vector<80x127xi32>
    %concatenate3A_96 = tpu.concatenate %slice3A_94, %slice3A_95 in 1 : vector<80x1xi32>, vector<80x127xi32> -> vector<80x128xi32>
    %select_n3A_97 = arith.select %eq3A_83, %concatenate3A_93, %concatenate3A_96 : vector<80x128xi1>, vector<80x128xi32>
    %gt3A_98 = arith.cmpf ogt, %select_n3A_76, %select_n3A_90 : vector<80x128xf32>
    %eq3A_99 = arith.cmpf oeq, %select_n3A_76, %select_n3A_90 : vector<80x128xf32>
    %lt3A_100 = arith.cmpi slt, %select_n3A_77, %select_n3A_97 : vector<80x128xi32>
    %and3A_101 = arith.andi %eq3A_99, %lt3A_100 : vector<80x128xi1>
    %or3A_102 = arith.ori %gt3A_98, %and3A_101 : vector<80x128xi1>
    %and3A_103 = arith.constant 4 : i32
    %and3A_104 = vector.broadcast %and3A_103 : i32 to vector<80x128xi32>
    %and3A_105 = arith.andi %slice3A_6, %and3A_104 : vector<80x128xi32>
    %eq3A_106 = arith.constant 0 : i32
    %eq3A_107 = vector.broadcast %eq3A_106 : i32 to vector<80x128xi32>
    %eq3A_108 = arith.cmpi eq, %and3A_105, %eq3A_107 : vector<80x128xi32>
    %eq3A_109 = arith.xori %eq3A_108, %eq3A_83 : vector<80x128xi1>
    %eq3A_110 = arith.constant dense<true> : vector<80x128xi1>
    %eq3A_111 = arith.xori %eq3A_109, %eq3A_110 : vector<80x128xi1>
    %eq3A_112 = arith.xori %or3A_102, %eq3A_111 : vector<80x128xi1>
    %eq3A_113 = arith.constant dense<true> : vector<80x128xi1>
    %eq3A_114 = arith.xori %eq3A_112, %eq3A_113 : vector<80x128xi1>
    %select_n3A_115 = arith.select %eq3A_114, %select_n3A_76, %select_n3A_90 : vector<80x128xi1>, vector<80x128xf32>
    %select_n3A_116 = arith.select %eq3A_114, %select_n3A_77, %select_n3A_97 : vector<80x128xi1>, vector<80x128xi32>
    %and3A_117 = arith.constant 4 : i32
    %and3A_118 = vector.broadcast %and3A_117 : i32 to vector<80x128xi32>
    %and3A_119 = arith.andi %slice3A_6, %and3A_118 : vector<80x128xi32>
    %eq3A_120 = arith.constant 0 : i32
    %eq3A_121 = vector.broadcast %eq3A_120 : i32 to vector<80x128xi32>
    %eq3A_122 = arith.cmpi eq, %and3A_119, %eq3A_121 : vector<80x128xi32>
    %slice3A_123 = vector.extract_strided_slice %select_n3A_115 {offsets = [0, 4], sizes = [80, 124], strides = [1, 1]} : vector<80x128xf32> to vector<80x124xf32>
    %slice3A_124 = vector.extract_strided_slice %select_n3A_115 {offsets = [0, 0], sizes = [80, 4], strides = [1, 1]} : vector<80x128xf32> to vector<80x4xf32>
    %concatenate3A_125 = tpu.concatenate %slice3A_123, %slice3A_124 in 1 : vector<80x124xf32>, vector<80x4xf32> -> vector<80x128xf32>
    %slice3A_126 = vector.extract_strided_slice %select_n3A_115 {offsets = [0, 124], sizes = [80, 4], strides = [1, 1]} : vector<80x128xf32> to vector<80x4xf32>
    %slice3A_127 = vector.extract_strided_slice %select_n3A_115 {offsets = [0, 0], sizes = [80, 124], strides = [1, 1]} : vector<80x128xf32> to vector<80x124xf32>
    %concatenate3A_128 = tpu.concatenate %slice3A_126, %slice3A_127 in 1 : vector<80x4xf32>, vector<80x124xf32> -> vector<80x128xf32>
    %select_n3A_129 = arith.select %eq3A_122, %concatenate3A_125, %concatenate3A_128 : vector<80x128xi1>, vector<80x128xf32>
    %slice3A_130 = vector.extract_strided_slice %select_n3A_116 {offsets = [0, 4], sizes = [80, 124], strides = [1, 1]} : vector<80x128xi32> to vector<80x124xi32>
    %slice3A_131 = vector.extract_strided_slice %select_n3A_116 {offsets = [0, 0], sizes = [80, 4], strides = [1, 1]} : vector<80x128xi32> to vector<80x4xi32>
    %concatenate3A_132 = tpu.concatenate %slice3A_130, %slice3A_131 in 1 : vector<80x124xi32>, vector<80x4xi32> -> vector<80x128xi32>
    %slice3A_133 = vector.extract_strided_slice %select_n3A_116 {offsets = [0, 124], sizes = [80, 4], strides = [1, 1]} : vector<80x128xi32> to vector<80x4xi32>
    %slice3A_134 = vector.extract_strided_slice %select_n3A_116 {offsets = [0, 0], sizes = [80, 124], strides = [1, 1]} : vector<80x128xi32> to vector<80x124xi32>
    %concatenate3A_135 = tpu.concatenate %slice3A_133, %slice3A_134 in 1 : vector<80x4xi32>, vector<80x124xi32> -> vector<80x128xi32>
    %select_n3A_136 = arith.select %eq3A_122, %concatenate3A_132, %concatenate3A_135 : vector<80x128xi1>, vector<80x128xi32>
    %gt3A_137 = arith.cmpf ogt, %select_n3A_115, %select_n3A_129 : vector<80x128xf32>
    %eq3A_138 = arith.cmpf oeq, %select_n3A_115, %select_n3A_129 : vector<80x128xf32>
    %lt3A_139 = arith.cmpi slt, %select_n3A_116, %select_n3A_136 : vector<80x128xi32>
    %and3A_140 = arith.andi %eq3A_138, %lt3A_139 : vector<80x128xi1>
    %or3A_141 = arith.ori %gt3A_137, %and3A_140 : vector<80x128xi1>
    %and3A_142 = arith.constant 8 : i32
    %and3A_143 = vector.broadcast %and3A_142 : i32 to vector<80x128xi32>
    %and3A_144 = arith.andi %slice3A_6, %and3A_143 : vector<80x128xi32>
    %eq3A_145 = arith.constant 0 : i32
    %eq3A_146 = vector.broadcast %eq3A_145 : i32 to vector<80x128xi32>
    %eq3A_147 = arith.cmpi eq, %and3A_144, %eq3A_146 : vector<80x128xi32>
    %eq3A_148 = arith.xori %eq3A_147, %eq3A_122 : vector<80x128xi1>
    %eq3A_149 = arith.constant dense<true> : vector<80x128xi1>
    %eq3A_150 = arith.xori %eq3A_148, %eq3A_149 : vector<80x128xi1>
    %eq3A_151 = arith.xori %or3A_141, %eq3A_150 : vector<80x128xi1>
    %eq3A_152 = arith.constant dense<true> : vector<80x128xi1>
    %eq3A_153 = arith.xori %eq3A_151, %eq3A_152 : vector<80x128xi1>
    %select_n3A_154 = arith.select %eq3A_153, %select_n3A_115, %select_n3A_129 : vector<80x128xi1>, vector<80x128xf32>
    %select_n3A_155 = arith.select %eq3A_153, %select_n3A_116, %select_n3A_136 : vector<80x128xi1>, vector<80x128xi32>
    %and3A_156 = arith.constant 2 : i32
    %and3A_157 = vector.broadcast %and3A_156 : i32 to vector<80x128xi32>
    %and3A_158 = arith.andi %slice3A_6, %and3A_157 : vector<80x128xi32>
    %eq3A_159 = arith.constant 0 : i32
    %eq3A_160 = vector.broadcast %eq3A_159 : i32 to vector<80x128xi32>
    %eq3A_161 = arith.cmpi eq, %and3A_158, %eq3A_160 : vector<80x128xi32>
    %slice3A_162 = vector.extract_strided_slice %select_n3A_154 {offsets = [0, 2], sizes = [80, 126], strides = [1, 1]} : vector<80x128xf32> to vector<80x126xf32>
    %slice3A_163 = vector.extract_strided_slice %select_n3A_154 {offsets = [0, 0], sizes = [80, 2], strides = [1, 1]} : vector<80x128xf32> to vector<80x2xf32>
    %concatenate3A_164 = tpu.concatenate %slice3A_162, %slice3A_163 in 1 : vector<80x126xf32>, vector<80x2xf32> -> vector<80x128xf32>
    %slice3A_165 = vector.extract_strided_slice %select_n3A_154 {offsets = [0, 126], sizes = [80, 2], strides = [1, 1]} : vector<80x128xf32> to vector<80x2xf32>
    %slice3A_166 = vector.extract_strided_slice %select_n3A_154 {offsets = [0, 0], sizes = [80, 126], strides = [1, 1]} : vector<80x128xf32> to vector<80x126xf32>
    %concatenate3A_167 = tpu.concatenate %slice3A_165, %slice3A_166 in 1 : vector<80x2xf32>, vector<80x126xf32> -> vector<80x128xf32>
    %select_n3A_168 = arith.select %eq3A_161, %concatenate3A_164, %concatenate3A_167 : vector<80x128xi1>, vector<80x128xf32>
    %slice3A_169 = vector.extract_strided_slice %select_n3A_155 {offsets = [0, 2], sizes = [80, 126], strides = [1, 1]} : vector<80x128xi32> to vector<80x126xi32>
    %slice3A_170 = vector.extract_strided_slice %select_n3A_155 {offsets = [0, 0], sizes = [80, 2], strides = [1, 1]} : vector<80x128xi32> to vector<80x2xi32>
    %concatenate3A_171 = tpu.concatenate %slice3A_169, %slice3A_170 in 1 : vector<80x126xi32>, vector<80x2xi32> -> vector<80x128xi32>
    %slice3A_172 = vector.extract_strided_slice %select_n3A_155 {offsets = [0, 126], sizes = [80, 2], strides = [1, 1]} : vector<80x128xi32> to vector<80x2xi32>
    %slice3A_173 = vector.extract_strided_slice %select_n3A_155 {offsets = [0, 0], sizes = [80, 126], strides = [1, 1]} : vector<80x128xi32> to vector<80x126xi32>
    %concatenate3A_174 = tpu.concatenate %slice3A_172, %slice3A_173 in 1 : vector<80x2xi32>, vector<80x126xi32> -> vector<80x128xi32>
    %select_n3A_175 = arith.select %eq3A_161, %concatenate3A_171, %concatenate3A_174 : vector<80x128xi1>, vector<80x128xi32>
    %gt3A_176 = arith.cmpf ogt, %select_n3A_154, %select_n3A_168 : vector<80x128xf32>
    %eq3A_177 = arith.cmpf oeq, %select_n3A_154, %select_n3A_168 : vector<80x128xf32>
    %lt3A_178 = arith.cmpi slt, %select_n3A_155, %select_n3A_175 : vector<80x128xi32>
    %and3A_179 = arith.andi %eq3A_177, %lt3A_178 : vector<80x128xi1>
    %or3A_180 = arith.ori %gt3A_176, %and3A_179 : vector<80x128xi1>
    %and3A_181 = arith.constant 8 : i32
    %and3A_182 = vector.broadcast %and3A_181 : i32 to vector<80x128xi32>
    %and3A_183 = arith.andi %slice3A_6, %and3A_182 : vector<80x128xi32>
    %eq3A_184 = arith.constant 0 : i32
    %eq3A_185 = vector.broadcast %eq3A_184 : i32 to vector<80x128xi32>
    %eq3A_186 = arith.cmpi eq, %and3A_183, %eq3A_185 : vector<80x128xi32>
    %eq3A_187 = arith.xori %eq3A_186, %eq3A_161 : vector<80x128xi1>
    %eq3A_188 = arith.constant dense<true> : vector<80x128xi1>
    %eq3A_189 = arith.xori %eq3A_187, %eq3A_188 : vector<80x128xi1>
    %eq3A_190 = arith.xori %or3A_180, %eq3A_189 : vector<80x128xi1>
    %eq3A_191 = arith.constant dense<true> : vector<80x128xi1>
    %eq3A_192 = arith.xori %eq3A_190, %eq3A_191 : vector<80x128xi1>
    %select_n3A_193 = arith.select %eq3A_192, %select_n3A_154, %select_n3A_168 : vector<80x128xi1>, vector<80x128xf32>
    %select_n3A_194 = arith.select %eq3A_192, %select_n3A_155, %select_n3A_175 : vector<80x128xi1>, vector<80x128xi32>
    %and3A_195 = arith.constant 1 : i32
    %and3A_196 = vector.broadcast %and3A_195 : i32 to vector<80x128xi32>
    %and3A_197 = arith.andi %slice3A_6, %and3A_196 : vector<80x128xi32>
    %eq3A_198 = arith.constant 0 : i32
    %eq3A_199 = vector.broadcast %eq3A_198 : i32 to vector<80x128xi32>
    %eq3A_200 = arith.cmpi eq, %and3A_197, %eq3A_199 : vector<80x128xi32>
    %slice3A_201 = vector.extract_strided_slice %select_n3A_193 {offsets = [0, 1], sizes = [80, 127], strides = [1, 1]} : vector<80x128xf32> to vector<80x127xf32>
    %slice3A_202 = vector.extract_strided_slice %select_n3A_193 {offsets = [0, 0], sizes = [80, 1], strides = [1, 1]} : vector<80x128xf32> to vector<80x1xf32>
    %concatenate3A_203 = tpu.concatenate %slice3A_201, %slice3A_202 in 1 : vector<80x127xf32>, vector<80x1xf32> -> vector<80x128xf32>
    %slice3A_204 = vector.extract_strided_slice %select_n3A_193 {offsets = [0, 127], sizes = [80, 1], strides = [1, 1]} : vector<80x128xf32> to vector<80x1xf32>
    %slice3A_205 = vector.extract_strided_slice %select_n3A_193 {offsets = [0, 0], sizes = [80, 127], strides = [1, 1]} : vector<80x128xf32> to vector<80x127xf32>
    %concatenate3A_206 = tpu.concatenate %slice3A_204, %slice3A_205 in 1 : vector<80x1xf32>, vector<80x127xf32> -> vector<80x128xf32>
    %select_n3A_207 = arith.select %eq3A_200, %concatenate3A_203, %concatenate3A_206 : vector<80x128xi1>, vector<80x128xf32>
    %slice3A_208 = vector.extract_strided_slice %select_n3A_194 {offsets = [0, 1], sizes = [80, 127], strides = [1, 1]} : vector<80x128xi32> to vector<80x127xi32>
    %slice3A_209 = vector.extract_strided_slice %select_n3A_194 {offsets = [0, 0], sizes = [80, 1], strides = [1, 1]} : vector<80x128xi32> to vector<80x1xi32>
    %concatenate3A_210 = tpu.concatenate %slice3A_208, %slice3A_209 in 1 : vector<80x127xi32>, vector<80x1xi32> -> vector<80x128xi32>
    %slice3A_211 = vector.extract_strided_slice %select_n3A_194 {offsets = [0, 127], sizes = [80, 1], strides = [1, 1]} : vector<80x128xi32> to vector<80x1xi32>
    %slice3A_212 = vector.extract_strided_slice %select_n3A_194 {offsets = [0, 0], sizes = [80, 127], strides = [1, 1]} : vector<80x128xi32> to vector<80x127xi32>
    %concatenate3A_213 = tpu.concatenate %slice3A_211, %slice3A_212 in 1 : vector<80x1xi32>, vector<80x127xi32> -> vector<80x128xi32>
    %select_n3A_214 = arith.select %eq3A_200, %concatenate3A_210, %concatenate3A_213 : vector<80x128xi1>, vector<80x128xi32>
    %gt3A_215 = arith.cmpf ogt, %select_n3A_193, %select_n3A_207 : vector<80x128xf32>
    %eq3A_216 = arith.cmpf oeq, %select_n3A_193, %select_n3A_207 : vector<80x128xf32>
    %lt3A_217 = arith.cmpi slt, %select_n3A_194, %select_n3A_214 : vector<80x128xi32>
    %and3A_218 = arith.andi %eq3A_216, %lt3A_217 : vector<80x128xi1>
    %or3A_219 = arith.ori %gt3A_215, %and3A_218 : vector<80x128xi1>
    %and3A_220 = arith.constant 8 : i32
    %and3A_221 = vector.broadcast %and3A_220 : i32 to vector<80x128xi32>
    %and3A_222 = arith.andi %slice3A_6, %and3A_221 : vector<80x128xi32>
    %eq3A_223 = arith.constant 0 : i32
    %eq3A_224 = vector.broadcast %eq3A_223 : i32 to vector<80x128xi32>
    %eq3A_225 = arith.cmpi eq, %and3A_222, %eq3A_224 : vector<80x128xi32>
    %eq3A_226 = arith.xori %eq3A_225, %eq3A_200 : vector<80x128xi1>
    %eq3A_227 = arith.constant dense<true> : vector<80x128xi1>
    %eq3A_228 = arith.xori %eq3A_226, %eq3A_227 : vector<80x128xi1>
    %eq3A_229 = arith.xori %or3A_219, %eq3A_228 : vector<80x128xi1>
    %eq3A_230 = arith.constant dense<true> : vector<80x128xi1>
    %eq3A_231 = arith.xori %eq3A_229, %eq3A_230 : vector<80x128xi1>
    %select_n3A_232 = arith.select %eq3A_231, %select_n3A_193, %select_n3A_207 : vector<80x128xi1>, vector<80x128xf32>
    %select_n3A_233 = arith.select %eq3A_231, %select_n3A_194, %select_n3A_214 : vector<80x128xi1>, vector<80x128xi32>
    %and3A_234 = arith.constant 8 : i32
    %and3A_235 = vector.broadcast %and3A_234 : i32 to vector<80x128xi32>
    %and3A_236 = arith.andi %slice3A_6, %and3A_235 : vector<80x128xi32>
    %eq3A_237 = arith.constant 0 : i32
    %eq3A_238 = vector.broadcast %eq3A_237 : i32 to vector<80x128xi32>
    %eq3A_239 = arith.cmpi eq, %and3A_236, %eq3A_238 : vector<80x128xi32>
    %slice3A_240 = vector.extract_strided_slice %select_n3A_232 {offsets = [0, 8], sizes = [80, 120], strides = [1, 1]} : vector<80x128xf32> to vector<80x120xf32>
    %slice3A_241 = vector.extract_strided_slice %select_n3A_232 {offsets = [0, 0], sizes = [80, 8], strides = [1, 1]} : vector<80x128xf32> to vector<80x8xf32>
    %concatenate3A_242 = tpu.concatenate %slice3A_240, %slice3A_241 in 1 : vector<80x120xf32>, vector<80x8xf32> -> vector<80x128xf32>
    %slice3A_243 = vector.extract_strided_slice %select_n3A_232 {offsets = [0, 120], sizes = [80, 8], strides = [1, 1]} : vector<80x128xf32> to vector<80x8xf32>
    %slice3A_244 = vector.extract_strided_slice %select_n3A_232 {offsets = [0, 0], sizes = [80, 120], strides = [1, 1]} : vector<80x128xf32> to vector<80x120xf32>
    %concatenate3A_245 = tpu.concatenate %slice3A_243, %slice3A_244 in 1 : vector<80x8xf32>, vector<80x120xf32> -> vector<80x128xf32>
    %select_n3A_246 = arith.select %eq3A_239, %concatenate3A_242, %concatenate3A_245 : vector<80x128xi1>, vector<80x128xf32>
    %slice3A_247 = vector.extract_strided_slice %select_n3A_233 {offsets = [0, 8], sizes = [80, 120], strides = [1, 1]} : vector<80x128xi32> to vector<80x120xi32>
    %slice3A_248 = vector.extract_strided_slice %select_n3A_233 {offsets = [0, 0], sizes = [80, 8], strides = [1, 1]} : vector<80x128xi32> to vector<80x8xi32>
    %concatenate3A_249 = tpu.concatenate %slice3A_247, %slice3A_248 in 1 : vector<80x120xi32>, vector<80x8xi32> -> vector<80x128xi32>
    %slice3A_250 = vector.extract_strided_slice %select_n3A_233 {offsets = [0, 120], sizes = [80, 8], strides = [1, 1]} : vector<80x128xi32> to vector<80x8xi32>
    %slice3A_251 = vector.extract_strided_slice %select_n3A_233 {offsets = [0, 0], sizes = [80, 120], strides = [1, 1]} : vector<80x128xi32> to vector<80x120xi32>
    %concatenate3A_252 = tpu.concatenate %slice3A_250, %slice3A_251 in 1 : vector<80x8xi32>, vector<80x120xi32> -> vector<80x128xi32>
    %select_n3A_253 = arith.select %eq3A_239, %concatenate3A_249, %concatenate3A_252 : vector<80x128xi1>, vector<80x128xi32>
    %gt3A_254 = arith.cmpf ogt, %select_n3A_232, %select_n3A_246 : vector<80x128xf32>
    %eq3A_255 = arith.cmpf oeq, %select_n3A_232, %select_n3A_246 : vector<80x128xf32>
    %lt3A_256 = arith.cmpi slt, %select_n3A_233, %select_n3A_253 : vector<80x128xi32>
    %and3A_257 = arith.andi %eq3A_255, %lt3A_256 : vector<80x128xi1>
    %or3A_258 = arith.ori %gt3A_254, %and3A_257 : vector<80x128xi1>
    %and3A_259 = arith.constant 16 : i32
    %and3A_260 = vector.broadcast %and3A_259 : i32 to vector<80x128xi32>
    %and3A_261 = arith.andi %slice3A_6, %and3A_260 : vector<80x128xi32>
    %eq3A_262 = arith.constant 0 : i32
    %eq3A_263 = vector.broadcast %eq3A_262 : i32 to vector<80x128xi32>
    %eq3A_264 = arith.cmpi eq, %and3A_261, %eq3A_263 : vector<80x128xi32>
    %eq3A_265 = arith.xori %eq3A_264, %eq3A_239 : vector<80x128xi1>
    %eq3A_266 = arith.constant dense<true> : vector<80x128xi1>
    %eq3A_267 = arith.xori %eq3A_265, %eq3A_266 : vector<80x128xi1>
    %eq3A_268 = arith.xori %or3A_258, %eq3A_267 : vector<80x128xi1>
    %eq3A_269 = arith.constant dense<true> : vector<80x128xi1>
    %eq3A_270 = arith.xori %eq3A_268, %eq3A_269 : vector<80x128xi1>
    %select_n3A_271 = arith.select %eq3A_270, %select_n3A_232, %select_n3A_246 : vector<80x128xi1>, vector<80x128xf32>
    %select_n3A_272 = arith.select %eq3A_270, %select_n3A_233, %select_n3A_253 : vector<80x128xi1>, vector<80x128xi32>
    %and3A_273 = arith.constant 4 : i32
    %and3A_274 = vector.broadcast %and3A_273 : i32 to vector<80x128xi32>
    %and3A_275 = arith.andi %slice3A_6, %and3A_274 : vector<80x128xi32>
    %eq3A_276 = arith.constant 0 : i32
    %eq3A_277 = vector.broadcast %eq3A_276 : i32 to vector<80x128xi32>
    %eq3A_278 = arith.cmpi eq, %and3A_275, %eq3A_277 : vector<80x128xi32>
    %slice3A_279 = vector.extract_strided_slice %select_n3A_271 {offsets = [0, 4], sizes = [80, 124], strides = [1, 1]} : vector<80x128xf32> to vector<80x124xf32>
    %slice3A_280 = vector.extract_strided_slice %select_n3A_271 {offsets = [0, 0], sizes = [80, 4], strides = [1, 1]} : vector<80x128xf32> to vector<80x4xf32>
    %concatenate3A_281 = tpu.concatenate %slice3A_279, %slice3A_280 in 1 : vector<80x124xf32>, vector<80x4xf32> -> vector<80x128xf32>
    %slice3A_282 = vector.extract_strided_slice %select_n3A_271 {offsets = [0, 124], sizes = [80, 4], strides = [1, 1]} : vector<80x128xf32> to vector<80x4xf32>
    %slice3A_283 = vector.extract_strided_slice %select_n3A_271 {offsets = [0, 0], sizes = [80, 124], strides = [1, 1]} : vector<80x128xf32> to vector<80x124xf32>
    %concatenate3A_284 = tpu.concatenate %slice3A_282, %slice3A_283 in 1 : vector<80x4xf32>, vector<80x124xf32> -> vector<80x128xf32>
    %select_n3A_285 = arith.select %eq3A_278, %concatenate3A_281, %concatenate3A_284 : vector<80x128xi1>, vector<80x128xf32>
    %slice3A_286 = vector.extract_strided_slice %select_n3A_272 {offsets = [0, 4], sizes = [80, 124], strides = [1, 1]} : vector<80x128xi32> to vector<80x124xi32>
    %slice3A_287 = vector.extract_strided_slice %select_n3A_272 {offsets = [0, 0], sizes = [80, 4], strides = [1, 1]} : vector<80x128xi32> to vector<80x4xi32>
    %concatenate3A_288 = tpu.concatenate %slice3A_286, %slice3A_287 in 1 : vector<80x124xi32>, vector<80x4xi32> -> vector<80x128xi32>
    %slice3A_289 = vector.extract_strided_slice %select_n3A_272 {offsets = [0, 124], sizes = [80, 4], strides = [1, 1]} : vector<80x128xi32> to vector<80x4xi32>
    %slice3A_290 = vector.extract_strided_slice %select_n3A_272 {offsets = [0, 0], sizes = [80, 124], strides = [1, 1]} : vector<80x128xi32> to vector<80x124xi32>
    %concatenate3A_291 = tpu.concatenate %slice3A_289, %slice3A_290 in 1 : vector<80x4xi32>, vector<80x124xi32> -> vector<80x128xi32>
    %select_n3A_292 = arith.select %eq3A_278, %concatenate3A_288, %concatenate3A_291 : vector<80x128xi1>, vector<80x128xi32>
    %gt3A_293 = arith.cmpf ogt, %select_n3A_271, %select_n3A_285 : vector<80x128xf32>
    %eq3A_294 = arith.cmpf oeq, %select_n3A_271, %select_n3A_285 : vector<80x128xf32>
    %lt3A_295 = arith.cmpi slt, %select_n3A_272, %select_n3A_292 : vector<80x128xi32>
    %and3A_296 = arith.andi %eq3A_294, %lt3A_295 : vector<80x128xi1>
    %or3A_297 = arith.ori %gt3A_293, %and3A_296 : vector<80x128xi1>
    %and3A_298 = arith.constant 16 : i32
    %and3A_299 = vector.broadcast %and3A_298 : i32 to vector<80x128xi32>
    %and3A_300 = arith.andi %slice3A_6, %and3A_299 : vector<80x128xi32>
    %eq3A_301 = arith.constant 0 : i32
    %eq3A_302 = vector.broadcast %eq3A_301 : i32 to vector<80x128xi32>
    %eq3A_303 = arith.cmpi eq, %and3A_300, %eq3A_302 : vector<80x128xi32>
    %eq3A_304 = arith.xori %eq3A_303, %eq3A_278 : vector<80x128xi1>
    %eq3A_305 = arith.constant dense<true> : vector<80x128xi1>
    %eq3A_306 = arith.xori %eq3A_304, %eq3A_305 : vector<80x128xi1>
    %eq3A_307 = arith.xori %or3A_297, %eq3A_306 : vector<80x128xi1>
    %eq3A_308 = arith.constant dense<true> : vector<80x128xi1>
    %eq3A_309 = arith.xori %eq3A_307, %eq3A_308 : vector<80x128xi1>
    %select_n3A_310 = arith.select %eq3A_309, %select_n3A_271, %select_n3A_285 : vector<80x128xi1>, vector<80x128xf32>
    %select_n3A_311 = arith.select %eq3A_309, %select_n3A_272, %select_n3A_292 : vector<80x128xi1>, vector<80x128xi32>
    %and3A_312 = arith.constant 2 : i32
    %and3A_313 = vector.broadcast %and3A_312 : i32 to vector<80x128xi32>
    %and3A_314 = arith.andi %slice3A_6, %and3A_313 : vector<80x128xi32>
    %eq3A_315 = arith.constant 0 : i32
    %eq3A_316 = vector.broadcast %eq3A_315 : i32 to vector<80x128xi32>
    %eq3A_317 = arith.cmpi eq, %and3A_314, %eq3A_316 : vector<80x128xi32>
    %slice3A_318 = vector.extract_strided_slice %select_n3A_310 {offsets = [0, 2], sizes = [80, 126], strides = [1, 1]} : vector<80x128xf32> to vector<80x126xf32>
    %slice3A_319 = vector.extract_strided_slice %select_n3A_310 {offsets = [0, 0], sizes = [80, 2], strides = [1, 1]} : vector<80x128xf32> to vector<80x2xf32>
    %concatenate3A_320 = tpu.concatenate %slice3A_318, %slice3A_319 in 1 : vector<80x126xf32>, vector<80x2xf32> -> vector<80x128xf32>
    %slice3A_321 = vector.extract_strided_slice %select_n3A_310 {offsets = [0, 126], sizes = [80, 2], strides = [1, 1]} : vector<80x128xf32> to vector<80x2xf32>
    %slice3A_322 = vector.extract_strided_slice %select_n3A_310 {offsets = [0, 0], sizes = [80, 126], strides = [1, 1]} : vector<80x128xf32> to vector<80x126xf32>
    %concatenate3A_323 = tpu.concatenate %slice3A_321, %slice3A_322 in 1 : vector<80x2xf32>, vector<80x126xf32> -> vector<80x128xf32>
    %select_n3A_324 = arith.select %eq3A_317, %concatenate3A_320, %concatenate3A_323 : vector<80x128xi1>, vector<80x128xf32>
    %slice3A_325 = vector.extract_strided_slice %select_n3A_311 {offsets = [0, 2], sizes = [80, 126], strides = [1, 1]} : vector<80x128xi32> to vector<80x126xi32>
    %slice3A_326 = vector.extract_strided_slice %select_n3A_311 {offsets = [0, 0], sizes = [80, 2], strides = [1, 1]} : vector<80x128xi32> to vector<80x2xi32>
    %concatenate3A_327 = tpu.concatenate %slice3A_325, %slice3A_326 in 1 : vector<80x126xi32>, vector<80x2xi32> -> vector<80x128xi32>
    %slice3A_328 = vector.extract_strided_slice %select_n3A_311 {offsets = [0, 126], sizes = [80, 2], strides = [1, 1]} : vector<80x128xi32> to vector<80x2xi32>
    %slice3A_329 = vector.extract_strided_slice %select_n3A_311 {offsets = [0, 0], sizes = [80, 126], strides = [1, 1]} : vector<80x128xi32> to vector<80x126xi32>
    %concatenate3A_330 = tpu.concatenate %slice3A_328, %slice3A_329 in 1 : vector<80x2xi32>, vector<80x126xi32> -> vector<80x128xi32>
    %select_n3A_331 = arith.select %eq3A_317, %concatenate3A_327, %concatenate3A_330 : vector<80x128xi1>, vector<80x128xi32>
    %gt3A_332 = arith.cmpf ogt, %select_n3A_310, %select_n3A_324 : vector<80x128xf32>
    %eq3A_333 = arith.cmpf oeq, %select_n3A_310, %select_n3A_324 : vector<80x128xf32>
    %lt3A_334 = arith.cmpi slt, %select_n3A_311, %select_n3A_331 : vector<80x128xi32>
    %and3A_335 = arith.andi %eq3A_333, %lt3A_334 : vector<80x128xi1>
    %or3A_336 = arith.ori %gt3A_332, %and3A_335 : vector<80x128xi1>
    %and3A_337 = arith.constant 16 : i32
    %and3A_338 = vector.broadcast %and3A_337 : i32 to vector<80x128xi32>
    %and3A_339 = arith.andi %slice3A_6, %and3A_338 : vector<80x128xi32>
    %eq3A_340 = arith.constant 0 : i32
    %eq3A_341 = vector.broadcast %eq3A_340 : i32 to vector<80x128xi32>
    %eq3A_342 = arith.cmpi eq, %and3A_339, %eq3A_341 : vector<80x128xi32>
    %eq3A_343 = arith.xori %eq3A_342, %eq3A_317 : vector<80x128xi1>
    %eq3A_344 = arith.constant dense<true> : vector<80x128xi1>
    %eq3A_345 = arith.xori %eq3A_343, %eq3A_344 : vector<80x128xi1>
    %eq3A_346 = arith.xori %or3A_336, %eq3A_345 : vector<80x128xi1>
    %eq3A_347 = arith.constant dense<true> : vector<80x128xi1>
    %eq3A_348 = arith.xori %eq3A_346, %eq3A_347 : vector<80x128xi1>
    %select_n3A_349 = arith.select %eq3A_348, %select_n3A_310, %select_n3A_324 : vector<80x128xi1>, vector<80x128xf32>
    %select_n3A_350 = arith.select %eq3A_348, %select_n3A_311, %select_n3A_331 : vector<80x128xi1>, vector<80x128xi32>
    %and3A_351 = arith.constant 1 : i32
    %and3A_352 = vector.broadcast %and3A_351 : i32 to vector<80x128xi32>
    %and3A_353 = arith.andi %slice3A_6, %and3A_352 : vector<80x128xi32>
    %eq3A_354 = arith.constant 0 : i32
    %eq3A_355 = vector.broadcast %eq3A_354 : i32 to vector<80x128xi32>
    %eq3A_356 = arith.cmpi eq, %and3A_353, %eq3A_355 : vector<80x128xi32>
    %slice3A_357 = vector.extract_strided_slice %select_n3A_349 {offsets = [0, 1], sizes = [80, 127], strides = [1, 1]} : vector<80x128xf32> to vector<80x127xf32>
    %slice3A_358 = vector.extract_strided_slice %select_n3A_349 {offsets = [0, 0], sizes = [80, 1], strides = [1, 1]} : vector<80x128xf32> to vector<80x1xf32>
    %concatenate3A_359 = tpu.concatenate %slice3A_357, %slice3A_358 in 1 : vector<80x127xf32>, vector<80x1xf32> -> vector<80x128xf32>
    %slice3A_360 = vector.extract_strided_slice %select_n3A_349 {offsets = [0, 127], sizes = [80, 1], strides = [1, 1]} : vector<80x128xf32> to vector<80x1xf32>
    %slice3A_361 = vector.extract_strided_slice %select_n3A_349 {offsets = [0, 0], sizes = [80, 127], strides = [1, 1]} : vector<80x128xf32> to vector<80x127xf32>
    %concatenate3A_362 = tpu.concatenate %slice3A_360, %slice3A_361 in 1 : vector<80x1xf32>, vector<80x127xf32> -> vector<80x128xf32>
    %select_n3A_363 = arith.select %eq3A_356, %concatenate3A_359, %concatenate3A_362 : vector<80x128xi1>, vector<80x128xf32>
    %slice3A_364 = vector.extract_strided_slice %select_n3A_350 {offsets = [0, 1], sizes = [80, 127], strides = [1, 1]} : vector<80x128xi32> to vector<80x127xi32>
    %slice3A_365 = vector.extract_strided_slice %select_n3A_350 {offsets = [0, 0], sizes = [80, 1], strides = [1, 1]} : vector<80x128xi32> to vector<80x1xi32>
    %concatenate3A_366 = tpu.concatenate %slice3A_364, %slice3A_365 in 1 : vector<80x127xi32>, vector<80x1xi32> -> vector<80x128xi32>
    %slice3A_367 = vector.extract_strided_slice %select_n3A_350 {offsets = [0, 127], sizes = [80, 1], strides = [1, 1]} : vector<80x128xi32> to vector<80x1xi32>
    %slice3A_368 = vector.extract_strided_slice %select_n3A_350 {offsets = [0, 0], sizes = [80, 127], strides = [1, 1]} : vector<80x128xi32> to vector<80x127xi32>
    %concatenate3A_369 = tpu.concatenate %slice3A_367, %slice3A_368 in 1 : vector<80x1xi32>, vector<80x127xi32> -> vector<80x128xi32>
    %select_n3A_370 = arith.select %eq3A_356, %concatenate3A_366, %concatenate3A_369 : vector<80x128xi1>, vector<80x128xi32>
    %gt3A_371 = arith.cmpf ogt, %select_n3A_349, %select_n3A_363 : vector<80x128xf32>
    %eq3A_372 = arith.cmpf oeq, %select_n3A_349, %select_n3A_363 : vector<80x128xf32>
    %lt3A_373 = arith.cmpi slt, %select_n3A_350, %select_n3A_370 : vector<80x128xi32>
    %and3A_374 = arith.andi %eq3A_372, %lt3A_373 : vector<80x128xi1>
    %or3A_375 = arith.ori %gt3A_371, %and3A_374 : vector<80x128xi1>
    %and3A_376 = arith.constant 16 : i32
    %and3A_377 = vector.broadcast %and3A_376 : i32 to vector<80x128xi32>
    %and3A_378 = arith.andi %slice3A_6, %and3A_377 : vector<80x128xi32>
    %eq3A_379 = arith.constant 0 : i32
    %eq3A_380 = vector.broadcast %eq3A_379 : i32 to vector<80x128xi32>
    %eq3A_381 = arith.cmpi eq, %and3A_378, %eq3A_380 : vector<80x128xi32>
    %eq3A_382 = arith.xori %eq3A_381, %eq3A_356 : vector<80x128xi1>
    %eq3A_383 = arith.constant dense<true> : vector<80x128xi1>
    %eq3A_384 = arith.xori %eq3A_382, %eq3A_383 : vector<80x128xi1>
    %eq3A_385 = arith.xori %or3A_375, %eq3A_384 : vector<80x128xi1>
    %eq3A_386 = arith.constant dense<true> : vector<80x128xi1>
    %eq3A_387 = arith.xori %eq3A_385, %eq3A_386 : vector<80x128xi1>
    %select_n3A_388 = arith.select %eq3A_387, %select_n3A_349, %select_n3A_363 : vector<80x128xi1>, vector<80x128xf32>
    %select_n3A_389 = arith.select %eq3A_387, %select_n3A_350, %select_n3A_370 : vector<80x128xi1>, vector<80x128xi32>
    %and3A_390 = arith.constant 16 : i32
    %and3A_391 = vector.broadcast %and3A_390 : i32 to vector<80x128xi32>
    %and3A_392 = arith.andi %slice3A_6, %and3A_391 : vector<80x128xi32>
    %eq3A_393 = arith.constant 0 : i32
    %eq3A_394 = vector.broadcast %eq3A_393 : i32 to vector<80x128xi32>
    %eq3A_395 = arith.cmpi eq, %and3A_392, %eq3A_394 : vector<80x128xi32>
    %slice3A_396 = vector.extract_strided_slice %select_n3A_388 {offsets = [0, 16], sizes = [80, 112], strides = [1, 1]} : vector<80x128xf32> to vector<80x112xf32>
    %slice3A_397 = vector.extract_strided_slice %select_n3A_388 {offsets = [0, 0], sizes = [80, 16], strides = [1, 1]} : vector<80x128xf32> to vector<80x16xf32>
    %concatenate3A_398 = tpu.concatenate %slice3A_396, %slice3A_397 in 1 : vector<80x112xf32>, vector<80x16xf32> -> vector<80x128xf32>
    %slice3A_399 = vector.extract_strided_slice %select_n3A_388 {offsets = [0, 112], sizes = [80, 16], strides = [1, 1]} : vector<80x128xf32> to vector<80x16xf32>
    %slice3A_400 = vector.extract_strided_slice %select_n3A_388 {offsets = [0, 0], sizes = [80, 112], strides = [1, 1]} : vector<80x128xf32> to vector<80x112xf32>
    %concatenate3A_401 = tpu.concatenate %slice3A_399, %slice3A_400 in 1 : vector<80x16xf32>, vector<80x112xf32> -> vector<80x128xf32>
    %select_n3A_402 = arith.select %eq3A_395, %concatenate3A_398, %concatenate3A_401 : vector<80x128xi1>, vector<80x128xf32>
    %slice3A_403 = vector.extract_strided_slice %select_n3A_389 {offsets = [0, 16], sizes = [80, 112], strides = [1, 1]} : vector<80x128xi32> to vector<80x112xi32>
    %slice3A_404 = vector.extract_strided_slice %select_n3A_389 {offsets = [0, 0], sizes = [80, 16], strides = [1, 1]} : vector<80x128xi32> to vector<80x16xi32>
    %concatenate3A_405 = tpu.concatenate %slice3A_403, %slice3A_404 in 1 : vector<80x112xi32>, vector<80x16xi32> -> vector<80x128xi32>
    %slice3A_406 = vector.extract_strided_slice %select_n3A_389 {offsets = [0, 112], sizes = [80, 16], strides = [1, 1]} : vector<80x128xi32> to vector<80x16xi32>
    %slice3A_407 = vector.extract_strided_slice %select_n3A_389 {offsets = [0, 0], sizes = [80, 112], strides = [1, 1]} : vector<80x128xi32> to vector<80x112xi32>
    %concatenate3A_408 = tpu.concatenate %slice3A_406, %slice3A_407 in 1 : vector<80x16xi32>, vector<80x112xi32> -> vector<80x128xi32>
    %select_n3A_409 = arith.select %eq3A_395, %concatenate3A_405, %concatenate3A_408 : vector<80x128xi1>, vector<80x128xi32>
    %gt3A_410 = arith.cmpf ogt, %select_n3A_388, %select_n3A_402 : vector<80x128xf32>
    %eq3A_411 = arith.cmpf oeq, %select_n3A_388, %select_n3A_402 : vector<80x128xf32>
    %lt3A_412 = arith.cmpi slt, %select_n3A_389, %select_n3A_409 : vector<80x128xi32>
    %and3A_413 = arith.andi %eq3A_411, %lt3A_412 : vector<80x128xi1>
    %or3A_414 = arith.ori %gt3A_410, %and3A_413 : vector<80x128xi1>
    %and3A_415 = arith.constant 32 : i32
    %and3A_416 = vector.broadcast %and3A_415 : i32 to vector<80x128xi32>
    %and3A_417 = arith.andi %slice3A_6, %and3A_416 : vector<80x128xi32>
    %eq3A_418 = arith.constant 0 : i32
    %eq3A_419 = vector.broadcast %eq3A_418 : i32 to vector<80x128xi32>
    %eq3A_420 = arith.cmpi eq, %and3A_417, %eq3A_419 : vector<80x128xi32>
    %eq3A_421 = arith.xori %eq3A_420, %eq3A_395 : vector<80x128xi1>
    %eq3A_422 = arith.constant dense<true> : vector<80x128xi1>
    %eq3A_423 = arith.xori %eq3A_421, %eq3A_422 : vector<80x128xi1>
    %eq3A_424 = arith.xori %or3A_414, %eq3A_423 : vector<80x128xi1>
    %eq3A_425 = arith.constant dense<true> : vector<80x128xi1>
    %eq3A_426 = arith.xori %eq3A_424, %eq3A_425 : vector<80x128xi1>
    %select_n3A_427 = arith.select %eq3A_426, %select_n3A_388, %select_n3A_402 : vector<80x128xi1>, vector<80x128xf32>
    %select_n3A_428 = arith.select %eq3A_426, %select_n3A_389, %select_n3A_409 : vector<80x128xi1>, vector<80x128xi32>
    %and3A_429 = arith.constant 8 : i32
    %and3A_430 = vector.broadcast %and3A_429 : i32 to vector<80x128xi32>
    %and3A_431 = arith.andi %slice3A_6, %and3A_430 : vector<80x128xi32>
    %eq3A_432 = arith.constant 0 : i32
    %eq3A_433 = vector.broadcast %eq3A_432 : i32 to vector<80x128xi32>
    %eq3A_434 = arith.cmpi eq, %and3A_431, %eq3A_433 : vector<80x128xi32>
    %slice3A_435 = vector.extract_strided_slice %select_n3A_427 {offsets = [0, 8], sizes = [80, 120], strides = [1, 1]} : vector<80x128xf32> to vector<80x120xf32>
    %slice3A_436 = vector.extract_strided_slice %select_n3A_427 {offsets = [0, 0], sizes = [80, 8], strides = [1, 1]} : vector<80x128xf32> to vector<80x8xf32>
    %concatenate3A_437 = tpu.concatenate %slice3A_435, %slice3A_436 in 1 : vector<80x120xf32>, vector<80x8xf32> -> vector<80x128xf32>
    %slice3A_438 = vector.extract_strided_slice %select_n3A_427 {offsets = [0, 120], sizes = [80, 8], strides = [1, 1]} : vector<80x128xf32> to vector<80x8xf32>
    %slice3A_439 = vector.extract_strided_slice %select_n3A_427 {offsets = [0, 0], sizes = [80, 120], strides = [1, 1]} : vector<80x128xf32> to vector<80x120xf32>
    %concatenate3A_440 = tpu.concatenate %slice3A_438, %slice3A_439 in 1 : vector<80x8xf32>, vector<80x120xf32> -> vector<80x128xf32>
    %select_n3A_441 = arith.select %eq3A_434, %concatenate3A_437, %concatenate3A_440 : vector<80x128xi1>, vector<80x128xf32>
    %slice3A_442 = vector.extract_strided_slice %select_n3A_428 {offsets = [0, 8], sizes = [80, 120], strides = [1, 1]} : vector<80x128xi32> to vector<80x120xi32>
    %slice3A_443 = vector.extract_strided_slice %select_n3A_428 {offsets = [0, 0], sizes = [80, 8], strides = [1, 1]} : vector<80x128xi32> to vector<80x8xi32>
    %concatenate3A_444 = tpu.concatenate %slice3A_442, %slice3A_443 in 1 : vector<80x120xi32>, vector<80x8xi32> -> vector<80x128xi32>
    %slice3A_445 = vector.extract_strided_slice %select_n3A_428 {offsets = [0, 120], sizes = [80, 8], strides = [1, 1]} : vector<80x128xi32> to vector<80x8xi32>
    %slice3A_446 = vector.extract_strided_slice %select_n3A_428 {offsets = [0, 0], sizes = [80, 120], strides = [1, 1]} : vector<80x128xi32> to vector<80x120xi32>
    %concatenate3A_447 = tpu.concatenate %slice3A_445, %slice3A_446 in 1 : vector<80x8xi32>, vector<80x120xi32> -> vector<80x128xi32>
    %select_n3A_448 = arith.select %eq3A_434, %concatenate3A_444, %concatenate3A_447 : vector<80x128xi1>, vector<80x128xi32>
    %gt3A_449 = arith.cmpf ogt, %select_n3A_427, %select_n3A_441 : vector<80x128xf32>
    %eq3A_450 = arith.cmpf oeq, %select_n3A_427, %select_n3A_441 : vector<80x128xf32>
    %lt3A_451 = arith.cmpi slt, %select_n3A_428, %select_n3A_448 : vector<80x128xi32>
    %and3A_452 = arith.andi %eq3A_450, %lt3A_451 : vector<80x128xi1>
    %or3A_453 = arith.ori %gt3A_449, %and3A_452 : vector<80x128xi1>
    %and3A_454 = arith.constant 32 : i32
    %and3A_455 = vector.broadcast %and3A_454 : i32 to vector<80x128xi32>
    %and3A_456 = arith.andi %slice3A_6, %and3A_455 : vector<80x128xi32>
    %eq3A_457 = arith.constant 0 : i32
    %eq3A_458 = vector.broadcast %eq3A_457 : i32 to vector<80x128xi32>
    %eq3A_459 = arith.cmpi eq, %and3A_456, %eq3A_458 : vector<80x128xi32>
    %eq3A_460 = arith.xori %eq3A_459, %eq3A_434 : vector<80x128xi1>
    %eq3A_461 = arith.constant dense<true> : vector<80x128xi1>
    %eq3A_462 = arith.xori %eq3A_460, %eq3A_461 : vector<80x128xi1>
    %eq3A_463 = arith.xori %or3A_453, %eq3A_462 : vector<80x128xi1>
    %eq3A_464 = arith.constant dense<true> : vector<80x128xi1>
    %eq3A_465 = arith.xori %eq3A_463, %eq3A_464 : vector<80x128xi1>
    %select_n3A_466 = arith.select %eq3A_465, %select_n3A_427, %select_n3A_441 : vector<80x128xi1>, vector<80x128xf32>
    %select_n3A_467 = arith.select %eq3A_465, %select_n3A_428, %select_n3A_448 : vector<80x128xi1>, vector<80x128xi32>
    %and3A_468 = arith.constant 4 : i32
    %and3A_469 = vector.broadcast %and3A_468 : i32 to vector<80x128xi32>
    %and3A_470 = arith.andi %slice3A_6, %and3A_469 : vector<80x128xi32>
    %eq3A_471 = arith.constant 0 : i32
    %eq3A_472 = vector.broadcast %eq3A_471 : i32 to vector<80x128xi32>
    %eq3A_473 = arith.cmpi eq, %and3A_470, %eq3A_472 : vector<80x128xi32>
    %slice3A_474 = vector.extract_strided_slice %select_n3A_466 {offsets = [0, 4], sizes = [80, 124], strides = [1, 1]} : vector<80x128xf32> to vector<80x124xf32>
    %slice3A_475 = vector.extract_strided_slice %select_n3A_466 {offsets = [0, 0], sizes = [80, 4], strides = [1, 1]} : vector<80x128xf32> to vector<80x4xf32>
    %concatenate3A_476 = tpu.concatenate %slice3A_474, %slice3A_475 in 1 : vector<80x124xf32>, vector<80x4xf32> -> vector<80x128xf32>
    %slice3A_477 = vector.extract_strided_slice %select_n3A_466 {offsets = [0, 124], sizes = [80, 4], strides = [1, 1]} : vector<80x128xf32> to vector<80x4xf32>
    %slice3A_478 = vector.extract_strided_slice %select_n3A_466 {offsets = [0, 0], sizes = [80, 124], strides = [1, 1]} : vector<80x128xf32> to vector<80x124xf32>
    %concatenate3A_479 = tpu.concatenate %slice3A_477, %slice3A_478 in 1 : vector<80x4xf32>, vector<80x124xf32> -> vector<80x128xf32>
    %select_n3A_480 = arith.select %eq3A_473, %concatenate3A_476, %concatenate3A_479 : vector<80x128xi1>, vector<80x128xf32>
    %slice3A_481 = vector.extract_strided_slice %select_n3A_467 {offsets = [0, 4], sizes = [80, 124], strides = [1, 1]} : vector<80x128xi32> to vector<80x124xi32>
    %slice3A_482 = vector.extract_strided_slice %select_n3A_467 {offsets = [0, 0], sizes = [80, 4], strides = [1, 1]} : vector<80x128xi32> to vector<80x4xi32>
    %concatenate3A_483 = tpu.concatenate %slice3A_481, %slice3A_482 in 1 : vector<80x124xi32>, vector<80x4xi32> -> vector<80x128xi32>
    %slice3A_484 = vector.extract_strided_slice %select_n3A_467 {offsets = [0, 124], sizes = [80, 4], strides = [1, 1]} : vector<80x128xi32> to vector<80x4xi32>
    %slice3A_485 = vector.extract_strided_slice %select_n3A_467 {offsets = [0, 0], sizes = [80, 124], strides = [1, 1]} : vector<80x128xi32> to vector<80x124xi32>
    %concatenate3A_486 = tpu.concatenate %slice3A_484, %slice3A_485 in 1 : vector<80x4xi32>, vector<80x124xi32> -> vector<80x128xi32>
    %select_n3A_487 = arith.select %eq3A_473, %concatenate3A_483, %concatenate3A_486 : vector<80x128xi1>, vector<80x128xi32>
    %gt3A_488 = arith.cmpf ogt, %select_n3A_466, %select_n3A_480 : vector<80x128xf32>
    %eq3A_489 = arith.cmpf oeq, %select_n3A_466, %select_n3A_480 : vector<80x128xf32>
    %lt3A_490 = arith.cmpi slt, %select_n3A_467, %select_n3A_487 : vector<80x128xi32>
    %and3A_491 = arith.andi %eq3A_489, %lt3A_490 : vector<80x128xi1>
    %or3A_492 = arith.ori %gt3A_488, %and3A_491 : vector<80x128xi1>
    %and3A_493 = arith.constant 32 : i32
    %and3A_494 = vector.broadcast %and3A_493 : i32 to vector<80x128xi32>
    %and3A_495 = arith.andi %slice3A_6, %and3A_494 : vector<80x128xi32>
    %eq3A_496 = arith.constant 0 : i32
    %eq3A_497 = vector.broadcast %eq3A_496 : i32 to vector<80x128xi32>
    %eq3A_498 = arith.cmpi eq, %and3A_495, %eq3A_497 : vector<80x128xi32>
    %eq3A_499 = arith.xori %eq3A_498, %eq3A_473 : vector<80x128xi1>
    %eq3A_500 = arith.constant dense<true> : vector<80x128xi1>
    %eq3A_501 = arith.xori %eq3A_499, %eq3A_500 : vector<80x128xi1>
    %eq3A_502 = arith.xori %or3A_492, %eq3A_501 : vector<80x128xi1>
    %eq3A_503 = arith.constant dense<true> : vector<80x128xi1>
    %eq3A_504 = arith.xori %eq3A_502, %eq3A_503 : vector<80x128xi1>
    %select_n3A_505 = arith.select %eq3A_504, %select_n3A_466, %select_n3A_480 : vector<80x128xi1>, vector<80x128xf32>
    %select_n3A_506 = arith.select %eq3A_504, %select_n3A_467, %select_n3A_487 : vector<80x128xi1>, vector<80x128xi32>
    %and3A_507 = arith.constant 2 : i32
    %and3A_508 = vector.broadcast %and3A_507 : i32 to vector<80x128xi32>
    %and3A_509 = arith.andi %slice3A_6, %and3A_508 : vector<80x128xi32>
    %eq3A_510 = arith.constant 0 : i32
    %eq3A_511 = vector.broadcast %eq3A_510 : i32 to vector<80x128xi32>
    %eq3A_512 = arith.cmpi eq, %and3A_509, %eq3A_511 : vector<80x128xi32>
    %slice3A_513 = vector.extract_strided_slice %select_n3A_505 {offsets = [0, 2], sizes = [80, 126], strides = [1, 1]} : vector<80x128xf32> to vector<80x126xf32>
    %slice3A_514 = vector.extract_strided_slice %select_n3A_505 {offsets = [0, 0], sizes = [80, 2], strides = [1, 1]} : vector<80x128xf32> to vector<80x2xf32>
    %concatenate3A_515 = tpu.concatenate %slice3A_513, %slice3A_514 in 1 : vector<80x126xf32>, vector<80x2xf32> -> vector<80x128xf32>
    %slice3A_516 = vector.extract_strided_slice %select_n3A_505 {offsets = [0, 126], sizes = [80, 2], strides = [1, 1]} : vector<80x128xf32> to vector<80x2xf32>
    %slice3A_517 = vector.extract_strided_slice %select_n3A_505 {offsets = [0, 0], sizes = [80, 126], strides = [1, 1]} : vector<80x128xf32> to vector<80x126xf32>
    %concatenate3A_518 = tpu.concatenate %slice3A_516, %slice3A_517 in 1 : vector<80x2xf32>, vector<80x126xf32> -> vector<80x128xf32>
    %select_n3A_519 = arith.select %eq3A_512, %concatenate3A_515, %concatenate3A_518 : vector<80x128xi1>, vector<80x128xf32>
    %slice3A_520 = vector.extract_strided_slice %select_n3A_506 {offsets = [0, 2], sizes = [80, 126], strides = [1, 1]} : vector<80x128xi32> to vector<80x126xi32>
    %slice3A_521 = vector.extract_strided_slice %select_n3A_506 {offsets = [0, 0], sizes = [80, 2], strides = [1, 1]} : vector<80x128xi32> to vector<80x2xi32>
    %concatenate3A_522 = tpu.concatenate %slice3A_520, %slice3A_521 in 1 : vector<80x126xi32>, vector<80x2xi32> -> vector<80x128xi32>
    %slice3A_523 = vector.extract_strided_slice %select_n3A_506 {offsets = [0, 126], sizes = [80, 2], strides = [1, 1]} : vector<80x128xi32> to vector<80x2xi32>
    %slice3A_524 = vector.extract_strided_slice %select_n3A_506 {offsets = [0, 0], sizes = [80, 126], strides = [1, 1]} : vector<80x128xi32> to vector<80x126xi32>
    %concatenate3A_525 = tpu.concatenate %slice3A_523, %slice3A_524 in 1 : vector<80x2xi32>, vector<80x126xi32> -> vector<80x128xi32>
    %select_n3A_526 = arith.select %eq3A_512, %concatenate3A_522, %concatenate3A_525 : vector<80x128xi1>, vector<80x128xi32>
    %gt3A_527 = arith.cmpf ogt, %select_n3A_505, %select_n3A_519 : vector<80x128xf32>
    %eq3A_528 = arith.cmpf oeq, %select_n3A_505, %select_n3A_519 : vector<80x128xf32>
    %lt3A_529 = arith.cmpi slt, %select_n3A_506, %select_n3A_526 : vector<80x128xi32>
    %and3A_530 = arith.andi %eq3A_528, %lt3A_529 : vector<80x128xi1>
    %or3A_531 = arith.ori %gt3A_527, %and3A_530 : vector<80x128xi1>
    %and3A_532 = arith.constant 32 : i32
    %and3A_533 = vector.broadcast %and3A_532 : i32 to vector<80x128xi32>
    %and3A_534 = arith.andi %slice3A_6, %and3A_533 : vector<80x128xi32>
    %eq3A_535 = arith.constant 0 : i32
    %eq3A_536 = vector.broadcast %eq3A_535 : i32 to vector<80x128xi32>
    %eq3A_537 = arith.cmpi eq, %and3A_534, %eq3A_536 : vector<80x128xi32>
    %eq3A_538 = arith.xori %eq3A_537, %eq3A_512 : vector<80x128xi1>
    %eq3A_539 = arith.constant dense<true> : vector<80x128xi1>
    %eq3A_540 = arith.xori %eq3A_538, %eq3A_539 : vector<80x128xi1>
    %eq3A_541 = arith.xori %or3A_531, %eq3A_540 : vector<80x128xi1>
    %eq3A_542 = arith.constant dense<true> : vector<80x128xi1>
    %eq3A_543 = arith.xori %eq3A_541, %eq3A_542 : vector<80x128xi1>
    %select_n3A_544 = arith.select %eq3A_543, %select_n3A_505, %select_n3A_519 : vector<80x128xi1>, vector<80x128xf32>
    %select_n3A_545 = arith.select %eq3A_543, %select_n3A_506, %select_n3A_526 : vector<80x128xi1>, vector<80x128xi32>
    %and3A_546 = arith.constant 1 : i32
    %and3A_547 = vector.broadcast %and3A_546 : i32 to vector<80x128xi32>
    %and3A_548 = arith.andi %slice3A_6, %and3A_547 : vector<80x128xi32>
    %eq3A_549 = arith.constant 0 : i32
    %eq3A_550 = vector.broadcast %eq3A_549 : i32 to vector<80x128xi32>
    %eq3A_551 = arith.cmpi eq, %and3A_548, %eq3A_550 : vector<80x128xi32>
    %slice3A_552 = vector.extract_strided_slice %select_n3A_544 {offsets = [0, 1], sizes = [80, 127], strides = [1, 1]} : vector<80x128xf32> to vector<80x127xf32>
    %slice3A_553 = vector.extract_strided_slice %select_n3A_544 {offsets = [0, 0], sizes = [80, 1], strides = [1, 1]} : vector<80x128xf32> to vector<80x1xf32>
    %concatenate3A_554 = tpu.concatenate %slice3A_552, %slice3A_553 in 1 : vector<80x127xf32>, vector<80x1xf32> -> vector<80x128xf32>
    %slice3A_555 = vector.extract_strided_slice %select_n3A_544 {offsets = [0, 127], sizes = [80, 1], strides = [1, 1]} : vector<80x128xf32> to vector<80x1xf32>
    %slice3A_556 = vector.extract_strided_slice %select_n3A_544 {offsets = [0, 0], sizes = [80, 127], strides = [1, 1]} : vector<80x128xf32> to vector<80x127xf32>
    %concatenate3A_557 = tpu.concatenate %slice3A_555, %slice3A_556 in 1 : vector<80x1xf32>, vector<80x127xf32> -> vector<80x128xf32>
    %select_n3A_558 = arith.select %eq3A_551, %concatenate3A_554, %concatenate3A_557 : vector<80x128xi1>, vector<80x128xf32>
    %slice3A_559 = vector.extract_strided_slice %select_n3A_545 {offsets = [0, 1], sizes = [80, 127], strides = [1, 1]} : vector<80x128xi32> to vector<80x127xi32>
    %slice3A_560 = vector.extract_strided_slice %select_n3A_545 {offsets = [0, 0], sizes = [80, 1], strides = [1, 1]} : vector<80x128xi32> to vector<80x1xi32>
    %concatenate3A_561 = tpu.concatenate %slice3A_559, %slice3A_560 in 1 : vector<80x127xi32>, vector<80x1xi32> -> vector<80x128xi32>
    %slice3A_562 = vector.extract_strided_slice %select_n3A_545 {offsets = [0, 127], sizes = [80, 1], strides = [1, 1]} : vector<80x128xi32> to vector<80x1xi32>
    %slice3A_563 = vector.extract_strided_slice %select_n3A_545 {offsets = [0, 0], sizes = [80, 127], strides = [1, 1]} : vector<80x128xi32> to vector<80x127xi32>
    %concatenate3A_564 = tpu.concatenate %slice3A_562, %slice3A_563 in 1 : vector<80x1xi32>, vector<80x127xi32> -> vector<80x128xi32>
    %select_n3A_565 = arith.select %eq3A_551, %concatenate3A_561, %concatenate3A_564 : vector<80x128xi1>, vector<80x128xi32>
    %gt3A_566 = arith.cmpf ogt, %select_n3A_544, %select_n3A_558 : vector<80x128xf32>
    %eq3A_567 = arith.cmpf oeq, %select_n3A_544, %select_n3A_558 : vector<80x128xf32>
    %lt3A_568 = arith.cmpi slt, %select_n3A_545, %select_n3A_565 : vector<80x128xi32>
    %and3A_569 = arith.andi %eq3A_567, %lt3A_568 : vector<80x128xi1>
    %or3A_570 = arith.ori %gt3A_566, %and3A_569 : vector<80x128xi1>
    %and3A_571 = arith.constant 32 : i32
    %and3A_572 = vector.broadcast %and3A_571 : i32 to vector<80x128xi32>
    %and3A_573 = arith.andi %slice3A_6, %and3A_572 : vector<80x128xi32>
    %eq3A_574 = arith.constant 0 : i32
    %eq3A_575 = vector.broadcast %eq3A_574 : i32 to vector<80x128xi32>
    %eq3A_576 = arith.cmpi eq, %and3A_573, %eq3A_575 : vector<80x128xi32>
    %eq3A_577 = arith.xori %eq3A_576, %eq3A_551 : vector<80x128xi1>
    %eq3A_578 = arith.constant dense<true> : vector<80x128xi1>
    %eq3A_579 = arith.xori %eq3A_577, %eq3A_578 : vector<80x128xi1>
    %eq3A_580 = arith.xori %or3A_570, %eq3A_579 : vector<80x128xi1>
    %eq3A_581 = arith.constant dense<true> : vector<80x128xi1>
    %eq3A_582 = arith.xori %eq3A_580, %eq3A_581 : vector<80x128xi1>
    %select_n3A_583 = arith.select %eq3A_582, %select_n3A_544, %select_n3A_558 : vector<80x128xi1>, vector<80x128xf32>
    %select_n3A_584 = arith.select %eq3A_582, %select_n3A_545, %select_n3A_565 : vector<80x128xi1>, vector<80x128xi32>
    %and3A_585 = arith.constant 32 : i32
    %and3A_586 = vector.broadcast %and3A_585 : i32 to vector<80x128xi32>
    %and3A_587 = arith.andi %slice3A_6, %and3A_586 : vector<80x128xi32>
    %eq3A_588 = arith.constant 0 : i32
    %eq3A_589 = vector.broadcast %eq3A_588 : i32 to vector<80x128xi32>
    %eq3A_590 = arith.cmpi eq, %and3A_587, %eq3A_589 : vector<80x128xi32>
    %slice3A_591 = vector.extract_strided_slice %select_n3A_583 {offsets = [0, 32], sizes = [80, 96], strides = [1, 1]} : vector<80x128xf32> to vector<80x96xf32>
    %slice3A_592 = vector.extract_strided_slice %select_n3A_583 {offsets = [0, 0], sizes = [80, 32], strides = [1, 1]} : vector<80x128xf32> to vector<80x32xf32>
    %concatenate3A_593 = tpu.concatenate %slice3A_591, %slice3A_592 in 1 : vector<80x96xf32>, vector<80x32xf32> -> vector<80x128xf32>
    %slice3A_594 = vector.extract_strided_slice %select_n3A_583 {offsets = [0, 96], sizes = [80, 32], strides = [1, 1]} : vector<80x128xf32> to vector<80x32xf32>
    %slice3A_595 = vector.extract_strided_slice %select_n3A_583 {offsets = [0, 0], sizes = [80, 96], strides = [1, 1]} : vector<80x128xf32> to vector<80x96xf32>
    %concatenate3A_596 = tpu.concatenate %slice3A_594, %slice3A_595 in 1 : vector<80x32xf32>, vector<80x96xf32> -> vector<80x128xf32>
    %select_n3A_597 = arith.select %eq3A_590, %concatenate3A_593, %concatenate3A_596 : vector<80x128xi1>, vector<80x128xf32>
    %slice3A_598 = vector.extract_strided_slice %select_n3A_584 {offsets = [0, 32], sizes = [80, 96], strides = [1, 1]} : vector<80x128xi32> to vector<80x96xi32>
    %slice3A_599 = vector.extract_strided_slice %select_n3A_584 {offsets = [0, 0], sizes = [80, 32], strides = [1, 1]} : vector<80x128xi32> to vector<80x32xi32>
    %concatenate3A_600 = tpu.concatenate %slice3A_598, %slice3A_599 in 1 : vector<80x96xi32>, vector<80x32xi32> -> vector<80x128xi32>
    %slice3A_601 = vector.extract_strided_slice %select_n3A_584 {offsets = [0, 96], sizes = [80, 32], strides = [1, 1]} : vector<80x128xi32> to vector<80x32xi32>
    %slice3A_602 = vector.extract_strided_slice %select_n3A_584 {offsets = [0, 0], sizes = [80, 96], strides = [1, 1]} : vector<80x128xi32> to vector<80x96xi32>
    %concatenate3A_603 = tpu.concatenate %slice3A_601, %slice3A_602 in 1 : vector<80x32xi32>, vector<80x96xi32> -> vector<80x128xi32>
    %select_n3A_604 = arith.select %eq3A_590, %concatenate3A_600, %concatenate3A_603 : vector<80x128xi1>, vector<80x128xi32>
    %gt3A_605 = arith.cmpf ogt, %select_n3A_583, %select_n3A_597 : vector<80x128xf32>
    %eq3A_606 = arith.cmpf oeq, %select_n3A_583, %select_n3A_597 : vector<80x128xf32>
    %lt3A_607 = arith.cmpi slt, %select_n3A_584, %select_n3A_604 : vector<80x128xi32>
    %and3A_608 = arith.andi %eq3A_606, %lt3A_607 : vector<80x128xi1>
    %or3A_609 = arith.ori %gt3A_605, %and3A_608 : vector<80x128xi1>
    %and3A_610 = arith.constant 64 : i32
    %and3A_611 = vector.broadcast %and3A_610 : i32 to vector<80x128xi32>
    %and3A_612 = arith.andi %slice3A_6, %and3A_611 : vector<80x128xi32>
    %eq3A_613 = arith.constant 0 : i32
    %eq3A_614 = vector.broadcast %eq3A_613 : i32 to vector<80x128xi32>
    %eq3A_615 = arith.cmpi eq, %and3A_612, %eq3A_614 : vector<80x128xi32>
    %eq3A_616 = arith.xori %eq3A_615, %eq3A_590 : vector<80x128xi1>
    %eq3A_617 = arith.constant dense<true> : vector<80x128xi1>
    %eq3A_618 = arith.xori %eq3A_616, %eq3A_617 : vector<80x128xi1>
    %eq3A_619 = arith.xori %or3A_609, %eq3A_618 : vector<80x128xi1>
    %eq3A_620 = arith.constant dense<true> : vector<80x128xi1>
    %eq3A_621 = arith.xori %eq3A_619, %eq3A_620 : vector<80x128xi1>
    %select_n3A_622 = arith.select %eq3A_621, %select_n3A_583, %select_n3A_597 : vector<80x128xi1>, vector<80x128xf32>
    %select_n3A_623 = arith.select %eq3A_621, %select_n3A_584, %select_n3A_604 : vector<80x128xi1>, vector<80x128xi32>
    %and3A_624 = arith.constant 16 : i32
    %and3A_625 = vector.broadcast %and3A_624 : i32 to vector<80x128xi32>
    %and3A_626 = arith.andi %slice3A_6, %and3A_625 : vector<80x128xi32>
    %eq3A_627 = arith.constant 0 : i32
    %eq3A_628 = vector.broadcast %eq3A_627 : i32 to vector<80x128xi32>
    %eq3A_629 = arith.cmpi eq, %and3A_626, %eq3A_628 : vector<80x128xi32>
    %slice3A_630 = vector.extract_strided_slice %select_n3A_622 {offsets = [0, 16], sizes = [80, 112], strides = [1, 1]} : vector<80x128xf32> to vector<80x112xf32>
    %slice3A_631 = vector.extract_strided_slice %select_n3A_622 {offsets = [0, 0], sizes = [80, 16], strides = [1, 1]} : vector<80x128xf32> to vector<80x16xf32>
    %concatenate3A_632 = tpu.concatenate %slice3A_630, %slice3A_631 in 1 : vector<80x112xf32>, vector<80x16xf32> -> vector<80x128xf32>
    %slice3A_633 = vector.extract_strided_slice %select_n3A_622 {offsets = [0, 112], sizes = [80, 16], strides = [1, 1]} : vector<80x128xf32> to vector<80x16xf32>
    %slice3A_634 = vector.extract_strided_slice %select_n3A_622 {offsets = [0, 0], sizes = [80, 112], strides = [1, 1]} : vector<80x128xf32> to vector<80x112xf32>
    %concatenate3A_635 = tpu.concatenate %slice3A_633, %slice3A_634 in 1 : vector<80x16xf32>, vector<80x112xf32> -> vector<80x128xf32>
    %select_n3A_636 = arith.select %eq3A_629, %concatenate3A_632, %concatenate3A_635 : vector<80x128xi1>, vector<80x128xf32>
    %slice3A_637 = vector.extract_strided_slice %select_n3A_623 {offsets = [0, 16], sizes = [80, 112], strides = [1, 1]} : vector<80x128xi32> to vector<80x112xi32>
    %slice3A_638 = vector.extract_strided_slice %select_n3A_623 {offsets = [0, 0], sizes = [80, 16], strides = [1, 1]} : vector<80x128xi32> to vector<80x16xi32>
    %concatenate3A_639 = tpu.concatenate %slice3A_637, %slice3A_638 in 1 : vector<80x112xi32>, vector<80x16xi32> -> vector<80x128xi32>
    %slice3A_640 = vector.extract_strided_slice %select_n3A_623 {offsets = [0, 112], sizes = [80, 16], strides = [1, 1]} : vector<80x128xi32> to vector<80x16xi32>
    %slice3A_641 = vector.extract_strided_slice %select_n3A_623 {offsets = [0, 0], sizes = [80, 112], strides = [1, 1]} : vector<80x128xi32> to vector<80x112xi32>
    %concatenate3A_642 = tpu.concatenate %slice3A_640, %slice3A_641 in 1 : vector<80x16xi32>, vector<80x112xi32> -> vector<80x128xi32>
    %select_n3A_643 = arith.select %eq3A_629, %concatenate3A_639, %concatenate3A_642 : vector<80x128xi1>, vector<80x128xi32>
    %gt3A_644 = arith.cmpf ogt, %select_n3A_622, %select_n3A_636 : vector<80x128xf32>
    %eq3A_645 = arith.cmpf oeq, %select_n3A_622, %select_n3A_636 : vector<80x128xf32>
    %lt3A_646 = arith.cmpi slt, %select_n3A_623, %select_n3A_643 : vector<80x128xi32>
    %and3A_647 = arith.andi %eq3A_645, %lt3A_646 : vector<80x128xi1>
    %or3A_648 = arith.ori %gt3A_644, %and3A_647 : vector<80x128xi1>
    %and3A_649 = arith.constant 64 : i32
    %and3A_650 = vector.broadcast %and3A_649 : i32 to vector<80x128xi32>
    %and3A_651 = arith.andi %slice3A_6, %and3A_650 : vector<80x128xi32>
    %eq3A_652 = arith.constant 0 : i32
    %eq3A_653 = vector.broadcast %eq3A_652 : i32 to vector<80x128xi32>
    %eq3A_654 = arith.cmpi eq, %and3A_651, %eq3A_653 : vector<80x128xi32>
    %eq3A_655 = arith.xori %eq3A_654, %eq3A_629 : vector<80x128xi1>
    %eq3A_656 = arith.constant dense<true> : vector<80x128xi1>
    %eq3A_657 = arith.xori %eq3A_655, %eq3A_656 : vector<80x128xi1>
    %eq3A_658 = arith.xori %or3A_648, %eq3A_657 : vector<80x128xi1>
    %eq3A_659 = arith.constant dense<true> : vector<80x128xi1>
    %eq3A_660 = arith.xori %eq3A_658, %eq3A_659 : vector<80x128xi1>
    %select_n3A_661 = arith.select %eq3A_660, %select_n3A_622, %select_n3A_636 : vector<80x128xi1>, vector<80x128xf32>
    %select_n3A_662 = arith.select %eq3A_660, %select_n3A_623, %select_n3A_643 : vector<80x128xi1>, vector<80x128xi32>
    %and3A_663 = arith.constant 8 : i32
    %and3A_664 = vector.broadcast %and3A_663 : i32 to vector<80x128xi32>
    %and3A_665 = arith.andi %slice3A_6, %and3A_664 : vector<80x128xi32>
    %eq3A_666 = arith.constant 0 : i32
    %eq3A_667 = vector.broadcast %eq3A_666 : i32 to vector<80x128xi32>
    %eq3A_668 = arith.cmpi eq, %and3A_665, %eq3A_667 : vector<80x128xi32>
    %slice3A_669 = vector.extract_strided_slice %select_n3A_661 {offsets = [0, 8], sizes = [80, 120], strides = [1, 1]} : vector<80x128xf32> to vector<80x120xf32>
    %slice3A_670 = vector.extract_strided_slice %select_n3A_661 {offsets = [0, 0], sizes = [80, 8], strides = [1, 1]} : vector<80x128xf32> to vector<80x8xf32>
    %concatenate3A_671 = tpu.concatenate %slice3A_669, %slice3A_670 in 1 : vector<80x120xf32>, vector<80x8xf32> -> vector<80x128xf32>
    %slice3A_672 = vector.extract_strided_slice %select_n3A_661 {offsets = [0, 120], sizes = [80, 8], strides = [1, 1]} : vector<80x128xf32> to vector<80x8xf32>
    %slice3A_673 = vector.extract_strided_slice %select_n3A_661 {offsets = [0, 0], sizes = [80, 120], strides = [1, 1]} : vector<80x128xf32> to vector<80x120xf32>
    %concatenate3A_674 = tpu.concatenate %slice3A_672, %slice3A_673 in 1 : vector<80x8xf32>, vector<80x120xf32> -> vector<80x128xf32>
    %select_n3A_675 = arith.select %eq3A_668, %concatenate3A_671, %concatenate3A_674 : vector<80x128xi1>, vector<80x128xf32>
    %slice3A_676 = vector.extract_strided_slice %select_n3A_662 {offsets = [0, 8], sizes = [80, 120], strides = [1, 1]} : vector<80x128xi32> to vector<80x120xi32>
    %slice3A_677 = vector.extract_strided_slice %select_n3A_662 {offsets = [0, 0], sizes = [80, 8], strides = [1, 1]} : vector<80x128xi32> to vector<80x8xi32>
    %concatenate3A_678 = tpu.concatenate %slice3A_676, %slice3A_677 in 1 : vector<80x120xi32>, vector<80x8xi32> -> vector<80x128xi32>
    %slice3A_679 = vector.extract_strided_slice %select_n3A_662 {offsets = [0, 120], sizes = [80, 8], strides = [1, 1]} : vector<80x128xi32> to vector<80x8xi32>
    %slice3A_680 = vector.extract_strided_slice %select_n3A_662 {offsets = [0, 0], sizes = [80, 120], strides = [1, 1]} : vector<80x128xi32> to vector<80x120xi32>
    %concatenate3A_681 = tpu.concatenate %slice3A_679, %slice3A_680 in 1 : vector<80x8xi32>, vector<80x120xi32> -> vector<80x128xi32>
    %select_n3A_682 = arith.select %eq3A_668, %concatenate3A_678, %concatenate3A_681 : vector<80x128xi1>, vector<80x128xi32>
    %gt3A_683 = arith.cmpf ogt, %select_n3A_661, %select_n3A_675 : vector<80x128xf32>
    %eq3A_684 = arith.cmpf oeq, %select_n3A_661, %select_n3A_675 : vector<80x128xf32>
    %lt3A_685 = arith.cmpi slt, %select_n3A_662, %select_n3A_682 : vector<80x128xi32>
    %and3A_686 = arith.andi %eq3A_684, %lt3A_685 : vector<80x128xi1>
    %or3A_687 = arith.ori %gt3A_683, %and3A_686 : vector<80x128xi1>
    %and3A_688 = arith.constant 64 : i32
    %and3A_689 = vector.broadcast %and3A_688 : i32 to vector<80x128xi32>
    %and3A_690 = arith.andi %slice3A_6, %and3A_689 : vector<80x128xi32>
    %eq3A_691 = arith.constant 0 : i32
    %eq3A_692 = vector.broadcast %eq3A_691 : i32 to vector<80x128xi32>
    %eq3A_693 = arith.cmpi eq, %and3A_690, %eq3A_692 : vector<80x128xi32>
    %eq3A_694 = arith.xori %eq3A_693, %eq3A_668 : vector<80x128xi1>
    %eq3A_695 = arith.constant dense<true> : vector<80x128xi1>
    %eq3A_696 = arith.xori %eq3A_694, %eq3A_695 : vector<80x128xi1>
    %eq3A_697 = arith.xori %or3A_687, %eq3A_696 : vector<80x128xi1>
    %eq3A_698 = arith.constant dense<true> : vector<80x128xi1>
    %eq3A_699 = arith.xori %eq3A_697, %eq3A_698 : vector<80x128xi1>
    %select_n3A_700 = arith.select %eq3A_699, %select_n3A_661, %select_n3A_675 : vector<80x128xi1>, vector<80x128xf32>
    %select_n3A_701 = arith.select %eq3A_699, %select_n3A_662, %select_n3A_682 : vector<80x128xi1>, vector<80x128xi32>
    %and3A_702 = arith.constant 4 : i32
    %and3A_703 = vector.broadcast %and3A_702 : i32 to vector<80x128xi32>
    %and3A_704 = arith.andi %slice3A_6, %and3A_703 : vector<80x128xi32>
    %eq3A_705 = arith.constant 0 : i32
    %eq3A_706 = vector.broadcast %eq3A_705 : i32 to vector<80x128xi32>
    %eq3A_707 = arith.cmpi eq, %and3A_704, %eq3A_706 : vector<80x128xi32>
    %slice3A_708 = vector.extract_strided_slice %select_n3A_700 {offsets = [0, 4], sizes = [80, 124], strides = [1, 1]} : vector<80x128xf32> to vector<80x124xf32>
    %slice3A_709 = vector.extract_strided_slice %select_n3A_700 {offsets = [0, 0], sizes = [80, 4], strides = [1, 1]} : vector<80x128xf32> to vector<80x4xf32>
    %concatenate3A_710 = tpu.concatenate %slice3A_708, %slice3A_709 in 1 : vector<80x124xf32>, vector<80x4xf32> -> vector<80x128xf32>
    %slice3A_711 = vector.extract_strided_slice %select_n3A_700 {offsets = [0, 124], sizes = [80, 4], strides = [1, 1]} : vector<80x128xf32> to vector<80x4xf32>
    %slice3A_712 = vector.extract_strided_slice %select_n3A_700 {offsets = [0, 0], sizes = [80, 124], strides = [1, 1]} : vector<80x128xf32> to vector<80x124xf32>
    %concatenate3A_713 = tpu.concatenate %slice3A_711, %slice3A_712 in 1 : vector<80x4xf32>, vector<80x124xf32> -> vector<80x128xf32>
    %select_n3A_714 = arith.select %eq3A_707, %concatenate3A_710, %concatenate3A_713 : vector<80x128xi1>, vector<80x128xf32>
    %slice3A_715 = vector.extract_strided_slice %select_n3A_701 {offsets = [0, 4], sizes = [80, 124], strides = [1, 1]} : vector<80x128xi32> to vector<80x124xi32>
    %slice3A_716 = vector.extract_strided_slice %select_n3A_701 {offsets = [0, 0], sizes = [80, 4], strides = [1, 1]} : vector<80x128xi32> to vector<80x4xi32>
    %concatenate3A_717 = tpu.concatenate %slice3A_715, %slice3A_716 in 1 : vector<80x124xi32>, vector<80x4xi32> -> vector<80x128xi32>
    %slice3A_718 = vector.extract_strided_slice %select_n3A_701 {offsets = [0, 124], sizes = [80, 4], strides = [1, 1]} : vector<80x128xi32> to vector<80x4xi32>
    %slice3A_719 = vector.extract_strided_slice %select_n3A_701 {offsets = [0, 0], sizes = [80, 124], strides = [1, 1]} : vector<80x128xi32> to vector<80x124xi32>
    %concatenate3A_720 = tpu.concatenate %slice3A_718, %slice3A_719 in 1 : vector<80x4xi32>, vector<80x124xi32> -> vector<80x128xi32>
    %select_n3A_721 = arith.select %eq3A_707, %concatenate3A_717, %concatenate3A_720 : vector<80x128xi1>, vector<80x128xi32>
    %gt3A_722 = arith.cmpf ogt, %select_n3A_700, %select_n3A_714 : vector<80x128xf32>
    %eq3A_723 = arith.cmpf oeq, %select_n3A_700, %select_n3A_714 : vector<80x128xf32>
    %lt3A_724 = arith.cmpi slt, %select_n3A_701, %select_n3A_721 : vector<80x128xi32>
    %and3A_725 = arith.andi %eq3A_723, %lt3A_724 : vector<80x128xi1>
    %or3A_726 = arith.ori %gt3A_722, %and3A_725 : vector<80x128xi1>
    %and3A_727 = arith.constant 64 : i32
    %and3A_728 = vector.broadcast %and3A_727 : i32 to vector<80x128xi32>
    %and3A_729 = arith.andi %slice3A_6, %and3A_728 : vector<80x128xi32>
    %eq3A_730 = arith.constant 0 : i32
    %eq3A_731 = vector.broadcast %eq3A_730 : i32 to vector<80x128xi32>
    %eq3A_732 = arith.cmpi eq, %and3A_729, %eq3A_731 : vector<80x128xi32>
    %eq3A_733 = arith.xori %eq3A_732, %eq3A_707 : vector<80x128xi1>
    %eq3A_734 = arith.constant dense<true> : vector<80x128xi1>
    %eq3A_735 = arith.xori %eq3A_733, %eq3A_734 : vector<80x128xi1>
    %eq3A_736 = arith.xori %or3A_726, %eq3A_735 : vector<80x128xi1>
    %eq3A_737 = arith.constant dense<true> : vector<80x128xi1>
    %eq3A_738 = arith.xori %eq3A_736, %eq3A_737 : vector<80x128xi1>
    %select_n3A_739 = arith.select %eq3A_738, %select_n3A_700, %select_n3A_714 : vector<80x128xi1>, vector<80x128xf32>
    %select_n3A_740 = arith.select %eq3A_738, %select_n3A_701, %select_n3A_721 : vector<80x128xi1>, vector<80x128xi32>
    %and3A_741 = arith.constant 2 : i32
    %and3A_742 = vector.broadcast %and3A_741 : i32 to vector<80x128xi32>
    %and3A_743 = arith.andi %slice3A_6, %and3A_742 : vector<80x128xi32>
    %eq3A_744 = arith.constant 0 : i32
    %eq3A_745 = vector.broadcast %eq3A_744 : i32 to vector<80x128xi32>
    %eq3A_746 = arith.cmpi eq, %and3A_743, %eq3A_745 : vector<80x128xi32>
    %slice3A_747 = vector.extract_strided_slice %select_n3A_739 {offsets = [0, 2], sizes = [80, 126], strides = [1, 1]} : vector<80x128xf32> to vector<80x126xf32>
    %slice3A_748 = vector.extract_strided_slice %select_n3A_739 {offsets = [0, 0], sizes = [80, 2], strides = [1, 1]} : vector<80x128xf32> to vector<80x2xf32>
    %concatenate3A_749 = tpu.concatenate %slice3A_747, %slice3A_748 in 1 : vector<80x126xf32>, vector<80x2xf32> -> vector<80x128xf32>
    %slice3A_750 = vector.extract_strided_slice %select_n3A_739 {offsets = [0, 126], sizes = [80, 2], strides = [1, 1]} : vector<80x128xf32> to vector<80x2xf32>
    %slice3A_751 = vector.extract_strided_slice %select_n3A_739 {offsets = [0, 0], sizes = [80, 126], strides = [1, 1]} : vector<80x128xf32> to vector<80x126xf32>
    %concatenate3A_752 = tpu.concatenate %slice3A_750, %slice3A_751 in 1 : vector<80x2xf32>, vector<80x126xf32> -> vector<80x128xf32>
    %select_n3A_753 = arith.select %eq3A_746, %concatenate3A_749, %concatenate3A_752 : vector<80x128xi1>, vector<80x128xf32>
    %slice3A_754 = vector.extract_strided_slice %select_n3A_740 {offsets = [0, 2], sizes = [80, 126], strides = [1, 1]} : vector<80x128xi32> to vector<80x126xi32>
    %slice3A_755 = vector.extract_strided_slice %select_n3A_740 {offsets = [0, 0], sizes = [80, 2], strides = [1, 1]} : vector<80x128xi32> to vector<80x2xi32>
    %concatenate3A_756 = tpu.concatenate %slice3A_754, %slice3A_755 in 1 : vector<80x126xi32>, vector<80x2xi32> -> vector<80x128xi32>
    %slice3A_757 = vector.extract_strided_slice %select_n3A_740 {offsets = [0, 126], sizes = [80, 2], strides = [1, 1]} : vector<80x128xi32> to vector<80x2xi32>
    %slice3A_758 = vector.extract_strided_slice %select_n3A_740 {offsets = [0, 0], sizes = [80, 126], strides = [1, 1]} : vector<80x128xi32> to vector<80x126xi32>
    %concatenate3A_759 = tpu.concatenate %slice3A_757, %slice3A_758 in 1 : vector<80x2xi32>, vector<80x126xi32> -> vector<80x128xi32>
    %select_n3A_760 = arith.select %eq3A_746, %concatenate3A_756, %concatenate3A_759 : vector<80x128xi1>, vector<80x128xi32>
    %gt3A_761 = arith.cmpf ogt, %select_n3A_739, %select_n3A_753 : vector<80x128xf32>
    %eq3A_762 = arith.cmpf oeq, %select_n3A_739, %select_n3A_753 : vector<80x128xf32>
    %lt3A_763 = arith.cmpi slt, %select_n3A_740, %select_n3A_760 : vector<80x128xi32>
    %and3A_764 = arith.andi %eq3A_762, %lt3A_763 : vector<80x128xi1>
    %or3A_765 = arith.ori %gt3A_761, %and3A_764 : vector<80x128xi1>
    %and3A_766 = arith.constant 64 : i32
    %and3A_767 = vector.broadcast %and3A_766 : i32 to vector<80x128xi32>
    %and3A_768 = arith.andi %slice3A_6, %and3A_767 : vector<80x128xi32>
    %eq3A_769 = arith.constant 0 : i32
    %eq3A_770 = vector.broadcast %eq3A_769 : i32 to vector<80x128xi32>
    %eq3A_771 = arith.cmpi eq, %and3A_768, %eq3A_770 : vector<80x128xi32>
    %eq3A_772 = arith.xori %eq3A_771, %eq3A_746 : vector<80x128xi1>
    %eq3A_773 = arith.constant dense<true> : vector<80x128xi1>
    %eq3A_774 = arith.xori %eq3A_772, %eq3A_773 : vector<80x128xi1>
    %eq3A_775 = arith.xori %or3A_765, %eq3A_774 : vector<80x128xi1>
    %eq3A_776 = arith.constant dense<true> : vector<80x128xi1>
    %eq3A_777 = arith.xori %eq3A_775, %eq3A_776 : vector<80x128xi1>
    %select_n3A_778 = arith.select %eq3A_777, %select_n3A_739, %select_n3A_753 : vector<80x128xi1>, vector<80x128xf32>
    %select_n3A_779 = arith.select %eq3A_777, %select_n3A_740, %select_n3A_760 : vector<80x128xi1>, vector<80x128xi32>
    %and3A_780 = arith.constant 1 : i32
    %and3A_781 = vector.broadcast %and3A_780 : i32 to vector<80x128xi32>
    %and3A_782 = arith.andi %slice3A_6, %and3A_781 : vector<80x128xi32>
    %eq3A_783 = arith.constant 0 : i32
    %eq3A_784 = vector.broadcast %eq3A_783 : i32 to vector<80x128xi32>
    %eq3A_785 = arith.cmpi eq, %and3A_782, %eq3A_784 : vector<80x128xi32>
    %slice3A_786 = vector.extract_strided_slice %select_n3A_778 {offsets = [0, 1], sizes = [80, 127], strides = [1, 1]} : vector<80x128xf32> to vector<80x127xf32>
    %slice3A_787 = vector.extract_strided_slice %select_n3A_778 {offsets = [0, 0], sizes = [80, 1], strides = [1, 1]} : vector<80x128xf32> to vector<80x1xf32>
    %concatenate3A_788 = tpu.concatenate %slice3A_786, %slice3A_787 in 1 : vector<80x127xf32>, vector<80x1xf32> -> vector<80x128xf32>
    %slice3A_789 = vector.extract_strided_slice %select_n3A_778 {offsets = [0, 127], sizes = [80, 1], strides = [1, 1]} : vector<80x128xf32> to vector<80x1xf32>
    %slice3A_790 = vector.extract_strided_slice %select_n3A_778 {offsets = [0, 0], sizes = [80, 127], strides = [1, 1]} : vector<80x128xf32> to vector<80x127xf32>
    %concatenate3A_791 = tpu.concatenate %slice3A_789, %slice3A_790 in 1 : vector<80x1xf32>, vector<80x127xf32> -> vector<80x128xf32>
    %select_n3A_792 = arith.select %eq3A_785, %concatenate3A_788, %concatenate3A_791 : vector<80x128xi1>, vector<80x128xf32>
    %slice3A_793 = vector.extract_strided_slice %select_n3A_779 {offsets = [0, 1], sizes = [80, 127], strides = [1, 1]} : vector<80x128xi32> to vector<80x127xi32>
    %slice3A_794 = vector.extract_strided_slice %select_n3A_779 {offsets = [0, 0], sizes = [80, 1], strides = [1, 1]} : vector<80x128xi32> to vector<80x1xi32>
    %concatenate3A_795 = tpu.concatenate %slice3A_793, %slice3A_794 in 1 : vector<80x127xi32>, vector<80x1xi32> -> vector<80x128xi32>
    %slice3A_796 = vector.extract_strided_slice %select_n3A_779 {offsets = [0, 127], sizes = [80, 1], strides = [1, 1]} : vector<80x128xi32> to vector<80x1xi32>
    %slice3A_797 = vector.extract_strided_slice %select_n3A_779 {offsets = [0, 0], sizes = [80, 127], strides = [1, 1]} : vector<80x128xi32> to vector<80x127xi32>
    %concatenate3A_798 = tpu.concatenate %slice3A_796, %slice3A_797 in 1 : vector<80x1xi32>, vector<80x127xi32> -> vector<80x128xi32>
    %select_n3A_799 = arith.select %eq3A_785, %concatenate3A_795, %concatenate3A_798 : vector<80x128xi1>, vector<80x128xi32>
    %gt3A_800 = arith.cmpf ogt, %select_n3A_778, %select_n3A_792 : vector<80x128xf32>
    %eq3A_801 = arith.cmpf oeq, %select_n3A_778, %select_n3A_792 : vector<80x128xf32>
    %lt3A_802 = arith.cmpi slt, %select_n3A_779, %select_n3A_799 : vector<80x128xi32>
    %and3A_803 = arith.andi %eq3A_801, %lt3A_802 : vector<80x128xi1>
    %or3A_804 = arith.ori %gt3A_800, %and3A_803 : vector<80x128xi1>
    %and3A_805 = arith.constant 64 : i32
    %and3A_806 = vector.broadcast %and3A_805 : i32 to vector<80x128xi32>
    %and3A_807 = arith.andi %slice3A_6, %and3A_806 : vector<80x128xi32>
    %eq3A_808 = arith.constant 0 : i32
    %eq3A_809 = vector.broadcast %eq3A_808 : i32 to vector<80x128xi32>
    %eq3A_810 = arith.cmpi eq, %and3A_807, %eq3A_809 : vector<80x128xi32>
    %eq3A_811 = arith.xori %eq3A_810, %eq3A_785 : vector<80x128xi1>
    %eq3A_812 = arith.constant dense<true> : vector<80x128xi1>
    %eq3A_813 = arith.xori %eq3A_811, %eq3A_812 : vector<80x128xi1>
    %eq3A_814 = arith.xori %or3A_804, %eq3A_813 : vector<80x128xi1>
    %eq3A_815 = arith.constant dense<true> : vector<80x128xi1>
    %eq3A_816 = arith.xori %eq3A_814, %eq3A_815 : vector<80x128xi1>
    %select_n3A_817 = arith.select %eq3A_816, %select_n3A_778, %select_n3A_792 : vector<80x128xi1>, vector<80x128xf32>
    %select_n3A_818 = arith.select %eq3A_816, %select_n3A_779, %select_n3A_799 : vector<80x128xi1>, vector<80x128xi32>
    %and3A_819 = arith.constant 64 : i32
    %and3A_820 = vector.broadcast %and3A_819 : i32 to vector<80x128xi32>
    %and3A_821 = arith.andi %slice3A_6, %and3A_820 : vector<80x128xi32>
    %eq3A_822 = arith.constant 0 : i32
    %eq3A_823 = vector.broadcast %eq3A_822 : i32 to vector<80x128xi32>
    %eq3A_824 = arith.cmpi eq, %and3A_821, %eq3A_823 : vector<80x128xi32>
    %slice3A_825 = vector.extract_strided_slice %select_n3A_817 {offsets = [0, 64], sizes = [80, 64], strides = [1, 1]} : vector<80x128xf32> to vector<80x64xf32>
    %slice3A_826 = vector.extract_strided_slice %select_n3A_817 {offsets = [0, 0], sizes = [80, 64], strides = [1, 1]} : vector<80x128xf32> to vector<80x64xf32>
    %concatenate3A_827 = tpu.concatenate %slice3A_825, %slice3A_826 in 1 : vector<80x64xf32>, vector<80x64xf32> -> vector<80x128xf32>
    %slice3A_828 = vector.extract_strided_slice %select_n3A_817 {offsets = [0, 64], sizes = [80, 64], strides = [1, 1]} : vector<80x128xf32> to vector<80x64xf32>
    %slice3A_829 = vector.extract_strided_slice %select_n3A_817 {offsets = [0, 0], sizes = [80, 64], strides = [1, 1]} : vector<80x128xf32> to vector<80x64xf32>
    %concatenate3A_830 = tpu.concatenate %slice3A_828, %slice3A_829 in 1 : vector<80x64xf32>, vector<80x64xf32> -> vector<80x128xf32>
    %select_n3A_831 = arith.select %eq3A_824, %concatenate3A_827, %concatenate3A_830 : vector<80x128xi1>, vector<80x128xf32>
    %slice3A_832 = vector.extract_strided_slice %select_n3A_818 {offsets = [0, 64], sizes = [80, 64], strides = [1, 1]} : vector<80x128xi32> to vector<80x64xi32>
    %slice3A_833 = vector.extract_strided_slice %select_n3A_818 {offsets = [0, 0], sizes = [80, 64], strides = [1, 1]} : vector<80x128xi32> to vector<80x64xi32>
    %concatenate3A_834 = tpu.concatenate %slice3A_832, %slice3A_833 in 1 : vector<80x64xi32>, vector<80x64xi32> -> vector<80x128xi32>
    %slice3A_835 = vector.extract_strided_slice %select_n3A_818 {offsets = [0, 64], sizes = [80, 64], strides = [1, 1]} : vector<80x128xi32> to vector<80x64xi32>
    %slice3A_836 = vector.extract_strided_slice %select_n3A_818 {offsets = [0, 0], sizes = [80, 64], strides = [1, 1]} : vector<80x128xi32> to vector<80x64xi32>
    %concatenate3A_837 = tpu.concatenate %slice3A_835, %slice3A_836 in 1 : vector<80x64xi32>, vector<80x64xi32> -> vector<80x128xi32>
    %select_n3A_838 = arith.select %eq3A_824, %concatenate3A_834, %concatenate3A_837 : vector<80x128xi1>, vector<80x128xi32>
    %gt3A_839 = arith.cmpf ogt, %select_n3A_817, %select_n3A_831 : vector<80x128xf32>
    %eq3A_840 = arith.cmpf oeq, %select_n3A_817, %select_n3A_831 : vector<80x128xf32>
    %lt3A_841 = arith.cmpi slt, %select_n3A_818, %select_n3A_838 : vector<80x128xi32>
    %and3A_842 = arith.andi %eq3A_840, %lt3A_841 : vector<80x128xi1>
    %or3A_843 = arith.ori %gt3A_839, %and3A_842 : vector<80x128xi1>
    %and3A_844 = arith.constant 128 : i32
    %and3A_845 = vector.broadcast %and3A_844 : i32 to vector<80x128xi32>
    %and3A_846 = arith.andi %slice3A_6, %and3A_845 : vector<80x128xi32>
    %eq3A_847 = arith.constant 0 : i32
    %eq3A_848 = vector.broadcast %eq3A_847 : i32 to vector<80x128xi32>
    %eq3A_849 = arith.cmpi eq, %and3A_846, %eq3A_848 : vector<80x128xi32>
    %eq3A_850 = arith.xori %eq3A_849, %eq3A_824 : vector<80x128xi1>
    %eq3A_851 = arith.constant dense<true> : vector<80x128xi1>
    %eq3A_852 = arith.xori %eq3A_850, %eq3A_851 : vector<80x128xi1>
    %eq3A_853 = arith.xori %or3A_843, %eq3A_852 : vector<80x128xi1>
    %eq3A_854 = arith.constant dense<true> : vector<80x128xi1>
    %eq3A_855 = arith.xori %eq3A_853, %eq3A_854 : vector<80x128xi1>
    %select_n3A_856 = arith.select %eq3A_855, %select_n3A_817, %select_n3A_831 : vector<80x128xi1>, vector<80x128xf32>
    %select_n3A_857 = arith.select %eq3A_855, %select_n3A_818, %select_n3A_838 : vector<80x128xi1>, vector<80x128xi32>
    %and3A_858 = arith.constant 32 : i32
    %and3A_859 = vector.broadcast %and3A_858 : i32 to vector<80x128xi32>
    %and3A_860 = arith.andi %slice3A_6, %and3A_859 : vector<80x128xi32>
    %eq3A_861 = arith.constant 0 : i32
    %eq3A_862 = vector.broadcast %eq3A_861 : i32 to vector<80x128xi32>
    %eq3A_863 = arith.cmpi eq, %and3A_860, %eq3A_862 : vector<80x128xi32>
    %slice3A_864 = vector.extract_strided_slice %select_n3A_856 {offsets = [0, 32], sizes = [80, 96], strides = [1, 1]} : vector<80x128xf32> to vector<80x96xf32>
    %slice3A_865 = vector.extract_strided_slice %select_n3A_856 {offsets = [0, 0], sizes = [80, 32], strides = [1, 1]} : vector<80x128xf32> to vector<80x32xf32>
    %concatenate3A_866 = tpu.concatenate %slice3A_864, %slice3A_865 in 1 : vector<80x96xf32>, vector<80x32xf32> -> vector<80x128xf32>
    %slice3A_867 = vector.extract_strided_slice %select_n3A_856 {offsets = [0, 96], sizes = [80, 32], strides = [1, 1]} : vector<80x128xf32> to vector<80x32xf32>
    %slice3A_868 = vector.extract_strided_slice %select_n3A_856 {offsets = [0, 0], sizes = [80, 96], strides = [1, 1]} : vector<80x128xf32> to vector<80x96xf32>
    %concatenate3A_869 = tpu.concatenate %slice3A_867, %slice3A_868 in 1 : vector<80x32xf32>, vector<80x96xf32> -> vector<80x128xf32>
    %select_n3A_870 = arith.select %eq3A_863, %concatenate3A_866, %concatenate3A_869 : vector<80x128xi1>, vector<80x128xf32>
    %slice3A_871 = vector.extract_strided_slice %select_n3A_857 {offsets = [0, 32], sizes = [80, 96], strides = [1, 1]} : vector<80x128xi32> to vector<80x96xi32>
    %slice3A_872 = vector.extract_strided_slice %select_n3A_857 {offsets = [0, 0], sizes = [80, 32], strides = [1, 1]} : vector<80x128xi32> to vector<80x32xi32>
    %concatenate3A_873 = tpu.concatenate %slice3A_871, %slice3A_872 in 1 : vector<80x96xi32>, vector<80x32xi32> -> vector<80x128xi32>
    %slice3A_874 = vector.extract_strided_slice %select_n3A_857 {offsets = [0, 96], sizes = [80, 32], strides = [1, 1]} : vector<80x128xi32> to vector<80x32xi32>
    %slice3A_875 = vector.extract_strided_slice %select_n3A_857 {offsets = [0, 0], sizes = [80, 96], strides = [1, 1]} : vector<80x128xi32> to vector<80x96xi32>
    %concatenate3A_876 = tpu.concatenate %slice3A_874, %slice3A_875 in 1 : vector<80x32xi32>, vector<80x96xi32> -> vector<80x128xi32>
    %select_n3A_877 = arith.select %eq3A_863, %concatenate3A_873, %concatenate3A_876 : vector<80x128xi1>, vector<80x128xi32>
    %gt3A_878 = arith.cmpf ogt, %select_n3A_856, %select_n3A_870 : vector<80x128xf32>
    %eq3A_879 = arith.cmpf oeq, %select_n3A_856, %select_n3A_870 : vector<80x128xf32>
    %lt3A_880 = arith.cmpi slt, %select_n3A_857, %select_n3A_877 : vector<80x128xi32>
    %and3A_881 = arith.andi %eq3A_879, %lt3A_880 : vector<80x128xi1>
    %or3A_882 = arith.ori %gt3A_878, %and3A_881 : vector<80x128xi1>
    %and3A_883 = arith.constant 128 : i32
    %and3A_884 = vector.broadcast %and3A_883 : i32 to vector<80x128xi32>
    %and3A_885 = arith.andi %slice3A_6, %and3A_884 : vector<80x128xi32>
    %eq3A_886 = arith.constant 0 : i32
    %eq3A_887 = vector.broadcast %eq3A_886 : i32 to vector<80x128xi32>
    %eq3A_888 = arith.cmpi eq, %and3A_885, %eq3A_887 : vector<80x128xi32>
    %eq3A_889 = arith.xori %eq3A_888, %eq3A_863 : vector<80x128xi1>
    %eq3A_890 = arith.constant dense<true> : vector<80x128xi1>
    %eq3A_891 = arith.xori %eq3A_889, %eq3A_890 : vector<80x128xi1>
    %eq3A_892 = arith.xori %or3A_882, %eq3A_891 : vector<80x128xi1>
    %eq3A_893 = arith.constant dense<true> : vector<80x128xi1>
    %eq3A_894 = arith.xori %eq3A_892, %eq3A_893 : vector<80x128xi1>
    %select_n3A_895 = arith.select %eq3A_894, %select_n3A_856, %select_n3A_870 : vector<80x128xi1>, vector<80x128xf32>
    %select_n3A_896 = arith.select %eq3A_894, %select_n3A_857, %select_n3A_877 : vector<80x128xi1>, vector<80x128xi32>
    %and3A_897 = arith.constant 16 : i32
    %and3A_898 = vector.broadcast %and3A_897 : i32 to vector<80x128xi32>
    %and3A_899 = arith.andi %slice3A_6, %and3A_898 : vector<80x128xi32>
    %eq3A_900 = arith.constant 0 : i32
    %eq3A_901 = vector.broadcast %eq3A_900 : i32 to vector<80x128xi32>
    %eq3A_902 = arith.cmpi eq, %and3A_899, %eq3A_901 : vector<80x128xi32>
    %slice3A_903 = vector.extract_strided_slice %select_n3A_895 {offsets = [0, 16], sizes = [80, 112], strides = [1, 1]} : vector<80x128xf32> to vector<80x112xf32>
    %slice3A_904 = vector.extract_strided_slice %select_n3A_895 {offsets = [0, 0], sizes = [80, 16], strides = [1, 1]} : vector<80x128xf32> to vector<80x16xf32>
    %concatenate3A_905 = tpu.concatenate %slice3A_903, %slice3A_904 in 1 : vector<80x112xf32>, vector<80x16xf32> -> vector<80x128xf32>
    %slice3A_906 = vector.extract_strided_slice %select_n3A_895 {offsets = [0, 112], sizes = [80, 16], strides = [1, 1]} : vector<80x128xf32> to vector<80x16xf32>
    %slice3A_907 = vector.extract_strided_slice %select_n3A_895 {offsets = [0, 0], sizes = [80, 112], strides = [1, 1]} : vector<80x128xf32> to vector<80x112xf32>
    %concatenate3A_908 = tpu.concatenate %slice3A_906, %slice3A_907 in 1 : vector<80x16xf32>, vector<80x112xf32> -> vector<80x128xf32>
    %select_n3A_909 = arith.select %eq3A_902, %concatenate3A_905, %concatenate3A_908 : vector<80x128xi1>, vector<80x128xf32>
    %slice3A_910 = vector.extract_strided_slice %select_n3A_896 {offsets = [0, 16], sizes = [80, 112], strides = [1, 1]} : vector<80x128xi32> to vector<80x112xi32>
    %slice3A_911 = vector.extract_strided_slice %select_n3A_896 {offsets = [0, 0], sizes = [80, 16], strides = [1, 1]} : vector<80x128xi32> to vector<80x16xi32>
    %concatenate3A_912 = tpu.concatenate %slice3A_910, %slice3A_911 in 1 : vector<80x112xi32>, vector<80x16xi32> -> vector<80x128xi32>
    %slice3A_913 = vector.extract_strided_slice %select_n3A_896 {offsets = [0, 112], sizes = [80, 16], strides = [1, 1]} : vector<80x128xi32> to vector<80x16xi32>
    %slice3A_914 = vector.extract_strided_slice %select_n3A_896 {offsets = [0, 0], sizes = [80, 112], strides = [1, 1]} : vector<80x128xi32> to vector<80x112xi32>
    %concatenate3A_915 = tpu.concatenate %slice3A_913, %slice3A_914 in 1 : vector<80x16xi32>, vector<80x112xi32> -> vector<80x128xi32>
    %select_n3A_916 = arith.select %eq3A_902, %concatenate3A_912, %concatenate3A_915 : vector<80x128xi1>, vector<80x128xi32>
    %gt3A_917 = arith.cmpf ogt, %select_n3A_895, %select_n3A_909 : vector<80x128xf32>
    %eq3A_918 = arith.cmpf oeq, %select_n3A_895, %select_n3A_909 : vector<80x128xf32>
    %lt3A_919 = arith.cmpi slt, %select_n3A_896, %select_n3A_916 : vector<80x128xi32>
    %and3A_920 = arith.andi %eq3A_918, %lt3A_919 : vector<80x128xi1>
    %or3A_921 = arith.ori %gt3A_917, %and3A_920 : vector<80x128xi1>
    %and3A_922 = arith.constant 128 : i32
    %and3A_923 = vector.broadcast %and3A_922 : i32 to vector<80x128xi32>
    %and3A_924 = arith.andi %slice3A_6, %and3A_923 : vector<80x128xi32>
    %eq3A_925 = arith.constant 0 : i32
    %eq3A_926 = vector.broadcast %eq3A_925 : i32 to vector<80x128xi32>
    %eq3A_927 = arith.cmpi eq, %and3A_924, %eq3A_926 : vector<80x128xi32>
    %eq3A_928 = arith.xori %eq3A_927, %eq3A_902 : vector<80x128xi1>
    %eq3A_929 = arith.constant dense<true> : vector<80x128xi1>
    %eq3A_930 = arith.xori %eq3A_928, %eq3A_929 : vector<80x128xi1>
    %eq3A_931 = arith.xori %or3A_921, %eq3A_930 : vector<80x128xi1>
    %eq3A_932 = arith.constant dense<true> : vector<80x128xi1>
    %eq3A_933 = arith.xori %eq3A_931, %eq3A_932 : vector<80x128xi1>
    %select_n3A_934 = arith.select %eq3A_933, %select_n3A_895, %select_n3A_909 : vector<80x128xi1>, vector<80x128xf32>
    %select_n3A_935 = arith.select %eq3A_933, %select_n3A_896, %select_n3A_916 : vector<80x128xi1>, vector<80x128xi32>
    %and3A_936 = arith.constant 8 : i32
    %and3A_937 = vector.broadcast %and3A_936 : i32 to vector<80x128xi32>
    %and3A_938 = arith.andi %slice3A_6, %and3A_937 : vector<80x128xi32>
    %eq3A_939 = arith.constant 0 : i32
    %eq3A_940 = vector.broadcast %eq3A_939 : i32 to vector<80x128xi32>
    %eq3A_941 = arith.cmpi eq, %and3A_938, %eq3A_940 : vector<80x128xi32>
    %slice3A_942 = vector.extract_strided_slice %select_n3A_934 {offsets = [0, 8], sizes = [80, 120], strides = [1, 1]} : vector<80x128xf32> to vector<80x120xf32>
    %slice3A_943 = vector.extract_strided_slice %select_n3A_934 {offsets = [0, 0], sizes = [80, 8], strides = [1, 1]} : vector<80x128xf32> to vector<80x8xf32>
    %concatenate3A_944 = tpu.concatenate %slice3A_942, %slice3A_943 in 1 : vector<80x120xf32>, vector<80x8xf32> -> vector<80x128xf32>
    %slice3A_945 = vector.extract_strided_slice %select_n3A_934 {offsets = [0, 120], sizes = [80, 8], strides = [1, 1]} : vector<80x128xf32> to vector<80x8xf32>
    %slice3A_946 = vector.extract_strided_slice %select_n3A_934 {offsets = [0, 0], sizes = [80, 120], strides = [1, 1]} : vector<80x128xf32> to vector<80x120xf32>
    %concatenate3A_947 = tpu.concatenate %slice3A_945, %slice3A_946 in 1 : vector<80x8xf32>, vector<80x120xf32> -> vector<80x128xf32>
    %select_n3A_948 = arith.select %eq3A_941, %concatenate3A_944, %concatenate3A_947 : vector<80x128xi1>, vector<80x128xf32>
    %slice3A_949 = vector.extract_strided_slice %select_n3A_935 {offsets = [0, 8], sizes = [80, 120], strides = [1, 1]} : vector<80x128xi32> to vector<80x120xi32>
    %slice3A_950 = vector.extract_strided_slice %select_n3A_935 {offsets = [0, 0], sizes = [80, 8], strides = [1, 1]} : vector<80x128xi32> to vector<80x8xi32>
    %concatenate3A_951 = tpu.concatenate %slice3A_949, %slice3A_950 in 1 : vector<80x120xi32>, vector<80x8xi32> -> vector<80x128xi32>
    %slice3A_952 = vector.extract_strided_slice %select_n3A_935 {offsets = [0, 120], sizes = [80, 8], strides = [1, 1]} : vector<80x128xi32> to vector<80x8xi32>
    %slice3A_953 = vector.extract_strided_slice %select_n3A_935 {offsets = [0, 0], sizes = [80, 120], strides = [1, 1]} : vector<80x128xi32> to vector<80x120xi32>
    %concatenate3A_954 = tpu.concatenate %slice3A_952, %slice3A_953 in 1 : vector<80x8xi32>, vector<80x120xi32> -> vector<80x128xi32>
    %select_n3A_955 = arith.select %eq3A_941, %concatenate3A_951, %concatenate3A_954 : vector<80x128xi1>, vector<80x128xi32>
    %gt3A_956 = arith.cmpf ogt, %select_n3A_934, %select_n3A_948 : vector<80x128xf32>
    %eq3A_957 = arith.cmpf oeq, %select_n3A_934, %select_n3A_948 : vector<80x128xf32>
    %lt3A_958 = arith.cmpi slt, %select_n3A_935, %select_n3A_955 : vector<80x128xi32>
    %and3A_959 = arith.andi %eq3A_957, %lt3A_958 : vector<80x128xi1>
    %or3A_960 = arith.ori %gt3A_956, %and3A_959 : vector<80x128xi1>
    %and3A_961 = arith.constant 128 : i32
    %and3A_962 = vector.broadcast %and3A_961 : i32 to vector<80x128xi32>
    %and3A_963 = arith.andi %slice3A_6, %and3A_962 : vector<80x128xi32>
    %eq3A_964 = arith.constant 0 : i32
    %eq3A_965 = vector.broadcast %eq3A_964 : i32 to vector<80x128xi32>
    %eq3A_966 = arith.cmpi eq, %and3A_963, %eq3A_965 : vector<80x128xi32>
    %eq3A_967 = arith.xori %eq3A_966, %eq3A_941 : vector<80x128xi1>
    %eq3A_968 = arith.constant dense<true> : vector<80x128xi1>
    %eq3A_969 = arith.xori %eq3A_967, %eq3A_968 : vector<80x128xi1>
    %eq3A_970 = arith.xori %or3A_960, %eq3A_969 : vector<80x128xi1>
    %eq3A_971 = arith.constant dense<true> : vector<80x128xi1>
    %eq3A_972 = arith.xori %eq3A_970, %eq3A_971 : vector<80x128xi1>
    %select_n3A_973 = arith.select %eq3A_972, %select_n3A_934, %select_n3A_948 : vector<80x128xi1>, vector<80x128xf32>
    %select_n3A_974 = arith.select %eq3A_972, %select_n3A_935, %select_n3A_955 : vector<80x128xi1>, vector<80x128xi32>
    %and3A_975 = arith.constant 4 : i32
    %and3A_976 = vector.broadcast %and3A_975 : i32 to vector<80x128xi32>
    %and3A_977 = arith.andi %slice3A_6, %and3A_976 : vector<80x128xi32>
    %eq3A_978 = arith.constant 0 : i32
    %eq3A_979 = vector.broadcast %eq3A_978 : i32 to vector<80x128xi32>
    %eq3A_980 = arith.cmpi eq, %and3A_977, %eq3A_979 : vector<80x128xi32>
    %slice3A_981 = vector.extract_strided_slice %select_n3A_973 {offsets = [0, 4], sizes = [80, 124], strides = [1, 1]} : vector<80x128xf32> to vector<80x124xf32>
    %slice3A_982 = vector.extract_strided_slice %select_n3A_973 {offsets = [0, 0], sizes = [80, 4], strides = [1, 1]} : vector<80x128xf32> to vector<80x4xf32>
    %concatenate3A_983 = tpu.concatenate %slice3A_981, %slice3A_982 in 1 : vector<80x124xf32>, vector<80x4xf32> -> vector<80x128xf32>
    %slice3A_984 = vector.extract_strided_slice %select_n3A_973 {offsets = [0, 124], sizes = [80, 4], strides = [1, 1]} : vector<80x128xf32> to vector<80x4xf32>
    %slice3A_985 = vector.extract_strided_slice %select_n3A_973 {offsets = [0, 0], sizes = [80, 124], strides = [1, 1]} : vector<80x128xf32> to vector<80x124xf32>
    %concatenate3A_986 = tpu.concatenate %slice3A_984, %slice3A_985 in 1 : vector<80x4xf32>, vector<80x124xf32> -> vector<80x128xf32>
    %select_n3A_987 = arith.select %eq3A_980, %concatenate3A_983, %concatenate3A_986 : vector<80x128xi1>, vector<80x128xf32>
    %slice3A_988 = vector.extract_strided_slice %select_n3A_974 {offsets = [0, 4], sizes = [80, 124], strides = [1, 1]} : vector<80x128xi32> to vector<80x124xi32>
    %slice3A_989 = vector.extract_strided_slice %select_n3A_974 {offsets = [0, 0], sizes = [80, 4], strides = [1, 1]} : vector<80x128xi32> to vector<80x4xi32>
    %concatenate3A_990 = tpu.concatenate %slice3A_988, %slice3A_989 in 1 : vector<80x124xi32>, vector<80x4xi32> -> vector<80x128xi32>
    %slice3A_991 = vector.extract_strided_slice %select_n3A_974 {offsets = [0, 124], sizes = [80, 4], strides = [1, 1]} : vector<80x128xi32> to vector<80x4xi32>
    %slice3A_992 = vector.extract_strided_slice %select_n3A_974 {offsets = [0, 0], sizes = [80, 124], strides = [1, 1]} : vector<80x128xi32> to vector<80x124xi32>
    %concatenate3A_993 = tpu.concatenate %slice3A_991, %slice3A_992 in 1 : vector<80x4xi32>, vector<80x124xi32> -> vector<80x128xi32>
    %select_n3A_994 = arith.select %eq3A_980, %concatenate3A_990, %concatenate3A_993 : vector<80x128xi1>, vector<80x128xi32>
    %gt3A_995 = arith.cmpf ogt, %select_n3A_973, %select_n3A_987 : vector<80x128xf32>
    %eq3A_996 = arith.cmpf oeq, %select_n3A_973, %select_n3A_987 : vector<80x128xf32>
    %lt3A_997 = arith.cmpi slt, %select_n3A_974, %select_n3A_994 : vector<80x128xi32>
    %and3A_998 = arith.andi %eq3A_996, %lt3A_997 : vector<80x128xi1>
    %or3A_999 = arith.ori %gt3A_995, %and3A_998 : vector<80x128xi1>
    %and3A_1000 = arith.constant 128 : i32
    %and3A_1001 = vector.broadcast %and3A_1000 : i32 to vector<80x128xi32>
    %and3A_1002 = arith.andi %slice3A_6, %and3A_1001 : vector<80x128xi32>
    %eq3A_1003 = arith.constant 0 : i32
    %eq3A_1004 = vector.broadcast %eq3A_1003 : i32 to vector<80x128xi32>
    %eq3A_1005 = arith.cmpi eq, %and3A_1002, %eq3A_1004 : vector<80x128xi32>
    %eq3A_1006 = arith.xori %eq3A_1005, %eq3A_980 : vector<80x128xi1>
    %eq3A_1007 = arith.constant dense<true> : vector<80x128xi1>
    %eq3A_1008 = arith.xori %eq3A_1006, %eq3A_1007 : vector<80x128xi1>
    %eq3A_1009 = arith.xori %or3A_999, %eq3A_1008 : vector<80x128xi1>
    %eq3A_1010 = arith.constant dense<true> : vector<80x128xi1>
    %eq3A_1011 = arith.xori %eq3A_1009, %eq3A_1010 : vector<80x128xi1>
    %select_n3A_1012 = arith.select %eq3A_1011, %select_n3A_973, %select_n3A_987 : vector<80x128xi1>, vector<80x128xf32>
    %select_n3A_1013 = arith.select %eq3A_1011, %select_n3A_974, %select_n3A_994 : vector<80x128xi1>, vector<80x128xi32>
    %and3A_1014 = arith.constant 2 : i32
    %and3A_1015 = vector.broadcast %and3A_1014 : i32 to vector<80x128xi32>
    %and3A_1016 = arith.andi %slice3A_6, %and3A_1015 : vector<80x128xi32>
    %eq3A_1017 = arith.constant 0 : i32
    %eq3A_1018 = vector.broadcast %eq3A_1017 : i32 to vector<80x128xi32>
    %eq3A_1019 = arith.cmpi eq, %and3A_1016, %eq3A_1018 : vector<80x128xi32>
    %slice3A_1020 = vector.extract_strided_slice %select_n3A_1012 {offsets = [0, 2], sizes = [80, 126], strides = [1, 1]} : vector<80x128xf32> to vector<80x126xf32>
    %slice3A_1021 = vector.extract_strided_slice %select_n3A_1012 {offsets = [0, 0], sizes = [80, 2], strides = [1, 1]} : vector<80x128xf32> to vector<80x2xf32>
    %concatenate3A_1022 = tpu.concatenate %slice3A_1020, %slice3A_1021 in 1 : vector<80x126xf32>, vector<80x2xf32> -> vector<80x128xf32>
    %slice3A_1023 = vector.extract_strided_slice %select_n3A_1012 {offsets = [0, 126], sizes = [80, 2], strides = [1, 1]} : vector<80x128xf32> to vector<80x2xf32>
    %slice3A_1024 = vector.extract_strided_slice %select_n3A_1012 {offsets = [0, 0], sizes = [80, 126], strides = [1, 1]} : vector<80x128xf32> to vector<80x126xf32>
    %concatenate3A_1025 = tpu.concatenate %slice3A_1023, %slice3A_1024 in 1 : vector<80x2xf32>, vector<80x126xf32> -> vector<80x128xf32>
    %select_n3A_1026 = arith.select %eq3A_1019, %concatenate3A_1022, %concatenate3A_1025 : vector<80x128xi1>, vector<80x128xf32>
    %slice3A_1027 = vector.extract_strided_slice %select_n3A_1013 {offsets = [0, 2], sizes = [80, 126], strides = [1, 1]} : vector<80x128xi32> to vector<80x126xi32>
    %slice3A_1028 = vector.extract_strided_slice %select_n3A_1013 {offsets = [0, 0], sizes = [80, 2], strides = [1, 1]} : vector<80x128xi32> to vector<80x2xi32>
    %concatenate3A_1029 = tpu.concatenate %slice3A_1027, %slice3A_1028 in 1 : vector<80x126xi32>, vector<80x2xi32> -> vector<80x128xi32>
    %slice3A_1030 = vector.extract_strided_slice %select_n3A_1013 {offsets = [0, 126], sizes = [80, 2], strides = [1, 1]} : vector<80x128xi32> to vector<80x2xi32>
    %slice3A_1031 = vector.extract_strided_slice %select_n3A_1013 {offsets = [0, 0], sizes = [80, 126], strides = [1, 1]} : vector<80x128xi32> to vector<80x126xi32>
    %concatenate3A_1032 = tpu.concatenate %slice3A_1030, %slice3A_1031 in 1 : vector<80x2xi32>, vector<80x126xi32> -> vector<80x128xi32>
    %select_n3A_1033 = arith.select %eq3A_1019, %concatenate3A_1029, %concatenate3A_1032 : vector<80x128xi1>, vector<80x128xi32>
    %gt3A_1034 = arith.cmpf ogt, %select_n3A_1012, %select_n3A_1026 : vector<80x128xf32>
    %eq3A_1035 = arith.cmpf oeq, %select_n3A_1012, %select_n3A_1026 : vector<80x128xf32>
    %lt3A_1036 = arith.cmpi slt, %select_n3A_1013, %select_n3A_1033 : vector<80x128xi32>
    %and3A_1037 = arith.andi %eq3A_1035, %lt3A_1036 : vector<80x128xi1>
    %or3A_1038 = arith.ori %gt3A_1034, %and3A_1037 : vector<80x128xi1>
    %and3A_1039 = arith.constant 128 : i32
    %and3A_1040 = vector.broadcast %and3A_1039 : i32 to vector<80x128xi32>
    %and3A_1041 = arith.andi %slice3A_6, %and3A_1040 : vector<80x128xi32>
    %eq3A_1042 = arith.constant 0 : i32
    %eq3A_1043 = vector.broadcast %eq3A_1042 : i32 to vector<80x128xi32>
    %eq3A_1044 = arith.cmpi eq, %and3A_1041, %eq3A_1043 : vector<80x128xi32>
    %eq3A_1045 = arith.xori %eq3A_1044, %eq3A_1019 : vector<80x128xi1>
    %eq3A_1046 = arith.constant dense<true> : vector<80x128xi1>
    %eq3A_1047 = arith.xori %eq3A_1045, %eq3A_1046 : vector<80x128xi1>
    %eq3A_1048 = arith.xori %or3A_1038, %eq3A_1047 : vector<80x128xi1>
    %eq3A_1049 = arith.constant dense<true> : vector<80x128xi1>
    %eq3A_1050 = arith.xori %eq3A_1048, %eq3A_1049 : vector<80x128xi1>
    %select_n3A_1051 = arith.select %eq3A_1050, %select_n3A_1012, %select_n3A_1026 : vector<80x128xi1>, vector<80x128xf32>
    %select_n3A_1052 = arith.select %eq3A_1050, %select_n3A_1013, %select_n3A_1033 : vector<80x128xi1>, vector<80x128xi32>
    %and3A_1053 = arith.constant 1 : i32
    %and3A_1054 = vector.broadcast %and3A_1053 : i32 to vector<80x128xi32>
    %and3A_1055 = arith.andi %slice3A_6, %and3A_1054 : vector<80x128xi32>
    %eq3A_1056 = arith.constant 0 : i32
    %eq3A_1057 = vector.broadcast %eq3A_1056 : i32 to vector<80x128xi32>
    %eq3A_1058 = arith.cmpi eq, %and3A_1055, %eq3A_1057 : vector<80x128xi32>
    %slice3A_1059 = vector.extract_strided_slice %select_n3A_1051 {offsets = [0, 1], sizes = [80, 127], strides = [1, 1]} : vector<80x128xf32> to vector<80x127xf32>
    %slice3A_1060 = vector.extract_strided_slice %select_n3A_1051 {offsets = [0, 0], sizes = [80, 1], strides = [1, 1]} : vector<80x128xf32> to vector<80x1xf32>
    %concatenate3A_1061 = tpu.concatenate %slice3A_1059, %slice3A_1060 in 1 : vector<80x127xf32>, vector<80x1xf32> -> vector<80x128xf32>
    %slice3A_1062 = vector.extract_strided_slice %select_n3A_1051 {offsets = [0, 127], sizes = [80, 1], strides = [1, 1]} : vector<80x128xf32> to vector<80x1xf32>
    %slice3A_1063 = vector.extract_strided_slice %select_n3A_1051 {offsets = [0, 0], sizes = [80, 127], strides = [1, 1]} : vector<80x128xf32> to vector<80x127xf32>
    %concatenate3A_1064 = tpu.concatenate %slice3A_1062, %slice3A_1063 in 1 : vector<80x1xf32>, vector<80x127xf32> -> vector<80x128xf32>
    %select_n3A_1065 = arith.select %eq3A_1058, %concatenate3A_1061, %concatenate3A_1064 : vector<80x128xi1>, vector<80x128xf32>
    %slice3A_1066 = vector.extract_strided_slice %select_n3A_1052 {offsets = [0, 1], sizes = [80, 127], strides = [1, 1]} : vector<80x128xi32> to vector<80x127xi32>
    %slice3A_1067 = vector.extract_strided_slice %select_n3A_1052 {offsets = [0, 0], sizes = [80, 1], strides = [1, 1]} : vector<80x128xi32> to vector<80x1xi32>
    %concatenate3A_1068 = tpu.concatenate %slice3A_1066, %slice3A_1067 in 1 : vector<80x127xi32>, vector<80x1xi32> -> vector<80x128xi32>
    %slice3A_1069 = vector.extract_strided_slice %select_n3A_1052 {offsets = [0, 127], sizes = [80, 1], strides = [1, 1]} : vector<80x128xi32> to vector<80x1xi32>
    %slice3A_1070 = vector.extract_strided_slice %select_n3A_1052 {offsets = [0, 0], sizes = [80, 127], strides = [1, 1]} : vector<80x128xi32> to vector<80x127xi32>
    %concatenate3A_1071 = tpu.concatenate %slice3A_1069, %slice3A_1070 in 1 : vector<80x1xi32>, vector<80x127xi32> -> vector<80x128xi32>
    %select_n3A_1072 = arith.select %eq3A_1058, %concatenate3A_1068, %concatenate3A_1071 : vector<80x128xi1>, vector<80x128xi32>
    %gt3A_1073 = arith.cmpf ogt, %select_n3A_1051, %select_n3A_1065 : vector<80x128xf32>
    %eq3A_1074 = arith.cmpf oeq, %select_n3A_1051, %select_n3A_1065 : vector<80x128xf32>
    %lt3A_1075 = arith.cmpi slt, %select_n3A_1052, %select_n3A_1072 : vector<80x128xi32>
    %and3A_1076 = arith.andi %eq3A_1074, %lt3A_1075 : vector<80x128xi1>
    %or3A_1077 = arith.ori %gt3A_1073, %and3A_1076 : vector<80x128xi1>
    %and3A_1078 = arith.constant 128 : i32
    %and3A_1079 = vector.broadcast %and3A_1078 : i32 to vector<80x128xi32>
    %and3A_1080 = arith.andi %slice3A_6, %and3A_1079 : vector<80x128xi32>
    %eq3A_1081 = arith.constant 0 : i32
    %eq3A_1082 = vector.broadcast %eq3A_1081 : i32 to vector<80x128xi32>
    %eq3A_1083 = arith.cmpi eq, %and3A_1080, %eq3A_1082 : vector<80x128xi32>
    %eq3A_1084 = arith.xori %eq3A_1083, %eq3A_1058 : vector<80x128xi1>
    %eq3A_1085 = arith.constant dense<true> : vector<80x128xi1>
    %eq3A_1086 = arith.xori %eq3A_1084, %eq3A_1085 : vector<80x128xi1>
    %eq3A_1087 = arith.xori %or3A_1077, %eq3A_1086 : vector<80x128xi1>
    %eq3A_1088 = arith.constant dense<true> : vector<80x128xi1>
    %eq3A_1089 = arith.xori %eq3A_1087, %eq3A_1088 : vector<80x128xi1>
    %select_n3A_1090 = arith.select %eq3A_1089, %select_n3A_1051, %select_n3A_1065 : vector<80x128xi1>, vector<80x128xf32>
    %select_n3A_1091 = arith.select %eq3A_1089, %select_n3A_1052, %select_n3A_1072 : vector<80x128xi1>, vector<80x128xi32>
    %and3A_1092 = arith.constant 128 : i32
    %and3A_1093 = vector.broadcast %and3A_1092 : i32 to vector<80x128xi32>
    %and3A_1094 = arith.andi %slice3A_6, %and3A_1093 : vector<80x128xi32>
    %eq3A_1095 = arith.constant 0 : i32
    %eq3A_1096 = vector.broadcast %eq3A_1095 : i32 to vector<80x128xi32>
    %eq3A_1097 = arith.cmpi eq, %and3A_1094, %eq3A_1096 : vector<80x128xi32>
    %slice3A_1098 = vector.extract_strided_slice %select_n3A_1090 {offsets = [1, 0], sizes = [79, 128], strides = [1, 1]} : vector<80x128xf32> to vector<79x128xf32>
    %slice3A_1099 = vector.extract_strided_slice %select_n3A_1090 {offsets = [0, 0], sizes = [1, 128], strides = [1, 1]} : vector<80x128xf32> to vector<1x128xf32>
    %concatenate3A_1100 = tpu.concatenate %slice3A_1098, %slice3A_1099 in 0 : vector<79x128xf32>, vector<1x128xf32> -> vector<80x128xf32>
    %slice3A_1101 = vector.extract_strided_slice %select_n3A_1090 {offsets = [79, 0], sizes = [1, 128], strides = [1, 1]} : vector<80x128xf32> to vector<1x128xf32>
    %slice3A_1102 = vector.extract_strided_slice %select_n3A_1090 {offsets = [0, 0], sizes = [79, 128], strides = [1, 1]} : vector<80x128xf32> to vector<79x128xf32>
    %concatenate3A_1103 = tpu.concatenate %slice3A_1101, %slice3A_1102 in 0 : vector<1x128xf32>, vector<79x128xf32> -> vector<80x128xf32>
    %select_n3A_1104 = arith.select %eq3A_1097, %concatenate3A_1100, %concatenate3A_1103 : vector<80x128xi1>, vector<80x128xf32>
    %slice3A_1105 = vector.extract_strided_slice %select_n3A_1091 {offsets = [1, 0], sizes = [79, 128], strides = [1, 1]} : vector<80x128xi32> to vector<79x128xi32>
    %slice3A_1106 = vector.extract_strided_slice %select_n3A_1091 {offsets = [0, 0], sizes = [1, 128], strides = [1, 1]} : vector<80x128xi32> to vector<1x128xi32>
    %concatenate3A_1107 = tpu.concatenate %slice3A_1105, %slice3A_1106 in 0 : vector<79x128xi32>, vector<1x128xi32> -> vector<80x128xi32>
    %slice3A_1108 = vector.extract_strided_slice %select_n3A_1091 {offsets = [79, 0], sizes = [1, 128], strides = [1, 1]} : vector<80x128xi32> to vector<1x128xi32>
    %slice3A_1109 = vector.extract_strided_slice %select_n3A_1091 {offsets = [0, 0], sizes = [79, 128], strides = [1, 1]} : vector<80x128xi32> to vector<79x128xi32>
    %concatenate3A_1110 = tpu.concatenate %slice3A_1108, %slice3A_1109 in 0 : vector<1x128xi32>, vector<79x128xi32> -> vector<80x128xi32>
    %select_n3A_1111 = arith.select %eq3A_1097, %concatenate3A_1107, %concatenate3A_1110 : vector<80x128xi1>, vector<80x128xi32>
    %gt3A_1112 = arith.cmpf ogt, %select_n3A_1090, %select_n3A_1104 : vector<80x128xf32>
    %eq3A_1113 = arith.cmpf oeq, %select_n3A_1090, %select_n3A_1104 : vector<80x128xf32>
    %lt3A_1114 = arith.cmpi slt, %select_n3A_1091, %select_n3A_1111 : vector<80x128xi32>
    %and3A_1115 = arith.andi %eq3A_1113, %lt3A_1114 : vector<80x128xi1>
    %or3A_1116 = arith.ori %gt3A_1112, %and3A_1115 : vector<80x128xi1>
    %and3A_1117 = arith.constant 256 : i32
    %and3A_1118 = vector.broadcast %and3A_1117 : i32 to vector<80x128xi32>
    %and3A_1119 = arith.andi %slice3A_6, %and3A_1118 : vector<80x128xi32>
    %eq3A_1120 = arith.constant 0 : i32
    %eq3A_1121 = vector.broadcast %eq3A_1120 : i32 to vector<80x128xi32>
    %eq3A_1122 = arith.cmpi eq, %and3A_1119, %eq3A_1121 : vector<80x128xi32>
    %eq3A_1123 = arith.xori %eq3A_1122, %eq3A_1097 : vector<80x128xi1>
    %eq3A_1124 = arith.constant dense<true> : vector<80x128xi1>
    %eq3A_1125 = arith.xori %eq3A_1123, %eq3A_1124 : vector<80x128xi1>
    %eq3A_1126 = arith.xori %or3A_1116, %eq3A_1125 : vector<80x128xi1>
    %eq3A_1127 = arith.constant dense<true> : vector<80x128xi1>
    %eq3A_1128 = arith.xori %eq3A_1126, %eq3A_1127 : vector<80x128xi1>
    %select_n3A_1129 = arith.select %eq3A_1128, %select_n3A_1090, %select_n3A_1104 : vector<80x128xi1>, vector<80x128xf32>
    %select_n3A_1130 = arith.select %eq3A_1128, %select_n3A_1091, %select_n3A_1111 : vector<80x128xi1>, vector<80x128xi32>
    %and3A_1131 = arith.constant 64 : i32
    %and3A_1132 = vector.broadcast %and3A_1131 : i32 to vector<80x128xi32>
    %and3A_1133 = arith.andi %slice3A_6, %and3A_1132 : vector<80x128xi32>
    %eq3A_1134 = arith.constant 0 : i32
    %eq3A_1135 = vector.broadcast %eq3A_1134 : i32 to vector<80x128xi32>
    %eq3A_1136 = arith.cmpi eq, %and3A_1133, %eq3A_1135 : vector<80x128xi32>
    %slice3A_1137 = vector.extract_strided_slice %select_n3A_1129 {offsets = [0, 64], sizes = [80, 64], strides = [1, 1]} : vector<80x128xf32> to vector<80x64xf32>
    %slice3A_1138 = vector.extract_strided_slice %select_n3A_1129 {offsets = [0, 0], sizes = [80, 64], strides = [1, 1]} : vector<80x128xf32> to vector<80x64xf32>
    %concatenate3A_1139 = tpu.concatenate %slice3A_1137, %slice3A_1138 in 1 : vector<80x64xf32>, vector<80x64xf32> -> vector<80x128xf32>
    %slice3A_1140 = vector.extract_strided_slice %select_n3A_1129 {offsets = [0, 64], sizes = [80, 64], strides = [1, 1]} : vector<80x128xf32> to vector<80x64xf32>
    %slice3A_1141 = vector.extract_strided_slice %select_n3A_1129 {offsets = [0, 0], sizes = [80, 64], strides = [1, 1]} : vector<80x128xf32> to vector<80x64xf32>
    %concatenate3A_1142 = tpu.concatenate %slice3A_1140, %slice3A_1141 in 1 : vector<80x64xf32>, vector<80x64xf32> -> vector<80x128xf32>
    %select_n3A_1143 = arith.select %eq3A_1136, %concatenate3A_1139, %concatenate3A_1142 : vector<80x128xi1>, vector<80x128xf32>
    %slice3A_1144 = vector.extract_strided_slice %select_n3A_1130 {offsets = [0, 64], sizes = [80, 64], strides = [1, 1]} : vector<80x128xi32> to vector<80x64xi32>
    %slice3A_1145 = vector.extract_strided_slice %select_n3A_1130 {offsets = [0, 0], sizes = [80, 64], strides = [1, 1]} : vector<80x128xi32> to vector<80x64xi32>
    %concatenate3A_1146 = tpu.concatenate %slice3A_1144, %slice3A_1145 in 1 : vector<80x64xi32>, vector<80x64xi32> -> vector<80x128xi32>
    %slice3A_1147 = vector.extract_strided_slice %select_n3A_1130 {offsets = [0, 64], sizes = [80, 64], strides = [1, 1]} : vector<80x128xi32> to vector<80x64xi32>
    %slice3A_1148 = vector.extract_strided_slice %select_n3A_1130 {offsets = [0, 0], sizes = [80, 64], strides = [1, 1]} : vector<80x128xi32> to vector<80x64xi32>
    %concatenate3A_1149 = tpu.concatenate %slice3A_1147, %slice3A_1148 in 1 : vector<80x64xi32>, vector<80x64xi32> -> vector<80x128xi32>
    %select_n3A_1150 = arith.select %eq3A_1136, %concatenate3A_1146, %concatenate3A_1149 : vector<80x128xi1>, vector<80x128xi32>
    %gt3A_1151 = arith.cmpf ogt, %select_n3A_1129, %select_n3A_1143 : vector<80x128xf32>
    %eq3A_1152 = arith.cmpf oeq, %select_n3A_1129, %select_n3A_1143 : vector<80x128xf32>
    %lt3A_1153 = arith.cmpi slt, %select_n3A_1130, %select_n3A_1150 : vector<80x128xi32>
    %and3A_1154 = arith.andi %eq3A_1152, %lt3A_1153 : vector<80x128xi1>
    %or3A_1155 = arith.ori %gt3A_1151, %and3A_1154 : vector<80x128xi1>
    %and3A_1156 = arith.constant 256 : i32
    %and3A_1157 = vector.broadcast %and3A_1156 : i32 to vector<80x128xi32>
    %and3A_1158 = arith.andi %slice3A_6, %and3A_1157 : vector<80x128xi32>
    %eq3A_1159 = arith.constant 0 : i32
    %eq3A_1160 = vector.broadcast %eq3A_1159 : i32 to vector<80x128xi32>
    %eq3A_1161 = arith.cmpi eq, %and3A_1158, %eq3A_1160 : vector<80x128xi32>
    %eq3A_1162 = arith.xori %eq3A_1161, %eq3A_1136 : vector<80x128xi1>
    %eq3A_1163 = arith.constant dense<true> : vector<80x128xi1>
    %eq3A_1164 = arith.xori %eq3A_1162, %eq3A_1163 : vector<80x128xi1>
    %eq3A_1165 = arith.xori %or3A_1155, %eq3A_1164 : vector<80x128xi1>
    %eq3A_1166 = arith.constant dense<true> : vector<80x128xi1>
    %eq3A_1167 = arith.xori %eq3A_1165, %eq3A_1166 : vector<80x128xi1>
    %select_n3A_1168 = arith.select %eq3A_1167, %select_n3A_1129, %select_n3A_1143 : vector<80x128xi1>, vector<80x128xf32>
    %select_n3A_1169 = arith.select %eq3A_1167, %select_n3A_1130, %select_n3A_1150 : vector<80x128xi1>, vector<80x128xi32>
    %and3A_1170 = arith.constant 32 : i32
    %and3A_1171 = vector.broadcast %and3A_1170 : i32 to vector<80x128xi32>
    %and3A_1172 = arith.andi %slice3A_6, %and3A_1171 : vector<80x128xi32>
    %eq3A_1173 = arith.constant 0 : i32
    %eq3A_1174 = vector.broadcast %eq3A_1173 : i32 to vector<80x128xi32>
    %eq3A_1175 = arith.cmpi eq, %and3A_1172, %eq3A_1174 : vector<80x128xi32>
    %slice3A_1176 = vector.extract_strided_slice %select_n3A_1168 {offsets = [0, 32], sizes = [80, 96], strides = [1, 1]} : vector<80x128xf32> to vector<80x96xf32>
    %slice3A_1177 = vector.extract_strided_slice %select_n3A_1168 {offsets = [0, 0], sizes = [80, 32], strides = [1, 1]} : vector<80x128xf32> to vector<80x32xf32>
    %concatenate3A_1178 = tpu.concatenate %slice3A_1176, %slice3A_1177 in 1 : vector<80x96xf32>, vector<80x32xf32> -> vector<80x128xf32>
    %slice3A_1179 = vector.extract_strided_slice %select_n3A_1168 {offsets = [0, 96], sizes = [80, 32], strides = [1, 1]} : vector<80x128xf32> to vector<80x32xf32>
    %slice3A_1180 = vector.extract_strided_slice %select_n3A_1168 {offsets = [0, 0], sizes = [80, 96], strides = [1, 1]} : vector<80x128xf32> to vector<80x96xf32>
    %concatenate3A_1181 = tpu.concatenate %slice3A_1179, %slice3A_1180 in 1 : vector<80x32xf32>, vector<80x96xf32> -> vector<80x128xf32>
    %select_n3A_1182 = arith.select %eq3A_1175, %concatenate3A_1178, %concatenate3A_1181 : vector<80x128xi1>, vector<80x128xf32>
    %slice3A_1183 = vector.extract_strided_slice %select_n3A_1169 {offsets = [0, 32], sizes = [80, 96], strides = [1, 1]} : vector<80x128xi32> to vector<80x96xi32>
    %slice3A_1184 = vector.extract_strided_slice %select_n3A_1169 {offsets = [0, 0], sizes = [80, 32], strides = [1, 1]} : vector<80x128xi32> to vector<80x32xi32>
    %concatenate3A_1185 = tpu.concatenate %slice3A_1183, %slice3A_1184 in 1 : vector<80x96xi32>, vector<80x32xi32> -> vector<80x128xi32>
    %slice3A_1186 = vector.extract_strided_slice %select_n3A_1169 {offsets = [0, 96], sizes = [80, 32], strides = [1, 1]} : vector<80x128xi32> to vector<80x32xi32>
    %slice3A_1187 = vector.extract_strided_slice %select_n3A_1169 {offsets = [0, 0], sizes = [80, 96], strides = [1, 1]} : vector<80x128xi32> to vector<80x96xi32>
    %concatenate3A_1188 = tpu.concatenate %slice3A_1186, %slice3A_1187 in 1 : vector<80x32xi32>, vector<80x96xi32> -> vector<80x128xi32>
    %select_n3A_1189 = arith.select %eq3A_1175, %concatenate3A_1185, %concatenate3A_1188 : vector<80x128xi1>, vector<80x128xi32>
    %gt3A_1190 = arith.cmpf ogt, %select_n3A_1168, %select_n3A_1182 : vector<80x128xf32>
    %eq3A_1191 = arith.cmpf oeq, %select_n3A_1168, %select_n3A_1182 : vector<80x128xf32>
    %lt3A_1192 = arith.cmpi slt, %select_n3A_1169, %select_n3A_1189 : vector<80x128xi32>
    %and3A_1193 = arith.andi %eq3A_1191, %lt3A_1192 : vector<80x128xi1>
    %or3A_1194 = arith.ori %gt3A_1190, %and3A_1193 : vector<80x128xi1>
    %and3A_1195 = arith.constant 256 : i32
    %and3A_1196 = vector.broadcast %and3A_1195 : i32 to vector<80x128xi32>
    %and3A_1197 = arith.andi %slice3A_6, %and3A_1196 : vector<80x128xi32>
    %eq3A_1198 = arith.constant 0 : i32
    %eq3A_1199 = vector.broadcast %eq3A_1198 : i32 to vector<80x128xi32>
    %eq3A_1200 = arith.cmpi eq, %and3A_1197, %eq3A_1199 : vector<80x128xi32>
    %eq3A_1201 = arith.xori %eq3A_1200, %eq3A_1175 : vector<80x128xi1>
    %eq3A_1202 = arith.constant dense<true> : vector<80x128xi1>
    %eq3A_1203 = arith.xori %eq3A_1201, %eq3A_1202 : vector<80x128xi1>
    %eq3A_1204 = arith.xori %or3A_1194, %eq3A_1203 : vector<80x128xi1>
    %eq3A_1205 = arith.constant dense<true> : vector<80x128xi1>
    %eq3A_1206 = arith.xori %eq3A_1204, %eq3A_1205 : vector<80x128xi1>
    %select_n3A_1207 = arith.select %eq3A_1206, %select_n3A_1168, %select_n3A_1182 : vector<80x128xi1>, vector<80x128xf32>
    %select_n3A_1208 = arith.select %eq3A_1206, %select_n3A_1169, %select_n3A_1189 : vector<80x128xi1>, vector<80x128xi32>
    %and3A_1209 = arith.constant 16 : i32
    %and3A_1210 = vector.broadcast %and3A_1209 : i32 to vector<80x128xi32>
    %and3A_1211 = arith.andi %slice3A_6, %and3A_1210 : vector<80x128xi32>
    %eq3A_1212 = arith.constant 0 : i32
    %eq3A_1213 = vector.broadcast %eq3A_1212 : i32 to vector<80x128xi32>
    %eq3A_1214 = arith.cmpi eq, %and3A_1211, %eq3A_1213 : vector<80x128xi32>
    %slice3A_1215 = vector.extract_strided_slice %select_n3A_1207 {offsets = [0, 16], sizes = [80, 112], strides = [1, 1]} : vector<80x128xf32> to vector<80x112xf32>
    %slice3A_1216 = vector.extract_strided_slice %select_n3A_1207 {offsets = [0, 0], sizes = [80, 16], strides = [1, 1]} : vector<80x128xf32> to vector<80x16xf32>
    %concatenate3A_1217 = tpu.concatenate %slice3A_1215, %slice3A_1216 in 1 : vector<80x112xf32>, vector<80x16xf32> -> vector<80x128xf32>
    %slice3A_1218 = vector.extract_strided_slice %select_n3A_1207 {offsets = [0, 112], sizes = [80, 16], strides = [1, 1]} : vector<80x128xf32> to vector<80x16xf32>
    %slice3A_1219 = vector.extract_strided_slice %select_n3A_1207 {offsets = [0, 0], sizes = [80, 112], strides = [1, 1]} : vector<80x128xf32> to vector<80x112xf32>
    %concatenate3A_1220 = tpu.concatenate %slice3A_1218, %slice3A_1219 in 1 : vector<80x16xf32>, vector<80x112xf32> -> vector<80x128xf32>
    %select_n3A_1221 = arith.select %eq3A_1214, %concatenate3A_1217, %concatenate3A_1220 : vector<80x128xi1>, vector<80x128xf32>
    %slice3A_1222 = vector.extract_strided_slice %select_n3A_1208 {offsets = [0, 16], sizes = [80, 112], strides = [1, 1]} : vector<80x128xi32> to vector<80x112xi32>
    %slice3A_1223 = vector.extract_strided_slice %select_n3A_1208 {offsets = [0, 0], sizes = [80, 16], strides = [1, 1]} : vector<80x128xi32> to vector<80x16xi32>
    %concatenate3A_1224 = tpu.concatenate %slice3A_1222, %slice3A_1223 in 1 : vector<80x112xi32>, vector<80x16xi32> -> vector<80x128xi32>
    %slice3A_1225 = vector.extract_strided_slice %select_n3A_1208 {offsets = [0, 112], sizes = [80, 16], strides = [1, 1]} : vector<80x128xi32> to vector<80x16xi32>
    %slice3A_1226 = vector.extract_strided_slice %select_n3A_1208 {offsets = [0, 0], sizes = [80, 112], strides = [1, 1]} : vector<80x128xi32> to vector<80x112xi32>
    %concatenate3A_1227 = tpu.concatenate %slice3A_1225, %slice3A_1226 in 1 : vector<80x16xi32>, vector<80x112xi32> -> vector<80x128xi32>
    %select_n3A_1228 = arith.select %eq3A_1214, %concatenate3A_1224, %concatenate3A_1227 : vector<80x128xi1>, vector<80x128xi32>
    %gt3A_1229 = arith.cmpf ogt, %select_n3A_1207, %select_n3A_1221 : vector<80x128xf32>
    %eq3A_1230 = arith.cmpf oeq, %select_n3A_1207, %select_n3A_1221 : vector<80x128xf32>
    %lt3A_1231 = arith.cmpi slt, %select_n3A_1208, %select_n3A_1228 : vector<80x128xi32>
    %and3A_1232 = arith.andi %eq3A_1230, %lt3A_1231 : vector<80x128xi1>
    %or3A_1233 = arith.ori %gt3A_1229, %and3A_1232 : vector<80x128xi1>
    %and3A_1234 = arith.constant 256 : i32
    %and3A_1235 = vector.broadcast %and3A_1234 : i32 to vector<80x128xi32>
    %and3A_1236 = arith.andi %slice3A_6, %and3A_1235 : vector<80x128xi32>
    %eq3A_1237 = arith.constant 0 : i32
    %eq3A_1238 = vector.broadcast %eq3A_1237 : i32 to vector<80x128xi32>
    %eq3A_1239 = arith.cmpi eq, %and3A_1236, %eq3A_1238 : vector<80x128xi32>
    %eq3A_1240 = arith.xori %eq3A_1239, %eq3A_1214 : vector<80x128xi1>
    %eq3A_1241 = arith.constant dense<true> : vector<80x128xi1>
    %eq3A_1242 = arith.xori %eq3A_1240, %eq3A_1241 : vector<80x128xi1>
    %eq3A_1243 = arith.xori %or3A_1233, %eq3A_1242 : vector<80x128xi1>
    %eq3A_1244 = arith.constant dense<true> : vector<80x128xi1>
    %eq3A_1245 = arith.xori %eq3A_1243, %eq3A_1244 : vector<80x128xi1>
    %select_n3A_1246 = arith.select %eq3A_1245, %select_n3A_1207, %select_n3A_1221 : vector<80x128xi1>, vector<80x128xf32>
    %select_n3A_1247 = arith.select %eq3A_1245, %select_n3A_1208, %select_n3A_1228 : vector<80x128xi1>, vector<80x128xi32>
    %and3A_1248 = arith.constant 8 : i32
    %and3A_1249 = vector.broadcast %and3A_1248 : i32 to vector<80x128xi32>
    %and3A_1250 = arith.andi %slice3A_6, %and3A_1249 : vector<80x128xi32>
    %eq3A_1251 = arith.constant 0 : i32
    %eq3A_1252 = vector.broadcast %eq3A_1251 : i32 to vector<80x128xi32>
    %eq3A_1253 = arith.cmpi eq, %and3A_1250, %eq3A_1252 : vector<80x128xi32>
    %slice3A_1254 = vector.extract_strided_slice %select_n3A_1246 {offsets = [0, 8], sizes = [80, 120], strides = [1, 1]} : vector<80x128xf32> to vector<80x120xf32>
    %slice3A_1255 = vector.extract_strided_slice %select_n3A_1246 {offsets = [0, 0], sizes = [80, 8], strides = [1, 1]} : vector<80x128xf32> to vector<80x8xf32>
    %concatenate3A_1256 = tpu.concatenate %slice3A_1254, %slice3A_1255 in 1 : vector<80x120xf32>, vector<80x8xf32> -> vector<80x128xf32>
    %slice3A_1257 = vector.extract_strided_slice %select_n3A_1246 {offsets = [0, 120], sizes = [80, 8], strides = [1, 1]} : vector<80x128xf32> to vector<80x8xf32>
    %slice3A_1258 = vector.extract_strided_slice %select_n3A_1246 {offsets = [0, 0], sizes = [80, 120], strides = [1, 1]} : vector<80x128xf32> to vector<80x120xf32>
    %concatenate3A_1259 = tpu.concatenate %slice3A_1257, %slice3A_1258 in 1 : vector<80x8xf32>, vector<80x120xf32> -> vector<80x128xf32>
    %select_n3A_1260 = arith.select %eq3A_1253, %concatenate3A_1256, %concatenate3A_1259 : vector<80x128xi1>, vector<80x128xf32>
    %slice3A_1261 = vector.extract_strided_slice %select_n3A_1247 {offsets = [0, 8], sizes = [80, 120], strides = [1, 1]} : vector<80x128xi32> to vector<80x120xi32>
    %slice3A_1262 = vector.extract_strided_slice %select_n3A_1247 {offsets = [0, 0], sizes = [80, 8], strides = [1, 1]} : vector<80x128xi32> to vector<80x8xi32>
    %concatenate3A_1263 = tpu.concatenate %slice3A_1261, %slice3A_1262 in 1 : vector<80x120xi32>, vector<80x8xi32> -> vector<80x128xi32>
    %slice3A_1264 = vector.extract_strided_slice %select_n3A_1247 {offsets = [0, 120], sizes = [80, 8], strides = [1, 1]} : vector<80x128xi32> to vector<80x8xi32>
    %slice3A_1265 = vector.extract_strided_slice %select_n3A_1247 {offsets = [0, 0], sizes = [80, 120], strides = [1, 1]} : vector<80x128xi32> to vector<80x120xi32>
    %concatenate3A_1266 = tpu.concatenate %slice3A_1264, %slice3A_1265 in 1 : vector<80x8xi32>, vector<80x120xi32> -> vector<80x128xi32>
    %select_n3A_1267 = arith.select %eq3A_1253, %concatenate3A_1263, %concatenate3A_1266 : vector<80x128xi1>, vector<80x128xi32>
    %gt3A_1268 = arith.cmpf ogt, %select_n3A_1246, %select_n3A_1260 : vector<80x128xf32>
    %eq3A_1269 = arith.cmpf oeq, %select_n3A_1246, %select_n3A_1260 : vector<80x128xf32>
    %lt3A_1270 = arith.cmpi slt, %select_n3A_1247, %select_n3A_1267 : vector<80x128xi32>
    %and3A_1271 = arith.andi %eq3A_1269, %lt3A_1270 : vector<80x128xi1>
    %or3A_1272 = arith.ori %gt3A_1268, %and3A_1271 : vector<80x128xi1>
    %and3A_1273 = arith.constant 256 : i32
    %and3A_1274 = vector.broadcast %and3A_1273 : i32 to vector<80x128xi32>
    %and3A_1275 = arith.andi %slice3A_6, %and3A_1274 : vector<80x128xi32>
    %eq3A_1276 = arith.constant 0 : i32
    %eq3A_1277 = vector.broadcast %eq3A_1276 : i32 to vector<80x128xi32>
    %eq3A_1278 = arith.cmpi eq, %and3A_1275, %eq3A_1277 : vector<80x128xi32>
    %eq3A_1279 = arith.xori %eq3A_1278, %eq3A_1253 : vector<80x128xi1>
    %eq3A_1280 = arith.constant dense<true> : vector<80x128xi1>
    %eq3A_1281 = arith.xori %eq3A_1279, %eq3A_1280 : vector<80x128xi1>
    %eq3A_1282 = arith.xori %or3A_1272, %eq3A_1281 : vector<80x128xi1>
    %eq3A_1283 = arith.constant dense<true> : vector<80x128xi1>
    %eq3A_1284 = arith.xori %eq3A_1282, %eq3A_1283 : vector<80x128xi1>
    %select_n3A_1285 = arith.select %eq3A_1284, %select_n3A_1246, %select_n3A_1260 : vector<80x128xi1>, vector<80x128xf32>
    %select_n3A_1286 = arith.select %eq3A_1284, %select_n3A_1247, %select_n3A_1267 : vector<80x128xi1>, vector<80x128xi32>
    %and3A_1287 = arith.constant 4 : i32
    %and3A_1288 = vector.broadcast %and3A_1287 : i32 to vector<80x128xi32>
    %and3A_1289 = arith.andi %slice3A_6, %and3A_1288 : vector<80x128xi32>
    %eq3A_1290 = arith.constant 0 : i32
    %eq3A_1291 = vector.broadcast %eq3A_1290 : i32 to vector<80x128xi32>
    %eq3A_1292 = arith.cmpi eq, %and3A_1289, %eq3A_1291 : vector<80x128xi32>
    %slice3A_1293 = vector.extract_strided_slice %select_n3A_1285 {offsets = [0, 4], sizes = [80, 124], strides = [1, 1]} : vector<80x128xf32> to vector<80x124xf32>
    %slice3A_1294 = vector.extract_strided_slice %select_n3A_1285 {offsets = [0, 0], sizes = [80, 4], strides = [1, 1]} : vector<80x128xf32> to vector<80x4xf32>
    %concatenate3A_1295 = tpu.concatenate %slice3A_1293, %slice3A_1294 in 1 : vector<80x124xf32>, vector<80x4xf32> -> vector<80x128xf32>
    %slice3A_1296 = vector.extract_strided_slice %select_n3A_1285 {offsets = [0, 124], sizes = [80, 4], strides = [1, 1]} : vector<80x128xf32> to vector<80x4xf32>
    %slice3A_1297 = vector.extract_strided_slice %select_n3A_1285 {offsets = [0, 0], sizes = [80, 124], strides = [1, 1]} : vector<80x128xf32> to vector<80x124xf32>
    %concatenate3A_1298 = tpu.concatenate %slice3A_1296, %slice3A_1297 in 1 : vector<80x4xf32>, vector<80x124xf32> -> vector<80x128xf32>
    %select_n3A_1299 = arith.select %eq3A_1292, %concatenate3A_1295, %concatenate3A_1298 : vector<80x128xi1>, vector<80x128xf32>
    %slice3A_1300 = vector.extract_strided_slice %select_n3A_1286 {offsets = [0, 4], sizes = [80, 124], strides = [1, 1]} : vector<80x128xi32> to vector<80x124xi32>
    %slice3A_1301 = vector.extract_strided_slice %select_n3A_1286 {offsets = [0, 0], sizes = [80, 4], strides = [1, 1]} : vector<80x128xi32> to vector<80x4xi32>
    %concatenate3A_1302 = tpu.concatenate %slice3A_1300, %slice3A_1301 in 1 : vector<80x124xi32>, vector<80x4xi32> -> vector<80x128xi32>
    %slice3A_1303 = vector.extract_strided_slice %select_n3A_1286 {offsets = [0, 124], sizes = [80, 4], strides = [1, 1]} : vector<80x128xi32> to vector<80x4xi32>
    %slice3A_1304 = vector.extract_strided_slice %select_n3A_1286 {offsets = [0, 0], sizes = [80, 124], strides = [1, 1]} : vector<80x128xi32> to vector<80x124xi32>
    %concatenate3A_1305 = tpu.concatenate %slice3A_1303, %slice3A_1304 in 1 : vector<80x4xi32>, vector<80x124xi32> -> vector<80x128xi32>
    %select_n3A_1306 = arith.select %eq3A_1292, %concatenate3A_1302, %concatenate3A_1305 : vector<80x128xi1>, vector<80x128xi32>
    %gt3A_1307 = arith.cmpf ogt, %select_n3A_1285, %select_n3A_1299 : vector<80x128xf32>
    %eq3A_1308 = arith.cmpf oeq, %select_n3A_1285, %select_n3A_1299 : vector<80x128xf32>
    %lt3A_1309 = arith.cmpi slt, %select_n3A_1286, %select_n3A_1306 : vector<80x128xi32>
    %and3A_1310 = arith.andi %eq3A_1308, %lt3A_1309 : vector<80x128xi1>
    %or3A_1311 = arith.ori %gt3A_1307, %and3A_1310 : vector<80x128xi1>
    %and3A_1312 = arith.constant 256 : i32
    %and3A_1313 = vector.broadcast %and3A_1312 : i32 to vector<80x128xi32>
    %and3A_1314 = arith.andi %slice3A_6, %and3A_1313 : vector<80x128xi32>
    %eq3A_1315 = arith.constant 0 : i32
    %eq3A_1316 = vector.broadcast %eq3A_1315 : i32 to vector<80x128xi32>
    %eq3A_1317 = arith.cmpi eq, %and3A_1314, %eq3A_1316 : vector<80x128xi32>
    %eq3A_1318 = arith.xori %eq3A_1317, %eq3A_1292 : vector<80x128xi1>
    %eq3A_1319 = arith.constant dense<true> : vector<80x128xi1>
    %eq3A_1320 = arith.xori %eq3A_1318, %eq3A_1319 : vector<80x128xi1>
    %eq3A_1321 = arith.xori %or3A_1311, %eq3A_1320 : vector<80x128xi1>
    %eq3A_1322 = arith.constant dense<true> : vector<80x128xi1>
    %eq3A_1323 = arith.xori %eq3A_1321, %eq3A_1322 : vector<80x128xi1>
    %select_n3A_1324 = arith.select %eq3A_1323, %select_n3A_1285, %select_n3A_1299 : vector<80x128xi1>, vector<80x128xf32>
    %select_n3A_1325 = arith.select %eq3A_1323, %select_n3A_1286, %select_n3A_1306 : vector<80x128xi1>, vector<80x128xi32>
    %and3A_1326 = arith.constant 2 : i32
    %and3A_1327 = vector.broadcast %and3A_1326 : i32 to vector<80x128xi32>
    %and3A_1328 = arith.andi %slice3A_6, %and3A_1327 : vector<80x128xi32>
    %eq3A_1329 = arith.constant 0 : i32
    %eq3A_1330 = vector.broadcast %eq3A_1329 : i32 to vector<80x128xi32>
    %eq3A_1331 = arith.cmpi eq, %and3A_1328, %eq3A_1330 : vector<80x128xi32>
    %slice3A_1332 = vector.extract_strided_slice %select_n3A_1324 {offsets = [0, 2], sizes = [80, 126], strides = [1, 1]} : vector<80x128xf32> to vector<80x126xf32>
    %slice3A_1333 = vector.extract_strided_slice %select_n3A_1324 {offsets = [0, 0], sizes = [80, 2], strides = [1, 1]} : vector<80x128xf32> to vector<80x2xf32>
    %concatenate3A_1334 = tpu.concatenate %slice3A_1332, %slice3A_1333 in 1 : vector<80x126xf32>, vector<80x2xf32> -> vector<80x128xf32>
    %slice3A_1335 = vector.extract_strided_slice %select_n3A_1324 {offsets = [0, 126], sizes = [80, 2], strides = [1, 1]} : vector<80x128xf32> to vector<80x2xf32>
    %slice3A_1336 = vector.extract_strided_slice %select_n3A_1324 {offsets = [0, 0], sizes = [80, 126], strides = [1, 1]} : vector<80x128xf32> to vector<80x126xf32>
    %concatenate3A_1337 = tpu.concatenate %slice3A_1335, %slice3A_1336 in 1 : vector<80x2xf32>, vector<80x126xf32> -> vector<80x128xf32>
    %select_n3A_1338 = arith.select %eq3A_1331, %concatenate3A_1334, %concatenate3A_1337 : vector<80x128xi1>, vector<80x128xf32>
    %slice3A_1339 = vector.extract_strided_slice %select_n3A_1325 {offsets = [0, 2], sizes = [80, 126], strides = [1, 1]} : vector<80x128xi32> to vector<80x126xi32>
    %slice3A_1340 = vector.extract_strided_slice %select_n3A_1325 {offsets = [0, 0], sizes = [80, 2], strides = [1, 1]} : vector<80x128xi32> to vector<80x2xi32>
    %concatenate3A_1341 = tpu.concatenate %slice3A_1339, %slice3A_1340 in 1 : vector<80x126xi32>, vector<80x2xi32> -> vector<80x128xi32>
    %slice3A_1342 = vector.extract_strided_slice %select_n3A_1325 {offsets = [0, 126], sizes = [80, 2], strides = [1, 1]} : vector<80x128xi32> to vector<80x2xi32>
    %slice3A_1343 = vector.extract_strided_slice %select_n3A_1325 {offsets = [0, 0], sizes = [80, 126], strides = [1, 1]} : vector<80x128xi32> to vector<80x126xi32>
    %concatenate3A_1344 = tpu.concatenate %slice3A_1342, %slice3A_1343 in 1 : vector<80x2xi32>, vector<80x126xi32> -> vector<80x128xi32>
    %select_n3A_1345 = arith.select %eq3A_1331, %concatenate3A_1341, %concatenate3A_1344 : vector<80x128xi1>, vector<80x128xi32>
    %gt3A_1346 = arith.cmpf ogt, %select_n3A_1324, %select_n3A_1338 : vector<80x128xf32>
    %eq3A_1347 = arith.cmpf oeq, %select_n3A_1324, %select_n3A_1338 : vector<80x128xf32>
    %lt3A_1348 = arith.cmpi slt, %select_n3A_1325, %select_n3A_1345 : vector<80x128xi32>
    %and3A_1349 = arith.andi %eq3A_1347, %lt3A_1348 : vector<80x128xi1>
    %or3A_1350 = arith.ori %gt3A_1346, %and3A_1349 : vector<80x128xi1>
    %and3A_1351 = arith.constant 256 : i32
    %and3A_1352 = vector.broadcast %and3A_1351 : i32 to vector<80x128xi32>
    %and3A_1353 = arith.andi %slice3A_6, %and3A_1352 : vector<80x128xi32>
    %eq3A_1354 = arith.constant 0 : i32
    %eq3A_1355 = vector.broadcast %eq3A_1354 : i32 to vector<80x128xi32>
    %eq3A_1356 = arith.cmpi eq, %and3A_1353, %eq3A_1355 : vector<80x128xi32>
    %eq3A_1357 = arith.xori %eq3A_1356, %eq3A_1331 : vector<80x128xi1>
    %eq3A_1358 = arith.constant dense<true> : vector<80x128xi1>
    %eq3A_1359 = arith.xori %eq3A_1357, %eq3A_1358 : vector<80x128xi1>
    %eq3A_1360 = arith.xori %or3A_1350, %eq3A_1359 : vector<80x128xi1>
    %eq3A_1361 = arith.constant dense<true> : vector<80x128xi1>
    %eq3A_1362 = arith.xori %eq3A_1360, %eq3A_1361 : vector<80x128xi1>
    %select_n3A_1363 = arith.select %eq3A_1362, %select_n3A_1324, %select_n3A_1338 : vector<80x128xi1>, vector<80x128xf32>
    %select_n3A_1364 = arith.select %eq3A_1362, %select_n3A_1325, %select_n3A_1345 : vector<80x128xi1>, vector<80x128xi32>
    %and3A_1365 = arith.constant 1 : i32
    %and3A_1366 = vector.broadcast %and3A_1365 : i32 to vector<80x128xi32>
    %and3A_1367 = arith.andi %slice3A_6, %and3A_1366 : vector<80x128xi32>
    %eq3A_1368 = arith.constant 0 : i32
    %eq3A_1369 = vector.broadcast %eq3A_1368 : i32 to vector<80x128xi32>
    %eq3A_1370 = arith.cmpi eq, %and3A_1367, %eq3A_1369 : vector<80x128xi32>
    %slice3A_1371 = vector.extract_strided_slice %select_n3A_1363 {offsets = [0, 1], sizes = [80, 127], strides = [1, 1]} : vector<80x128xf32> to vector<80x127xf32>
    %slice3A_1372 = vector.extract_strided_slice %select_n3A_1363 {offsets = [0, 0], sizes = [80, 1], strides = [1, 1]} : vector<80x128xf32> to vector<80x1xf32>
    %concatenate3A_1373 = tpu.concatenate %slice3A_1371, %slice3A_1372 in 1 : vector<80x127xf32>, vector<80x1xf32> -> vector<80x128xf32>
    %slice3A_1374 = vector.extract_strided_slice %select_n3A_1363 {offsets = [0, 127], sizes = [80, 1], strides = [1, 1]} : vector<80x128xf32> to vector<80x1xf32>
    %slice3A_1375 = vector.extract_strided_slice %select_n3A_1363 {offsets = [0, 0], sizes = [80, 127], strides = [1, 1]} : vector<80x128xf32> to vector<80x127xf32>
    %concatenate3A_1376 = tpu.concatenate %slice3A_1374, %slice3A_1375 in 1 : vector<80x1xf32>, vector<80x127xf32> -> vector<80x128xf32>
    %select_n3A_1377 = arith.select %eq3A_1370, %concatenate3A_1373, %concatenate3A_1376 : vector<80x128xi1>, vector<80x128xf32>
    %slice3A_1378 = vector.extract_strided_slice %select_n3A_1364 {offsets = [0, 1], sizes = [80, 127], strides = [1, 1]} : vector<80x128xi32> to vector<80x127xi32>
    %slice3A_1379 = vector.extract_strided_slice %select_n3A_1364 {offsets = [0, 0], sizes = [80, 1], strides = [1, 1]} : vector<80x128xi32> to vector<80x1xi32>
    %concatenate3A_1380 = tpu.concatenate %slice3A_1378, %slice3A_1379 in 1 : vector<80x127xi32>, vector<80x1xi32> -> vector<80x128xi32>
    %slice3A_1381 = vector.extract_strided_slice %select_n3A_1364 {offsets = [0, 127], sizes = [80, 1], strides = [1, 1]} : vector<80x128xi32> to vector<80x1xi32>
    %slice3A_1382 = vector.extract_strided_slice %select_n3A_1364 {offsets = [0, 0], sizes = [80, 127], strides = [1, 1]} : vector<80x128xi32> to vector<80x127xi32>
    %concatenate3A_1383 = tpu.concatenate %slice3A_1381, %slice3A_1382 in 1 : vector<80x1xi32>, vector<80x127xi32> -> vector<80x128xi32>
    %select_n3A_1384 = arith.select %eq3A_1370, %concatenate3A_1380, %concatenate3A_1383 : vector<80x128xi1>, vector<80x128xi32>
    %gt3A_1385 = arith.cmpf ogt, %select_n3A_1363, %select_n3A_1377 : vector<80x128xf32>
    %eq3A_1386 = arith.cmpf oeq, %select_n3A_1363, %select_n3A_1377 : vector<80x128xf32>
    %lt3A_1387 = arith.cmpi slt, %select_n3A_1364, %select_n3A_1384 : vector<80x128xi32>
    %and3A_1388 = arith.andi %eq3A_1386, %lt3A_1387 : vector<80x128xi1>
    %or3A_1389 = arith.ori %gt3A_1385, %and3A_1388 : vector<80x128xi1>
    %and3A_1390 = arith.constant 256 : i32
    %and3A_1391 = vector.broadcast %and3A_1390 : i32 to vector<80x128xi32>
    %and3A_1392 = arith.andi %slice3A_6, %and3A_1391 : vector<80x128xi32>
    %eq3A_1393 = arith.constant 0 : i32
    %eq3A_1394 = vector.broadcast %eq3A_1393 : i32 to vector<80x128xi32>
    %eq3A_1395 = arith.cmpi eq, %and3A_1392, %eq3A_1394 : vector<80x128xi32>
    %eq3A_1396 = arith.xori %eq3A_1395, %eq3A_1370 : vector<80x128xi1>
    %eq3A_1397 = arith.constant dense<true> : vector<80x128xi1>
    %eq3A_1398 = arith.xori %eq3A_1396, %eq3A_1397 : vector<80x128xi1>
    %eq3A_1399 = arith.xori %or3A_1389, %eq3A_1398 : vector<80x128xi1>
    %eq3A_1400 = arith.constant dense<true> : vector<80x128xi1>
    %eq3A_1401 = arith.xori %eq3A_1399, %eq3A_1400 : vector<80x128xi1>
    %select_n3A_1402 = arith.select %eq3A_1401, %select_n3A_1363, %select_n3A_1377 : vector<80x128xi1>, vector<80x128xf32>
    %select_n3A_1403 = arith.select %eq3A_1401, %select_n3A_1364, %select_n3A_1384 : vector<80x128xi1>, vector<80x128xi32>
    %and3A_1404 = arith.constant 256 : i32
    %and3A_1405 = vector.broadcast %and3A_1404 : i32 to vector<80x128xi32>
    %and3A_1406 = arith.andi %slice3A_6, %and3A_1405 : vector<80x128xi32>
    %eq3A_1407 = arith.constant 0 : i32
    %eq3A_1408 = vector.broadcast %eq3A_1407 : i32 to vector<80x128xi32>
    %eq3A_1409 = arith.cmpi eq, %and3A_1406, %eq3A_1408 : vector<80x128xi32>
    %slice3A_1410 = vector.extract_strided_slice %select_n3A_1402 {offsets = [2, 0], sizes = [78, 128], strides = [1, 1]} : vector<80x128xf32> to vector<78x128xf32>
    %slice3A_1411 = vector.extract_strided_slice %select_n3A_1402 {offsets = [0, 0], sizes = [2, 128], strides = [1, 1]} : vector<80x128xf32> to vector<2x128xf32>
    %concatenate3A_1412 = tpu.concatenate %slice3A_1410, %slice3A_1411 in 0 : vector<78x128xf32>, vector<2x128xf32> -> vector<80x128xf32>
    %slice3A_1413 = vector.extract_strided_slice %select_n3A_1402 {offsets = [78, 0], sizes = [2, 128], strides = [1, 1]} : vector<80x128xf32> to vector<2x128xf32>
    %slice3A_1414 = vector.extract_strided_slice %select_n3A_1402 {offsets = [0, 0], sizes = [78, 128], strides = [1, 1]} : vector<80x128xf32> to vector<78x128xf32>
    %concatenate3A_1415 = tpu.concatenate %slice3A_1413, %slice3A_1414 in 0 : vector<2x128xf32>, vector<78x128xf32> -> vector<80x128xf32>
    %select_n3A_1416 = arith.select %eq3A_1409, %concatenate3A_1412, %concatenate3A_1415 : vector<80x128xi1>, vector<80x128xf32>
    %slice3A_1417 = vector.extract_strided_slice %select_n3A_1403 {offsets = [2, 0], sizes = [78, 128], strides = [1, 1]} : vector<80x128xi32> to vector<78x128xi32>
    %slice3A_1418 = vector.extract_strided_slice %select_n3A_1403 {offsets = [0, 0], sizes = [2, 128], strides = [1, 1]} : vector<80x128xi32> to vector<2x128xi32>
    %concatenate3A_1419 = tpu.concatenate %slice3A_1417, %slice3A_1418 in 0 : vector<78x128xi32>, vector<2x128xi32> -> vector<80x128xi32>
    %slice3A_1420 = vector.extract_strided_slice %select_n3A_1403 {offsets = [78, 0], sizes = [2, 128], strides = [1, 1]} : vector<80x128xi32> to vector<2x128xi32>
    %slice3A_1421 = vector.extract_strided_slice %select_n3A_1403 {offsets = [0, 0], sizes = [78, 128], strides = [1, 1]} : vector<80x128xi32> to vector<78x128xi32>
    %concatenate3A_1422 = tpu.concatenate %slice3A_1420, %slice3A_1421 in 0 : vector<2x128xi32>, vector<78x128xi32> -> vector<80x128xi32>
    %select_n3A_1423 = arith.select %eq3A_1409, %concatenate3A_1419, %concatenate3A_1422 : vector<80x128xi1>, vector<80x128xi32>
    %gt3A_1424 = arith.cmpf ogt, %select_n3A_1402, %select_n3A_1416 : vector<80x128xf32>
    %eq3A_1425 = arith.cmpf oeq, %select_n3A_1402, %select_n3A_1416 : vector<80x128xf32>
    %lt3A_1426 = arith.cmpi slt, %select_n3A_1403, %select_n3A_1423 : vector<80x128xi32>
    %and3A_1427 = arith.andi %eq3A_1425, %lt3A_1426 : vector<80x128xi1>
    %or3A_1428 = arith.ori %gt3A_1424, %and3A_1427 : vector<80x128xi1>
    %and3A_1429 = arith.constant 512 : i32
    %and3A_1430 = vector.broadcast %and3A_1429 : i32 to vector<80x128xi32>
    %and3A_1431 = arith.andi %slice3A_6, %and3A_1430 : vector<80x128xi32>
    %eq3A_1432 = arith.constant 0 : i32
    %eq3A_1433 = vector.broadcast %eq3A_1432 : i32 to vector<80x128xi32>
    %eq3A_1434 = arith.cmpi eq, %and3A_1431, %eq3A_1433 : vector<80x128xi32>
    %eq3A_1435 = arith.xori %eq3A_1434, %eq3A_1409 : vector<80x128xi1>
    %eq3A_1436 = arith.constant dense<true> : vector<80x128xi1>
    %eq3A_1437 = arith.xori %eq3A_1435, %eq3A_1436 : vector<80x128xi1>
    %eq3A_1438 = arith.xori %or3A_1428, %eq3A_1437 : vector<80x128xi1>
    %eq3A_1439 = arith.constant dense<true> : vector<80x128xi1>
    %eq3A_1440 = arith.xori %eq3A_1438, %eq3A_1439 : vector<80x128xi1>
    %select_n3A_1441 = arith.select %eq3A_1440, %select_n3A_1402, %select_n3A_1416 : vector<80x128xi1>, vector<80x128xf32>
    %select_n3A_1442 = arith.select %eq3A_1440, %select_n3A_1403, %select_n3A_1423 : vector<80x128xi1>, vector<80x128xi32>
    %and3A_1443 = arith.constant 128 : i32
    %and3A_1444 = vector.broadcast %and3A_1443 : i32 to vector<80x128xi32>
    %and3A_1445 = arith.andi %slice3A_6, %and3A_1444 : vector<80x128xi32>
    %eq3A_1446 = arith.constant 0 : i32
    %eq3A_1447 = vector.broadcast %eq3A_1446 : i32 to vector<80x128xi32>
    %eq3A_1448 = arith.cmpi eq, %and3A_1445, %eq3A_1447 : vector<80x128xi32>
    %slice3A_1449 = vector.extract_strided_slice %select_n3A_1441 {offsets = [1, 0], sizes = [79, 128], strides = [1, 1]} : vector<80x128xf32> to vector<79x128xf32>
    %slice3A_1450 = vector.extract_strided_slice %select_n3A_1441 {offsets = [0, 0], sizes = [1, 128], strides = [1, 1]} : vector<80x128xf32> to vector<1x128xf32>
    %concatenate3A_1451 = tpu.concatenate %slice3A_1449, %slice3A_1450 in 0 : vector<79x128xf32>, vector<1x128xf32> -> vector<80x128xf32>
    %slice3A_1452 = vector.extract_strided_slice %select_n3A_1441 {offsets = [79, 0], sizes = [1, 128], strides = [1, 1]} : vector<80x128xf32> to vector<1x128xf32>
    %slice3A_1453 = vector.extract_strided_slice %select_n3A_1441 {offsets = [0, 0], sizes = [79, 128], strides = [1, 1]} : vector<80x128xf32> to vector<79x128xf32>
    %concatenate3A_1454 = tpu.concatenate %slice3A_1452, %slice3A_1453 in 0 : vector<1x128xf32>, vector<79x128xf32> -> vector<80x128xf32>
    %select_n3A_1455 = arith.select %eq3A_1448, %concatenate3A_1451, %concatenate3A_1454 : vector<80x128xi1>, vector<80x128xf32>
    %slice3A_1456 = vector.extract_strided_slice %select_n3A_1442 {offsets = [1, 0], sizes = [79, 128], strides = [1, 1]} : vector<80x128xi32> to vector<79x128xi32>
    %slice3A_1457 = vector.extract_strided_slice %select_n3A_1442 {offsets = [0, 0], sizes = [1, 128], strides = [1, 1]} : vector<80x128xi32> to vector<1x128xi32>
    %concatenate3A_1458 = tpu.concatenate %slice3A_1456, %slice3A_1457 in 0 : vector<79x128xi32>, vector<1x128xi32> -> vector<80x128xi32>
    %slice3A_1459 = vector.extract_strided_slice %select_n3A_1442 {offsets = [79, 0], sizes = [1, 128], strides = [1, 1]} : vector<80x128xi32> to vector<1x128xi32>
    %slice3A_1460 = vector.extract_strided_slice %select_n3A_1442 {offsets = [0, 0], sizes = [79, 128], strides = [1, 1]} : vector<80x128xi32> to vector<79x128xi32>
    %concatenate3A_1461 = tpu.concatenate %slice3A_1459, %slice3A_1460 in 0 : vector<1x128xi32>, vector<79x128xi32> -> vector<80x128xi32>
    %select_n3A_1462 = arith.select %eq3A_1448, %concatenate3A_1458, %concatenate3A_1461 : vector<80x128xi1>, vector<80x128xi32>
    %gt3A_1463 = arith.cmpf ogt, %select_n3A_1441, %select_n3A_1455 : vector<80x128xf32>
    %eq3A_1464 = arith.cmpf oeq, %select_n3A_1441, %select_n3A_1455 : vector<80x128xf32>
    %lt3A_1465 = arith.cmpi slt, %select_n3A_1442, %select_n3A_1462 : vector<80x128xi32>
    %and3A_1466 = arith.andi %eq3A_1464, %lt3A_1465 : vector<80x128xi1>
    %or3A_1467 = arith.ori %gt3A_1463, %and3A_1466 : vector<80x128xi1>
    %and3A_1468 = arith.constant 512 : i32
    %and3A_1469 = vector.broadcast %and3A_1468 : i32 to vector<80x128xi32>
    %and3A_1470 = arith.andi %slice3A_6, %and3A_1469 : vector<80x128xi32>
    %eq3A_1471 = arith.constant 0 : i32
    %eq3A_1472 = vector.broadcast %eq3A_1471 : i32 to vector<80x128xi32>
    %eq3A_1473 = arith.cmpi eq, %and3A_1470, %eq3A_1472 : vector<80x128xi32>
    %eq3A_1474 = arith.xori %eq3A_1473, %eq3A_1448 : vector<80x128xi1>
    %eq3A_1475 = arith.constant dense<true> : vector<80x128xi1>
    %eq3A_1476 = arith.xori %eq3A_1474, %eq3A_1475 : vector<80x128xi1>
    %eq3A_1477 = arith.xori %or3A_1467, %eq3A_1476 : vector<80x128xi1>
    %eq3A_1478 = arith.constant dense<true> : vector<80x128xi1>
    %eq3A_1479 = arith.xori %eq3A_1477, %eq3A_1478 : vector<80x128xi1>
    %select_n3A_1480 = arith.select %eq3A_1479, %select_n3A_1441, %select_n3A_1455 : vector<80x128xi1>, vector<80x128xf32>
    %select_n3A_1481 = arith.select %eq3A_1479, %select_n3A_1442, %select_n3A_1462 : vector<80x128xi1>, vector<80x128xi32>
    %and3A_1482 = arith.constant 64 : i32
    %and3A_1483 = vector.broadcast %and3A_1482 : i32 to vector<80x128xi32>
    %and3A_1484 = arith.andi %slice3A_6, %and3A_1483 : vector<80x128xi32>
    %eq3A_1485 = arith.constant 0 : i32
    %eq3A_1486 = vector.broadcast %eq3A_1485 : i32 to vector<80x128xi32>
    %eq3A_1487 = arith.cmpi eq, %and3A_1484, %eq3A_1486 : vector<80x128xi32>
    %slice3A_1488 = vector.extract_strided_slice %select_n3A_1480 {offsets = [0, 64], sizes = [80, 64], strides = [1, 1]} : vector<80x128xf32> to vector<80x64xf32>
    %slice3A_1489 = vector.extract_strided_slice %select_n3A_1480 {offsets = [0, 0], sizes = [80, 64], strides = [1, 1]} : vector<80x128xf32> to vector<80x64xf32>
    %concatenate3A_1490 = tpu.concatenate %slice3A_1488, %slice3A_1489 in 1 : vector<80x64xf32>, vector<80x64xf32> -> vector<80x128xf32>
    %slice3A_1491 = vector.extract_strided_slice %select_n3A_1480 {offsets = [0, 64], sizes = [80, 64], strides = [1, 1]} : vector<80x128xf32> to vector<80x64xf32>
    %slice3A_1492 = vector.extract_strided_slice %select_n3A_1480 {offsets = [0, 0], sizes = [80, 64], strides = [1, 1]} : vector<80x128xf32> to vector<80x64xf32>
    %concatenate3A_1493 = tpu.concatenate %slice3A_1491, %slice3A_1492 in 1 : vector<80x64xf32>, vector<80x64xf32> -> vector<80x128xf32>
    %select_n3A_1494 = arith.select %eq3A_1487, %concatenate3A_1490, %concatenate3A_1493 : vector<80x128xi1>, vector<80x128xf32>
    %slice3A_1495 = vector.extract_strided_slice %select_n3A_1481 {offsets = [0, 64], sizes = [80, 64], strides = [1, 1]} : vector<80x128xi32> to vector<80x64xi32>
    %slice3A_1496 = vector.extract_strided_slice %select_n3A_1481 {offsets = [0, 0], sizes = [80, 64], strides = [1, 1]} : vector<80x128xi32> to vector<80x64xi32>
    %concatenate3A_1497 = tpu.concatenate %slice3A_1495, %slice3A_1496 in 1 : vector<80x64xi32>, vector<80x64xi32> -> vector<80x128xi32>
    %slice3A_1498 = vector.extract_strided_slice %select_n3A_1481 {offsets = [0, 64], sizes = [80, 64], strides = [1, 1]} : vector<80x128xi32> to vector<80x64xi32>
    %slice3A_1499 = vector.extract_strided_slice %select_n3A_1481 {offsets = [0, 0], sizes = [80, 64], strides = [1, 1]} : vector<80x128xi32> to vector<80x64xi32>
    %concatenate3A_1500 = tpu.concatenate %slice3A_1498, %slice3A_1499 in 1 : vector<80x64xi32>, vector<80x64xi32> -> vector<80x128xi32>
    %select_n3A_1501 = arith.select %eq3A_1487, %concatenate3A_1497, %concatenate3A_1500 : vector<80x128xi1>, vector<80x128xi32>
    %gt3A_1502 = arith.cmpf ogt, %select_n3A_1480, %select_n3A_1494 : vector<80x128xf32>
    %eq3A_1503 = arith.cmpf oeq, %select_n3A_1480, %select_n3A_1494 : vector<80x128xf32>
    %lt3A_1504 = arith.cmpi slt, %select_n3A_1481, %select_n3A_1501 : vector<80x128xi32>
    %and3A_1505 = arith.andi %eq3A_1503, %lt3A_1504 : vector<80x128xi1>
    %or3A_1506 = arith.ori %gt3A_1502, %and3A_1505 : vector<80x128xi1>
    %and3A_1507 = arith.constant 512 : i32
    %and3A_1508 = vector.broadcast %and3A_1507 : i32 to vector<80x128xi32>
    %and3A_1509 = arith.andi %slice3A_6, %and3A_1508 : vector<80x128xi32>
    %eq3A_1510 = arith.constant 0 : i32
    %eq3A_1511 = vector.broadcast %eq3A_1510 : i32 to vector<80x128xi32>
    %eq3A_1512 = arith.cmpi eq, %and3A_1509, %eq3A_1511 : vector<80x128xi32>
    %eq3A_1513 = arith.xori %eq3A_1512, %eq3A_1487 : vector<80x128xi1>
    %eq3A_1514 = arith.constant dense<true> : vector<80x128xi1>
    %eq3A_1515 = arith.xori %eq3A_1513, %eq3A_1514 : vector<80x128xi1>
    %eq3A_1516 = arith.xori %or3A_1506, %eq3A_1515 : vector<80x128xi1>
    %eq3A_1517 = arith.constant dense<true> : vector<80x128xi1>
    %eq3A_1518 = arith.xori %eq3A_1516, %eq3A_1517 : vector<80x128xi1>
    %select_n3A_1519 = arith.select %eq3A_1518, %select_n3A_1480, %select_n3A_1494 : vector<80x128xi1>, vector<80x128xf32>
    %select_n3A_1520 = arith.select %eq3A_1518, %select_n3A_1481, %select_n3A_1501 : vector<80x128xi1>, vector<80x128xi32>
    %and3A_1521 = arith.constant 32 : i32
    %and3A_1522 = vector.broadcast %and3A_1521 : i32 to vector<80x128xi32>
    %and3A_1523 = arith.andi %slice3A_6, %and3A_1522 : vector<80x128xi32>
    %eq3A_1524 = arith.constant 0 : i32
    %eq3A_1525 = vector.broadcast %eq3A_1524 : i32 to vector<80x128xi32>
    %eq3A_1526 = arith.cmpi eq, %and3A_1523, %eq3A_1525 : vector<80x128xi32>
    %slice3A_1527 = vector.extract_strided_slice %select_n3A_1519 {offsets = [0, 32], sizes = [80, 96], strides = [1, 1]} : vector<80x128xf32> to vector<80x96xf32>
    %slice3A_1528 = vector.extract_strided_slice %select_n3A_1519 {offsets = [0, 0], sizes = [80, 32], strides = [1, 1]} : vector<80x128xf32> to vector<80x32xf32>
    %concatenate3A_1529 = tpu.concatenate %slice3A_1527, %slice3A_1528 in 1 : vector<80x96xf32>, vector<80x32xf32> -> vector<80x128xf32>
    %slice3A_1530 = vector.extract_strided_slice %select_n3A_1519 {offsets = [0, 96], sizes = [80, 32], strides = [1, 1]} : vector<80x128xf32> to vector<80x32xf32>
    %slice3A_1531 = vector.extract_strided_slice %select_n3A_1519 {offsets = [0, 0], sizes = [80, 96], strides = [1, 1]} : vector<80x128xf32> to vector<80x96xf32>
    %concatenate3A_1532 = tpu.concatenate %slice3A_1530, %slice3A_1531 in 1 : vector<80x32xf32>, vector<80x96xf32> -> vector<80x128xf32>
    %select_n3A_1533 = arith.select %eq3A_1526, %concatenate3A_1529, %concatenate3A_1532 : vector<80x128xi1>, vector<80x128xf32>
    %slice3A_1534 = vector.extract_strided_slice %select_n3A_1520 {offsets = [0, 32], sizes = [80, 96], strides = [1, 1]} : vector<80x128xi32> to vector<80x96xi32>
    %slice3A_1535 = vector.extract_strided_slice %select_n3A_1520 {offsets = [0, 0], sizes = [80, 32], strides = [1, 1]} : vector<80x128xi32> to vector<80x32xi32>
    %concatenate3A_1536 = tpu.concatenate %slice3A_1534, %slice3A_1535 in 1 : vector<80x96xi32>, vector<80x32xi32> -> vector<80x128xi32>
    %slice3A_1537 = vector.extract_strided_slice %select_n3A_1520 {offsets = [0, 96], sizes = [80, 32], strides = [1, 1]} : vector<80x128xi32> to vector<80x32xi32>
    %slice3A_1538 = vector.extract_strided_slice %select_n3A_1520 {offsets = [0, 0], sizes = [80, 96], strides = [1, 1]} : vector<80x128xi32> to vector<80x96xi32>
    %concatenate3A_1539 = tpu.concatenate %slice3A_1537, %slice3A_1538 in 1 : vector<80x32xi32>, vector<80x96xi32> -> vector<80x128xi32>
    %select_n3A_1540 = arith.select %eq3A_1526, %concatenate3A_1536, %concatenate3A_1539 : vector<80x128xi1>, vector<80x128xi32>
    %gt3A_1541 = arith.cmpf ogt, %select_n3A_1519, %select_n3A_1533 : vector<80x128xf32>
    %eq3A_1542 = arith.cmpf oeq, %select_n3A_1519, %select_n3A_1533 : vector<80x128xf32>
    %lt3A_1543 = arith.cmpi slt, %select_n3A_1520, %select_n3A_1540 : vector<80x128xi32>
    %and3A_1544 = arith.andi %eq3A_1542, %lt3A_1543 : vector<80x128xi1>
    %or3A_1545 = arith.ori %gt3A_1541, %and3A_1544 : vector<80x128xi1>
    %and3A_1546 = arith.constant 512 : i32
    %and3A_1547 = vector.broadcast %and3A_1546 : i32 to vector<80x128xi32>
    %and3A_1548 = arith.andi %slice3A_6, %and3A_1547 : vector<80x128xi32>
    %eq3A_1549 = arith.constant 0 : i32
    %eq3A_1550 = vector.broadcast %eq3A_1549 : i32 to vector<80x128xi32>
    %eq3A_1551 = arith.cmpi eq, %and3A_1548, %eq3A_1550 : vector<80x128xi32>
    %eq3A_1552 = arith.xori %eq3A_1551, %eq3A_1526 : vector<80x128xi1>
    %eq3A_1553 = arith.constant dense<true> : vector<80x128xi1>
    %eq3A_1554 = arith.xori %eq3A_1552, %eq3A_1553 : vector<80x128xi1>
    %eq3A_1555 = arith.xori %or3A_1545, %eq3A_1554 : vector<80x128xi1>
    %eq3A_1556 = arith.constant dense<true> : vector<80x128xi1>
    %eq3A_1557 = arith.xori %eq3A_1555, %eq3A_1556 : vector<80x128xi1>
    %select_n3A_1558 = arith.select %eq3A_1557, %select_n3A_1519, %select_n3A_1533 : vector<80x128xi1>, vector<80x128xf32>
    %select_n3A_1559 = arith.select %eq3A_1557, %select_n3A_1520, %select_n3A_1540 : vector<80x128xi1>, vector<80x128xi32>
    %and3A_1560 = arith.constant 16 : i32
    %and3A_1561 = vector.broadcast %and3A_1560 : i32 to vector<80x128xi32>
    %and3A_1562 = arith.andi %slice3A_6, %and3A_1561 : vector<80x128xi32>
    %eq3A_1563 = arith.constant 0 : i32
    %eq3A_1564 = vector.broadcast %eq3A_1563 : i32 to vector<80x128xi32>
    %eq3A_1565 = arith.cmpi eq, %and3A_1562, %eq3A_1564 : vector<80x128xi32>
    %slice3A_1566 = vector.extract_strided_slice %select_n3A_1558 {offsets = [0, 16], sizes = [80, 112], strides = [1, 1]} : vector<80x128xf32> to vector<80x112xf32>
    %slice3A_1567 = vector.extract_strided_slice %select_n3A_1558 {offsets = [0, 0], sizes = [80, 16], strides = [1, 1]} : vector<80x128xf32> to vector<80x16xf32>
    %concatenate3A_1568 = tpu.concatenate %slice3A_1566, %slice3A_1567 in 1 : vector<80x112xf32>, vector<80x16xf32> -> vector<80x128xf32>
    %slice3A_1569 = vector.extract_strided_slice %select_n3A_1558 {offsets = [0, 112], sizes = [80, 16], strides = [1, 1]} : vector<80x128xf32> to vector<80x16xf32>
    %slice3A_1570 = vector.extract_strided_slice %select_n3A_1558 {offsets = [0, 0], sizes = [80, 112], strides = [1, 1]} : vector<80x128xf32> to vector<80x112xf32>
    %concatenate3A_1571 = tpu.concatenate %slice3A_1569, %slice3A_1570 in 1 : vector<80x16xf32>, vector<80x112xf32> -> vector<80x128xf32>
    %select_n3A_1572 = arith.select %eq3A_1565, %concatenate3A_1568, %concatenate3A_1571 : vector<80x128xi1>, vector<80x128xf32>
    %slice3A_1573 = vector.extract_strided_slice %select_n3A_1559 {offsets = [0, 16], sizes = [80, 112], strides = [1, 1]} : vector<80x128xi32> to vector<80x112xi32>
    %slice3A_1574 = vector.extract_strided_slice %select_n3A_1559 {offsets = [0, 0], sizes = [80, 16], strides = [1, 1]} : vector<80x128xi32> to vector<80x16xi32>
    %concatenate3A_1575 = tpu.concatenate %slice3A_1573, %slice3A_1574 in 1 : vector<80x112xi32>, vector<80x16xi32> -> vector<80x128xi32>
    %slice3A_1576 = vector.extract_strided_slice %select_n3A_1559 {offsets = [0, 112], sizes = [80, 16], strides = [1, 1]} : vector<80x128xi32> to vector<80x16xi32>
    %slice3A_1577 = vector.extract_strided_slice %select_n3A_1559 {offsets = [0, 0], sizes = [80, 112], strides = [1, 1]} : vector<80x128xi32> to vector<80x112xi32>
    %concatenate3A_1578 = tpu.concatenate %slice3A_1576, %slice3A_1577 in 1 : vector<80x16xi32>, vector<80x112xi32> -> vector<80x128xi32>
    %select_n3A_1579 = arith.select %eq3A_1565, %concatenate3A_1575, %concatenate3A_1578 : vector<80x128xi1>, vector<80x128xi32>
    %gt3A_1580 = arith.cmpf ogt, %select_n3A_1558, %select_n3A_1572 : vector<80x128xf32>
    %eq3A_1581 = arith.cmpf oeq, %select_n3A_1558, %select_n3A_1572 : vector<80x128xf32>
    %lt3A_1582 = arith.cmpi slt, %select_n3A_1559, %select_n3A_1579 : vector<80x128xi32>
    %and3A_1583 = arith.andi %eq3A_1581, %lt3A_1582 : vector<80x128xi1>
    %or3A_1584 = arith.ori %gt3A_1580, %and3A_1583 : vector<80x128xi1>
    %and3A_1585 = arith.constant 512 : i32
    %and3A_1586 = vector.broadcast %and3A_1585 : i32 to vector<80x128xi32>
    %and3A_1587 = arith.andi %slice3A_6, %and3A_1586 : vector<80x128xi32>
    %eq3A_1588 = arith.constant 0 : i32
    %eq3A_1589 = vector.broadcast %eq3A_1588 : i32 to vector<80x128xi32>
    %eq3A_1590 = arith.cmpi eq, %and3A_1587, %eq3A_1589 : vector<80x128xi32>
    %eq3A_1591 = arith.xori %eq3A_1590, %eq3A_1565 : vector<80x128xi1>
    %eq3A_1592 = arith.constant dense<true> : vector<80x128xi1>
    %eq3A_1593 = arith.xori %eq3A_1591, %eq3A_1592 : vector<80x128xi1>
    %eq3A_1594 = arith.xori %or3A_1584, %eq3A_1593 : vector<80x128xi1>
    %eq3A_1595 = arith.constant dense<true> : vector<80x128xi1>
    %eq3A_1596 = arith.xori %eq3A_1594, %eq3A_1595 : vector<80x128xi1>
    %select_n3A_1597 = arith.select %eq3A_1596, %select_n3A_1558, %select_n3A_1572 : vector<80x128xi1>, vector<80x128xf32>
    %select_n3A_1598 = arith.select %eq3A_1596, %select_n3A_1559, %select_n3A_1579 : vector<80x128xi1>, vector<80x128xi32>
    %and3A_1599 = arith.constant 8 : i32
    %and3A_1600 = vector.broadcast %and3A_1599 : i32 to vector<80x128xi32>
    %and3A_1601 = arith.andi %slice3A_6, %and3A_1600 : vector<80x128xi32>
    %eq3A_1602 = arith.constant 0 : i32
    %eq3A_1603 = vector.broadcast %eq3A_1602 : i32 to vector<80x128xi32>
    %eq3A_1604 = arith.cmpi eq, %and3A_1601, %eq3A_1603 : vector<80x128xi32>
    %slice3A_1605 = vector.extract_strided_slice %select_n3A_1597 {offsets = [0, 8], sizes = [80, 120], strides = [1, 1]} : vector<80x128xf32> to vector<80x120xf32>
    %slice3A_1606 = vector.extract_strided_slice %select_n3A_1597 {offsets = [0, 0], sizes = [80, 8], strides = [1, 1]} : vector<80x128xf32> to vector<80x8xf32>
    %concatenate3A_1607 = tpu.concatenate %slice3A_1605, %slice3A_1606 in 1 : vector<80x120xf32>, vector<80x8xf32> -> vector<80x128xf32>
    %slice3A_1608 = vector.extract_strided_slice %select_n3A_1597 {offsets = [0, 120], sizes = [80, 8], strides = [1, 1]} : vector<80x128xf32> to vector<80x8xf32>
    %slice3A_1609 = vector.extract_strided_slice %select_n3A_1597 {offsets = [0, 0], sizes = [80, 120], strides = [1, 1]} : vector<80x128xf32> to vector<80x120xf32>
    %concatenate3A_1610 = tpu.concatenate %slice3A_1608, %slice3A_1609 in 1 : vector<80x8xf32>, vector<80x120xf32> -> vector<80x128xf32>
    %select_n3A_1611 = arith.select %eq3A_1604, %concatenate3A_1607, %concatenate3A_1610 : vector<80x128xi1>, vector<80x128xf32>
    %slice3A_1612 = vector.extract_strided_slice %select_n3A_1598 {offsets = [0, 8], sizes = [80, 120], strides = [1, 1]} : vector<80x128xi32> to vector<80x120xi32>
    %slice3A_1613 = vector.extract_strided_slice %select_n3A_1598 {offsets = [0, 0], sizes = [80, 8], strides = [1, 1]} : vector<80x128xi32> to vector<80x8xi32>
    %concatenate3A_1614 = tpu.concatenate %slice3A_1612, %slice3A_1613 in 1 : vector<80x120xi32>, vector<80x8xi32> -> vector<80x128xi32>
    %slice3A_1615 = vector.extract_strided_slice %select_n3A_1598 {offsets = [0, 120], sizes = [80, 8], strides = [1, 1]} : vector<80x128xi32> to vector<80x8xi32>
    %slice3A_1616 = vector.extract_strided_slice %select_n3A_1598 {offsets = [0, 0], sizes = [80, 120], strides = [1, 1]} : vector<80x128xi32> to vector<80x120xi32>
    %concatenate3A_1617 = tpu.concatenate %slice3A_1615, %slice3A_1616 in 1 : vector<80x8xi32>, vector<80x120xi32> -> vector<80x128xi32>
    %select_n3A_1618 = arith.select %eq3A_1604, %concatenate3A_1614, %concatenate3A_1617 : vector<80x128xi1>, vector<80x128xi32>
    %gt3A_1619 = arith.cmpf ogt, %select_n3A_1597, %select_n3A_1611 : vector<80x128xf32>
    %eq3A_1620 = arith.cmpf oeq, %select_n3A_1597, %select_n3A_1611 : vector<80x128xf32>
    %lt3A_1621 = arith.cmpi slt, %select_n3A_1598, %select_n3A_1618 : vector<80x128xi32>
    %and3A_1622 = arith.andi %eq3A_1620, %lt3A_1621 : vector<80x128xi1>
    %or3A_1623 = arith.ori %gt3A_1619, %and3A_1622 : vector<80x128xi1>
    %and3A_1624 = arith.constant 512 : i32
    %and3A_1625 = vector.broadcast %and3A_1624 : i32 to vector<80x128xi32>
    %and3A_1626 = arith.andi %slice3A_6, %and3A_1625 : vector<80x128xi32>
    %eq3A_1627 = arith.constant 0 : i32
    %eq3A_1628 = vector.broadcast %eq3A_1627 : i32 to vector<80x128xi32>
    %eq3A_1629 = arith.cmpi eq, %and3A_1626, %eq3A_1628 : vector<80x128xi32>
    %eq3A_1630 = arith.xori %eq3A_1629, %eq3A_1604 : vector<80x128xi1>
    %eq3A_1631 = arith.constant dense<true> : vector<80x128xi1>
    %eq3A_1632 = arith.xori %eq3A_1630, %eq3A_1631 : vector<80x128xi1>
    %eq3A_1633 = arith.xori %or3A_1623, %eq3A_1632 : vector<80x128xi1>
    %eq3A_1634 = arith.constant dense<true> : vector<80x128xi1>
    %eq3A_1635 = arith.xori %eq3A_1633, %eq3A_1634 : vector<80x128xi1>
    %select_n3A_1636 = arith.select %eq3A_1635, %select_n3A_1597, %select_n3A_1611 : vector<80x128xi1>, vector<80x128xf32>
    %select_n3A_1637 = arith.select %eq3A_1635, %select_n3A_1598, %select_n3A_1618 : vector<80x128xi1>, vector<80x128xi32>
    %and3A_1638 = arith.constant 4 : i32
    %and3A_1639 = vector.broadcast %and3A_1638 : i32 to vector<80x128xi32>
    %and3A_1640 = arith.andi %slice3A_6, %and3A_1639 : vector<80x128xi32>
    %eq3A_1641 = arith.constant 0 : i32
    %eq3A_1642 = vector.broadcast %eq3A_1641 : i32 to vector<80x128xi32>
    %eq3A_1643 = arith.cmpi eq, %and3A_1640, %eq3A_1642 : vector<80x128xi32>
    %slice3A_1644 = vector.extract_strided_slice %select_n3A_1636 {offsets = [0, 4], sizes = [80, 124], strides = [1, 1]} : vector<80x128xf32> to vector<80x124xf32>
    %slice3A_1645 = vector.extract_strided_slice %select_n3A_1636 {offsets = [0, 0], sizes = [80, 4], strides = [1, 1]} : vector<80x128xf32> to vector<80x4xf32>
    %concatenate3A_1646 = tpu.concatenate %slice3A_1644, %slice3A_1645 in 1 : vector<80x124xf32>, vector<80x4xf32> -> vector<80x128xf32>
    %slice3A_1647 = vector.extract_strided_slice %select_n3A_1636 {offsets = [0, 124], sizes = [80, 4], strides = [1, 1]} : vector<80x128xf32> to vector<80x4xf32>
    %slice3A_1648 = vector.extract_strided_slice %select_n3A_1636 {offsets = [0, 0], sizes = [80, 124], strides = [1, 1]} : vector<80x128xf32> to vector<80x124xf32>
    %concatenate3A_1649 = tpu.concatenate %slice3A_1647, %slice3A_1648 in 1 : vector<80x4xf32>, vector<80x124xf32> -> vector<80x128xf32>
    %select_n3A_1650 = arith.select %eq3A_1643, %concatenate3A_1646, %concatenate3A_1649 : vector<80x128xi1>, vector<80x128xf32>
    %slice3A_1651 = vector.extract_strided_slice %select_n3A_1637 {offsets = [0, 4], sizes = [80, 124], strides = [1, 1]} : vector<80x128xi32> to vector<80x124xi32>
    %slice3A_1652 = vector.extract_strided_slice %select_n3A_1637 {offsets = [0, 0], sizes = [80, 4], strides = [1, 1]} : vector<80x128xi32> to vector<80x4xi32>
    %concatenate3A_1653 = tpu.concatenate %slice3A_1651, %slice3A_1652 in 1 : vector<80x124xi32>, vector<80x4xi32> -> vector<80x128xi32>
    %slice3A_1654 = vector.extract_strided_slice %select_n3A_1637 {offsets = [0, 124], sizes = [80, 4], strides = [1, 1]} : vector<80x128xi32> to vector<80x4xi32>
    %slice3A_1655 = vector.extract_strided_slice %select_n3A_1637 {offsets = [0, 0], sizes = [80, 124], strides = [1, 1]} : vector<80x128xi32> to vector<80x124xi32>
    %concatenate3A_1656 = tpu.concatenate %slice3A_1654, %slice3A_1655 in 1 : vector<80x4xi32>, vector<80x124xi32> -> vector<80x128xi32>
    %select_n3A_1657 = arith.select %eq3A_1643, %concatenate3A_1653, %concatenate3A_1656 : vector<80x128xi1>, vector<80x128xi32>
    %gt3A_1658 = arith.cmpf ogt, %select_n3A_1636, %select_n3A_1650 : vector<80x128xf32>
    %eq3A_1659 = arith.cmpf oeq, %select_n3A_1636, %select_n3A_1650 : vector<80x128xf32>
    %lt3A_1660 = arith.cmpi slt, %select_n3A_1637, %select_n3A_1657 : vector<80x128xi32>
    %and3A_1661 = arith.andi %eq3A_1659, %lt3A_1660 : vector<80x128xi1>
    %or3A_1662 = arith.ori %gt3A_1658, %and3A_1661 : vector<80x128xi1>
    %and3A_1663 = arith.constant 512 : i32
    %and3A_1664 = vector.broadcast %and3A_1663 : i32 to vector<80x128xi32>
    %and3A_1665 = arith.andi %slice3A_6, %and3A_1664 : vector<80x128xi32>
    %eq3A_1666 = arith.constant 0 : i32
    %eq3A_1667 = vector.broadcast %eq3A_1666 : i32 to vector<80x128xi32>
    %eq3A_1668 = arith.cmpi eq, %and3A_1665, %eq3A_1667 : vector<80x128xi32>
    %eq3A_1669 = arith.xori %eq3A_1668, %eq3A_1643 : vector<80x128xi1>
    %eq3A_1670 = arith.constant dense<true> : vector<80x128xi1>
    %eq3A_1671 = arith.xori %eq3A_1669, %eq3A_1670 : vector<80x128xi1>
    %eq3A_1672 = arith.xori %or3A_1662, %eq3A_1671 : vector<80x128xi1>
    %eq3A_1673 = arith.constant dense<true> : vector<80x128xi1>
    %eq3A_1674 = arith.xori %eq3A_1672, %eq3A_1673 : vector<80x128xi1>
    %select_n3A_1675 = arith.select %eq3A_1674, %select_n3A_1636, %select_n3A_1650 : vector<80x128xi1>, vector<80x128xf32>
    %select_n3A_1676 = arith.select %eq3A_1674, %select_n3A_1637, %select_n3A_1657 : vector<80x128xi1>, vector<80x128xi32>
    %and3A_1677 = arith.constant 2 : i32
    %and3A_1678 = vector.broadcast %and3A_1677 : i32 to vector<80x128xi32>
    %and3A_1679 = arith.andi %slice3A_6, %and3A_1678 : vector<80x128xi32>
    %eq3A_1680 = arith.constant 0 : i32
    %eq3A_1681 = vector.broadcast %eq3A_1680 : i32 to vector<80x128xi32>
    %eq3A_1682 = arith.cmpi eq, %and3A_1679, %eq3A_1681 : vector<80x128xi32>
    %slice3A_1683 = vector.extract_strided_slice %select_n3A_1675 {offsets = [0, 2], sizes = [80, 126], strides = [1, 1]} : vector<80x128xf32> to vector<80x126xf32>
    %slice3A_1684 = vector.extract_strided_slice %select_n3A_1675 {offsets = [0, 0], sizes = [80, 2], strides = [1, 1]} : vector<80x128xf32> to vector<80x2xf32>
    %concatenate3A_1685 = tpu.concatenate %slice3A_1683, %slice3A_1684 in 1 : vector<80x126xf32>, vector<80x2xf32> -> vector<80x128xf32>
    %slice3A_1686 = vector.extract_strided_slice %select_n3A_1675 {offsets = [0, 126], sizes = [80, 2], strides = [1, 1]} : vector<80x128xf32> to vector<80x2xf32>
    %slice3A_1687 = vector.extract_strided_slice %select_n3A_1675 {offsets = [0, 0], sizes = [80, 126], strides = [1, 1]} : vector<80x128xf32> to vector<80x126xf32>
    %concatenate3A_1688 = tpu.concatenate %slice3A_1686, %slice3A_1687 in 1 : vector<80x2xf32>, vector<80x126xf32> -> vector<80x128xf32>
    %select_n3A_1689 = arith.select %eq3A_1682, %concatenate3A_1685, %concatenate3A_1688 : vector<80x128xi1>, vector<80x128xf32>
    %slice3A_1690 = vector.extract_strided_slice %select_n3A_1676 {offsets = [0, 2], sizes = [80, 126], strides = [1, 1]} : vector<80x128xi32> to vector<80x126xi32>
    %slice3A_1691 = vector.extract_strided_slice %select_n3A_1676 {offsets = [0, 0], sizes = [80, 2], strides = [1, 1]} : vector<80x128xi32> to vector<80x2xi32>
    %concatenate3A_1692 = tpu.concatenate %slice3A_1690, %slice3A_1691 in 1 : vector<80x126xi32>, vector<80x2xi32> -> vector<80x128xi32>
    %slice3A_1693 = vector.extract_strided_slice %select_n3A_1676 {offsets = [0, 126], sizes = [80, 2], strides = [1, 1]} : vector<80x128xi32> to vector<80x2xi32>
    %slice3A_1694 = vector.extract_strided_slice %select_n3A_1676 {offsets = [0, 0], sizes = [80, 126], strides = [1, 1]} : vector<80x128xi32> to vector<80x126xi32>
    %concatenate3A_1695 = tpu.concatenate %slice3A_1693, %slice3A_1694 in 1 : vector<80x2xi32>, vector<80x126xi32> -> vector<80x128xi32>
    %select_n3A_1696 = arith.select %eq3A_1682, %concatenate3A_1692, %concatenate3A_1695 : vector<80x128xi1>, vector<80x128xi32>
    %gt3A_1697 = arith.cmpf ogt, %select_n3A_1675, %select_n3A_1689 : vector<80x128xf32>
    %eq3A_1698 = arith.cmpf oeq, %select_n3A_1675, %select_n3A_1689 : vector<80x128xf32>
    %lt3A_1699 = arith.cmpi slt, %select_n3A_1676, %select_n3A_1696 : vector<80x128xi32>
    %and3A_1700 = arith.andi %eq3A_1698, %lt3A_1699 : vector<80x128xi1>
    %or3A_1701 = arith.ori %gt3A_1697, %and3A_1700 : vector<80x128xi1>
    %and3A_1702 = arith.constant 512 : i32
    %and3A_1703 = vector.broadcast %and3A_1702 : i32 to vector<80x128xi32>
    %and3A_1704 = arith.andi %slice3A_6, %and3A_1703 : vector<80x128xi32>
    %eq3A_1705 = arith.constant 0 : i32
    %eq3A_1706 = vector.broadcast %eq3A_1705 : i32 to vector<80x128xi32>
    %eq3A_1707 = arith.cmpi eq, %and3A_1704, %eq3A_1706 : vector<80x128xi32>
    %eq3A_1708 = arith.xori %eq3A_1707, %eq3A_1682 : vector<80x128xi1>
    %eq3A_1709 = arith.constant dense<true> : vector<80x128xi1>
    %eq3A_1710 = arith.xori %eq3A_1708, %eq3A_1709 : vector<80x128xi1>
    %eq3A_1711 = arith.xori %or3A_1701, %eq3A_1710 : vector<80x128xi1>
    %eq3A_1712 = arith.constant dense<true> : vector<80x128xi1>
    %eq3A_1713 = arith.xori %eq3A_1711, %eq3A_1712 : vector<80x128xi1>
    %select_n3A_1714 = arith.select %eq3A_1713, %select_n3A_1675, %select_n3A_1689 : vector<80x128xi1>, vector<80x128xf32>
    %select_n3A_1715 = arith.select %eq3A_1713, %select_n3A_1676, %select_n3A_1696 : vector<80x128xi1>, vector<80x128xi32>
    %and3A_1716 = arith.constant 1 : i32
    %and3A_1717 = vector.broadcast %and3A_1716 : i32 to vector<80x128xi32>
    %and3A_1718 = arith.andi %slice3A_6, %and3A_1717 : vector<80x128xi32>
    %eq3A_1719 = arith.constant 0 : i32
    %eq3A_1720 = vector.broadcast %eq3A_1719 : i32 to vector<80x128xi32>
    %eq3A_1721 = arith.cmpi eq, %and3A_1718, %eq3A_1720 : vector<80x128xi32>
    %slice3A_1722 = vector.extract_strided_slice %select_n3A_1714 {offsets = [0, 1], sizes = [80, 127], strides = [1, 1]} : vector<80x128xf32> to vector<80x127xf32>
    %slice3A_1723 = vector.extract_strided_slice %select_n3A_1714 {offsets = [0, 0], sizes = [80, 1], strides = [1, 1]} : vector<80x128xf32> to vector<80x1xf32>
    %concatenate3A_1724 = tpu.concatenate %slice3A_1722, %slice3A_1723 in 1 : vector<80x127xf32>, vector<80x1xf32> -> vector<80x128xf32>
    %slice3A_1725 = vector.extract_strided_slice %select_n3A_1714 {offsets = [0, 127], sizes = [80, 1], strides = [1, 1]} : vector<80x128xf32> to vector<80x1xf32>
    %slice3A_1726 = vector.extract_strided_slice %select_n3A_1714 {offsets = [0, 0], sizes = [80, 127], strides = [1, 1]} : vector<80x128xf32> to vector<80x127xf32>
    %concatenate3A_1727 = tpu.concatenate %slice3A_1725, %slice3A_1726 in 1 : vector<80x1xf32>, vector<80x127xf32> -> vector<80x128xf32>
    %select_n3A_1728 = arith.select %eq3A_1721, %concatenate3A_1724, %concatenate3A_1727 : vector<80x128xi1>, vector<80x128xf32>
    %slice3A_1729 = vector.extract_strided_slice %select_n3A_1715 {offsets = [0, 1], sizes = [80, 127], strides = [1, 1]} : vector<80x128xi32> to vector<80x127xi32>
    %slice3A_1730 = vector.extract_strided_slice %select_n3A_1715 {offsets = [0, 0], sizes = [80, 1], strides = [1, 1]} : vector<80x128xi32> to vector<80x1xi32>
    %concatenate3A_1731 = tpu.concatenate %slice3A_1729, %slice3A_1730 in 1 : vector<80x127xi32>, vector<80x1xi32> -> vector<80x128xi32>
    %slice3A_1732 = vector.extract_strided_slice %select_n3A_1715 {offsets = [0, 127], sizes = [80, 1], strides = [1, 1]} : vector<80x128xi32> to vector<80x1xi32>
    %slice3A_1733 = vector.extract_strided_slice %select_n3A_1715 {offsets = [0, 0], sizes = [80, 127], strides = [1, 1]} : vector<80x128xi32> to vector<80x127xi32>
    %concatenate3A_1734 = tpu.concatenate %slice3A_1732, %slice3A_1733 in 1 : vector<80x1xi32>, vector<80x127xi32> -> vector<80x128xi32>
    %select_n3A_1735 = arith.select %eq3A_1721, %concatenate3A_1731, %concatenate3A_1734 : vector<80x128xi1>, vector<80x128xi32>
    %gt3A_1736 = arith.cmpf ogt, %select_n3A_1714, %select_n3A_1728 : vector<80x128xf32>
    %eq3A_1737 = arith.cmpf oeq, %select_n3A_1714, %select_n3A_1728 : vector<80x128xf32>
    %lt3A_1738 = arith.cmpi slt, %select_n3A_1715, %select_n3A_1735 : vector<80x128xi32>
    %and3A_1739 = arith.andi %eq3A_1737, %lt3A_1738 : vector<80x128xi1>
    %or3A_1740 = arith.ori %gt3A_1736, %and3A_1739 : vector<80x128xi1>
    %and3A_1741 = arith.constant 512 : i32
    %and3A_1742 = vector.broadcast %and3A_1741 : i32 to vector<80x128xi32>
    %and3A_1743 = arith.andi %slice3A_6, %and3A_1742 : vector<80x128xi32>
    %eq3A_1744 = arith.constant 0 : i32
    %eq3A_1745 = vector.broadcast %eq3A_1744 : i32 to vector<80x128xi32>
    %eq3A_1746 = arith.cmpi eq, %and3A_1743, %eq3A_1745 : vector<80x128xi32>
    %eq3A_1747 = arith.xori %eq3A_1746, %eq3A_1721 : vector<80x128xi1>
    %eq3A_1748 = arith.constant dense<true> : vector<80x128xi1>
    %eq3A_1749 = arith.xori %eq3A_1747, %eq3A_1748 : vector<80x128xi1>
    %eq3A_1750 = arith.xori %or3A_1740, %eq3A_1749 : vector<80x128xi1>
    %eq3A_1751 = arith.constant dense<true> : vector<80x128xi1>
    %eq3A_1752 = arith.xori %eq3A_1750, %eq3A_1751 : vector<80x128xi1>
    %select_n3A_1753 = arith.select %eq3A_1752, %select_n3A_1714, %select_n3A_1728 : vector<80x128xi1>, vector<80x128xf32>
    %select_n3A_1754 = arith.select %eq3A_1752, %select_n3A_1715, %select_n3A_1735 : vector<80x128xi1>, vector<80x128xi32>
    %and3A_1755 = arith.constant 512 : i32
    %and3A_1756 = vector.broadcast %and3A_1755 : i32 to vector<80x128xi32>
    %and3A_1757 = arith.andi %slice3A_6, %and3A_1756 : vector<80x128xi32>
    %eq3A_1758 = arith.constant 0 : i32
    %eq3A_1759 = vector.broadcast %eq3A_1758 : i32 to vector<80x128xi32>
    %eq3A_1760 = arith.cmpi eq, %and3A_1757, %eq3A_1759 : vector<80x128xi32>
    %slice3A_1761 = vector.extract_strided_slice %select_n3A_1753 {offsets = [4, 0], sizes = [76, 128], strides = [1, 1]} : vector<80x128xf32> to vector<76x128xf32>
    %slice3A_1762 = vector.extract_strided_slice %select_n3A_1753 {offsets = [0, 0], sizes = [4, 128], strides = [1, 1]} : vector<80x128xf32> to vector<4x128xf32>
    %concatenate3A_1763 = tpu.concatenate %slice3A_1761, %slice3A_1762 in 0 : vector<76x128xf32>, vector<4x128xf32> -> vector<80x128xf32>
    %slice3A_1764 = vector.extract_strided_slice %select_n3A_1753 {offsets = [76, 0], sizes = [4, 128], strides = [1, 1]} : vector<80x128xf32> to vector<4x128xf32>
    %slice3A_1765 = vector.extract_strided_slice %select_n3A_1753 {offsets = [0, 0], sizes = [76, 128], strides = [1, 1]} : vector<80x128xf32> to vector<76x128xf32>
    %concatenate3A_1766 = tpu.concatenate %slice3A_1764, %slice3A_1765 in 0 : vector<4x128xf32>, vector<76x128xf32> -> vector<80x128xf32>
    %select_n3A_1767 = arith.select %eq3A_1760, %concatenate3A_1763, %concatenate3A_1766 : vector<80x128xi1>, vector<80x128xf32>
    %slice3A_1768 = vector.extract_strided_slice %select_n3A_1754 {offsets = [4, 0], sizes = [76, 128], strides = [1, 1]} : vector<80x128xi32> to vector<76x128xi32>
    %slice3A_1769 = vector.extract_strided_slice %select_n3A_1754 {offsets = [0, 0], sizes = [4, 128], strides = [1, 1]} : vector<80x128xi32> to vector<4x128xi32>
    %concatenate3A_1770 = tpu.concatenate %slice3A_1768, %slice3A_1769 in 0 : vector<76x128xi32>, vector<4x128xi32> -> vector<80x128xi32>
    %slice3A_1771 = vector.extract_strided_slice %select_n3A_1754 {offsets = [76, 0], sizes = [4, 128], strides = [1, 1]} : vector<80x128xi32> to vector<4x128xi32>
    %slice3A_1772 = vector.extract_strided_slice %select_n3A_1754 {offsets = [0, 0], sizes = [76, 128], strides = [1, 1]} : vector<80x128xi32> to vector<76x128xi32>
    %concatenate3A_1773 = tpu.concatenate %slice3A_1771, %slice3A_1772 in 0 : vector<4x128xi32>, vector<76x128xi32> -> vector<80x128xi32>
    %select_n3A_1774 = arith.select %eq3A_1760, %concatenate3A_1770, %concatenate3A_1773 : vector<80x128xi1>, vector<80x128xi32>
    %gt3A_1775 = arith.cmpf ogt, %select_n3A_1753, %select_n3A_1767 : vector<80x128xf32>
    %eq3A_1776 = arith.cmpf oeq, %select_n3A_1753, %select_n3A_1767 : vector<80x128xf32>
    %lt3A_1777 = arith.cmpi slt, %select_n3A_1754, %select_n3A_1774 : vector<80x128xi32>
    %and3A_1778 = arith.andi %eq3A_1776, %lt3A_1777 : vector<80x128xi1>
    %or3A_1779 = arith.ori %gt3A_1775, %and3A_1778 : vector<80x128xi1>
    %and3A_1780 = arith.constant 1024 : i32
    %and3A_1781 = vector.broadcast %and3A_1780 : i32 to vector<80x128xi32>
    %and3A_1782 = arith.andi %slice3A_6, %and3A_1781 : vector<80x128xi32>
    %eq3A_1783 = arith.constant 0 : i32
    %eq3A_1784 = vector.broadcast %eq3A_1783 : i32 to vector<80x128xi32>
    %eq3A_1785 = arith.cmpi eq, %and3A_1782, %eq3A_1784 : vector<80x128xi32>
    %eq3A_1786 = arith.xori %eq3A_1785, %eq3A_1760 : vector<80x128xi1>
    %eq3A_1787 = arith.constant dense<true> : vector<80x128xi1>
    %eq3A_1788 = arith.xori %eq3A_1786, %eq3A_1787 : vector<80x128xi1>
    %eq3A_1789 = arith.xori %or3A_1779, %eq3A_1788 : vector<80x128xi1>
    %eq3A_1790 = arith.constant dense<true> : vector<80x128xi1>
    %eq3A_1791 = arith.xori %eq3A_1789, %eq3A_1790 : vector<80x128xi1>
    %select_n3A_1792 = arith.select %eq3A_1791, %select_n3A_1753, %select_n3A_1767 : vector<80x128xi1>, vector<80x128xf32>
    %select_n3A_1793 = arith.select %eq3A_1791, %select_n3A_1754, %select_n3A_1774 : vector<80x128xi1>, vector<80x128xi32>
    %and3A_1794 = arith.constant 256 : i32
    %and3A_1795 = vector.broadcast %and3A_1794 : i32 to vector<80x128xi32>
    %and3A_1796 = arith.andi %slice3A_6, %and3A_1795 : vector<80x128xi32>
    %eq3A_1797 = arith.constant 0 : i32
    %eq3A_1798 = vector.broadcast %eq3A_1797 : i32 to vector<80x128xi32>
    %eq3A_1799 = arith.cmpi eq, %and3A_1796, %eq3A_1798 : vector<80x128xi32>
    %slice3A_1800 = vector.extract_strided_slice %select_n3A_1792 {offsets = [2, 0], sizes = [78, 128], strides = [1, 1]} : vector<80x128xf32> to vector<78x128xf32>
    %slice3A_1801 = vector.extract_strided_slice %select_n3A_1792 {offsets = [0, 0], sizes = [2, 128], strides = [1, 1]} : vector<80x128xf32> to vector<2x128xf32>
    %concatenate3A_1802 = tpu.concatenate %slice3A_1800, %slice3A_1801 in 0 : vector<78x128xf32>, vector<2x128xf32> -> vector<80x128xf32>
    %slice3A_1803 = vector.extract_strided_slice %select_n3A_1792 {offsets = [78, 0], sizes = [2, 128], strides = [1, 1]} : vector<80x128xf32> to vector<2x128xf32>
    %slice3A_1804 = vector.extract_strided_slice %select_n3A_1792 {offsets = [0, 0], sizes = [78, 128], strides = [1, 1]} : vector<80x128xf32> to vector<78x128xf32>
    %concatenate3A_1805 = tpu.concatenate %slice3A_1803, %slice3A_1804 in 0 : vector<2x128xf32>, vector<78x128xf32> -> vector<80x128xf32>
    %select_n3A_1806 = arith.select %eq3A_1799, %concatenate3A_1802, %concatenate3A_1805 : vector<80x128xi1>, vector<80x128xf32>
    %slice3A_1807 = vector.extract_strided_slice %select_n3A_1793 {offsets = [2, 0], sizes = [78, 128], strides = [1, 1]} : vector<80x128xi32> to vector<78x128xi32>
    %slice3A_1808 = vector.extract_strided_slice %select_n3A_1793 {offsets = [0, 0], sizes = [2, 128], strides = [1, 1]} : vector<80x128xi32> to vector<2x128xi32>
    %concatenate3A_1809 = tpu.concatenate %slice3A_1807, %slice3A_1808 in 0 : vector<78x128xi32>, vector<2x128xi32> -> vector<80x128xi32>
    %slice3A_1810 = vector.extract_strided_slice %select_n3A_1793 {offsets = [78, 0], sizes = [2, 128], strides = [1, 1]} : vector<80x128xi32> to vector<2x128xi32>
    %slice3A_1811 = vector.extract_strided_slice %select_n3A_1793 {offsets = [0, 0], sizes = [78, 128], strides = [1, 1]} : vector<80x128xi32> to vector<78x128xi32>
    %concatenate3A_1812 = tpu.concatenate %slice3A_1810, %slice3A_1811 in 0 : vector<2x128xi32>, vector<78x128xi32> -> vector<80x128xi32>
    %select_n3A_1813 = arith.select %eq3A_1799, %concatenate3A_1809, %concatenate3A_1812 : vector<80x128xi1>, vector<80x128xi32>
    %gt3A_1814 = arith.cmpf ogt, %select_n3A_1792, %select_n3A_1806 : vector<80x128xf32>
    %eq3A_1815 = arith.cmpf oeq, %select_n3A_1792, %select_n3A_1806 : vector<80x128xf32>
    %lt3A_1816 = arith.cmpi slt, %select_n3A_1793, %select_n3A_1813 : vector<80x128xi32>
    %and3A_1817 = arith.andi %eq3A_1815, %lt3A_1816 : vector<80x128xi1>
    %or3A_1818 = arith.ori %gt3A_1814, %and3A_1817 : vector<80x128xi1>
    %and3A_1819 = arith.constant 1024 : i32
    %and3A_1820 = vector.broadcast %and3A_1819 : i32 to vector<80x128xi32>
    %and3A_1821 = arith.andi %slice3A_6, %and3A_1820 : vector<80x128xi32>
    %eq3A_1822 = arith.constant 0 : i32
    %eq3A_1823 = vector.broadcast %eq3A_1822 : i32 to vector<80x128xi32>
    %eq3A_1824 = arith.cmpi eq, %and3A_1821, %eq3A_1823 : vector<80x128xi32>
    %eq3A_1825 = arith.xori %eq3A_1824, %eq3A_1799 : vector<80x128xi1>
    %eq3A_1826 = arith.constant dense<true> : vector<80x128xi1>
    %eq3A_1827 = arith.xori %eq3A_1825, %eq3A_1826 : vector<80x128xi1>
    %eq3A_1828 = arith.xori %or3A_1818, %eq3A_1827 : vector<80x128xi1>
    %eq3A_1829 = arith.constant dense<true> : vector<80x128xi1>
    %eq3A_1830 = arith.xori %eq3A_1828, %eq3A_1829 : vector<80x128xi1>
    %select_n3A_1831 = arith.select %eq3A_1830, %select_n3A_1792, %select_n3A_1806 : vector<80x128xi1>, vector<80x128xf32>
    %select_n3A_1832 = arith.select %eq3A_1830, %select_n3A_1793, %select_n3A_1813 : vector<80x128xi1>, vector<80x128xi32>
    %and3A_1833 = arith.constant 128 : i32
    %and3A_1834 = vector.broadcast %and3A_1833 : i32 to vector<80x128xi32>
    %and3A_1835 = arith.andi %slice3A_6, %and3A_1834 : vector<80x128xi32>
    %eq3A_1836 = arith.constant 0 : i32
    %eq3A_1837 = vector.broadcast %eq3A_1836 : i32 to vector<80x128xi32>
    %eq3A_1838 = arith.cmpi eq, %and3A_1835, %eq3A_1837 : vector<80x128xi32>
    %slice3A_1839 = vector.extract_strided_slice %select_n3A_1831 {offsets = [1, 0], sizes = [79, 128], strides = [1, 1]} : vector<80x128xf32> to vector<79x128xf32>
    %slice3A_1840 = vector.extract_strided_slice %select_n3A_1831 {offsets = [0, 0], sizes = [1, 128], strides = [1, 1]} : vector<80x128xf32> to vector<1x128xf32>
    %concatenate3A_1841 = tpu.concatenate %slice3A_1839, %slice3A_1840 in 0 : vector<79x128xf32>, vector<1x128xf32> -> vector<80x128xf32>
    %slice3A_1842 = vector.extract_strided_slice %select_n3A_1831 {offsets = [79, 0], sizes = [1, 128], strides = [1, 1]} : vector<80x128xf32> to vector<1x128xf32>
    %slice3A_1843 = vector.extract_strided_slice %select_n3A_1831 {offsets = [0, 0], sizes = [79, 128], strides = [1, 1]} : vector<80x128xf32> to vector<79x128xf32>
    %concatenate3A_1844 = tpu.concatenate %slice3A_1842, %slice3A_1843 in 0 : vector<1x128xf32>, vector<79x128xf32> -> vector<80x128xf32>
    %select_n3A_1845 = arith.select %eq3A_1838, %concatenate3A_1841, %concatenate3A_1844 : vector<80x128xi1>, vector<80x128xf32>
    %slice3A_1846 = vector.extract_strided_slice %select_n3A_1832 {offsets = [1, 0], sizes = [79, 128], strides = [1, 1]} : vector<80x128xi32> to vector<79x128xi32>
    %slice3A_1847 = vector.extract_strided_slice %select_n3A_1832 {offsets = [0, 0], sizes = [1, 128], strides = [1, 1]} : vector<80x128xi32> to vector<1x128xi32>
    %concatenate3A_1848 = tpu.concatenate %slice3A_1846, %slice3A_1847 in 0 : vector<79x128xi32>, vector<1x128xi32> -> vector<80x128xi32>
    %slice3A_1849 = vector.extract_strided_slice %select_n3A_1832 {offsets = [79, 0], sizes = [1, 128], strides = [1, 1]} : vector<80x128xi32> to vector<1x128xi32>
    %slice3A_1850 = vector.extract_strided_slice %select_n3A_1832 {offsets = [0, 0], sizes = [79, 128], strides = [1, 1]} : vector<80x128xi32> to vector<79x128xi32>
    %concatenate3A_1851 = tpu.concatenate %slice3A_1849, %slice3A_1850 in 0 : vector<1x128xi32>, vector<79x128xi32> -> vector<80x128xi32>
    %select_n3A_1852 = arith.select %eq3A_1838, %concatenate3A_1848, %concatenate3A_1851 : vector<80x128xi1>, vector<80x128xi32>
    %gt3A_1853 = arith.cmpf ogt, %select_n3A_1831, %select_n3A_1845 : vector<80x128xf32>
    %eq3A_1854 = arith.cmpf oeq, %select_n3A_1831, %select_n3A_1845 : vector<80x128xf32>
    %lt3A_1855 = arith.cmpi slt, %select_n3A_1832, %select_n3A_1852 : vector<80x128xi32>
    %and3A_1856 = arith.andi %eq3A_1854, %lt3A_1855 : vector<80x128xi1>
    %or3A_1857 = arith.ori %gt3A_1853, %and3A_1856 : vector<80x128xi1>
    %and3A_1858 = arith.constant 1024 : i32
    %and3A_1859 = vector.broadcast %and3A_1858 : i32 to vector<80x128xi32>
    %and3A_1860 = arith.andi %slice3A_6, %and3A_1859 : vector<80x128xi32>
    %eq3A_1861 = arith.constant 0 : i32
    %eq3A_1862 = vector.broadcast %eq3A_1861 : i32 to vector<80x128xi32>
    %eq3A_1863 = arith.cmpi eq, %and3A_1860, %eq3A_1862 : vector<80x128xi32>
    %eq3A_1864 = arith.xori %eq3A_1863, %eq3A_1838 : vector<80x128xi1>
    %eq3A_1865 = arith.constant dense<true> : vector<80x128xi1>
    %eq3A_1866 = arith.xori %eq3A_1864, %eq3A_1865 : vector<80x128xi1>
    %eq3A_1867 = arith.xori %or3A_1857, %eq3A_1866 : vector<80x128xi1>
    %eq3A_1868 = arith.constant dense<true> : vector<80x128xi1>
    %eq3A_1869 = arith.xori %eq3A_1867, %eq3A_1868 : vector<80x128xi1>
    %select_n3A_1870 = arith.select %eq3A_1869, %select_n3A_1831, %select_n3A_1845 : vector<80x128xi1>, vector<80x128xf32>
    %select_n3A_1871 = arith.select %eq3A_1869, %select_n3A_1832, %select_n3A_1852 : vector<80x128xi1>, vector<80x128xi32>
    %and3A_1872 = arith.constant 64 : i32
    %and3A_1873 = vector.broadcast %and3A_1872 : i32 to vector<80x128xi32>
    %and3A_1874 = arith.andi %slice3A_6, %and3A_1873 : vector<80x128xi32>
    %eq3A_1875 = arith.constant 0 : i32
    %eq3A_1876 = vector.broadcast %eq3A_1875 : i32 to vector<80x128xi32>
    %eq3A_1877 = arith.cmpi eq, %and3A_1874, %eq3A_1876 : vector<80x128xi32>
    %slice3A_1878 = vector.extract_strided_slice %select_n3A_1870 {offsets = [0, 64], sizes = [80, 64], strides = [1, 1]} : vector<80x128xf32> to vector<80x64xf32>
    %slice3A_1879 = vector.extract_strided_slice %select_n3A_1870 {offsets = [0, 0], sizes = [80, 64], strides = [1, 1]} : vector<80x128xf32> to vector<80x64xf32>
    %concatenate3A_1880 = tpu.concatenate %slice3A_1878, %slice3A_1879 in 1 : vector<80x64xf32>, vector<80x64xf32> -> vector<80x128xf32>
    %slice3A_1881 = vector.extract_strided_slice %select_n3A_1870 {offsets = [0, 64], sizes = [80, 64], strides = [1, 1]} : vector<80x128xf32> to vector<80x64xf32>
    %slice3A_1882 = vector.extract_strided_slice %select_n3A_1870 {offsets = [0, 0], sizes = [80, 64], strides = [1, 1]} : vector<80x128xf32> to vector<80x64xf32>
    %concatenate3A_1883 = tpu.concatenate %slice3A_1881, %slice3A_1882 in 1 : vector<80x64xf32>, vector<80x64xf32> -> vector<80x128xf32>
    %select_n3A_1884 = arith.select %eq3A_1877, %concatenate3A_1880, %concatenate3A_1883 : vector<80x128xi1>, vector<80x128xf32>
    %slice3A_1885 = vector.extract_strided_slice %select_n3A_1871 {offsets = [0, 64], sizes = [80, 64], strides = [1, 1]} : vector<80x128xi32> to vector<80x64xi32>
    %slice3A_1886 = vector.extract_strided_slice %select_n3A_1871 {offsets = [0, 0], sizes = [80, 64], strides = [1, 1]} : vector<80x128xi32> to vector<80x64xi32>
    %concatenate3A_1887 = tpu.concatenate %slice3A_1885, %slice3A_1886 in 1 : vector<80x64xi32>, vector<80x64xi32> -> vector<80x128xi32>
    %slice3A_1888 = vector.extract_strided_slice %select_n3A_1871 {offsets = [0, 64], sizes = [80, 64], strides = [1, 1]} : vector<80x128xi32> to vector<80x64xi32>
    %slice3A_1889 = vector.extract_strided_slice %select_n3A_1871 {offsets = [0, 0], sizes = [80, 64], strides = [1, 1]} : vector<80x128xi32> to vector<80x64xi32>
    %concatenate3A_1890 = tpu.concatenate %slice3A_1888, %slice3A_1889 in 1 : vector<80x64xi32>, vector<80x64xi32> -> vector<80x128xi32>
    %select_n3A_1891 = arith.select %eq3A_1877, %concatenate3A_1887, %concatenate3A_1890 : vector<80x128xi1>, vector<80x128xi32>
    %gt3A_1892 = arith.cmpf ogt, %select_n3A_1870, %select_n3A_1884 : vector<80x128xf32>
    %eq3A_1893 = arith.cmpf oeq, %select_n3A_1870, %select_n3A_1884 : vector<80x128xf32>
    %lt3A_1894 = arith.cmpi slt, %select_n3A_1871, %select_n3A_1891 : vector<80x128xi32>
    %and3A_1895 = arith.andi %eq3A_1893, %lt3A_1894 : vector<80x128xi1>
    %or3A_1896 = arith.ori %gt3A_1892, %and3A_1895 : vector<80x128xi1>
    %and3A_1897 = arith.constant 1024 : i32
    %and3A_1898 = vector.broadcast %and3A_1897 : i32 to vector<80x128xi32>
    %and3A_1899 = arith.andi %slice3A_6, %and3A_1898 : vector<80x128xi32>
    %eq3A_1900 = arith.constant 0 : i32
    %eq3A_1901 = vector.broadcast %eq3A_1900 : i32 to vector<80x128xi32>
    %eq3A_1902 = arith.cmpi eq, %and3A_1899, %eq3A_1901 : vector<80x128xi32>
    %eq3A_1903 = arith.xori %eq3A_1902, %eq3A_1877 : vector<80x128xi1>
    %eq3A_1904 = arith.constant dense<true> : vector<80x128xi1>
    %eq3A_1905 = arith.xori %eq3A_1903, %eq3A_1904 : vector<80x128xi1>
    %eq3A_1906 = arith.xori %or3A_1896, %eq3A_1905 : vector<80x128xi1>
    %eq3A_1907 = arith.constant dense<true> : vector<80x128xi1>
    %eq3A_1908 = arith.xori %eq3A_1906, %eq3A_1907 : vector<80x128xi1>
    %select_n3A_1909 = arith.select %eq3A_1908, %select_n3A_1870, %select_n3A_1884 : vector<80x128xi1>, vector<80x128xf32>
    %select_n3A_1910 = arith.select %eq3A_1908, %select_n3A_1871, %select_n3A_1891 : vector<80x128xi1>, vector<80x128xi32>
    %and3A_1911 = arith.constant 32 : i32
    %and3A_1912 = vector.broadcast %and3A_1911 : i32 to vector<80x128xi32>
    %and3A_1913 = arith.andi %slice3A_6, %and3A_1912 : vector<80x128xi32>
    %eq3A_1914 = arith.constant 0 : i32
    %eq3A_1915 = vector.broadcast %eq3A_1914 : i32 to vector<80x128xi32>
    %eq3A_1916 = arith.cmpi eq, %and3A_1913, %eq3A_1915 : vector<80x128xi32>
    %slice3A_1917 = vector.extract_strided_slice %select_n3A_1909 {offsets = [0, 32], sizes = [80, 96], strides = [1, 1]} : vector<80x128xf32> to vector<80x96xf32>
    %slice3A_1918 = vector.extract_strided_slice %select_n3A_1909 {offsets = [0, 0], sizes = [80, 32], strides = [1, 1]} : vector<80x128xf32> to vector<80x32xf32>
    %concatenate3A_1919 = tpu.concatenate %slice3A_1917, %slice3A_1918 in 1 : vector<80x96xf32>, vector<80x32xf32> -> vector<80x128xf32>
    %slice3A_1920 = vector.extract_strided_slice %select_n3A_1909 {offsets = [0, 96], sizes = [80, 32], strides = [1, 1]} : vector<80x128xf32> to vector<80x32xf32>
    %slice3A_1921 = vector.extract_strided_slice %select_n3A_1909 {offsets = [0, 0], sizes = [80, 96], strides = [1, 1]} : vector<80x128xf32> to vector<80x96xf32>
    %concatenate3A_1922 = tpu.concatenate %slice3A_1920, %slice3A_1921 in 1 : vector<80x32xf32>, vector<80x96xf32> -> vector<80x128xf32>
    %select_n3A_1923 = arith.select %eq3A_1916, %concatenate3A_1919, %concatenate3A_1922 : vector<80x128xi1>, vector<80x128xf32>
    %slice3A_1924 = vector.extract_strided_slice %select_n3A_1910 {offsets = [0, 32], sizes = [80, 96], strides = [1, 1]} : vector<80x128xi32> to vector<80x96xi32>
    %slice3A_1925 = vector.extract_strided_slice %select_n3A_1910 {offsets = [0, 0], sizes = [80, 32], strides = [1, 1]} : vector<80x128xi32> to vector<80x32xi32>
    %concatenate3A_1926 = tpu.concatenate %slice3A_1924, %slice3A_1925 in 1 : vector<80x96xi32>, vector<80x32xi32> -> vector<80x128xi32>
    %slice3A_1927 = vector.extract_strided_slice %select_n3A_1910 {offsets = [0, 96], sizes = [80, 32], strides = [1, 1]} : vector<80x128xi32> to vector<80x32xi32>
    %slice3A_1928 = vector.extract_strided_slice %select_n3A_1910 {offsets = [0, 0], sizes = [80, 96], strides = [1, 1]} : vector<80x128xi32> to vector<80x96xi32>
    %concatenate3A_1929 = tpu.concatenate %slice3A_1927, %slice3A_1928 in 1 : vector<80x32xi32>, vector<80x96xi32> -> vector<80x128xi32>
    %select_n3A_1930 = arith.select %eq3A_1916, %concatenate3A_1926, %concatenate3A_1929 : vector<80x128xi1>, vector<80x128xi32>
    %gt3A_1931 = arith.cmpf ogt, %select_n3A_1909, %select_n3A_1923 : vector<80x128xf32>
    %eq3A_1932 = arith.cmpf oeq, %select_n3A_1909, %select_n3A_1923 : vector<80x128xf32>
    %lt3A_1933 = arith.cmpi slt, %select_n3A_1910, %select_n3A_1930 : vector<80x128xi32>
    %and3A_1934 = arith.andi %eq3A_1932, %lt3A_1933 : vector<80x128xi1>
    %or3A_1935 = arith.ori %gt3A_1931, %and3A_1934 : vector<80x128xi1>
    %and3A_1936 = arith.constant 1024 : i32
    %and3A_1937 = vector.broadcast %and3A_1936 : i32 to vector<80x128xi32>
    %and3A_1938 = arith.andi %slice3A_6, %and3A_1937 : vector<80x128xi32>
    %eq3A_1939 = arith.constant 0 : i32
    %eq3A_1940 = vector.broadcast %eq3A_1939 : i32 to vector<80x128xi32>
    %eq3A_1941 = arith.cmpi eq, %and3A_1938, %eq3A_1940 : vector<80x128xi32>
    %eq3A_1942 = arith.xori %eq3A_1941, %eq3A_1916 : vector<80x128xi1>
    %eq3A_1943 = arith.constant dense<true> : vector<80x128xi1>
    %eq3A_1944 = arith.xori %eq3A_1942, %eq3A_1943 : vector<80x128xi1>
    %eq3A_1945 = arith.xori %or3A_1935, %eq3A_1944 : vector<80x128xi1>
    %eq3A_1946 = arith.constant dense<true> : vector<80x128xi1>
    %eq3A_1947 = arith.xori %eq3A_1945, %eq3A_1946 : vector<80x128xi1>
    %select_n3A_1948 = arith.select %eq3A_1947, %select_n3A_1909, %select_n3A_1923 : vector<80x128xi1>, vector<80x128xf32>
    %select_n3A_1949 = arith.select %eq3A_1947, %select_n3A_1910, %select_n3A_1930 : vector<80x128xi1>, vector<80x128xi32>
    %and3A_1950 = arith.constant 16 : i32
    %and3A_1951 = vector.broadcast %and3A_1950 : i32 to vector<80x128xi32>
    %and3A_1952 = arith.andi %slice3A_6, %and3A_1951 : vector<80x128xi32>
    %eq3A_1953 = arith.constant 0 : i32
    %eq3A_1954 = vector.broadcast %eq3A_1953 : i32 to vector<80x128xi32>
    %eq3A_1955 = arith.cmpi eq, %and3A_1952, %eq3A_1954 : vector<80x128xi32>
    %slice3A_1956 = vector.extract_strided_slice %select_n3A_1948 {offsets = [0, 16], sizes = [80, 112], strides = [1, 1]} : vector<80x128xf32> to vector<80x112xf32>
    %slice3A_1957 = vector.extract_strided_slice %select_n3A_1948 {offsets = [0, 0], sizes = [80, 16], strides = [1, 1]} : vector<80x128xf32> to vector<80x16xf32>
    %concatenate3A_1958 = tpu.concatenate %slice3A_1956, %slice3A_1957 in 1 : vector<80x112xf32>, vector<80x16xf32> -> vector<80x128xf32>
    %slice3A_1959 = vector.extract_strided_slice %select_n3A_1948 {offsets = [0, 112], sizes = [80, 16], strides = [1, 1]} : vector<80x128xf32> to vector<80x16xf32>
    %slice3A_1960 = vector.extract_strided_slice %select_n3A_1948 {offsets = [0, 0], sizes = [80, 112], strides = [1, 1]} : vector<80x128xf32> to vector<80x112xf32>
    %concatenate3A_1961 = tpu.concatenate %slice3A_1959, %slice3A_1960 in 1 : vector<80x16xf32>, vector<80x112xf32> -> vector<80x128xf32>
    %select_n3A_1962 = arith.select %eq3A_1955, %concatenate3A_1958, %concatenate3A_1961 : vector<80x128xi1>, vector<80x128xf32>
    %slice3A_1963 = vector.extract_strided_slice %select_n3A_1949 {offsets = [0, 16], sizes = [80, 112], strides = [1, 1]} : vector<80x128xi32> to vector<80x112xi32>
    %slice3A_1964 = vector.extract_strided_slice %select_n3A_1949 {offsets = [0, 0], sizes = [80, 16], strides = [1, 1]} : vector<80x128xi32> to vector<80x16xi32>
    %concatenate3A_1965 = tpu.concatenate %slice3A_1963, %slice3A_1964 in 1 : vector<80x112xi32>, vector<80x16xi32> -> vector<80x128xi32>
    %slice3A_1966 = vector.extract_strided_slice %select_n3A_1949 {offsets = [0, 112], sizes = [80, 16], strides = [1, 1]} : vector<80x128xi32> to vector<80x16xi32>
    %slice3A_1967 = vector.extract_strided_slice %select_n3A_1949 {offsets = [0, 0], sizes = [80, 112], strides = [1, 1]} : vector<80x128xi32> to vector<80x112xi32>
    %concatenate3A_1968 = tpu.concatenate %slice3A_1966, %slice3A_1967 in 1 : vector<80x16xi32>, vector<80x112xi32> -> vector<80x128xi32>
    %select_n3A_1969 = arith.select %eq3A_1955, %concatenate3A_1965, %concatenate3A_1968 : vector<80x128xi1>, vector<80x128xi32>
    %gt3A_1970 = arith.cmpf ogt, %select_n3A_1948, %select_n3A_1962 : vector<80x128xf32>
    %eq3A_1971 = arith.cmpf oeq, %select_n3A_1948, %select_n3A_1962 : vector<80x128xf32>
    %lt3A_1972 = arith.cmpi slt, %select_n3A_1949, %select_n3A_1969 : vector<80x128xi32>
    %and3A_1973 = arith.andi %eq3A_1971, %lt3A_1972 : vector<80x128xi1>
    %or3A_1974 = arith.ori %gt3A_1970, %and3A_1973 : vector<80x128xi1>
    %and3A_1975 = arith.constant 1024 : i32
    %and3A_1976 = vector.broadcast %and3A_1975 : i32 to vector<80x128xi32>
    %and3A_1977 = arith.andi %slice3A_6, %and3A_1976 : vector<80x128xi32>
    %eq3A_1978 = arith.constant 0 : i32
    %eq3A_1979 = vector.broadcast %eq3A_1978 : i32 to vector<80x128xi32>
    %eq3A_1980 = arith.cmpi eq, %and3A_1977, %eq3A_1979 : vector<80x128xi32>
    %eq3A_1981 = arith.xori %eq3A_1980, %eq3A_1955 : vector<80x128xi1>
    %eq3A_1982 = arith.constant dense<true> : vector<80x128xi1>
    %eq3A_1983 = arith.xori %eq3A_1981, %eq3A_1982 : vector<80x128xi1>
    %eq3A_1984 = arith.xori %or3A_1974, %eq3A_1983 : vector<80x128xi1>
    %eq3A_1985 = arith.constant dense<true> : vector<80x128xi1>
    %eq3A_1986 = arith.xori %eq3A_1984, %eq3A_1985 : vector<80x128xi1>
    %select_n3A_1987 = arith.select %eq3A_1986, %select_n3A_1948, %select_n3A_1962 : vector<80x128xi1>, vector<80x128xf32>
    %select_n3A_1988 = arith.select %eq3A_1986, %select_n3A_1949, %select_n3A_1969 : vector<80x128xi1>, vector<80x128xi32>
    %and3A_1989 = arith.constant 8 : i32
    %and3A_1990 = vector.broadcast %and3A_1989 : i32 to vector<80x128xi32>
    %and3A_1991 = arith.andi %slice3A_6, %and3A_1990 : vector<80x128xi32>
    %eq3A_1992 = arith.constant 0 : i32
    %eq3A_1993 = vector.broadcast %eq3A_1992 : i32 to vector<80x128xi32>
    %eq3A_1994 = arith.cmpi eq, %and3A_1991, %eq3A_1993 : vector<80x128xi32>
    %slice3A_1995 = vector.extract_strided_slice %select_n3A_1987 {offsets = [0, 8], sizes = [80, 120], strides = [1, 1]} : vector<80x128xf32> to vector<80x120xf32>
    %slice3A_1996 = vector.extract_strided_slice %select_n3A_1987 {offsets = [0, 0], sizes = [80, 8], strides = [1, 1]} : vector<80x128xf32> to vector<80x8xf32>
    %concatenate3A_1997 = tpu.concatenate %slice3A_1995, %slice3A_1996 in 1 : vector<80x120xf32>, vector<80x8xf32> -> vector<80x128xf32>
    %slice3A_1998 = vector.extract_strided_slice %select_n3A_1987 {offsets = [0, 120], sizes = [80, 8], strides = [1, 1]} : vector<80x128xf32> to vector<80x8xf32>
    %slice3A_1999 = vector.extract_strided_slice %select_n3A_1987 {offsets = [0, 0], sizes = [80, 120], strides = [1, 1]} : vector<80x128xf32> to vector<80x120xf32>
    %concatenate3A_2000 = tpu.concatenate %slice3A_1998, %slice3A_1999 in 1 : vector<80x8xf32>, vector<80x120xf32> -> vector<80x128xf32>
    %select_n3A_2001 = arith.select %eq3A_1994, %concatenate3A_1997, %concatenate3A_2000 : vector<80x128xi1>, vector<80x128xf32>
    %slice3A_2002 = vector.extract_strided_slice %select_n3A_1988 {offsets = [0, 8], sizes = [80, 120], strides = [1, 1]} : vector<80x128xi32> to vector<80x120xi32>
    %slice3A_2003 = vector.extract_strided_slice %select_n3A_1988 {offsets = [0, 0], sizes = [80, 8], strides = [1, 1]} : vector<80x128xi32> to vector<80x8xi32>
    %concatenate3A_2004 = tpu.concatenate %slice3A_2002, %slice3A_2003 in 1 : vector<80x120xi32>, vector<80x8xi32> -> vector<80x128xi32>
    %slice3A_2005 = vector.extract_strided_slice %select_n3A_1988 {offsets = [0, 120], sizes = [80, 8], strides = [1, 1]} : vector<80x128xi32> to vector<80x8xi32>
    %slice3A_2006 = vector.extract_strided_slice %select_n3A_1988 {offsets = [0, 0], sizes = [80, 120], strides = [1, 1]} : vector<80x128xi32> to vector<80x120xi32>
    %concatenate3A_2007 = tpu.concatenate %slice3A_2005, %slice3A_2006 in 1 : vector<80x8xi32>, vector<80x120xi32> -> vector<80x128xi32>
    %select_n3A_2008 = arith.select %eq3A_1994, %concatenate3A_2004, %concatenate3A_2007 : vector<80x128xi1>, vector<80x128xi32>
    %gt3A_2009 = arith.cmpf ogt, %select_n3A_1987, %select_n3A_2001 : vector<80x128xf32>
    %eq3A_2010 = arith.cmpf oeq, %select_n3A_1987, %select_n3A_2001 : vector<80x128xf32>
    %lt3A_2011 = arith.cmpi slt, %select_n3A_1988, %select_n3A_2008 : vector<80x128xi32>
    %and3A_2012 = arith.andi %eq3A_2010, %lt3A_2011 : vector<80x128xi1>
    %or3A_2013 = arith.ori %gt3A_2009, %and3A_2012 : vector<80x128xi1>
    %and3A_2014 = arith.constant 1024 : i32
    %and3A_2015 = vector.broadcast %and3A_2014 : i32 to vector<80x128xi32>
    %and3A_2016 = arith.andi %slice3A_6, %and3A_2015 : vector<80x128xi32>
    %eq3A_2017 = arith.constant 0 : i32
    %eq3A_2018 = vector.broadcast %eq3A_2017 : i32 to vector<80x128xi32>
    %eq3A_2019 = arith.cmpi eq, %and3A_2016, %eq3A_2018 : vector<80x128xi32>
    %eq3A_2020 = arith.xori %eq3A_2019, %eq3A_1994 : vector<80x128xi1>
    %eq3A_2021 = arith.constant dense<true> : vector<80x128xi1>
    %eq3A_2022 = arith.xori %eq3A_2020, %eq3A_2021 : vector<80x128xi1>
    %eq3A_2023 = arith.xori %or3A_2013, %eq3A_2022 : vector<80x128xi1>
    %eq3A_2024 = arith.constant dense<true> : vector<80x128xi1>
    %eq3A_2025 = arith.xori %eq3A_2023, %eq3A_2024 : vector<80x128xi1>
    %select_n3A_2026 = arith.select %eq3A_2025, %select_n3A_1987, %select_n3A_2001 : vector<80x128xi1>, vector<80x128xf32>
    %select_n3A_2027 = arith.select %eq3A_2025, %select_n3A_1988, %select_n3A_2008 : vector<80x128xi1>, vector<80x128xi32>
    %and3A_2028 = arith.constant 4 : i32
    %and3A_2029 = vector.broadcast %and3A_2028 : i32 to vector<80x128xi32>
    %and3A_2030 = arith.andi %slice3A_6, %and3A_2029 : vector<80x128xi32>
    %eq3A_2031 = arith.constant 0 : i32
    %eq3A_2032 = vector.broadcast %eq3A_2031 : i32 to vector<80x128xi32>
    %eq3A_2033 = arith.cmpi eq, %and3A_2030, %eq3A_2032 : vector<80x128xi32>
    %slice3A_2034 = vector.extract_strided_slice %select_n3A_2026 {offsets = [0, 4], sizes = [80, 124], strides = [1, 1]} : vector<80x128xf32> to vector<80x124xf32>
    %slice3A_2035 = vector.extract_strided_slice %select_n3A_2026 {offsets = [0, 0], sizes = [80, 4], strides = [1, 1]} : vector<80x128xf32> to vector<80x4xf32>
    %concatenate3A_2036 = tpu.concatenate %slice3A_2034, %slice3A_2035 in 1 : vector<80x124xf32>, vector<80x4xf32> -> vector<80x128xf32>
    %slice3A_2037 = vector.extract_strided_slice %select_n3A_2026 {offsets = [0, 124], sizes = [80, 4], strides = [1, 1]} : vector<80x128xf32> to vector<80x4xf32>
    %slice3A_2038 = vector.extract_strided_slice %select_n3A_2026 {offsets = [0, 0], sizes = [80, 124], strides = [1, 1]} : vector<80x128xf32> to vector<80x124xf32>
    %concatenate3A_2039 = tpu.concatenate %slice3A_2037, %slice3A_2038 in 1 : vector<80x4xf32>, vector<80x124xf32> -> vector<80x128xf32>
    %select_n3A_2040 = arith.select %eq3A_2033, %concatenate3A_2036, %concatenate3A_2039 : vector<80x128xi1>, vector<80x128xf32>
    %slice3A_2041 = vector.extract_strided_slice %select_n3A_2027 {offsets = [0, 4], sizes = [80, 124], strides = [1, 1]} : vector<80x128xi32> to vector<80x124xi32>
    %slice3A_2042 = vector.extract_strided_slice %select_n3A_2027 {offsets = [0, 0], sizes = [80, 4], strides = [1, 1]} : vector<80x128xi32> to vector<80x4xi32>
    %concatenate3A_2043 = tpu.concatenate %slice3A_2041, %slice3A_2042 in 1 : vector<80x124xi32>, vector<80x4xi32> -> vector<80x128xi32>
    %slice3A_2044 = vector.extract_strided_slice %select_n3A_2027 {offsets = [0, 124], sizes = [80, 4], strides = [1, 1]} : vector<80x128xi32> to vector<80x4xi32>
    %slice3A_2045 = vector.extract_strided_slice %select_n3A_2027 {offsets = [0, 0], sizes = [80, 124], strides = [1, 1]} : vector<80x128xi32> to vector<80x124xi32>
    %concatenate3A_2046 = tpu.concatenate %slice3A_2044, %slice3A_2045 in 1 : vector<80x4xi32>, vector<80x124xi32> -> vector<80x128xi32>
    %select_n3A_2047 = arith.select %eq3A_2033, %concatenate3A_2043, %concatenate3A_2046 : vector<80x128xi1>, vector<80x128xi32>
    %gt3A_2048 = arith.cmpf ogt, %select_n3A_2026, %select_n3A_2040 : vector<80x128xf32>
    %eq3A_2049 = arith.cmpf oeq, %select_n3A_2026, %select_n3A_2040 : vector<80x128xf32>
    %lt3A_2050 = arith.cmpi slt, %select_n3A_2027, %select_n3A_2047 : vector<80x128xi32>
    %and3A_2051 = arith.andi %eq3A_2049, %lt3A_2050 : vector<80x128xi1>
    %or3A_2052 = arith.ori %gt3A_2048, %and3A_2051 : vector<80x128xi1>
    %and3A_2053 = arith.constant 1024 : i32
    %and3A_2054 = vector.broadcast %and3A_2053 : i32 to vector<80x128xi32>
    %and3A_2055 = arith.andi %slice3A_6, %and3A_2054 : vector<80x128xi32>
    %eq3A_2056 = arith.constant 0 : i32
    %eq3A_2057 = vector.broadcast %eq3A_2056 : i32 to vector<80x128xi32>
    %eq3A_2058 = arith.cmpi eq, %and3A_2055, %eq3A_2057 : vector<80x128xi32>
    %eq3A_2059 = arith.xori %eq3A_2058, %eq3A_2033 : vector<80x128xi1>
    %eq3A_2060 = arith.constant dense<true> : vector<80x128xi1>
    %eq3A_2061 = arith.xori %eq3A_2059, %eq3A_2060 : vector<80x128xi1>
    %eq3A_2062 = arith.xori %or3A_2052, %eq3A_2061 : vector<80x128xi1>
    %eq3A_2063 = arith.constant dense<true> : vector<80x128xi1>
    %eq3A_2064 = arith.xori %eq3A_2062, %eq3A_2063 : vector<80x128xi1>
    %select_n3A_2065 = arith.select %eq3A_2064, %select_n3A_2026, %select_n3A_2040 : vector<80x128xi1>, vector<80x128xf32>
    %select_n3A_2066 = arith.select %eq3A_2064, %select_n3A_2027, %select_n3A_2047 : vector<80x128xi1>, vector<80x128xi32>
    %and3A_2067 = arith.constant 2 : i32
    %and3A_2068 = vector.broadcast %and3A_2067 : i32 to vector<80x128xi32>
    %and3A_2069 = arith.andi %slice3A_6, %and3A_2068 : vector<80x128xi32>
    %eq3A_2070 = arith.constant 0 : i32
    %eq3A_2071 = vector.broadcast %eq3A_2070 : i32 to vector<80x128xi32>
    %eq3A_2072 = arith.cmpi eq, %and3A_2069, %eq3A_2071 : vector<80x128xi32>
    %slice3A_2073 = vector.extract_strided_slice %select_n3A_2065 {offsets = [0, 2], sizes = [80, 126], strides = [1, 1]} : vector<80x128xf32> to vector<80x126xf32>
    %slice3A_2074 = vector.extract_strided_slice %select_n3A_2065 {offsets = [0, 0], sizes = [80, 2], strides = [1, 1]} : vector<80x128xf32> to vector<80x2xf32>
    %concatenate3A_2075 = tpu.concatenate %slice3A_2073, %slice3A_2074 in 1 : vector<80x126xf32>, vector<80x2xf32> -> vector<80x128xf32>
    %slice3A_2076 = vector.extract_strided_slice %select_n3A_2065 {offsets = [0, 126], sizes = [80, 2], strides = [1, 1]} : vector<80x128xf32> to vector<80x2xf32>
    %slice3A_2077 = vector.extract_strided_slice %select_n3A_2065 {offsets = [0, 0], sizes = [80, 126], strides = [1, 1]} : vector<80x128xf32> to vector<80x126xf32>
    %concatenate3A_2078 = tpu.concatenate %slice3A_2076, %slice3A_2077 in 1 : vector<80x2xf32>, vector<80x126xf32> -> vector<80x128xf32>
    %select_n3A_2079 = arith.select %eq3A_2072, %concatenate3A_2075, %concatenate3A_2078 : vector<80x128xi1>, vector<80x128xf32>
    %slice3A_2080 = vector.extract_strided_slice %select_n3A_2066 {offsets = [0, 2], sizes = [80, 126], strides = [1, 1]} : vector<80x128xi32> to vector<80x126xi32>
    %slice3A_2081 = vector.extract_strided_slice %select_n3A_2066 {offsets = [0, 0], sizes = [80, 2], strides = [1, 1]} : vector<80x128xi32> to vector<80x2xi32>
    %concatenate3A_2082 = tpu.concatenate %slice3A_2080, %slice3A_2081 in 1 : vector<80x126xi32>, vector<80x2xi32> -> vector<80x128xi32>
    %slice3A_2083 = vector.extract_strided_slice %select_n3A_2066 {offsets = [0, 126], sizes = [80, 2], strides = [1, 1]} : vector<80x128xi32> to vector<80x2xi32>
    %slice3A_2084 = vector.extract_strided_slice %select_n3A_2066 {offsets = [0, 0], sizes = [80, 126], strides = [1, 1]} : vector<80x128xi32> to vector<80x126xi32>
    %concatenate3A_2085 = tpu.concatenate %slice3A_2083, %slice3A_2084 in 1 : vector<80x2xi32>, vector<80x126xi32> -> vector<80x128xi32>
    %select_n3A_2086 = arith.select %eq3A_2072, %concatenate3A_2082, %concatenate3A_2085 : vector<80x128xi1>, vector<80x128xi32>
    %gt3A_2087 = arith.cmpf ogt, %select_n3A_2065, %select_n3A_2079 : vector<80x128xf32>
    %eq3A_2088 = arith.cmpf oeq, %select_n3A_2065, %select_n3A_2079 : vector<80x128xf32>
    %lt3A_2089 = arith.cmpi slt, %select_n3A_2066, %select_n3A_2086 : vector<80x128xi32>
    %and3A_2090 = arith.andi %eq3A_2088, %lt3A_2089 : vector<80x128xi1>
    %or3A_2091 = arith.ori %gt3A_2087, %and3A_2090 : vector<80x128xi1>
    %and3A_2092 = arith.constant 1024 : i32
    %and3A_2093 = vector.broadcast %and3A_2092 : i32 to vector<80x128xi32>
    %and3A_2094 = arith.andi %slice3A_6, %and3A_2093 : vector<80x128xi32>
    %eq3A_2095 = arith.constant 0 : i32
    %eq3A_2096 = vector.broadcast %eq3A_2095 : i32 to vector<80x128xi32>
    %eq3A_2097 = arith.cmpi eq, %and3A_2094, %eq3A_2096 : vector<80x128xi32>
    %eq3A_2098 = arith.xori %eq3A_2097, %eq3A_2072 : vector<80x128xi1>
    %eq3A_2099 = arith.constant dense<true> : vector<80x128xi1>
    %eq3A_2100 = arith.xori %eq3A_2098, %eq3A_2099 : vector<80x128xi1>
    %eq3A_2101 = arith.xori %or3A_2091, %eq3A_2100 : vector<80x128xi1>
    %eq3A_2102 = arith.constant dense<true> : vector<80x128xi1>
    %eq3A_2103 = arith.xori %eq3A_2101, %eq3A_2102 : vector<80x128xi1>
    %select_n3A_2104 = arith.select %eq3A_2103, %select_n3A_2065, %select_n3A_2079 : vector<80x128xi1>, vector<80x128xf32>
    %select_n3A_2105 = arith.select %eq3A_2103, %select_n3A_2066, %select_n3A_2086 : vector<80x128xi1>, vector<80x128xi32>
    %and3A_2106 = arith.constant 1 : i32
    %and3A_2107 = vector.broadcast %and3A_2106 : i32 to vector<80x128xi32>
    %and3A_2108 = arith.andi %slice3A_6, %and3A_2107 : vector<80x128xi32>
    %eq3A_2109 = arith.constant 0 : i32
    %eq3A_2110 = vector.broadcast %eq3A_2109 : i32 to vector<80x128xi32>
    %eq3A_2111 = arith.cmpi eq, %and3A_2108, %eq3A_2110 : vector<80x128xi32>
    %slice3A_2112 = vector.extract_strided_slice %select_n3A_2104 {offsets = [0, 1], sizes = [80, 127], strides = [1, 1]} : vector<80x128xf32> to vector<80x127xf32>
    %slice3A_2113 = vector.extract_strided_slice %select_n3A_2104 {offsets = [0, 0], sizes = [80, 1], strides = [1, 1]} : vector<80x128xf32> to vector<80x1xf32>
    %concatenate3A_2114 = tpu.concatenate %slice3A_2112, %slice3A_2113 in 1 : vector<80x127xf32>, vector<80x1xf32> -> vector<80x128xf32>
    %slice3A_2115 = vector.extract_strided_slice %select_n3A_2104 {offsets = [0, 127], sizes = [80, 1], strides = [1, 1]} : vector<80x128xf32> to vector<80x1xf32>
    %slice3A_2116 = vector.extract_strided_slice %select_n3A_2104 {offsets = [0, 0], sizes = [80, 127], strides = [1, 1]} : vector<80x128xf32> to vector<80x127xf32>
    %concatenate3A_2117 = tpu.concatenate %slice3A_2115, %slice3A_2116 in 1 : vector<80x1xf32>, vector<80x127xf32> -> vector<80x128xf32>
    %select_n3A_2118 = arith.select %eq3A_2111, %concatenate3A_2114, %concatenate3A_2117 : vector<80x128xi1>, vector<80x128xf32>
    %slice3A_2119 = vector.extract_strided_slice %select_n3A_2105 {offsets = [0, 1], sizes = [80, 127], strides = [1, 1]} : vector<80x128xi32> to vector<80x127xi32>
    %slice3A_2120 = vector.extract_strided_slice %select_n3A_2105 {offsets = [0, 0], sizes = [80, 1], strides = [1, 1]} : vector<80x128xi32> to vector<80x1xi32>
    %concatenate3A_2121 = tpu.concatenate %slice3A_2119, %slice3A_2120 in 1 : vector<80x127xi32>, vector<80x1xi32> -> vector<80x128xi32>
    %slice3A_2122 = vector.extract_strided_slice %select_n3A_2105 {offsets = [0, 127], sizes = [80, 1], strides = [1, 1]} : vector<80x128xi32> to vector<80x1xi32>
    %slice3A_2123 = vector.extract_strided_slice %select_n3A_2105 {offsets = [0, 0], sizes = [80, 127], strides = [1, 1]} : vector<80x128xi32> to vector<80x127xi32>
    %concatenate3A_2124 = tpu.concatenate %slice3A_2122, %slice3A_2123 in 1 : vector<80x1xi32>, vector<80x127xi32> -> vector<80x128xi32>
    %select_n3A_2125 = arith.select %eq3A_2111, %concatenate3A_2121, %concatenate3A_2124 : vector<80x128xi1>, vector<80x128xi32>
    %gt3A_2126 = arith.cmpf ogt, %select_n3A_2104, %select_n3A_2118 : vector<80x128xf32>
    %eq3A_2127 = arith.cmpf oeq, %select_n3A_2104, %select_n3A_2118 : vector<80x128xf32>
    %lt3A_2128 = arith.cmpi slt, %select_n3A_2105, %select_n3A_2125 : vector<80x128xi32>
    %and3A_2129 = arith.andi %eq3A_2127, %lt3A_2128 : vector<80x128xi1>
    %or3A_2130 = arith.ori %gt3A_2126, %and3A_2129 : vector<80x128xi1>
    %and3A_2131 = arith.constant 1024 : i32
    %and3A_2132 = vector.broadcast %and3A_2131 : i32 to vector<80x128xi32>
    %and3A_2133 = arith.andi %slice3A_6, %and3A_2132 : vector<80x128xi32>
    %eq3A_2134 = arith.constant 0 : i32
    %eq3A_2135 = vector.broadcast %eq3A_2134 : i32 to vector<80x128xi32>
    %eq3A_2136 = arith.cmpi eq, %and3A_2133, %eq3A_2135 : vector<80x128xi32>
    %eq3A_2137 = arith.xori %eq3A_2136, %eq3A_2111 : vector<80x128xi1>
    %eq3A_2138 = arith.constant dense<true> : vector<80x128xi1>
    %eq3A_2139 = arith.xori %eq3A_2137, %eq3A_2138 : vector<80x128xi1>
    %eq3A_2140 = arith.xori %or3A_2130, %eq3A_2139 : vector<80x128xi1>
    %eq3A_2141 = arith.constant dense<true> : vector<80x128xi1>
    %eq3A_2142 = arith.xori %eq3A_2140, %eq3A_2141 : vector<80x128xi1>
    %select_n3A_2143 = arith.select %eq3A_2142, %select_n3A_2104, %select_n3A_2118 : vector<80x128xi1>, vector<80x128xf32>
    %select_n3A_2144 = arith.select %eq3A_2142, %select_n3A_2105, %select_n3A_2125 : vector<80x128xi1>, vector<80x128xi32>
    %and3A_2145 = arith.constant 1024 : i32
    %and3A_2146 = vector.broadcast %and3A_2145 : i32 to vector<80x128xi32>
    %and3A_2147 = arith.andi %slice3A_6, %and3A_2146 : vector<80x128xi32>
    %eq3A_2148 = arith.constant 0 : i32
    %eq3A_2149 = vector.broadcast %eq3A_2148 : i32 to vector<80x128xi32>
    %eq3A_2150 = arith.cmpi eq, %and3A_2147, %eq3A_2149 : vector<80x128xi32>
    %slice3A_2151 = vector.extract_strided_slice %select_n3A_2143 {offsets = [8, 0], sizes = [72, 128], strides = [1, 1]} : vector<80x128xf32> to vector<72x128xf32>
    %slice3A_2152 = vector.extract_strided_slice %select_n3A_2143 {offsets = [0, 0], sizes = [8, 128], strides = [1, 1]} : vector<80x128xf32> to vector<8x128xf32>
    %concatenate3A_2153 = tpu.concatenate %slice3A_2151, %slice3A_2152 in 0 : vector<72x128xf32>, vector<8x128xf32> -> vector<80x128xf32>
    %slice3A_2154 = vector.extract_strided_slice %select_n3A_2143 {offsets = [72, 0], sizes = [8, 128], strides = [1, 1]} : vector<80x128xf32> to vector<8x128xf32>
    %slice3A_2155 = vector.extract_strided_slice %select_n3A_2143 {offsets = [0, 0], sizes = [72, 128], strides = [1, 1]} : vector<80x128xf32> to vector<72x128xf32>
    %concatenate3A_2156 = tpu.concatenate %slice3A_2154, %slice3A_2155 in 0 : vector<8x128xf32>, vector<72x128xf32> -> vector<80x128xf32>
    %select_n3A_2157 = arith.select %eq3A_2150, %concatenate3A_2153, %concatenate3A_2156 : vector<80x128xi1>, vector<80x128xf32>
    %slice3A_2158 = vector.extract_strided_slice %select_n3A_2144 {offsets = [8, 0], sizes = [72, 128], strides = [1, 1]} : vector<80x128xi32> to vector<72x128xi32>
    %slice3A_2159 = vector.extract_strided_slice %select_n3A_2144 {offsets = [0, 0], sizes = [8, 128], strides = [1, 1]} : vector<80x128xi32> to vector<8x128xi32>
    %concatenate3A_2160 = tpu.concatenate %slice3A_2158, %slice3A_2159 in 0 : vector<72x128xi32>, vector<8x128xi32> -> vector<80x128xi32>
    %slice3A_2161 = vector.extract_strided_slice %select_n3A_2144 {offsets = [72, 0], sizes = [8, 128], strides = [1, 1]} : vector<80x128xi32> to vector<8x128xi32>
    %slice3A_2162 = vector.extract_strided_slice %select_n3A_2144 {offsets = [0, 0], sizes = [72, 128], strides = [1, 1]} : vector<80x128xi32> to vector<72x128xi32>
    %concatenate3A_2163 = tpu.concatenate %slice3A_2161, %slice3A_2162 in 0 : vector<8x128xi32>, vector<72x128xi32> -> vector<80x128xi32>
    %select_n3A_2164 = arith.select %eq3A_2150, %concatenate3A_2160, %concatenate3A_2163 : vector<80x128xi1>, vector<80x128xi32>
    %gt3A_2165 = arith.cmpf ogt, %select_n3A_2143, %select_n3A_2157 : vector<80x128xf32>
    %eq3A_2166 = arith.cmpf oeq, %select_n3A_2143, %select_n3A_2157 : vector<80x128xf32>
    %lt3A_2167 = arith.cmpi slt, %select_n3A_2144, %select_n3A_2164 : vector<80x128xi32>
    %and3A_2168 = arith.andi %eq3A_2166, %lt3A_2167 : vector<80x128xi1>
    %or3A_2169 = arith.ori %gt3A_2165, %and3A_2168 : vector<80x128xi1>
    %and3A_2170 = arith.constant 2048 : i32
    %and3A_2171 = vector.broadcast %and3A_2170 : i32 to vector<80x128xi32>
    %and3A_2172 = arith.andi %slice3A_6, %and3A_2171 : vector<80x128xi32>
    %eq3A_2173 = arith.constant 0 : i32
    %eq3A_2174 = vector.broadcast %eq3A_2173 : i32 to vector<80x128xi32>
    %eq3A_2175 = arith.cmpi eq, %and3A_2172, %eq3A_2174 : vector<80x128xi32>
    %eq3A_2176 = arith.xori %eq3A_2175, %eq3A_2150 : vector<80x128xi1>
    %eq3A_2177 = arith.constant dense<true> : vector<80x128xi1>
    %eq3A_2178 = arith.xori %eq3A_2176, %eq3A_2177 : vector<80x128xi1>
    %eq3A_2179 = arith.xori %or3A_2169, %eq3A_2178 : vector<80x128xi1>
    %eq3A_2180 = arith.constant dense<true> : vector<80x128xi1>
    %eq3A_2181 = arith.xori %eq3A_2179, %eq3A_2180 : vector<80x128xi1>
    %select_n3A_2182 = arith.select %eq3A_2181, %select_n3A_2143, %select_n3A_2157 : vector<80x128xi1>, vector<80x128xf32>
    %select_n3A_2183 = arith.select %eq3A_2181, %select_n3A_2144, %select_n3A_2164 : vector<80x128xi1>, vector<80x128xi32>
    %and3A_2184 = arith.constant 512 : i32
    %and3A_2185 = vector.broadcast %and3A_2184 : i32 to vector<80x128xi32>
    %and3A_2186 = arith.andi %slice3A_6, %and3A_2185 : vector<80x128xi32>
    %eq3A_2187 = arith.constant 0 : i32
    %eq3A_2188 = vector.broadcast %eq3A_2187 : i32 to vector<80x128xi32>
    %eq3A_2189 = arith.cmpi eq, %and3A_2186, %eq3A_2188 : vector<80x128xi32>
    %slice3A_2190 = vector.extract_strided_slice %select_n3A_2182 {offsets = [4, 0], sizes = [76, 128], strides = [1, 1]} : vector<80x128xf32> to vector<76x128xf32>
    %slice3A_2191 = vector.extract_strided_slice %select_n3A_2182 {offsets = [0, 0], sizes = [4, 128], strides = [1, 1]} : vector<80x128xf32> to vector<4x128xf32>
    %concatenate3A_2192 = tpu.concatenate %slice3A_2190, %slice3A_2191 in 0 : vector<76x128xf32>, vector<4x128xf32> -> vector<80x128xf32>
    %slice3A_2193 = vector.extract_strided_slice %select_n3A_2182 {offsets = [76, 0], sizes = [4, 128], strides = [1, 1]} : vector<80x128xf32> to vector<4x128xf32>
    %slice3A_2194 = vector.extract_strided_slice %select_n3A_2182 {offsets = [0, 0], sizes = [76, 128], strides = [1, 1]} : vector<80x128xf32> to vector<76x128xf32>
    %concatenate3A_2195 = tpu.concatenate %slice3A_2193, %slice3A_2194 in 0 : vector<4x128xf32>, vector<76x128xf32> -> vector<80x128xf32>
    %select_n3A_2196 = arith.select %eq3A_2189, %concatenate3A_2192, %concatenate3A_2195 : vector<80x128xi1>, vector<80x128xf32>
    %slice3A_2197 = vector.extract_strided_slice %select_n3A_2183 {offsets = [4, 0], sizes = [76, 128], strides = [1, 1]} : vector<80x128xi32> to vector<76x128xi32>
    %slice3A_2198 = vector.extract_strided_slice %select_n3A_2183 {offsets = [0, 0], sizes = [4, 128], strides = [1, 1]} : vector<80x128xi32> to vector<4x128xi32>
    %concatenate3A_2199 = tpu.concatenate %slice3A_2197, %slice3A_2198 in 0 : vector<76x128xi32>, vector<4x128xi32> -> vector<80x128xi32>
    %slice3A_2200 = vector.extract_strided_slice %select_n3A_2183 {offsets = [76, 0], sizes = [4, 128], strides = [1, 1]} : vector<80x128xi32> to vector<4x128xi32>
    %slice3A_2201 = vector.extract_strided_slice %select_n3A_2183 {offsets = [0, 0], sizes = [76, 128], strides = [1, 1]} : vector<80x128xi32> to vector<76x128xi32>
    %concatenate3A_2202 = tpu.concatenate %slice3A_2200, %slice3A_2201 in 0 : vector<4x128xi32>, vector<76x128xi32> -> vector<80x128xi32>
    %select_n3A_2203 = arith.select %eq3A_2189, %concatenate3A_2199, %concatenate3A_2202 : vector<80x128xi1>, vector<80x128xi32>
    %gt3A_2204 = arith.cmpf ogt, %select_n3A_2182, %select_n3A_2196 : vector<80x128xf32>
    %eq3A_2205 = arith.cmpf oeq, %select_n3A_2182, %select_n3A_2196 : vector<80x128xf32>
    %lt3A_2206 = arith.cmpi slt, %select_n3A_2183, %select_n3A_2203 : vector<80x128xi32>
    %and3A_2207 = arith.andi %eq3A_2205, %lt3A_2206 : vector<80x128xi1>
    %or3A_2208 = arith.ori %gt3A_2204, %and3A_2207 : vector<80x128xi1>
    %and3A_2209 = arith.constant 2048 : i32
    %and3A_2210 = vector.broadcast %and3A_2209 : i32 to vector<80x128xi32>
    %and3A_2211 = arith.andi %slice3A_6, %and3A_2210 : vector<80x128xi32>
    %eq3A_2212 = arith.constant 0 : i32
    %eq3A_2213 = vector.broadcast %eq3A_2212 : i32 to vector<80x128xi32>
    %eq3A_2214 = arith.cmpi eq, %and3A_2211, %eq3A_2213 : vector<80x128xi32>
    %eq3A_2215 = arith.xori %eq3A_2214, %eq3A_2189 : vector<80x128xi1>
    %eq3A_2216 = arith.constant dense<true> : vector<80x128xi1>
    %eq3A_2217 = arith.xori %eq3A_2215, %eq3A_2216 : vector<80x128xi1>
    %eq3A_2218 = arith.xori %or3A_2208, %eq3A_2217 : vector<80x128xi1>
    %eq3A_2219 = arith.constant dense<true> : vector<80x128xi1>
    %eq3A_2220 = arith.xori %eq3A_2218, %eq3A_2219 : vector<80x128xi1>
    %select_n3A_2221 = arith.select %eq3A_2220, %select_n3A_2182, %select_n3A_2196 : vector<80x128xi1>, vector<80x128xf32>
    %select_n3A_2222 = arith.select %eq3A_2220, %select_n3A_2183, %select_n3A_2203 : vector<80x128xi1>, vector<80x128xi32>
    %and3A_2223 = arith.constant 256 : i32
    %and3A_2224 = vector.broadcast %and3A_2223 : i32 to vector<80x128xi32>
    %and3A_2225 = arith.andi %slice3A_6, %and3A_2224 : vector<80x128xi32>
    %eq3A_2226 = arith.constant 0 : i32
    %eq3A_2227 = vector.broadcast %eq3A_2226 : i32 to vector<80x128xi32>
    %eq3A_2228 = arith.cmpi eq, %and3A_2225, %eq3A_2227 : vector<80x128xi32>
    %slice3A_2229 = vector.extract_strided_slice %select_n3A_2221 {offsets = [2, 0], sizes = [78, 128], strides = [1, 1]} : vector<80x128xf32> to vector<78x128xf32>
    %slice3A_2230 = vector.extract_strided_slice %select_n3A_2221 {offsets = [0, 0], sizes = [2, 128], strides = [1, 1]} : vector<80x128xf32> to vector<2x128xf32>
    %concatenate3A_2231 = tpu.concatenate %slice3A_2229, %slice3A_2230 in 0 : vector<78x128xf32>, vector<2x128xf32> -> vector<80x128xf32>
    %slice3A_2232 = vector.extract_strided_slice %select_n3A_2221 {offsets = [78, 0], sizes = [2, 128], strides = [1, 1]} : vector<80x128xf32> to vector<2x128xf32>
    %slice3A_2233 = vector.extract_strided_slice %select_n3A_2221 {offsets = [0, 0], sizes = [78, 128], strides = [1, 1]} : vector<80x128xf32> to vector<78x128xf32>
    %concatenate3A_2234 = tpu.concatenate %slice3A_2232, %slice3A_2233 in 0 : vector<2x128xf32>, vector<78x128xf32> -> vector<80x128xf32>
    %select_n3A_2235 = arith.select %eq3A_2228, %concatenate3A_2231, %concatenate3A_2234 : vector<80x128xi1>, vector<80x128xf32>
    %slice3A_2236 = vector.extract_strided_slice %select_n3A_2222 {offsets = [2, 0], sizes = [78, 128], strides = [1, 1]} : vector<80x128xi32> to vector<78x128xi32>
    %slice3A_2237 = vector.extract_strided_slice %select_n3A_2222 {offsets = [0, 0], sizes = [2, 128], strides = [1, 1]} : vector<80x128xi32> to vector<2x128xi32>
    %concatenate3A_2238 = tpu.concatenate %slice3A_2236, %slice3A_2237 in 0 : vector<78x128xi32>, vector<2x128xi32> -> vector<80x128xi32>
    %slice3A_2239 = vector.extract_strided_slice %select_n3A_2222 {offsets = [78, 0], sizes = [2, 128], strides = [1, 1]} : vector<80x128xi32> to vector<2x128xi32>
    %slice3A_2240 = vector.extract_strided_slice %select_n3A_2222 {offsets = [0, 0], sizes = [78, 128], strides = [1, 1]} : vector<80x128xi32> to vector<78x128xi32>
    %concatenate3A_2241 = tpu.concatenate %slice3A_2239, %slice3A_2240 in 0 : vector<2x128xi32>, vector<78x128xi32> -> vector<80x128xi32>
    %select_n3A_2242 = arith.select %eq3A_2228, %concatenate3A_2238, %concatenate3A_2241 : vector<80x128xi1>, vector<80x128xi32>
    %gt3A_2243 = arith.cmpf ogt, %select_n3A_2221, %select_n3A_2235 : vector<80x128xf32>
    %eq3A_2244 = arith.cmpf oeq, %select_n3A_2221, %select_n3A_2235 : vector<80x128xf32>
    %lt3A_2245 = arith.cmpi slt, %select_n3A_2222, %select_n3A_2242 : vector<80x128xi32>
    %and3A_2246 = arith.andi %eq3A_2244, %lt3A_2245 : vector<80x128xi1>
    %or3A_2247 = arith.ori %gt3A_2243, %and3A_2246 : vector<80x128xi1>
    %and3A_2248 = arith.constant 2048 : i32
    %and3A_2249 = vector.broadcast %and3A_2248 : i32 to vector<80x128xi32>
    %and3A_2250 = arith.andi %slice3A_6, %and3A_2249 : vector<80x128xi32>
    %eq3A_2251 = arith.constant 0 : i32
    %eq3A_2252 = vector.broadcast %eq3A_2251 : i32 to vector<80x128xi32>
    %eq3A_2253 = arith.cmpi eq, %and3A_2250, %eq3A_2252 : vector<80x128xi32>
    %eq3A_2254 = arith.xori %eq3A_2253, %eq3A_2228 : vector<80x128xi1>
    %eq3A_2255 = arith.constant dense<true> : vector<80x128xi1>
    %eq3A_2256 = arith.xori %eq3A_2254, %eq3A_2255 : vector<80x128xi1>
    %eq3A_2257 = arith.xori %or3A_2247, %eq3A_2256 : vector<80x128xi1>
    %eq3A_2258 = arith.constant dense<true> : vector<80x128xi1>
    %eq3A_2259 = arith.xori %eq3A_2257, %eq3A_2258 : vector<80x128xi1>
    %select_n3A_2260 = arith.select %eq3A_2259, %select_n3A_2221, %select_n3A_2235 : vector<80x128xi1>, vector<80x128xf32>
    %select_n3A_2261 = arith.select %eq3A_2259, %select_n3A_2222, %select_n3A_2242 : vector<80x128xi1>, vector<80x128xi32>
    %and3A_2262 = arith.constant 128 : i32
    %and3A_2263 = vector.broadcast %and3A_2262 : i32 to vector<80x128xi32>
    %and3A_2264 = arith.andi %slice3A_6, %and3A_2263 : vector<80x128xi32>
    %eq3A_2265 = arith.constant 0 : i32
    %eq3A_2266 = vector.broadcast %eq3A_2265 : i32 to vector<80x128xi32>
    %eq3A_2267 = arith.cmpi eq, %and3A_2264, %eq3A_2266 : vector<80x128xi32>
    %slice3A_2268 = vector.extract_strided_slice %select_n3A_2260 {offsets = [1, 0], sizes = [79, 128], strides = [1, 1]} : vector<80x128xf32> to vector<79x128xf32>
    %slice3A_2269 = vector.extract_strided_slice %select_n3A_2260 {offsets = [0, 0], sizes = [1, 128], strides = [1, 1]} : vector<80x128xf32> to vector<1x128xf32>
    %concatenate3A_2270 = tpu.concatenate %slice3A_2268, %slice3A_2269 in 0 : vector<79x128xf32>, vector<1x128xf32> -> vector<80x128xf32>
    %slice3A_2271 = vector.extract_strided_slice %select_n3A_2260 {offsets = [79, 0], sizes = [1, 128], strides = [1, 1]} : vector<80x128xf32> to vector<1x128xf32>
    %slice3A_2272 = vector.extract_strided_slice %select_n3A_2260 {offsets = [0, 0], sizes = [79, 128], strides = [1, 1]} : vector<80x128xf32> to vector<79x128xf32>
    %concatenate3A_2273 = tpu.concatenate %slice3A_2271, %slice3A_2272 in 0 : vector<1x128xf32>, vector<79x128xf32> -> vector<80x128xf32>
    %select_n3A_2274 = arith.select %eq3A_2267, %concatenate3A_2270, %concatenate3A_2273 : vector<80x128xi1>, vector<80x128xf32>
    %slice3A_2275 = vector.extract_strided_slice %select_n3A_2261 {offsets = [1, 0], sizes = [79, 128], strides = [1, 1]} : vector<80x128xi32> to vector<79x128xi32>
    %slice3A_2276 = vector.extract_strided_slice %select_n3A_2261 {offsets = [0, 0], sizes = [1, 128], strides = [1, 1]} : vector<80x128xi32> to vector<1x128xi32>
    %concatenate3A_2277 = tpu.concatenate %slice3A_2275, %slice3A_2276 in 0 : vector<79x128xi32>, vector<1x128xi32> -> vector<80x128xi32>
    %slice3A_2278 = vector.extract_strided_slice %select_n3A_2261 {offsets = [79, 0], sizes = [1, 128], strides = [1, 1]} : vector<80x128xi32> to vector<1x128xi32>
    %slice3A_2279 = vector.extract_strided_slice %select_n3A_2261 {offsets = [0, 0], sizes = [79, 128], strides = [1, 1]} : vector<80x128xi32> to vector<79x128xi32>
    %concatenate3A_2280 = tpu.concatenate %slice3A_2278, %slice3A_2279 in 0 : vector<1x128xi32>, vector<79x128xi32> -> vector<80x128xi32>
    %select_n3A_2281 = arith.select %eq3A_2267, %concatenate3A_2277, %concatenate3A_2280 : vector<80x128xi1>, vector<80x128xi32>
    %gt3A_2282 = arith.cmpf ogt, %select_n3A_2260, %select_n3A_2274 : vector<80x128xf32>
    %eq3A_2283 = arith.cmpf oeq, %select_n3A_2260, %select_n3A_2274 : vector<80x128xf32>
    %lt3A_2284 = arith.cmpi slt, %select_n3A_2261, %select_n3A_2281 : vector<80x128xi32>
    %and3A_2285 = arith.andi %eq3A_2283, %lt3A_2284 : vector<80x128xi1>
    %or3A_2286 = arith.ori %gt3A_2282, %and3A_2285 : vector<80x128xi1>
    %and3A_2287 = arith.constant 2048 : i32
    %and3A_2288 = vector.broadcast %and3A_2287 : i32 to vector<80x128xi32>
    %and3A_2289 = arith.andi %slice3A_6, %and3A_2288 : vector<80x128xi32>
    %eq3A_2290 = arith.constant 0 : i32
    %eq3A_2291 = vector.broadcast %eq3A_2290 : i32 to vector<80x128xi32>
    %eq3A_2292 = arith.cmpi eq, %and3A_2289, %eq3A_2291 : vector<80x128xi32>
    %eq3A_2293 = arith.xori %eq3A_2292, %eq3A_2267 : vector<80x128xi1>
    %eq3A_2294 = arith.constant dense<true> : vector<80x128xi1>
    %eq3A_2295 = arith.xori %eq3A_2293, %eq3A_2294 : vector<80x128xi1>
    %eq3A_2296 = arith.xori %or3A_2286, %eq3A_2295 : vector<80x128xi1>
    %eq3A_2297 = arith.constant dense<true> : vector<80x128xi1>
    %eq3A_2298 = arith.xori %eq3A_2296, %eq3A_2297 : vector<80x128xi1>
    %select_n3A_2299 = arith.select %eq3A_2298, %select_n3A_2260, %select_n3A_2274 : vector<80x128xi1>, vector<80x128xf32>
    %select_n3A_2300 = arith.select %eq3A_2298, %select_n3A_2261, %select_n3A_2281 : vector<80x128xi1>, vector<80x128xi32>
    %and3A_2301 = arith.constant 64 : i32
    %and3A_2302 = vector.broadcast %and3A_2301 : i32 to vector<80x128xi32>
    %and3A_2303 = arith.andi %slice3A_6, %and3A_2302 : vector<80x128xi32>
    %eq3A_2304 = arith.constant 0 : i32
    %eq3A_2305 = vector.broadcast %eq3A_2304 : i32 to vector<80x128xi32>
    %eq3A_2306 = arith.cmpi eq, %and3A_2303, %eq3A_2305 : vector<80x128xi32>
    %slice3A_2307 = vector.extract_strided_slice %select_n3A_2299 {offsets = [0, 64], sizes = [80, 64], strides = [1, 1]} : vector<80x128xf32> to vector<80x64xf32>
    %slice3A_2308 = vector.extract_strided_slice %select_n3A_2299 {offsets = [0, 0], sizes = [80, 64], strides = [1, 1]} : vector<80x128xf32> to vector<80x64xf32>
    %concatenate3A_2309 = tpu.concatenate %slice3A_2307, %slice3A_2308 in 1 : vector<80x64xf32>, vector<80x64xf32> -> vector<80x128xf32>
    %slice3A_2310 = vector.extract_strided_slice %select_n3A_2299 {offsets = [0, 64], sizes = [80, 64], strides = [1, 1]} : vector<80x128xf32> to vector<80x64xf32>
    %slice3A_2311 = vector.extract_strided_slice %select_n3A_2299 {offsets = [0, 0], sizes = [80, 64], strides = [1, 1]} : vector<80x128xf32> to vector<80x64xf32>
    %concatenate3A_2312 = tpu.concatenate %slice3A_2310, %slice3A_2311 in 1 : vector<80x64xf32>, vector<80x64xf32> -> vector<80x128xf32>
    %select_n3A_2313 = arith.select %eq3A_2306, %concatenate3A_2309, %concatenate3A_2312 : vector<80x128xi1>, vector<80x128xf32>
    %slice3A_2314 = vector.extract_strided_slice %select_n3A_2300 {offsets = [0, 64], sizes = [80, 64], strides = [1, 1]} : vector<80x128xi32> to vector<80x64xi32>
    %slice3A_2315 = vector.extract_strided_slice %select_n3A_2300 {offsets = [0, 0], sizes = [80, 64], strides = [1, 1]} : vector<80x128xi32> to vector<80x64xi32>
    %concatenate3A_2316 = tpu.concatenate %slice3A_2314, %slice3A_2315 in 1 : vector<80x64xi32>, vector<80x64xi32> -> vector<80x128xi32>
    %slice3A_2317 = vector.extract_strided_slice %select_n3A_2300 {offsets = [0, 64], sizes = [80, 64], strides = [1, 1]} : vector<80x128xi32> to vector<80x64xi32>
    %slice3A_2318 = vector.extract_strided_slice %select_n3A_2300 {offsets = [0, 0], sizes = [80, 64], strides = [1, 1]} : vector<80x128xi32> to vector<80x64xi32>
    %concatenate3A_2319 = tpu.concatenate %slice3A_2317, %slice3A_2318 in 1 : vector<80x64xi32>, vector<80x64xi32> -> vector<80x128xi32>
    %select_n3A_2320 = arith.select %eq3A_2306, %concatenate3A_2316, %concatenate3A_2319 : vector<80x128xi1>, vector<80x128xi32>
    %gt3A_2321 = arith.cmpf ogt, %select_n3A_2299, %select_n3A_2313 : vector<80x128xf32>
    %eq3A_2322 = arith.cmpf oeq, %select_n3A_2299, %select_n3A_2313 : vector<80x128xf32>
    %lt3A_2323 = arith.cmpi slt, %select_n3A_2300, %select_n3A_2320 : vector<80x128xi32>
    %and3A_2324 = arith.andi %eq3A_2322, %lt3A_2323 : vector<80x128xi1>
    %or3A_2325 = arith.ori %gt3A_2321, %and3A_2324 : vector<80x128xi1>
    %and3A_2326 = arith.constant 2048 : i32
    %and3A_2327 = vector.broadcast %and3A_2326 : i32 to vector<80x128xi32>
    %and3A_2328 = arith.andi %slice3A_6, %and3A_2327 : vector<80x128xi32>
    %eq3A_2329 = arith.constant 0 : i32
    %eq3A_2330 = vector.broadcast %eq3A_2329 : i32 to vector<80x128xi32>
    %eq3A_2331 = arith.cmpi eq, %and3A_2328, %eq3A_2330 : vector<80x128xi32>
    %eq3A_2332 = arith.xori %eq3A_2331, %eq3A_2306 : vector<80x128xi1>
    %eq3A_2333 = arith.constant dense<true> : vector<80x128xi1>
    %eq3A_2334 = arith.xori %eq3A_2332, %eq3A_2333 : vector<80x128xi1>
    %eq3A_2335 = arith.xori %or3A_2325, %eq3A_2334 : vector<80x128xi1>
    %eq3A_2336 = arith.constant dense<true> : vector<80x128xi1>
    %eq3A_2337 = arith.xori %eq3A_2335, %eq3A_2336 : vector<80x128xi1>
    %select_n3A_2338 = arith.select %eq3A_2337, %select_n3A_2299, %select_n3A_2313 : vector<80x128xi1>, vector<80x128xf32>
    %select_n3A_2339 = arith.select %eq3A_2337, %select_n3A_2300, %select_n3A_2320 : vector<80x128xi1>, vector<80x128xi32>
    %and3A_2340 = arith.constant 32 : i32
    %and3A_2341 = vector.broadcast %and3A_2340 : i32 to vector<80x128xi32>
    %and3A_2342 = arith.andi %slice3A_6, %and3A_2341 : vector<80x128xi32>
    %eq3A_2343 = arith.constant 0 : i32
    %eq3A_2344 = vector.broadcast %eq3A_2343 : i32 to vector<80x128xi32>
    %eq3A_2345 = arith.cmpi eq, %and3A_2342, %eq3A_2344 : vector<80x128xi32>
    %slice3A_2346 = vector.extract_strided_slice %select_n3A_2338 {offsets = [0, 32], sizes = [80, 96], strides = [1, 1]} : vector<80x128xf32> to vector<80x96xf32>
    %slice3A_2347 = vector.extract_strided_slice %select_n3A_2338 {offsets = [0, 0], sizes = [80, 32], strides = [1, 1]} : vector<80x128xf32> to vector<80x32xf32>
    %concatenate3A_2348 = tpu.concatenate %slice3A_2346, %slice3A_2347 in 1 : vector<80x96xf32>, vector<80x32xf32> -> vector<80x128xf32>
    %slice3A_2349 = vector.extract_strided_slice %select_n3A_2338 {offsets = [0, 96], sizes = [80, 32], strides = [1, 1]} : vector<80x128xf32> to vector<80x32xf32>
    %slice3A_2350 = vector.extract_strided_slice %select_n3A_2338 {offsets = [0, 0], sizes = [80, 96], strides = [1, 1]} : vector<80x128xf32> to vector<80x96xf32>
    %concatenate3A_2351 = tpu.concatenate %slice3A_2349, %slice3A_2350 in 1 : vector<80x32xf32>, vector<80x96xf32> -> vector<80x128xf32>
    %select_n3A_2352 = arith.select %eq3A_2345, %concatenate3A_2348, %concatenate3A_2351 : vector<80x128xi1>, vector<80x128xf32>
    %slice3A_2353 = vector.extract_strided_slice %select_n3A_2339 {offsets = [0, 32], sizes = [80, 96], strides = [1, 1]} : vector<80x128xi32> to vector<80x96xi32>
    %slice3A_2354 = vector.extract_strided_slice %select_n3A_2339 {offsets = [0, 0], sizes = [80, 32], strides = [1, 1]} : vector<80x128xi32> to vector<80x32xi32>
    %concatenate3A_2355 = tpu.concatenate %slice3A_2353, %slice3A_2354 in 1 : vector<80x96xi32>, vector<80x32xi32> -> vector<80x128xi32>
    %slice3A_2356 = vector.extract_strided_slice %select_n3A_2339 {offsets = [0, 96], sizes = [80, 32], strides = [1, 1]} : vector<80x128xi32> to vector<80x32xi32>
    %slice3A_2357 = vector.extract_strided_slice %select_n3A_2339 {offsets = [0, 0], sizes = [80, 96], strides = [1, 1]} : vector<80x128xi32> to vector<80x96xi32>
    %concatenate3A_2358 = tpu.concatenate %slice3A_2356, %slice3A_2357 in 1 : vector<80x32xi32>, vector<80x96xi32> -> vector<80x128xi32>
    %select_n3A_2359 = arith.select %eq3A_2345, %concatenate3A_2355, %concatenate3A_2358 : vector<80x128xi1>, vector<80x128xi32>
    %gt3A_2360 = arith.cmpf ogt, %select_n3A_2338, %select_n3A_2352 : vector<80x128xf32>
    %eq3A_2361 = arith.cmpf oeq, %select_n3A_2338, %select_n3A_2352 : vector<80x128xf32>
    %lt3A_2362 = arith.cmpi slt, %select_n3A_2339, %select_n3A_2359 : vector<80x128xi32>
    %and3A_2363 = arith.andi %eq3A_2361, %lt3A_2362 : vector<80x128xi1>
    %or3A_2364 = arith.ori %gt3A_2360, %and3A_2363 : vector<80x128xi1>
    %and3A_2365 = arith.constant 2048 : i32
    %and3A_2366 = vector.broadcast %and3A_2365 : i32 to vector<80x128xi32>
    %and3A_2367 = arith.andi %slice3A_6, %and3A_2366 : vector<80x128xi32>
    %eq3A_2368 = arith.constant 0 : i32
    %eq3A_2369 = vector.broadcast %eq3A_2368 : i32 to vector<80x128xi32>
    %eq3A_2370 = arith.cmpi eq, %and3A_2367, %eq3A_2369 : vector<80x128xi32>
    %eq3A_2371 = arith.xori %eq3A_2370, %eq3A_2345 : vector<80x128xi1>
    %eq3A_2372 = arith.constant dense<true> : vector<80x128xi1>
    %eq3A_2373 = arith.xori %eq3A_2371, %eq3A_2372 : vector<80x128xi1>
    %eq3A_2374 = arith.xori %or3A_2364, %eq3A_2373 : vector<80x128xi1>
    %eq3A_2375 = arith.constant dense<true> : vector<80x128xi1>
    %eq3A_2376 = arith.xori %eq3A_2374, %eq3A_2375 : vector<80x128xi1>
    %select_n3A_2377 = arith.select %eq3A_2376, %select_n3A_2338, %select_n3A_2352 : vector<80x128xi1>, vector<80x128xf32>
    %select_n3A_2378 = arith.select %eq3A_2376, %select_n3A_2339, %select_n3A_2359 : vector<80x128xi1>, vector<80x128xi32>
    %and3A_2379 = arith.constant 16 : i32
    %and3A_2380 = vector.broadcast %and3A_2379 : i32 to vector<80x128xi32>
    %and3A_2381 = arith.andi %slice3A_6, %and3A_2380 : vector<80x128xi32>
    %eq3A_2382 = arith.constant 0 : i32
    %eq3A_2383 = vector.broadcast %eq3A_2382 : i32 to vector<80x128xi32>
    %eq3A_2384 = arith.cmpi eq, %and3A_2381, %eq3A_2383 : vector<80x128xi32>
    %slice3A_2385 = vector.extract_strided_slice %select_n3A_2377 {offsets = [0, 16], sizes = [80, 112], strides = [1, 1]} : vector<80x128xf32> to vector<80x112xf32>
    %slice3A_2386 = vector.extract_strided_slice %select_n3A_2377 {offsets = [0, 0], sizes = [80, 16], strides = [1, 1]} : vector<80x128xf32> to vector<80x16xf32>
    %concatenate3A_2387 = tpu.concatenate %slice3A_2385, %slice3A_2386 in 1 : vector<80x112xf32>, vector<80x16xf32> -> vector<80x128xf32>
    %slice3A_2388 = vector.extract_strided_slice %select_n3A_2377 {offsets = [0, 112], sizes = [80, 16], strides = [1, 1]} : vector<80x128xf32> to vector<80x16xf32>
    %slice3A_2389 = vector.extract_strided_slice %select_n3A_2377 {offsets = [0, 0], sizes = [80, 112], strides = [1, 1]} : vector<80x128xf32> to vector<80x112xf32>
    %concatenate3A_2390 = tpu.concatenate %slice3A_2388, %slice3A_2389 in 1 : vector<80x16xf32>, vector<80x112xf32> -> vector<80x128xf32>
    %select_n3A_2391 = arith.select %eq3A_2384, %concatenate3A_2387, %concatenate3A_2390 : vector<80x128xi1>, vector<80x128xf32>
    %slice3A_2392 = vector.extract_strided_slice %select_n3A_2378 {offsets = [0, 16], sizes = [80, 112], strides = [1, 1]} : vector<80x128xi32> to vector<80x112xi32>
    %slice3A_2393 = vector.extract_strided_slice %select_n3A_2378 {offsets = [0, 0], sizes = [80, 16], strides = [1, 1]} : vector<80x128xi32> to vector<80x16xi32>
    %concatenate3A_2394 = tpu.concatenate %slice3A_2392, %slice3A_2393 in 1 : vector<80x112xi32>, vector<80x16xi32> -> vector<80x128xi32>
    %slice3A_2395 = vector.extract_strided_slice %select_n3A_2378 {offsets = [0, 112], sizes = [80, 16], strides = [1, 1]} : vector<80x128xi32> to vector<80x16xi32>
    %slice3A_2396 = vector.extract_strided_slice %select_n3A_2378 {offsets = [0, 0], sizes = [80, 112], strides = [1, 1]} : vector<80x128xi32> to vector<80x112xi32>
    %concatenate3A_2397 = tpu.concatenate %slice3A_2395, %slice3A_2396 in 1 : vector<80x16xi32>, vector<80x112xi32> -> vector<80x128xi32>
    %select_n3A_2398 = arith.select %eq3A_2384, %concatenate3A_2394, %concatenate3A_2397 : vector<80x128xi1>, vector<80x128xi32>
    %gt3A_2399 = arith.cmpf ogt, %select_n3A_2377, %select_n3A_2391 : vector<80x128xf32>
    %eq3A_2400 = arith.cmpf oeq, %select_n3A_2377, %select_n3A_2391 : vector<80x128xf32>
    %lt3A_2401 = arith.cmpi slt, %select_n3A_2378, %select_n3A_2398 : vector<80x128xi32>
    %and3A_2402 = arith.andi %eq3A_2400, %lt3A_2401 : vector<80x128xi1>
    %or3A_2403 = arith.ori %gt3A_2399, %and3A_2402 : vector<80x128xi1>
    %and3A_2404 = arith.constant 2048 : i32
    %and3A_2405 = vector.broadcast %and3A_2404 : i32 to vector<80x128xi32>
    %and3A_2406 = arith.andi %slice3A_6, %and3A_2405 : vector<80x128xi32>
    %eq3A_2407 = arith.constant 0 : i32
    %eq3A_2408 = vector.broadcast %eq3A_2407 : i32 to vector<80x128xi32>
    %eq3A_2409 = arith.cmpi eq, %and3A_2406, %eq3A_2408 : vector<80x128xi32>
    %eq3A_2410 = arith.xori %eq3A_2409, %eq3A_2384 : vector<80x128xi1>
    %eq3A_2411 = arith.constant dense<true> : vector<80x128xi1>
    %eq3A_2412 = arith.xori %eq3A_2410, %eq3A_2411 : vector<80x128xi1>
    %eq3A_2413 = arith.xori %or3A_2403, %eq3A_2412 : vector<80x128xi1>
    %eq3A_2414 = arith.constant dense<true> : vector<80x128xi1>
    %eq3A_2415 = arith.xori %eq3A_2413, %eq3A_2414 : vector<80x128xi1>
    %select_n3A_2416 = arith.select %eq3A_2415, %select_n3A_2377, %select_n3A_2391 : vector<80x128xi1>, vector<80x128xf32>
    %select_n3A_2417 = arith.select %eq3A_2415, %select_n3A_2378, %select_n3A_2398 : vector<80x128xi1>, vector<80x128xi32>
    %and3A_2418 = arith.constant 8 : i32
    %and3A_2419 = vector.broadcast %and3A_2418 : i32 to vector<80x128xi32>
    %and3A_2420 = arith.andi %slice3A_6, %and3A_2419 : vector<80x128xi32>
    %eq3A_2421 = arith.constant 0 : i32
    %eq3A_2422 = vector.broadcast %eq3A_2421 : i32 to vector<80x128xi32>
    %eq3A_2423 = arith.cmpi eq, %and3A_2420, %eq3A_2422 : vector<80x128xi32>
    %slice3A_2424 = vector.extract_strided_slice %select_n3A_2416 {offsets = [0, 8], sizes = [80, 120], strides = [1, 1]} : vector<80x128xf32> to vector<80x120xf32>
    %slice3A_2425 = vector.extract_strided_slice %select_n3A_2416 {offsets = [0, 0], sizes = [80, 8], strides = [1, 1]} : vector<80x128xf32> to vector<80x8xf32>
    %concatenate3A_2426 = tpu.concatenate %slice3A_2424, %slice3A_2425 in 1 : vector<80x120xf32>, vector<80x8xf32> -> vector<80x128xf32>
    %slice3A_2427 = vector.extract_strided_slice %select_n3A_2416 {offsets = [0, 120], sizes = [80, 8], strides = [1, 1]} : vector<80x128xf32> to vector<80x8xf32>
    %slice3A_2428 = vector.extract_strided_slice %select_n3A_2416 {offsets = [0, 0], sizes = [80, 120], strides = [1, 1]} : vector<80x128xf32> to vector<80x120xf32>
    %concatenate3A_2429 = tpu.concatenate %slice3A_2427, %slice3A_2428 in 1 : vector<80x8xf32>, vector<80x120xf32> -> vector<80x128xf32>
    %select_n3A_2430 = arith.select %eq3A_2423, %concatenate3A_2426, %concatenate3A_2429 : vector<80x128xi1>, vector<80x128xf32>
    %slice3A_2431 = vector.extract_strided_slice %select_n3A_2417 {offsets = [0, 8], sizes = [80, 120], strides = [1, 1]} : vector<80x128xi32> to vector<80x120xi32>
    %slice3A_2432 = vector.extract_strided_slice %select_n3A_2417 {offsets = [0, 0], sizes = [80, 8], strides = [1, 1]} : vector<80x128xi32> to vector<80x8xi32>
    %concatenate3A_2433 = tpu.concatenate %slice3A_2431, %slice3A_2432 in 1 : vector<80x120xi32>, vector<80x8xi32> -> vector<80x128xi32>
    %slice3A_2434 = vector.extract_strided_slice %select_n3A_2417 {offsets = [0, 120], sizes = [80, 8], strides = [1, 1]} : vector<80x128xi32> to vector<80x8xi32>
    %slice3A_2435 = vector.extract_strided_slice %select_n3A_2417 {offsets = [0, 0], sizes = [80, 120], strides = [1, 1]} : vector<80x128xi32> to vector<80x120xi32>
    %concatenate3A_2436 = tpu.concatenate %slice3A_2434, %slice3A_2435 in 1 : vector<80x8xi32>, vector<80x120xi32> -> vector<80x128xi32>
    %select_n3A_2437 = arith.select %eq3A_2423, %concatenate3A_2433, %concatenate3A_2436 : vector<80x128xi1>, vector<80x128xi32>
    %gt3A_2438 = arith.cmpf ogt, %select_n3A_2416, %select_n3A_2430 : vector<80x128xf32>
    %eq3A_2439 = arith.cmpf oeq, %select_n3A_2416, %select_n3A_2430 : vector<80x128xf32>
    %lt3A_2440 = arith.cmpi slt, %select_n3A_2417, %select_n3A_2437 : vector<80x128xi32>
    %and3A_2441 = arith.andi %eq3A_2439, %lt3A_2440 : vector<80x128xi1>
    %or3A_2442 = arith.ori %gt3A_2438, %and3A_2441 : vector<80x128xi1>
    %and3A_2443 = arith.constant 2048 : i32
    %and3A_2444 = vector.broadcast %and3A_2443 : i32 to vector<80x128xi32>
    %and3A_2445 = arith.andi %slice3A_6, %and3A_2444 : vector<80x128xi32>
    %eq3A_2446 = arith.constant 0 : i32
    %eq3A_2447 = vector.broadcast %eq3A_2446 : i32 to vector<80x128xi32>
    %eq3A_2448 = arith.cmpi eq, %and3A_2445, %eq3A_2447 : vector<80x128xi32>
    %eq3A_2449 = arith.xori %eq3A_2448, %eq3A_2423 : vector<80x128xi1>
    %eq3A_2450 = arith.constant dense<true> : vector<80x128xi1>
    %eq3A_2451 = arith.xori %eq3A_2449, %eq3A_2450 : vector<80x128xi1>
    %eq3A_2452 = arith.xori %or3A_2442, %eq3A_2451 : vector<80x128xi1>
    %eq3A_2453 = arith.constant dense<true> : vector<80x128xi1>
    %eq3A_2454 = arith.xori %eq3A_2452, %eq3A_2453 : vector<80x128xi1>
    %select_n3A_2455 = arith.select %eq3A_2454, %select_n3A_2416, %select_n3A_2430 : vector<80x128xi1>, vector<80x128xf32>
    %select_n3A_2456 = arith.select %eq3A_2454, %select_n3A_2417, %select_n3A_2437 : vector<80x128xi1>, vector<80x128xi32>
    %and3A_2457 = arith.constant 4 : i32
    %and3A_2458 = vector.broadcast %and3A_2457 : i32 to vector<80x128xi32>
    %and3A_2459 = arith.andi %slice3A_6, %and3A_2458 : vector<80x128xi32>
    %eq3A_2460 = arith.constant 0 : i32
    %eq3A_2461 = vector.broadcast %eq3A_2460 : i32 to vector<80x128xi32>
    %eq3A_2462 = arith.cmpi eq, %and3A_2459, %eq3A_2461 : vector<80x128xi32>
    %slice3A_2463 = vector.extract_strided_slice %select_n3A_2455 {offsets = [0, 4], sizes = [80, 124], strides = [1, 1]} : vector<80x128xf32> to vector<80x124xf32>
    %slice3A_2464 = vector.extract_strided_slice %select_n3A_2455 {offsets = [0, 0], sizes = [80, 4], strides = [1, 1]} : vector<80x128xf32> to vector<80x4xf32>
    %concatenate3A_2465 = tpu.concatenate %slice3A_2463, %slice3A_2464 in 1 : vector<80x124xf32>, vector<80x4xf32> -> vector<80x128xf32>
    %slice3A_2466 = vector.extract_strided_slice %select_n3A_2455 {offsets = [0, 124], sizes = [80, 4], strides = [1, 1]} : vector<80x128xf32> to vector<80x4xf32>
    %slice3A_2467 = vector.extract_strided_slice %select_n3A_2455 {offsets = [0, 0], sizes = [80, 124], strides = [1, 1]} : vector<80x128xf32> to vector<80x124xf32>
    %concatenate3A_2468 = tpu.concatenate %slice3A_2466, %slice3A_2467 in 1 : vector<80x4xf32>, vector<80x124xf32> -> vector<80x128xf32>
    %select_n3A_2469 = arith.select %eq3A_2462, %concatenate3A_2465, %concatenate3A_2468 : vector<80x128xi1>, vector<80x128xf32>
    %slice3A_2470 = vector.extract_strided_slice %select_n3A_2456 {offsets = [0, 4], sizes = [80, 124], strides = [1, 1]} : vector<80x128xi32> to vector<80x124xi32>
    %slice3A_2471 = vector.extract_strided_slice %select_n3A_2456 {offsets = [0, 0], sizes = [80, 4], strides = [1, 1]} : vector<80x128xi32> to vector<80x4xi32>
    %concatenate3A_2472 = tpu.concatenate %slice3A_2470, %slice3A_2471 in 1 : vector<80x124xi32>, vector<80x4xi32> -> vector<80x128xi32>
    %slice3A_2473 = vector.extract_strided_slice %select_n3A_2456 {offsets = [0, 124], sizes = [80, 4], strides = [1, 1]} : vector<80x128xi32> to vector<80x4xi32>
    %slice3A_2474 = vector.extract_strided_slice %select_n3A_2456 {offsets = [0, 0], sizes = [80, 124], strides = [1, 1]} : vector<80x128xi32> to vector<80x124xi32>
    %concatenate3A_2475 = tpu.concatenate %slice3A_2473, %slice3A_2474 in 1 : vector<80x4xi32>, vector<80x124xi32> -> vector<80x128xi32>
    %select_n3A_2476 = arith.select %eq3A_2462, %concatenate3A_2472, %concatenate3A_2475 : vector<80x128xi1>, vector<80x128xi32>
    %gt3A_2477 = arith.cmpf ogt, %select_n3A_2455, %select_n3A_2469 : vector<80x128xf32>
    %eq3A_2478 = arith.cmpf oeq, %select_n3A_2455, %select_n3A_2469 : vector<80x128xf32>
    %lt3A_2479 = arith.cmpi slt, %select_n3A_2456, %select_n3A_2476 : vector<80x128xi32>
    %and3A_2480 = arith.andi %eq3A_2478, %lt3A_2479 : vector<80x128xi1>
    %or3A_2481 = arith.ori %gt3A_2477, %and3A_2480 : vector<80x128xi1>
    %and3A_2482 = arith.constant 2048 : i32
    %and3A_2483 = vector.broadcast %and3A_2482 : i32 to vector<80x128xi32>
    %and3A_2484 = arith.andi %slice3A_6, %and3A_2483 : vector<80x128xi32>
    %eq3A_2485 = arith.constant 0 : i32
    %eq3A_2486 = vector.broadcast %eq3A_2485 : i32 to vector<80x128xi32>
    %eq3A_2487 = arith.cmpi eq, %and3A_2484, %eq3A_2486 : vector<80x128xi32>
    %eq3A_2488 = arith.xori %eq3A_2487, %eq3A_2462 : vector<80x128xi1>
    %eq3A_2489 = arith.constant dense<true> : vector<80x128xi1>
    %eq3A_2490 = arith.xori %eq3A_2488, %eq3A_2489 : vector<80x128xi1>
    %eq3A_2491 = arith.xori %or3A_2481, %eq3A_2490 : vector<80x128xi1>
    %eq3A_2492 = arith.constant dense<true> : vector<80x128xi1>
    %eq3A_2493 = arith.xori %eq3A_2491, %eq3A_2492 : vector<80x128xi1>
    %select_n3A_2494 = arith.select %eq3A_2493, %select_n3A_2455, %select_n3A_2469 : vector<80x128xi1>, vector<80x128xf32>
    %select_n3A_2495 = arith.select %eq3A_2493, %select_n3A_2456, %select_n3A_2476 : vector<80x128xi1>, vector<80x128xi32>
    %and3A_2496 = arith.constant 2 : i32
    %and3A_2497 = vector.broadcast %and3A_2496 : i32 to vector<80x128xi32>
    %and3A_2498 = arith.andi %slice3A_6, %and3A_2497 : vector<80x128xi32>
    %eq3A_2499 = arith.constant 0 : i32
    %eq3A_2500 = vector.broadcast %eq3A_2499 : i32 to vector<80x128xi32>
    %eq3A_2501 = arith.cmpi eq, %and3A_2498, %eq3A_2500 : vector<80x128xi32>
    %slice3A_2502 = vector.extract_strided_slice %select_n3A_2494 {offsets = [0, 2], sizes = [80, 126], strides = [1, 1]} : vector<80x128xf32> to vector<80x126xf32>
    %slice3A_2503 = vector.extract_strided_slice %select_n3A_2494 {offsets = [0, 0], sizes = [80, 2], strides = [1, 1]} : vector<80x128xf32> to vector<80x2xf32>
    %concatenate3A_2504 = tpu.concatenate %slice3A_2502, %slice3A_2503 in 1 : vector<80x126xf32>, vector<80x2xf32> -> vector<80x128xf32>
    %slice3A_2505 = vector.extract_strided_slice %select_n3A_2494 {offsets = [0, 126], sizes = [80, 2], strides = [1, 1]} : vector<80x128xf32> to vector<80x2xf32>
    %slice3A_2506 = vector.extract_strided_slice %select_n3A_2494 {offsets = [0, 0], sizes = [80, 126], strides = [1, 1]} : vector<80x128xf32> to vector<80x126xf32>
    %concatenate3A_2507 = tpu.concatenate %slice3A_2505, %slice3A_2506 in 1 : vector<80x2xf32>, vector<80x126xf32> -> vector<80x128xf32>
    %select_n3A_2508 = arith.select %eq3A_2501, %concatenate3A_2504, %concatenate3A_2507 : vector<80x128xi1>, vector<80x128xf32>
    %slice3A_2509 = vector.extract_strided_slice %select_n3A_2495 {offsets = [0, 2], sizes = [80, 126], strides = [1, 1]} : vector<80x128xi32> to vector<80x126xi32>
    %slice3A_2510 = vector.extract_strided_slice %select_n3A_2495 {offsets = [0, 0], sizes = [80, 2], strides = [1, 1]} : vector<80x128xi32> to vector<80x2xi32>
    %concatenate3A_2511 = tpu.concatenate %slice3A_2509, %slice3A_2510 in 1 : vector<80x126xi32>, vector<80x2xi32> -> vector<80x128xi32>
    %slice3A_2512 = vector.extract_strided_slice %select_n3A_2495 {offsets = [0, 126], sizes = [80, 2], strides = [1, 1]} : vector<80x128xi32> to vector<80x2xi32>
    %slice3A_2513 = vector.extract_strided_slice %select_n3A_2495 {offsets = [0, 0], sizes = [80, 126], strides = [1, 1]} : vector<80x128xi32> to vector<80x126xi32>
    %concatenate3A_2514 = tpu.concatenate %slice3A_2512, %slice3A_2513 in 1 : vector<80x2xi32>, vector<80x126xi32> -> vector<80x128xi32>
    %select_n3A_2515 = arith.select %eq3A_2501, %concatenate3A_2511, %concatenate3A_2514 : vector<80x128xi1>, vector<80x128xi32>
    %gt3A_2516 = arith.cmpf ogt, %select_n3A_2494, %select_n3A_2508 : vector<80x128xf32>
    %eq3A_2517 = arith.cmpf oeq, %select_n3A_2494, %select_n3A_2508 : vector<80x128xf32>
    %lt3A_2518 = arith.cmpi slt, %select_n3A_2495, %select_n3A_2515 : vector<80x128xi32>
    %and3A_2519 = arith.andi %eq3A_2517, %lt3A_2518 : vector<80x128xi1>
    %or3A_2520 = arith.ori %gt3A_2516, %and3A_2519 : vector<80x128xi1>
    %and3A_2521 = arith.constant 2048 : i32
    %and3A_2522 = vector.broadcast %and3A_2521 : i32 to vector<80x128xi32>
    %and3A_2523 = arith.andi %slice3A_6, %and3A_2522 : vector<80x128xi32>
    %eq3A_2524 = arith.constant 0 : i32
    %eq3A_2525 = vector.broadcast %eq3A_2524 : i32 to vector<80x128xi32>
    %eq3A_2526 = arith.cmpi eq, %and3A_2523, %eq3A_2525 : vector<80x128xi32>
    %eq3A_2527 = arith.xori %eq3A_2526, %eq3A_2501 : vector<80x128xi1>
    %eq3A_2528 = arith.constant dense<true> : vector<80x128xi1>
    %eq3A_2529 = arith.xori %eq3A_2527, %eq3A_2528 : vector<80x128xi1>
    %eq3A_2530 = arith.xori %or3A_2520, %eq3A_2529 : vector<80x128xi1>
    %eq3A_2531 = arith.constant dense<true> : vector<80x128xi1>
    %eq3A_2532 = arith.xori %eq3A_2530, %eq3A_2531 : vector<80x128xi1>
    %select_n3A_2533 = arith.select %eq3A_2532, %select_n3A_2494, %select_n3A_2508 : vector<80x128xi1>, vector<80x128xf32>
    %select_n3A_2534 = arith.select %eq3A_2532, %select_n3A_2495, %select_n3A_2515 : vector<80x128xi1>, vector<80x128xi32>
    %and3A_2535 = arith.constant 1 : i32
    %and3A_2536 = vector.broadcast %and3A_2535 : i32 to vector<80x128xi32>
    %and3A_2537 = arith.andi %slice3A_6, %and3A_2536 : vector<80x128xi32>
    %eq3A_2538 = arith.constant 0 : i32
    %eq3A_2539 = vector.broadcast %eq3A_2538 : i32 to vector<80x128xi32>
    %eq3A_2540 = arith.cmpi eq, %and3A_2537, %eq3A_2539 : vector<80x128xi32>
    %slice3A_2541 = vector.extract_strided_slice %select_n3A_2533 {offsets = [0, 1], sizes = [80, 127], strides = [1, 1]} : vector<80x128xf32> to vector<80x127xf32>
    %slice3A_2542 = vector.extract_strided_slice %select_n3A_2533 {offsets = [0, 0], sizes = [80, 1], strides = [1, 1]} : vector<80x128xf32> to vector<80x1xf32>
    %concatenate3A_2543 = tpu.concatenate %slice3A_2541, %slice3A_2542 in 1 : vector<80x127xf32>, vector<80x1xf32> -> vector<80x128xf32>
    %slice3A_2544 = vector.extract_strided_slice %select_n3A_2533 {offsets = [0, 127], sizes = [80, 1], strides = [1, 1]} : vector<80x128xf32> to vector<80x1xf32>
    %slice3A_2545 = vector.extract_strided_slice %select_n3A_2533 {offsets = [0, 0], sizes = [80, 127], strides = [1, 1]} : vector<80x128xf32> to vector<80x127xf32>
    %concatenate3A_2546 = tpu.concatenate %slice3A_2544, %slice3A_2545 in 1 : vector<80x1xf32>, vector<80x127xf32> -> vector<80x128xf32>
    %select_n3A_2547 = arith.select %eq3A_2540, %concatenate3A_2543, %concatenate3A_2546 : vector<80x128xi1>, vector<80x128xf32>
    %slice3A_2548 = vector.extract_strided_slice %select_n3A_2534 {offsets = [0, 1], sizes = [80, 127], strides = [1, 1]} : vector<80x128xi32> to vector<80x127xi32>
    %slice3A_2549 = vector.extract_strided_slice %select_n3A_2534 {offsets = [0, 0], sizes = [80, 1], strides = [1, 1]} : vector<80x128xi32> to vector<80x1xi32>
    %concatenate3A_2550 = tpu.concatenate %slice3A_2548, %slice3A_2549 in 1 : vector<80x127xi32>, vector<80x1xi32> -> vector<80x128xi32>
    %slice3A_2551 = vector.extract_strided_slice %select_n3A_2534 {offsets = [0, 127], sizes = [80, 1], strides = [1, 1]} : vector<80x128xi32> to vector<80x1xi32>
    %slice3A_2552 = vector.extract_strided_slice %select_n3A_2534 {offsets = [0, 0], sizes = [80, 127], strides = [1, 1]} : vector<80x128xi32> to vector<80x127xi32>
    %concatenate3A_2553 = tpu.concatenate %slice3A_2551, %slice3A_2552 in 1 : vector<80x1xi32>, vector<80x127xi32> -> vector<80x128xi32>
    %select_n3A_2554 = arith.select %eq3A_2540, %concatenate3A_2550, %concatenate3A_2553 : vector<80x128xi1>, vector<80x128xi32>
    %gt3A_2555 = arith.cmpf ogt, %select_n3A_2533, %select_n3A_2547 : vector<80x128xf32>
    %eq3A_2556 = arith.cmpf oeq, %select_n3A_2533, %select_n3A_2547 : vector<80x128xf32>
    %lt3A_2557 = arith.cmpi slt, %select_n3A_2534, %select_n3A_2554 : vector<80x128xi32>
    %and3A_2558 = arith.andi %eq3A_2556, %lt3A_2557 : vector<80x128xi1>
    %or3A_2559 = arith.ori %gt3A_2555, %and3A_2558 : vector<80x128xi1>
    %and3A_2560 = arith.constant 2048 : i32
    %and3A_2561 = vector.broadcast %and3A_2560 : i32 to vector<80x128xi32>
    %and3A_2562 = arith.andi %slice3A_6, %and3A_2561 : vector<80x128xi32>
    %eq3A_2563 = arith.constant 0 : i32
    %eq3A_2564 = vector.broadcast %eq3A_2563 : i32 to vector<80x128xi32>
    %eq3A_2565 = arith.cmpi eq, %and3A_2562, %eq3A_2564 : vector<80x128xi32>
    %eq3A_2566 = arith.xori %eq3A_2565, %eq3A_2540 : vector<80x128xi1>
    %eq3A_2567 = arith.constant dense<true> : vector<80x128xi1>
    %eq3A_2568 = arith.xori %eq3A_2566, %eq3A_2567 : vector<80x128xi1>
    %eq3A_2569 = arith.xori %or3A_2559, %eq3A_2568 : vector<80x128xi1>
    %eq3A_2570 = arith.constant dense<true> : vector<80x128xi1>
    %eq3A_2571 = arith.xori %eq3A_2569, %eq3A_2570 : vector<80x128xi1>
    %select_n3A_2572 = arith.select %eq3A_2571, %select_n3A_2533, %select_n3A_2547 : vector<80x128xi1>, vector<80x128xf32>
    %select_n3A_2573 = arith.select %eq3A_2571, %select_n3A_2534, %select_n3A_2554 : vector<80x128xi1>, vector<80x128xi32>
    %slice3A_2574 = vector.extract_strided_slice %get3A_1 {offsets = [80, 0], sizes = [48, 128], strides = [1, 1]} : vector<128x128xf32> to vector<48x128xf32>
    %concatenate3A_2575 = tpu.concatenate %select_n3A_2572, %slice3A_2574 in 0 : vector<80x128xf32>, vector<48x128xf32> -> vector<128x128xf32>
    %slice3A_2576 = vector.extract_strided_slice %add3A {offsets = [80, 0], sizes = [48, 128], strides = [1, 1]} : vector<128x128xi32> to vector<48x128xi32>
    %concatenate3A_2577 = tpu.concatenate %select_n3A_2573, %slice3A_2576 in 0 : vector<80x128xi32>, vector<48x128xi32> -> vector<128x128xi32>
    %iota3A_2578 = tpu.iota {dimensions = array<i32: 0>} : vector<128x128xi32>
    %mul3A_2579 = arith.constant 128 : i32
    %mul3A_2580 = vector.broadcast %mul3A_2579 : i32 to vector<128x128xi32>
    %mul3A_2581 = arith.muli %iota3A_2578, %mul3A_2580 : vector<128x128xi32>
    %iota3A_2582 = tpu.iota {dimensions = array<i32: 1>} : vector<128x128xi32>
    %add3A_2583 = arith.addi %mul3A_2581, %iota3A_2582 : vector<128x128xi32>
    %and3A_2584 = arith.constant 2048 : i32
    %and3A_2585 = vector.broadcast %and3A_2584 : i32 to vector<128x128xi32>
    %and3A_2586 = arith.andi %add3A_2583, %and3A_2585 : vector<128x128xi32>
    %eq3A_2587 = arith.constant 0 : i32
    %eq3A_2588 = vector.broadcast %eq3A_2587 : i32 to vector<128x128xi32>
    %eq3A_2589 = arith.cmpi eq, %and3A_2586, %eq3A_2588 : vector<128x128xi32>
    %slice3A_2590 = vector.extract_strided_slice %concatenate3A_2575 {offsets = [16, 0], sizes = [112, 128], strides = [1, 1]} : vector<128x128xf32> to vector<112x128xf32>
    %slice3A_2591 = vector.extract_strided_slice %concatenate3A_2575 {offsets = [0, 0], sizes = [16, 128], strides = [1, 1]} : vector<128x128xf32> to vector<16x128xf32>
    %concatenate3A_2592 = tpu.concatenate %slice3A_2590, %slice3A_2591 in 0 : vector<112x128xf32>, vector<16x128xf32> -> vector<128x128xf32>
    %slice3A_2593 = vector.extract_strided_slice %concatenate3A_2575 {offsets = [112, 0], sizes = [16, 128], strides = [1, 1]} : vector<128x128xf32> to vector<16x128xf32>
    %slice3A_2594 = vector.extract_strided_slice %concatenate3A_2575 {offsets = [0, 0], sizes = [112, 128], strides = [1, 1]} : vector<128x128xf32> to vector<112x128xf32>
    %concatenate3A_2595 = tpu.concatenate %slice3A_2593, %slice3A_2594 in 0 : vector<16x128xf32>, vector<112x128xf32> -> vector<128x128xf32>
    %select_n3A_2596 = arith.select %eq3A_2589, %concatenate3A_2592, %concatenate3A_2595 : vector<128x128xi1>, vector<128x128xf32>
    %slice3A_2597 = vector.extract_strided_slice %concatenate3A_2577 {offsets = [16, 0], sizes = [112, 128], strides = [1, 1]} : vector<128x128xi32> to vector<112x128xi32>
    %slice3A_2598 = vector.extract_strided_slice %concatenate3A_2577 {offsets = [0, 0], sizes = [16, 128], strides = [1, 1]} : vector<128x128xi32> to vector<16x128xi32>
    %concatenate3A_2599 = tpu.concatenate %slice3A_2597, %slice3A_2598 in 0 : vector<112x128xi32>, vector<16x128xi32> -> vector<128x128xi32>
    %slice3A_2600 = vector.extract_strided_slice %concatenate3A_2577 {offsets = [112, 0], sizes = [16, 128], strides = [1, 1]} : vector<128x128xi32> to vector<16x128xi32>
    %slice3A_2601 = vector.extract_strided_slice %concatenate3A_2577 {offsets = [0, 0], sizes = [112, 128], strides = [1, 1]} : vector<128x128xi32> to vector<112x128xi32>
    %concatenate3A_2602 = tpu.concatenate %slice3A_2600, %slice3A_2601 in 0 : vector<16x128xi32>, vector<112x128xi32> -> vector<128x128xi32>
    %select_n3A_2603 = arith.select %eq3A_2589, %concatenate3A_2599, %concatenate3A_2602 : vector<128x128xi1>, vector<128x128xi32>
    %gt3A_2604 = arith.cmpf ogt, %concatenate3A_2575, %select_n3A_2596 : vector<128x128xf32>
    %eq3A_2605 = arith.cmpf oeq, %concatenate3A_2575, %select_n3A_2596 : vector<128x128xf32>
    %lt3A_2606 = arith.cmpi slt, %concatenate3A_2577, %select_n3A_2603 : vector<128x128xi32>
    %and3A_2607 = arith.andi %eq3A_2605, %lt3A_2606 : vector<128x128xi1>
    %or3A_2608 = arith.ori %gt3A_2604, %and3A_2607 : vector<128x128xi1>
    %and3A_2609 = arith.constant 4096 : i32
    %and3A_2610 = vector.broadcast %and3A_2609 : i32 to vector<128x128xi32>
    %and3A_2611 = arith.andi %add3A_2583, %and3A_2610 : vector<128x128xi32>
    %eq3A_2612 = arith.constant 0 : i32
    %eq3A_2613 = vector.broadcast %eq3A_2612 : i32 to vector<128x128xi32>
    %eq3A_2614 = arith.cmpi eq, %and3A_2611, %eq3A_2613 : vector<128x128xi32>
    %eq3A_2615 = arith.xori %eq3A_2614, %eq3A_2589 : vector<128x128xi1>
    %eq3A_2616 = arith.constant dense<true> : vector<128x128xi1>
    %eq3A_2617 = arith.xori %eq3A_2615, %eq3A_2616 : vector<128x128xi1>
    %eq3A_2618 = arith.xori %or3A_2608, %eq3A_2617 : vector<128x128xi1>
    %eq3A_2619 = arith.constant dense<true> : vector<128x128xi1>
    %eq3A_2620 = arith.xori %eq3A_2618, %eq3A_2619 : vector<128x128xi1>
    %select_n3A_2621 = arith.select %eq3A_2620, %concatenate3A_2575, %select_n3A_2596 : vector<128x128xi1>, vector<128x128xf32>
    %select_n3A_2622 = arith.select %eq3A_2620, %concatenate3A_2577, %select_n3A_2603 : vector<128x128xi1>, vector<128x128xi32>
    %slice3A_2623 = vector.extract_strided_slice %select_n3A_2621 {offsets = [0, 0], sizes = [16, 128], strides = [1, 1]} : vector<128x128xf32> to vector<16x128xf32>
    %slice3A_2624 = vector.extract_strided_slice %select_n3A_2621 {offsets = [48, 0], sizes = [16, 128], strides = [1, 1]} : vector<128x128xf32> to vector<16x128xf32>
    %slice3A_2625 = vector.extract_strided_slice %select_n3A_2621 {offsets = [64, 0], sizes = [16, 128], strides = [1, 1]} : vector<128x128xf32> to vector<16x128xf32>
    %slice3A_2626 = vector.extract_strided_slice %select_n3A_2621 {offsets = [112, 0], sizes = [16, 128], strides = [1, 1]} : vector<128x128xf32> to vector<16x128xf32>
    %concatenate3A_2627 = tpu.concatenate %slice3A_2623, %slice3A_2624, %slice3A_2625, %slice3A_2626 in 0 : vector<16x128xf32>, vector<16x128xf32>, vector<16x128xf32>, vector<16x128xf32> -> vector<64x128xf32>
    %slice3A_2628 = vector.extract_strided_slice %select_n3A_2622 {offsets = [0, 0], sizes = [16, 128], strides = [1, 1]} : vector<128x128xi32> to vector<16x128xi32>
    %slice3A_2629 = vector.extract_strided_slice %select_n3A_2622 {offsets = [48, 0], sizes = [16, 128], strides = [1, 1]} : vector<128x128xi32> to vector<16x128xi32>
    %slice3A_2630 = vector.extract_strided_slice %select_n3A_2622 {offsets = [64, 0], sizes = [16, 128], strides = [1, 1]} : vector<128x128xi32> to vector<16x128xi32>
    %slice3A_2631 = vector.extract_strided_slice %select_n3A_2622 {offsets = [112, 0], sizes = [16, 128], strides = [1, 1]} : vector<128x128xi32> to vector<16x128xi32>
    %concatenate3A_2632 = tpu.concatenate %slice3A_2628, %slice3A_2629, %slice3A_2630, %slice3A_2631 in 0 : vector<16x128xi32>, vector<16x128xi32>, vector<16x128xi32>, vector<16x128xi32> -> vector<64x128xi32>
    %iota3A_2633 = tpu.iota {dimensions = array<i32: 0>} : vector<64x128xi32>
    %mul3A_2634 = arith.constant 128 : i32
    %mul3A_2635 = vector.broadcast %mul3A_2634 : i32 to vector<64x128xi32>
    %mul3A_2636 = arith.muli %iota3A_2633, %mul3A_2635 : vector<64x128xi32>
    %iota3A_2637 = tpu.iota {dimensions = array<i32: 1>} : vector<64x128xi32>
    %add3A_2638 = arith.addi %mul3A_2636, %iota3A_2637 : vector<64x128xi32>
    %and3A_2639 = arith.constant 1024 : i32
    %and3A_2640 = vector.broadcast %and3A_2639 : i32 to vector<64x128xi32>
    %and3A_2641 = arith.andi %add3A_2638, %and3A_2640 : vector<64x128xi32>
    %eq3A_2642 = arith.constant 0 : i32
    %eq3A_2643 = vector.broadcast %eq3A_2642 : i32 to vector<64x128xi32>
    %eq3A_2644 = arith.cmpi eq, %and3A_2641, %eq3A_2643 : vector<64x128xi32>
    %slice3A_2645 = vector.extract_strided_slice %concatenate3A_2627 {offsets = [8, 0], sizes = [56, 128], strides = [1, 1]} : vector<64x128xf32> to vector<56x128xf32>
    %slice3A_2646 = vector.extract_strided_slice %concatenate3A_2627 {offsets = [0, 0], sizes = [8, 128], strides = [1, 1]} : vector<64x128xf32> to vector<8x128xf32>
    %concatenate3A_2647 = tpu.concatenate %slice3A_2645, %slice3A_2646 in 0 : vector<56x128xf32>, vector<8x128xf32> -> vector<64x128xf32>
    %slice3A_2648 = vector.extract_strided_slice %concatenate3A_2627 {offsets = [56, 0], sizes = [8, 128], strides = [1, 1]} : vector<64x128xf32> to vector<8x128xf32>
    %slice3A_2649 = vector.extract_strided_slice %concatenate3A_2627 {offsets = [0, 0], sizes = [56, 128], strides = [1, 1]} : vector<64x128xf32> to vector<56x128xf32>
    %concatenate3A_2650 = tpu.concatenate %slice3A_2648, %slice3A_2649 in 0 : vector<8x128xf32>, vector<56x128xf32> -> vector<64x128xf32>
    %select_n3A_2651 = arith.select %eq3A_2644, %concatenate3A_2647, %concatenate3A_2650 : vector<64x128xi1>, vector<64x128xf32>
    %slice3A_2652 = vector.extract_strided_slice %concatenate3A_2632 {offsets = [8, 0], sizes = [56, 128], strides = [1, 1]} : vector<64x128xi32> to vector<56x128xi32>
    %slice3A_2653 = vector.extract_strided_slice %concatenate3A_2632 {offsets = [0, 0], sizes = [8, 128], strides = [1, 1]} : vector<64x128xi32> to vector<8x128xi32>
    %concatenate3A_2654 = tpu.concatenate %slice3A_2652, %slice3A_2653 in 0 : vector<56x128xi32>, vector<8x128xi32> -> vector<64x128xi32>
    %slice3A_2655 = vector.extract_strided_slice %concatenate3A_2632 {offsets = [56, 0], sizes = [8, 128], strides = [1, 1]} : vector<64x128xi32> to vector<8x128xi32>
    %slice3A_2656 = vector.extract_strided_slice %concatenate3A_2632 {offsets = [0, 0], sizes = [56, 128], strides = [1, 1]} : vector<64x128xi32> to vector<56x128xi32>
    %concatenate3A_2657 = tpu.concatenate %slice3A_2655, %slice3A_2656 in 0 : vector<8x128xi32>, vector<56x128xi32> -> vector<64x128xi32>
    %select_n3A_2658 = arith.select %eq3A_2644, %concatenate3A_2654, %concatenate3A_2657 : vector<64x128xi1>, vector<64x128xi32>
    %gt3A_2659 = arith.cmpf ogt, %concatenate3A_2627, %select_n3A_2651 : vector<64x128xf32>
    %eq3A_2660 = arith.cmpf oeq, %concatenate3A_2627, %select_n3A_2651 : vector<64x128xf32>
    %lt3A_2661 = arith.cmpi slt, %concatenate3A_2632, %select_n3A_2658 : vector<64x128xi32>
    %and3A_2662 = arith.andi %eq3A_2660, %lt3A_2661 : vector<64x128xi1>
    %or3A_2663 = arith.ori %gt3A_2659, %and3A_2662 : vector<64x128xi1>
    %and3A_2664 = arith.constant 2048 : i32
    %and3A_2665 = vector.broadcast %and3A_2664 : i32 to vector<64x128xi32>
    %and3A_2666 = arith.andi %add3A_2638, %and3A_2665 : vector<64x128xi32>
    %eq3A_2667 = arith.constant 0 : i32
    %eq3A_2668 = vector.broadcast %eq3A_2667 : i32 to vector<64x128xi32>
    %eq3A_2669 = arith.cmpi eq, %and3A_2666, %eq3A_2668 : vector<64x128xi32>
    %eq3A_2670 = arith.xori %eq3A_2669, %eq3A_2644 : vector<64x128xi1>
    %eq3A_2671 = arith.constant dense<true> : vector<64x128xi1>
    %eq3A_2672 = arith.xori %eq3A_2670, %eq3A_2671 : vector<64x128xi1>
    %eq3A_2673 = arith.xori %or3A_2663, %eq3A_2672 : vector<64x128xi1>
    %eq3A_2674 = arith.constant dense<true> : vector<64x128xi1>
    %eq3A_2675 = arith.xori %eq3A_2673, %eq3A_2674 : vector<64x128xi1>
    %select_n3A_2676 = arith.select %eq3A_2675, %concatenate3A_2627, %select_n3A_2651 : vector<64x128xi1>, vector<64x128xf32>
    %select_n3A_2677 = arith.select %eq3A_2675, %concatenate3A_2632, %select_n3A_2658 : vector<64x128xi1>, vector<64x128xi32>
    %and3A_2678 = arith.constant 512 : i32
    %and3A_2679 = vector.broadcast %and3A_2678 : i32 to vector<64x128xi32>
    %and3A_2680 = arith.andi %add3A_2638, %and3A_2679 : vector<64x128xi32>
    %eq3A_2681 = arith.constant 0 : i32
    %eq3A_2682 = vector.broadcast %eq3A_2681 : i32 to vector<64x128xi32>
    %eq3A_2683 = arith.cmpi eq, %and3A_2680, %eq3A_2682 : vector<64x128xi32>
    %slice3A_2684 = vector.extract_strided_slice %select_n3A_2676 {offsets = [4, 0], sizes = [60, 128], strides = [1, 1]} : vector<64x128xf32> to vector<60x128xf32>
    %slice3A_2685 = vector.extract_strided_slice %select_n3A_2676 {offsets = [0, 0], sizes = [4, 128], strides = [1, 1]} : vector<64x128xf32> to vector<4x128xf32>
    %concatenate3A_2686 = tpu.concatenate %slice3A_2684, %slice3A_2685 in 0 : vector<60x128xf32>, vector<4x128xf32> -> vector<64x128xf32>
    %slice3A_2687 = vector.extract_strided_slice %select_n3A_2676 {offsets = [60, 0], sizes = [4, 128], strides = [1, 1]} : vector<64x128xf32> to vector<4x128xf32>
    %slice3A_2688 = vector.extract_strided_slice %select_n3A_2676 {offsets = [0, 0], sizes = [60, 128], strides = [1, 1]} : vector<64x128xf32> to vector<60x128xf32>
    %concatenate3A_2689 = tpu.concatenate %slice3A_2687, %slice3A_2688 in 0 : vector<4x128xf32>, vector<60x128xf32> -> vector<64x128xf32>
    %select_n3A_2690 = arith.select %eq3A_2683, %concatenate3A_2686, %concatenate3A_2689 : vector<64x128xi1>, vector<64x128xf32>
    %slice3A_2691 = vector.extract_strided_slice %select_n3A_2677 {offsets = [4, 0], sizes = [60, 128], strides = [1, 1]} : vector<64x128xi32> to vector<60x128xi32>
    %slice3A_2692 = vector.extract_strided_slice %select_n3A_2677 {offsets = [0, 0], sizes = [4, 128], strides = [1, 1]} : vector<64x128xi32> to vector<4x128xi32>
    %concatenate3A_2693 = tpu.concatenate %slice3A_2691, %slice3A_2692 in 0 : vector<60x128xi32>, vector<4x128xi32> -> vector<64x128xi32>
    %slice3A_2694 = vector.extract_strided_slice %select_n3A_2677 {offsets = [60, 0], sizes = [4, 128], strides = [1, 1]} : vector<64x128xi32> to vector<4x128xi32>
    %slice3A_2695 = vector.extract_strided_slice %select_n3A_2677 {offsets = [0, 0], sizes = [60, 128], strides = [1, 1]} : vector<64x128xi32> to vector<60x128xi32>
    %concatenate3A_2696 = tpu.concatenate %slice3A_2694, %slice3A_2695 in 0 : vector<4x128xi32>, vector<60x128xi32> -> vector<64x128xi32>
    %select_n3A_2697 = arith.select %eq3A_2683, %concatenate3A_2693, %concatenate3A_2696 : vector<64x128xi1>, vector<64x128xi32>
    %gt3A_2698 = arith.cmpf ogt, %select_n3A_2676, %select_n3A_2690 : vector<64x128xf32>
    %eq3A_2699 = arith.cmpf oeq, %select_n3A_2676, %select_n3A_2690 : vector<64x128xf32>
    %lt3A_2700 = arith.cmpi slt, %select_n3A_2677, %select_n3A_2697 : vector<64x128xi32>
    %and3A_2701 = arith.andi %eq3A_2699, %lt3A_2700 : vector<64x128xi1>
    %or3A_2702 = arith.ori %gt3A_2698, %and3A_2701 : vector<64x128xi1>
    %and3A_2703 = arith.constant 2048 : i32
    %and3A_2704 = vector.broadcast %and3A_2703 : i32 to vector<64x128xi32>
    %and3A_2705 = arith.andi %add3A_2638, %and3A_2704 : vector<64x128xi32>
    %eq3A_2706 = arith.constant 0 : i32
    %eq3A_2707 = vector.broadcast %eq3A_2706 : i32 to vector<64x128xi32>
    %eq3A_2708 = arith.cmpi eq, %and3A_2705, %eq3A_2707 : vector<64x128xi32>
    %eq3A_2709 = arith.xori %eq3A_2708, %eq3A_2683 : vector<64x128xi1>
    %eq3A_2710 = arith.constant dense<true> : vector<64x128xi1>
    %eq3A_2711 = arith.xori %eq3A_2709, %eq3A_2710 : vector<64x128xi1>
    %eq3A_2712 = arith.xori %or3A_2702, %eq3A_2711 : vector<64x128xi1>
    %eq3A_2713 = arith.constant dense<true> : vector<64x128xi1>
    %eq3A_2714 = arith.xori %eq3A_2712, %eq3A_2713 : vector<64x128xi1>
    %select_n3A_2715 = arith.select %eq3A_2714, %select_n3A_2676, %select_n3A_2690 : vector<64x128xi1>, vector<64x128xf32>
    %select_n3A_2716 = arith.select %eq3A_2714, %select_n3A_2677, %select_n3A_2697 : vector<64x128xi1>, vector<64x128xi32>
    %and3A_2717 = arith.constant 256 : i32
    %and3A_2718 = vector.broadcast %and3A_2717 : i32 to vector<64x128xi32>
    %and3A_2719 = arith.andi %add3A_2638, %and3A_2718 : vector<64x128xi32>
    %eq3A_2720 = arith.constant 0 : i32
    %eq3A_2721 = vector.broadcast %eq3A_2720 : i32 to vector<64x128xi32>
    %eq3A_2722 = arith.cmpi eq, %and3A_2719, %eq3A_2721 : vector<64x128xi32>
    %slice3A_2723 = vector.extract_strided_slice %select_n3A_2715 {offsets = [2, 0], sizes = [62, 128], strides = [1, 1]} : vector<64x128xf32> to vector<62x128xf32>
    %slice3A_2724 = vector.extract_strided_slice %select_n3A_2715 {offsets = [0, 0], sizes = [2, 128], strides = [1, 1]} : vector<64x128xf32> to vector<2x128xf32>
    %concatenate3A_2725 = tpu.concatenate %slice3A_2723, %slice3A_2724 in 0 : vector<62x128xf32>, vector<2x128xf32> -> vector<64x128xf32>
    %slice3A_2726 = vector.extract_strided_slice %select_n3A_2715 {offsets = [62, 0], sizes = [2, 128], strides = [1, 1]} : vector<64x128xf32> to vector<2x128xf32>
    %slice3A_2727 = vector.extract_strided_slice %select_n3A_2715 {offsets = [0, 0], sizes = [62, 128], strides = [1, 1]} : vector<64x128xf32> to vector<62x128xf32>
    %concatenate3A_2728 = tpu.concatenate %slice3A_2726, %slice3A_2727 in 0 : vector<2x128xf32>, vector<62x128xf32> -> vector<64x128xf32>
    %select_n3A_2729 = arith.select %eq3A_2722, %concatenate3A_2725, %concatenate3A_2728 : vector<64x128xi1>, vector<64x128xf32>
    %slice3A_2730 = vector.extract_strided_slice %select_n3A_2716 {offsets = [2, 0], sizes = [62, 128], strides = [1, 1]} : vector<64x128xi32> to vector<62x128xi32>
    %slice3A_2731 = vector.extract_strided_slice %select_n3A_2716 {offsets = [0, 0], sizes = [2, 128], strides = [1, 1]} : vector<64x128xi32> to vector<2x128xi32>
    %concatenate3A_2732 = tpu.concatenate %slice3A_2730, %slice3A_2731 in 0 : vector<62x128xi32>, vector<2x128xi32> -> vector<64x128xi32>
    %slice3A_2733 = vector.extract_strided_slice %select_n3A_2716 {offsets = [62, 0], sizes = [2, 128], strides = [1, 1]} : vector<64x128xi32> to vector<2x128xi32>
    %slice3A_2734 = vector.extract_strided_slice %select_n3A_2716 {offsets = [0, 0], sizes = [62, 128], strides = [1, 1]} : vector<64x128xi32> to vector<62x128xi32>
    %concatenate3A_2735 = tpu.concatenate %slice3A_2733, %slice3A_2734 in 0 : vector<2x128xi32>, vector<62x128xi32> -> vector<64x128xi32>
    %select_n3A_2736 = arith.select %eq3A_2722, %concatenate3A_2732, %concatenate3A_2735 : vector<64x128xi1>, vector<64x128xi32>
    %gt3A_2737 = arith.cmpf ogt, %select_n3A_2715, %select_n3A_2729 : vector<64x128xf32>
    %eq3A_2738 = arith.cmpf oeq, %select_n3A_2715, %select_n3A_2729 : vector<64x128xf32>
    %lt3A_2739 = arith.cmpi slt, %select_n3A_2716, %select_n3A_2736 : vector<64x128xi32>
    %and3A_2740 = arith.andi %eq3A_2738, %lt3A_2739 : vector<64x128xi1>
    %or3A_2741 = arith.ori %gt3A_2737, %and3A_2740 : vector<64x128xi1>
    %and3A_2742 = arith.constant 2048 : i32
    %and3A_2743 = vector.broadcast %and3A_2742 : i32 to vector<64x128xi32>
    %and3A_2744 = arith.andi %add3A_2638, %and3A_2743 : vector<64x128xi32>
    %eq3A_2745 = arith.constant 0 : i32
    %eq3A_2746 = vector.broadcast %eq3A_2745 : i32 to vector<64x128xi32>
    %eq3A_2747 = arith.cmpi eq, %and3A_2744, %eq3A_2746 : vector<64x128xi32>
    %eq3A_2748 = arith.xori %eq3A_2747, %eq3A_2722 : vector<64x128xi1>
    %eq3A_2749 = arith.constant dense<true> : vector<64x128xi1>
    %eq3A_2750 = arith.xori %eq3A_2748, %eq3A_2749 : vector<64x128xi1>
    %eq3A_2751 = arith.xori %or3A_2741, %eq3A_2750 : vector<64x128xi1>
    %eq3A_2752 = arith.constant dense<true> : vector<64x128xi1>
    %eq3A_2753 = arith.xori %eq3A_2751, %eq3A_2752 : vector<64x128xi1>
    %select_n3A_2754 = arith.select %eq3A_2753, %select_n3A_2715, %select_n3A_2729 : vector<64x128xi1>, vector<64x128xf32>
    %select_n3A_2755 = arith.select %eq3A_2753, %select_n3A_2716, %select_n3A_2736 : vector<64x128xi1>, vector<64x128xi32>
    %and3A_2756 = arith.constant 128 : i32
    %and3A_2757 = vector.broadcast %and3A_2756 : i32 to vector<64x128xi32>
    %and3A_2758 = arith.andi %add3A_2638, %and3A_2757 : vector<64x128xi32>
    %eq3A_2759 = arith.constant 0 : i32
    %eq3A_2760 = vector.broadcast %eq3A_2759 : i32 to vector<64x128xi32>
    %eq3A_2761 = arith.cmpi eq, %and3A_2758, %eq3A_2760 : vector<64x128xi32>
    %slice3A_2762 = vector.extract_strided_slice %select_n3A_2754 {offsets = [1, 0], sizes = [63, 128], strides = [1, 1]} : vector<64x128xf32> to vector<63x128xf32>
    %slice3A_2763 = vector.extract_strided_slice %select_n3A_2754 {offsets = [0, 0], sizes = [1, 128], strides = [1, 1]} : vector<64x128xf32> to vector<1x128xf32>
    %concatenate3A_2764 = tpu.concatenate %slice3A_2762, %slice3A_2763 in 0 : vector<63x128xf32>, vector<1x128xf32> -> vector<64x128xf32>
    %slice3A_2765 = vector.extract_strided_slice %select_n3A_2754 {offsets = [63, 0], sizes = [1, 128], strides = [1, 1]} : vector<64x128xf32> to vector<1x128xf32>
    %slice3A_2766 = vector.extract_strided_slice %select_n3A_2754 {offsets = [0, 0], sizes = [63, 128], strides = [1, 1]} : vector<64x128xf32> to vector<63x128xf32>
    %concatenate3A_2767 = tpu.concatenate %slice3A_2765, %slice3A_2766 in 0 : vector<1x128xf32>, vector<63x128xf32> -> vector<64x128xf32>
    %select_n3A_2768 = arith.select %eq3A_2761, %concatenate3A_2764, %concatenate3A_2767 : vector<64x128xi1>, vector<64x128xf32>
    %slice3A_2769 = vector.extract_strided_slice %select_n3A_2755 {offsets = [1, 0], sizes = [63, 128], strides = [1, 1]} : vector<64x128xi32> to vector<63x128xi32>
    %slice3A_2770 = vector.extract_strided_slice %select_n3A_2755 {offsets = [0, 0], sizes = [1, 128], strides = [1, 1]} : vector<64x128xi32> to vector<1x128xi32>
    %concatenate3A_2771 = tpu.concatenate %slice3A_2769, %slice3A_2770 in 0 : vector<63x128xi32>, vector<1x128xi32> -> vector<64x128xi32>
    %slice3A_2772 = vector.extract_strided_slice %select_n3A_2755 {offsets = [63, 0], sizes = [1, 128], strides = [1, 1]} : vector<64x128xi32> to vector<1x128xi32>
    %slice3A_2773 = vector.extract_strided_slice %select_n3A_2755 {offsets = [0, 0], sizes = [63, 128], strides = [1, 1]} : vector<64x128xi32> to vector<63x128xi32>
    %concatenate3A_2774 = tpu.concatenate %slice3A_2772, %slice3A_2773 in 0 : vector<1x128xi32>, vector<63x128xi32> -> vector<64x128xi32>
    %select_n3A_2775 = arith.select %eq3A_2761, %concatenate3A_2771, %concatenate3A_2774 : vector<64x128xi1>, vector<64x128xi32>
    %gt3A_2776 = arith.cmpf ogt, %select_n3A_2754, %select_n3A_2768 : vector<64x128xf32>
    %eq3A_2777 = arith.cmpf oeq, %select_n3A_2754, %select_n3A_2768 : vector<64x128xf32>
    %lt3A_2778 = arith.cmpi slt, %select_n3A_2755, %select_n3A_2775 : vector<64x128xi32>
    %and3A_2779 = arith.andi %eq3A_2777, %lt3A_2778 : vector<64x128xi1>
    %or3A_2780 = arith.ori %gt3A_2776, %and3A_2779 : vector<64x128xi1>
    %and3A_2781 = arith.constant 2048 : i32
    %and3A_2782 = vector.broadcast %and3A_2781 : i32 to vector<64x128xi32>
    %and3A_2783 = arith.andi %add3A_2638, %and3A_2782 : vector<64x128xi32>
    %eq3A_2784 = arith.constant 0 : i32
    %eq3A_2785 = vector.broadcast %eq3A_2784 : i32 to vector<64x128xi32>
    %eq3A_2786 = arith.cmpi eq, %and3A_2783, %eq3A_2785 : vector<64x128xi32>
    %eq3A_2787 = arith.xori %eq3A_2786, %eq3A_2761 : vector<64x128xi1>
    %eq3A_2788 = arith.constant dense<true> : vector<64x128xi1>
    %eq3A_2789 = arith.xori %eq3A_2787, %eq3A_2788 : vector<64x128xi1>
    %eq3A_2790 = arith.xori %or3A_2780, %eq3A_2789 : vector<64x128xi1>
    %eq3A_2791 = arith.constant dense<true> : vector<64x128xi1>
    %eq3A_2792 = arith.xori %eq3A_2790, %eq3A_2791 : vector<64x128xi1>
    %select_n3A_2793 = arith.select %eq3A_2792, %select_n3A_2754, %select_n3A_2768 : vector<64x128xi1>, vector<64x128xf32>
    %select_n3A_2794 = arith.select %eq3A_2792, %select_n3A_2755, %select_n3A_2775 : vector<64x128xi1>, vector<64x128xi32>
    %and3A_2795 = arith.constant 64 : i32
    %and3A_2796 = vector.broadcast %and3A_2795 : i32 to vector<64x128xi32>
    %and3A_2797 = arith.andi %add3A_2638, %and3A_2796 : vector<64x128xi32>
    %eq3A_2798 = arith.constant 0 : i32
    %eq3A_2799 = vector.broadcast %eq3A_2798 : i32 to vector<64x128xi32>
    %eq3A_2800 = arith.cmpi eq, %and3A_2797, %eq3A_2799 : vector<64x128xi32>
    %slice3A_2801 = vector.extract_strided_slice %select_n3A_2793 {offsets = [0, 64], sizes = [64, 64], strides = [1, 1]} : vector<64x128xf32> to vector<64x64xf32>
    %slice3A_2802 = vector.extract_strided_slice %select_n3A_2793 {offsets = [0, 0], sizes = [64, 64], strides = [1, 1]} : vector<64x128xf32> to vector<64x64xf32>
    %concatenate3A_2803 = tpu.concatenate %slice3A_2801, %slice3A_2802 in 1 : vector<64x64xf32>, vector<64x64xf32> -> vector<64x128xf32>
    %slice3A_2804 = vector.extract_strided_slice %select_n3A_2793 {offsets = [0, 64], sizes = [64, 64], strides = [1, 1]} : vector<64x128xf32> to vector<64x64xf32>
    %slice3A_2805 = vector.extract_strided_slice %select_n3A_2793 {offsets = [0, 0], sizes = [64, 64], strides = [1, 1]} : vector<64x128xf32> to vector<64x64xf32>
    %concatenate3A_2806 = tpu.concatenate %slice3A_2804, %slice3A_2805 in 1 : vector<64x64xf32>, vector<64x64xf32> -> vector<64x128xf32>
    %select_n3A_2807 = arith.select %eq3A_2800, %concatenate3A_2803, %concatenate3A_2806 : vector<64x128xi1>, vector<64x128xf32>
    %slice3A_2808 = vector.extract_strided_slice %select_n3A_2794 {offsets = [0, 64], sizes = [64, 64], strides = [1, 1]} : vector<64x128xi32> to vector<64x64xi32>
    %slice3A_2809 = vector.extract_strided_slice %select_n3A_2794 {offsets = [0, 0], sizes = [64, 64], strides = [1, 1]} : vector<64x128xi32> to vector<64x64xi32>
    %concatenate3A_2810 = tpu.concatenate %slice3A_2808, %slice3A_2809 in 1 : vector<64x64xi32>, vector<64x64xi32> -> vector<64x128xi32>
    %slice3A_2811 = vector.extract_strided_slice %select_n3A_2794 {offsets = [0, 64], sizes = [64, 64], strides = [1, 1]} : vector<64x128xi32> to vector<64x64xi32>
    %slice3A_2812 = vector.extract_strided_slice %select_n3A_2794 {offsets = [0, 0], sizes = [64, 64], strides = [1, 1]} : vector<64x128xi32> to vector<64x64xi32>
    %concatenate3A_2813 = tpu.concatenate %slice3A_2811, %slice3A_2812 in 1 : vector<64x64xi32>, vector<64x64xi32> -> vector<64x128xi32>
    %select_n3A_2814 = arith.select %eq3A_2800, %concatenate3A_2810, %concatenate3A_2813 : vector<64x128xi1>, vector<64x128xi32>
    %gt3A_2815 = arith.cmpf ogt, %select_n3A_2793, %select_n3A_2807 : vector<64x128xf32>
    %eq3A_2816 = arith.cmpf oeq, %select_n3A_2793, %select_n3A_2807 : vector<64x128xf32>
    %lt3A_2817 = arith.cmpi slt, %select_n3A_2794, %select_n3A_2814 : vector<64x128xi32>
    %and3A_2818 = arith.andi %eq3A_2816, %lt3A_2817 : vector<64x128xi1>
    %or3A_2819 = arith.ori %gt3A_2815, %and3A_2818 : vector<64x128xi1>
    %and3A_2820 = arith.constant 2048 : i32
    %and3A_2821 = vector.broadcast %and3A_2820 : i32 to vector<64x128xi32>
    %and3A_2822 = arith.andi %add3A_2638, %and3A_2821 : vector<64x128xi32>
    %eq3A_2823 = arith.constant 0 : i32
    %eq3A_2824 = vector.broadcast %eq3A_2823 : i32 to vector<64x128xi32>
    %eq3A_2825 = arith.cmpi eq, %and3A_2822, %eq3A_2824 : vector<64x128xi32>
    %eq3A_2826 = arith.xori %eq3A_2825, %eq3A_2800 : vector<64x128xi1>
    %eq3A_2827 = arith.constant dense<true> : vector<64x128xi1>
    %eq3A_2828 = arith.xori %eq3A_2826, %eq3A_2827 : vector<64x128xi1>
    %eq3A_2829 = arith.xori %or3A_2819, %eq3A_2828 : vector<64x128xi1>
    %eq3A_2830 = arith.constant dense<true> : vector<64x128xi1>
    %eq3A_2831 = arith.xori %eq3A_2829, %eq3A_2830 : vector<64x128xi1>
    %select_n3A_2832 = arith.select %eq3A_2831, %select_n3A_2793, %select_n3A_2807 : vector<64x128xi1>, vector<64x128xf32>
    %select_n3A_2833 = arith.select %eq3A_2831, %select_n3A_2794, %select_n3A_2814 : vector<64x128xi1>, vector<64x128xi32>
    %and3A_2834 = arith.constant 32 : i32
    %and3A_2835 = vector.broadcast %and3A_2834 : i32 to vector<64x128xi32>
    %and3A_2836 = arith.andi %add3A_2638, %and3A_2835 : vector<64x128xi32>
    %eq3A_2837 = arith.constant 0 : i32
    %eq3A_2838 = vector.broadcast %eq3A_2837 : i32 to vector<64x128xi32>
    %eq3A_2839 = arith.cmpi eq, %and3A_2836, %eq3A_2838 : vector<64x128xi32>
    %slice3A_2840 = vector.extract_strided_slice %select_n3A_2832 {offsets = [0, 32], sizes = [64, 96], strides = [1, 1]} : vector<64x128xf32> to vector<64x96xf32>
    %slice3A_2841 = vector.extract_strided_slice %select_n3A_2832 {offsets = [0, 0], sizes = [64, 32], strides = [1, 1]} : vector<64x128xf32> to vector<64x32xf32>
    %concatenate3A_2842 = tpu.concatenate %slice3A_2840, %slice3A_2841 in 1 : vector<64x96xf32>, vector<64x32xf32> -> vector<64x128xf32>
    %slice3A_2843 = vector.extract_strided_slice %select_n3A_2832 {offsets = [0, 96], sizes = [64, 32], strides = [1, 1]} : vector<64x128xf32> to vector<64x32xf32>
    %slice3A_2844 = vector.extract_strided_slice %select_n3A_2832 {offsets = [0, 0], sizes = [64, 96], strides = [1, 1]} : vector<64x128xf32> to vector<64x96xf32>
    %concatenate3A_2845 = tpu.concatenate %slice3A_2843, %slice3A_2844 in 1 : vector<64x32xf32>, vector<64x96xf32> -> vector<64x128xf32>
    %select_n3A_2846 = arith.select %eq3A_2839, %concatenate3A_2842, %concatenate3A_2845 : vector<64x128xi1>, vector<64x128xf32>
    %slice3A_2847 = vector.extract_strided_slice %select_n3A_2833 {offsets = [0, 32], sizes = [64, 96], strides = [1, 1]} : vector<64x128xi32> to vector<64x96xi32>
    %slice3A_2848 = vector.extract_strided_slice %select_n3A_2833 {offsets = [0, 0], sizes = [64, 32], strides = [1, 1]} : vector<64x128xi32> to vector<64x32xi32>
    %concatenate3A_2849 = tpu.concatenate %slice3A_2847, %slice3A_2848 in 1 : vector<64x96xi32>, vector<64x32xi32> -> vector<64x128xi32>
    %slice3A_2850 = vector.extract_strided_slice %select_n3A_2833 {offsets = [0, 96], sizes = [64, 32], strides = [1, 1]} : vector<64x128xi32> to vector<64x32xi32>
    %slice3A_2851 = vector.extract_strided_slice %select_n3A_2833 {offsets = [0, 0], sizes = [64, 96], strides = [1, 1]} : vector<64x128xi32> to vector<64x96xi32>
    %concatenate3A_2852 = tpu.concatenate %slice3A_2850, %slice3A_2851 in 1 : vector<64x32xi32>, vector<64x96xi32> -> vector<64x128xi32>
    %select_n3A_2853 = arith.select %eq3A_2839, %concatenate3A_2849, %concatenate3A_2852 : vector<64x128xi1>, vector<64x128xi32>
    %gt3A_2854 = arith.cmpf ogt, %select_n3A_2832, %select_n3A_2846 : vector<64x128xf32>
    %eq3A_2855 = arith.cmpf oeq, %select_n3A_2832, %select_n3A_2846 : vector<64x128xf32>
    %lt3A_2856 = arith.cmpi slt, %select_n3A_2833, %select_n3A_2853 : vector<64x128xi32>
    %and3A_2857 = arith.andi %eq3A_2855, %lt3A_2856 : vector<64x128xi1>
    %or3A_2858 = arith.ori %gt3A_2854, %and3A_2857 : vector<64x128xi1>
    %and3A_2859 = arith.constant 2048 : i32
    %and3A_2860 = vector.broadcast %and3A_2859 : i32 to vector<64x128xi32>
    %and3A_2861 = arith.andi %add3A_2638, %and3A_2860 : vector<64x128xi32>
    %eq3A_2862 = arith.constant 0 : i32
    %eq3A_2863 = vector.broadcast %eq3A_2862 : i32 to vector<64x128xi32>
    %eq3A_2864 = arith.cmpi eq, %and3A_2861, %eq3A_2863 : vector<64x128xi32>
    %eq3A_2865 = arith.xori %eq3A_2864, %eq3A_2839 : vector<64x128xi1>
    %eq3A_2866 = arith.constant dense<true> : vector<64x128xi1>
    %eq3A_2867 = arith.xori %eq3A_2865, %eq3A_2866 : vector<64x128xi1>
    %eq3A_2868 = arith.xori %or3A_2858, %eq3A_2867 : vector<64x128xi1>
    %eq3A_2869 = arith.constant dense<true> : vector<64x128xi1>
    %eq3A_2870 = arith.xori %eq3A_2868, %eq3A_2869 : vector<64x128xi1>
    %select_n3A_2871 = arith.select %eq3A_2870, %select_n3A_2832, %select_n3A_2846 : vector<64x128xi1>, vector<64x128xf32>
    %select_n3A_2872 = arith.select %eq3A_2870, %select_n3A_2833, %select_n3A_2853 : vector<64x128xi1>, vector<64x128xi32>
    %and3A_2873 = arith.constant 16 : i32
    %and3A_2874 = vector.broadcast %and3A_2873 : i32 to vector<64x128xi32>
    %and3A_2875 = arith.andi %add3A_2638, %and3A_2874 : vector<64x128xi32>
    %eq3A_2876 = arith.constant 0 : i32
    %eq3A_2877 = vector.broadcast %eq3A_2876 : i32 to vector<64x128xi32>
    %eq3A_2878 = arith.cmpi eq, %and3A_2875, %eq3A_2877 : vector<64x128xi32>
    %slice3A_2879 = vector.extract_strided_slice %select_n3A_2871 {offsets = [0, 16], sizes = [64, 112], strides = [1, 1]} : vector<64x128xf32> to vector<64x112xf32>
    %slice3A_2880 = vector.extract_strided_slice %select_n3A_2871 {offsets = [0, 0], sizes = [64, 16], strides = [1, 1]} : vector<64x128xf32> to vector<64x16xf32>
    %concatenate3A_2881 = tpu.concatenate %slice3A_2879, %slice3A_2880 in 1 : vector<64x112xf32>, vector<64x16xf32> -> vector<64x128xf32>
    %slice3A_2882 = vector.extract_strided_slice %select_n3A_2871 {offsets = [0, 112], sizes = [64, 16], strides = [1, 1]} : vector<64x128xf32> to vector<64x16xf32>
    %slice3A_2883 = vector.extract_strided_slice %select_n3A_2871 {offsets = [0, 0], sizes = [64, 112], strides = [1, 1]} : vector<64x128xf32> to vector<64x112xf32>
    %concatenate3A_2884 = tpu.concatenate %slice3A_2882, %slice3A_2883 in 1 : vector<64x16xf32>, vector<64x112xf32> -> vector<64x128xf32>
    %select_n3A_2885 = arith.select %eq3A_2878, %concatenate3A_2881, %concatenate3A_2884 : vector<64x128xi1>, vector<64x128xf32>
    %slice3A_2886 = vector.extract_strided_slice %select_n3A_2872 {offsets = [0, 16], sizes = [64, 112], strides = [1, 1]} : vector<64x128xi32> to vector<64x112xi32>
    %slice3A_2887 = vector.extract_strided_slice %select_n3A_2872 {offsets = [0, 0], sizes = [64, 16], strides = [1, 1]} : vector<64x128xi32> to vector<64x16xi32>
    %concatenate3A_2888 = tpu.concatenate %slice3A_2886, %slice3A_2887 in 1 : vector<64x112xi32>, vector<64x16xi32> -> vector<64x128xi32>
    %slice3A_2889 = vector.extract_strided_slice %select_n3A_2872 {offsets = [0, 112], sizes = [64, 16], strides = [1, 1]} : vector<64x128xi32> to vector<64x16xi32>
    %slice3A_2890 = vector.extract_strided_slice %select_n3A_2872 {offsets = [0, 0], sizes = [64, 112], strides = [1, 1]} : vector<64x128xi32> to vector<64x112xi32>
    %concatenate3A_2891 = tpu.concatenate %slice3A_2889, %slice3A_2890 in 1 : vector<64x16xi32>, vector<64x112xi32> -> vector<64x128xi32>
    %select_n3A_2892 = arith.select %eq3A_2878, %concatenate3A_2888, %concatenate3A_2891 : vector<64x128xi1>, vector<64x128xi32>
    %gt3A_2893 = arith.cmpf ogt, %select_n3A_2871, %select_n3A_2885 : vector<64x128xf32>
    %eq3A_2894 = arith.cmpf oeq, %select_n3A_2871, %select_n3A_2885 : vector<64x128xf32>
    %lt3A_2895 = arith.cmpi slt, %select_n3A_2872, %select_n3A_2892 : vector<64x128xi32>
    %and3A_2896 = arith.andi %eq3A_2894, %lt3A_2895 : vector<64x128xi1>
    %or3A_2897 = arith.ori %gt3A_2893, %and3A_2896 : vector<64x128xi1>
    %and3A_2898 = arith.constant 2048 : i32
    %and3A_2899 = vector.broadcast %and3A_2898 : i32 to vector<64x128xi32>
    %and3A_2900 = arith.andi %add3A_2638, %and3A_2899 : vector<64x128xi32>
    %eq3A_2901 = arith.constant 0 : i32
    %eq3A_2902 = vector.broadcast %eq3A_2901 : i32 to vector<64x128xi32>
    %eq3A_2903 = arith.cmpi eq, %and3A_2900, %eq3A_2902 : vector<64x128xi32>
    %eq3A_2904 = arith.xori %eq3A_2903, %eq3A_2878 : vector<64x128xi1>
    %eq3A_2905 = arith.constant dense<true> : vector<64x128xi1>
    %eq3A_2906 = arith.xori %eq3A_2904, %eq3A_2905 : vector<64x128xi1>
    %eq3A_2907 = arith.xori %or3A_2897, %eq3A_2906 : vector<64x128xi1>
    %eq3A_2908 = arith.constant dense<true> : vector<64x128xi1>
    %eq3A_2909 = arith.xori %eq3A_2907, %eq3A_2908 : vector<64x128xi1>
    %select_n3A_2910 = arith.select %eq3A_2909, %select_n3A_2871, %select_n3A_2885 : vector<64x128xi1>, vector<64x128xf32>
    %select_n3A_2911 = arith.select %eq3A_2909, %select_n3A_2872, %select_n3A_2892 : vector<64x128xi1>, vector<64x128xi32>
    %and3A_2912 = arith.constant 8 : i32
    %and3A_2913 = vector.broadcast %and3A_2912 : i32 to vector<64x128xi32>
    %and3A_2914 = arith.andi %add3A_2638, %and3A_2913 : vector<64x128xi32>
    %eq3A_2915 = arith.constant 0 : i32
    %eq3A_2916 = vector.broadcast %eq3A_2915 : i32 to vector<64x128xi32>
    %eq3A_2917 = arith.cmpi eq, %and3A_2914, %eq3A_2916 : vector<64x128xi32>
    %slice3A_2918 = vector.extract_strided_slice %select_n3A_2910 {offsets = [0, 8], sizes = [64, 120], strides = [1, 1]} : vector<64x128xf32> to vector<64x120xf32>
    %slice3A_2919 = vector.extract_strided_slice %select_n3A_2910 {offsets = [0, 0], sizes = [64, 8], strides = [1, 1]} : vector<64x128xf32> to vector<64x8xf32>
    %concatenate3A_2920 = tpu.concatenate %slice3A_2918, %slice3A_2919 in 1 : vector<64x120xf32>, vector<64x8xf32> -> vector<64x128xf32>
    %slice3A_2921 = vector.extract_strided_slice %select_n3A_2910 {offsets = [0, 120], sizes = [64, 8], strides = [1, 1]} : vector<64x128xf32> to vector<64x8xf32>
    %slice3A_2922 = vector.extract_strided_slice %select_n3A_2910 {offsets = [0, 0], sizes = [64, 120], strides = [1, 1]} : vector<64x128xf32> to vector<64x120xf32>
    %concatenate3A_2923 = tpu.concatenate %slice3A_2921, %slice3A_2922 in 1 : vector<64x8xf32>, vector<64x120xf32> -> vector<64x128xf32>
    %select_n3A_2924 = arith.select %eq3A_2917, %concatenate3A_2920, %concatenate3A_2923 : vector<64x128xi1>, vector<64x128xf32>
    %slice3A_2925 = vector.extract_strided_slice %select_n3A_2911 {offsets = [0, 8], sizes = [64, 120], strides = [1, 1]} : vector<64x128xi32> to vector<64x120xi32>
    %slice3A_2926 = vector.extract_strided_slice %select_n3A_2911 {offsets = [0, 0], sizes = [64, 8], strides = [1, 1]} : vector<64x128xi32> to vector<64x8xi32>
    %concatenate3A_2927 = tpu.concatenate %slice3A_2925, %slice3A_2926 in 1 : vector<64x120xi32>, vector<64x8xi32> -> vector<64x128xi32>
    %slice3A_2928 = vector.extract_strided_slice %select_n3A_2911 {offsets = [0, 120], sizes = [64, 8], strides = [1, 1]} : vector<64x128xi32> to vector<64x8xi32>
    %slice3A_2929 = vector.extract_strided_slice %select_n3A_2911 {offsets = [0, 0], sizes = [64, 120], strides = [1, 1]} : vector<64x128xi32> to vector<64x120xi32>
    %concatenate3A_2930 = tpu.concatenate %slice3A_2928, %slice3A_2929 in 1 : vector<64x8xi32>, vector<64x120xi32> -> vector<64x128xi32>
    %select_n3A_2931 = arith.select %eq3A_2917, %concatenate3A_2927, %concatenate3A_2930 : vector<64x128xi1>, vector<64x128xi32>
    %gt3A_2932 = arith.cmpf ogt, %select_n3A_2910, %select_n3A_2924 : vector<64x128xf32>
    %eq3A_2933 = arith.cmpf oeq, %select_n3A_2910, %select_n3A_2924 : vector<64x128xf32>
    %lt3A_2934 = arith.cmpi slt, %select_n3A_2911, %select_n3A_2931 : vector<64x128xi32>
    %and3A_2935 = arith.andi %eq3A_2933, %lt3A_2934 : vector<64x128xi1>
    %or3A_2936 = arith.ori %gt3A_2932, %and3A_2935 : vector<64x128xi1>
    %and3A_2937 = arith.constant 2048 : i32
    %and3A_2938 = vector.broadcast %and3A_2937 : i32 to vector<64x128xi32>
    %and3A_2939 = arith.andi %add3A_2638, %and3A_2938 : vector<64x128xi32>
    %eq3A_2940 = arith.constant 0 : i32
    %eq3A_2941 = vector.broadcast %eq3A_2940 : i32 to vector<64x128xi32>
    %eq3A_2942 = arith.cmpi eq, %and3A_2939, %eq3A_2941 : vector<64x128xi32>
    %eq3A_2943 = arith.xori %eq3A_2942, %eq3A_2917 : vector<64x128xi1>
    %eq3A_2944 = arith.constant dense<true> : vector<64x128xi1>
    %eq3A_2945 = arith.xori %eq3A_2943, %eq3A_2944 : vector<64x128xi1>
    %eq3A_2946 = arith.xori %or3A_2936, %eq3A_2945 : vector<64x128xi1>
    %eq3A_2947 = arith.constant dense<true> : vector<64x128xi1>
    %eq3A_2948 = arith.xori %eq3A_2946, %eq3A_2947 : vector<64x128xi1>
    %select_n3A_2949 = arith.select %eq3A_2948, %select_n3A_2910, %select_n3A_2924 : vector<64x128xi1>, vector<64x128xf32>
    %select_n3A_2950 = arith.select %eq3A_2948, %select_n3A_2911, %select_n3A_2931 : vector<64x128xi1>, vector<64x128xi32>
    %and3A_2951 = arith.constant 4 : i32
    %and3A_2952 = vector.broadcast %and3A_2951 : i32 to vector<64x128xi32>
    %and3A_2953 = arith.andi %add3A_2638, %and3A_2952 : vector<64x128xi32>
    %eq3A_2954 = arith.constant 0 : i32
    %eq3A_2955 = vector.broadcast %eq3A_2954 : i32 to vector<64x128xi32>
    %eq3A_2956 = arith.cmpi eq, %and3A_2953, %eq3A_2955 : vector<64x128xi32>
    %slice3A_2957 = vector.extract_strided_slice %select_n3A_2949 {offsets = [0, 4], sizes = [64, 124], strides = [1, 1]} : vector<64x128xf32> to vector<64x124xf32>
    %slice3A_2958 = vector.extract_strided_slice %select_n3A_2949 {offsets = [0, 0], sizes = [64, 4], strides = [1, 1]} : vector<64x128xf32> to vector<64x4xf32>
    %concatenate3A_2959 = tpu.concatenate %slice3A_2957, %slice3A_2958 in 1 : vector<64x124xf32>, vector<64x4xf32> -> vector<64x128xf32>
    %slice3A_2960 = vector.extract_strided_slice %select_n3A_2949 {offsets = [0, 124], sizes = [64, 4], strides = [1, 1]} : vector<64x128xf32> to vector<64x4xf32>
    %slice3A_2961 = vector.extract_strided_slice %select_n3A_2949 {offsets = [0, 0], sizes = [64, 124], strides = [1, 1]} : vector<64x128xf32> to vector<64x124xf32>
    %concatenate3A_2962 = tpu.concatenate %slice3A_2960, %slice3A_2961 in 1 : vector<64x4xf32>, vector<64x124xf32> -> vector<64x128xf32>
    %select_n3A_2963 = arith.select %eq3A_2956, %concatenate3A_2959, %concatenate3A_2962 : vector<64x128xi1>, vector<64x128xf32>
    %slice3A_2964 = vector.extract_strided_slice %select_n3A_2950 {offsets = [0, 4], sizes = [64, 124], strides = [1, 1]} : vector<64x128xi32> to vector<64x124xi32>
    %slice3A_2965 = vector.extract_strided_slice %select_n3A_2950 {offsets = [0, 0], sizes = [64, 4], strides = [1, 1]} : vector<64x128xi32> to vector<64x4xi32>
    %concatenate3A_2966 = tpu.concatenate %slice3A_2964, %slice3A_2965 in 1 : vector<64x124xi32>, vector<64x4xi32> -> vector<64x128xi32>
    %slice3A_2967 = vector.extract_strided_slice %select_n3A_2950 {offsets = [0, 124], sizes = [64, 4], strides = [1, 1]} : vector<64x128xi32> to vector<64x4xi32>
    %slice3A_2968 = vector.extract_strided_slice %select_n3A_2950 {offsets = [0, 0], sizes = [64, 124], strides = [1, 1]} : vector<64x128xi32> to vector<64x124xi32>
    %concatenate3A_2969 = tpu.concatenate %slice3A_2967, %slice3A_2968 in 1 : vector<64x4xi32>, vector<64x124xi32> -> vector<64x128xi32>
    %select_n3A_2970 = arith.select %eq3A_2956, %concatenate3A_2966, %concatenate3A_2969 : vector<64x128xi1>, vector<64x128xi32>
    %gt3A_2971 = arith.cmpf ogt, %select_n3A_2949, %select_n3A_2963 : vector<64x128xf32>
    %eq3A_2972 = arith.cmpf oeq, %select_n3A_2949, %select_n3A_2963 : vector<64x128xf32>
    %lt3A_2973 = arith.cmpi slt, %select_n3A_2950, %select_n3A_2970 : vector<64x128xi32>
    %and3A_2974 = arith.andi %eq3A_2972, %lt3A_2973 : vector<64x128xi1>
    %or3A_2975 = arith.ori %gt3A_2971, %and3A_2974 : vector<64x128xi1>
    %and3A_2976 = arith.constant 2048 : i32
    %and3A_2977 = vector.broadcast %and3A_2976 : i32 to vector<64x128xi32>
    %and3A_2978 = arith.andi %add3A_2638, %and3A_2977 : vector<64x128xi32>
    %eq3A_2979 = arith.constant 0 : i32
    %eq3A_2980 = vector.broadcast %eq3A_2979 : i32 to vector<64x128xi32>
    %eq3A_2981 = arith.cmpi eq, %and3A_2978, %eq3A_2980 : vector<64x128xi32>
    %eq3A_2982 = arith.xori %eq3A_2981, %eq3A_2956 : vector<64x128xi1>
    %eq3A_2983 = arith.constant dense<true> : vector<64x128xi1>
    %eq3A_2984 = arith.xori %eq3A_2982, %eq3A_2983 : vector<64x128xi1>
    %eq3A_2985 = arith.xori %or3A_2975, %eq3A_2984 : vector<64x128xi1>
    %eq3A_2986 = arith.constant dense<true> : vector<64x128xi1>
    %eq3A_2987 = arith.xori %eq3A_2985, %eq3A_2986 : vector<64x128xi1>
    %select_n3A_2988 = arith.select %eq3A_2987, %select_n3A_2949, %select_n3A_2963 : vector<64x128xi1>, vector<64x128xf32>
    %select_n3A_2989 = arith.select %eq3A_2987, %select_n3A_2950, %select_n3A_2970 : vector<64x128xi1>, vector<64x128xi32>
    %and3A_2990 = arith.constant 2 : i32
    %and3A_2991 = vector.broadcast %and3A_2990 : i32 to vector<64x128xi32>
    %and3A_2992 = arith.andi %add3A_2638, %and3A_2991 : vector<64x128xi32>
    %eq3A_2993 = arith.constant 0 : i32
    %eq3A_2994 = vector.broadcast %eq3A_2993 : i32 to vector<64x128xi32>
    %eq3A_2995 = arith.cmpi eq, %and3A_2992, %eq3A_2994 : vector<64x128xi32>
    %slice3A_2996 = vector.extract_strided_slice %select_n3A_2988 {offsets = [0, 2], sizes = [64, 126], strides = [1, 1]} : vector<64x128xf32> to vector<64x126xf32>
    %slice3A_2997 = vector.extract_strided_slice %select_n3A_2988 {offsets = [0, 0], sizes = [64, 2], strides = [1, 1]} : vector<64x128xf32> to vector<64x2xf32>
    %concatenate3A_2998 = tpu.concatenate %slice3A_2996, %slice3A_2997 in 1 : vector<64x126xf32>, vector<64x2xf32> -> vector<64x128xf32>
    %slice3A_2999 = vector.extract_strided_slice %select_n3A_2988 {offsets = [0, 126], sizes = [64, 2], strides = [1, 1]} : vector<64x128xf32> to vector<64x2xf32>
    %slice3A_3000 = vector.extract_strided_slice %select_n3A_2988 {offsets = [0, 0], sizes = [64, 126], strides = [1, 1]} : vector<64x128xf32> to vector<64x126xf32>
    %concatenate3A_3001 = tpu.concatenate %slice3A_2999, %slice3A_3000 in 1 : vector<64x2xf32>, vector<64x126xf32> -> vector<64x128xf32>
    %select_n3A_3002 = arith.select %eq3A_2995, %concatenate3A_2998, %concatenate3A_3001 : vector<64x128xi1>, vector<64x128xf32>
    %slice3A_3003 = vector.extract_strided_slice %select_n3A_2989 {offsets = [0, 2], sizes = [64, 126], strides = [1, 1]} : vector<64x128xi32> to vector<64x126xi32>
    %slice3A_3004 = vector.extract_strided_slice %select_n3A_2989 {offsets = [0, 0], sizes = [64, 2], strides = [1, 1]} : vector<64x128xi32> to vector<64x2xi32>
    %concatenate3A_3005 = tpu.concatenate %slice3A_3003, %slice3A_3004 in 1 : vector<64x126xi32>, vector<64x2xi32> -> vector<64x128xi32>
    %slice3A_3006 = vector.extract_strided_slice %select_n3A_2989 {offsets = [0, 126], sizes = [64, 2], strides = [1, 1]} : vector<64x128xi32> to vector<64x2xi32>
    %slice3A_3007 = vector.extract_strided_slice %select_n3A_2989 {offsets = [0, 0], sizes = [64, 126], strides = [1, 1]} : vector<64x128xi32> to vector<64x126xi32>
    %concatenate3A_3008 = tpu.concatenate %slice3A_3006, %slice3A_3007 in 1 : vector<64x2xi32>, vector<64x126xi32> -> vector<64x128xi32>
    %select_n3A_3009 = arith.select %eq3A_2995, %concatenate3A_3005, %concatenate3A_3008 : vector<64x128xi1>, vector<64x128xi32>
    %gt3A_3010 = arith.cmpf ogt, %select_n3A_2988, %select_n3A_3002 : vector<64x128xf32>
    %eq3A_3011 = arith.cmpf oeq, %select_n3A_2988, %select_n3A_3002 : vector<64x128xf32>
    %lt3A_3012 = arith.cmpi slt, %select_n3A_2989, %select_n3A_3009 : vector<64x128xi32>
    %and3A_3013 = arith.andi %eq3A_3011, %lt3A_3012 : vector<64x128xi1>
    %or3A_3014 = arith.ori %gt3A_3010, %and3A_3013 : vector<64x128xi1>
    %and3A_3015 = arith.constant 2048 : i32
    %and3A_3016 = vector.broadcast %and3A_3015 : i32 to vector<64x128xi32>
    %and3A_3017 = arith.andi %add3A_2638, %and3A_3016 : vector<64x128xi32>
    %eq3A_3018 = arith.constant 0 : i32
    %eq3A_3019 = vector.broadcast %eq3A_3018 : i32 to vector<64x128xi32>
    %eq3A_3020 = arith.cmpi eq, %and3A_3017, %eq3A_3019 : vector<64x128xi32>
    %eq3A_3021 = arith.xori %eq3A_3020, %eq3A_2995 : vector<64x128xi1>
    %eq3A_3022 = arith.constant dense<true> : vector<64x128xi1>
    %eq3A_3023 = arith.xori %eq3A_3021, %eq3A_3022 : vector<64x128xi1>
    %eq3A_3024 = arith.xori %or3A_3014, %eq3A_3023 : vector<64x128xi1>
    %eq3A_3025 = arith.constant dense<true> : vector<64x128xi1>
    %eq3A_3026 = arith.xori %eq3A_3024, %eq3A_3025 : vector<64x128xi1>
    %select_n3A_3027 = arith.select %eq3A_3026, %select_n3A_2988, %select_n3A_3002 : vector<64x128xi1>, vector<64x128xf32>
    %select_n3A_3028 = arith.select %eq3A_3026, %select_n3A_2989, %select_n3A_3009 : vector<64x128xi1>, vector<64x128xi32>
    %and3A_3029 = arith.constant 1 : i32
    %and3A_3030 = vector.broadcast %and3A_3029 : i32 to vector<64x128xi32>
    %and3A_3031 = arith.andi %add3A_2638, %and3A_3030 : vector<64x128xi32>
    %eq3A_3032 = arith.constant 0 : i32
    %eq3A_3033 = vector.broadcast %eq3A_3032 : i32 to vector<64x128xi32>
    %eq3A_3034 = arith.cmpi eq, %and3A_3031, %eq3A_3033 : vector<64x128xi32>
    %slice3A_3035 = vector.extract_strided_slice %select_n3A_3027 {offsets = [0, 1], sizes = [64, 127], strides = [1, 1]} : vector<64x128xf32> to vector<64x127xf32>
    %slice3A_3036 = vector.extract_strided_slice %select_n3A_3027 {offsets = [0, 0], sizes = [64, 1], strides = [1, 1]} : vector<64x128xf32> to vector<64x1xf32>
    %concatenate3A_3037 = tpu.concatenate %slice3A_3035, %slice3A_3036 in 1 : vector<64x127xf32>, vector<64x1xf32> -> vector<64x128xf32>
    %slice3A_3038 = vector.extract_strided_slice %select_n3A_3027 {offsets = [0, 127], sizes = [64, 1], strides = [1, 1]} : vector<64x128xf32> to vector<64x1xf32>
    %slice3A_3039 = vector.extract_strided_slice %select_n3A_3027 {offsets = [0, 0], sizes = [64, 127], strides = [1, 1]} : vector<64x128xf32> to vector<64x127xf32>
    %concatenate3A_3040 = tpu.concatenate %slice3A_3038, %slice3A_3039 in 1 : vector<64x1xf32>, vector<64x127xf32> -> vector<64x128xf32>
    %select_n3A_3041 = arith.select %eq3A_3034, %concatenate3A_3037, %concatenate3A_3040 : vector<64x128xi1>, vector<64x128xf32>
    %slice3A_3042 = vector.extract_strided_slice %select_n3A_3028 {offsets = [0, 1], sizes = [64, 127], strides = [1, 1]} : vector<64x128xi32> to vector<64x127xi32>
    %slice3A_3043 = vector.extract_strided_slice %select_n3A_3028 {offsets = [0, 0], sizes = [64, 1], strides = [1, 1]} : vector<64x128xi32> to vector<64x1xi32>
    %concatenate3A_3044 = tpu.concatenate %slice3A_3042, %slice3A_3043 in 1 : vector<64x127xi32>, vector<64x1xi32> -> vector<64x128xi32>
    %slice3A_3045 = vector.extract_strided_slice %select_n3A_3028 {offsets = [0, 127], sizes = [64, 1], strides = [1, 1]} : vector<64x128xi32> to vector<64x1xi32>
    %slice3A_3046 = vector.extract_strided_slice %select_n3A_3028 {offsets = [0, 0], sizes = [64, 127], strides = [1, 1]} : vector<64x128xi32> to vector<64x127xi32>
    %concatenate3A_3047 = tpu.concatenate %slice3A_3045, %slice3A_3046 in 1 : vector<64x1xi32>, vector<64x127xi32> -> vector<64x128xi32>
    %select_n3A_3048 = arith.select %eq3A_3034, %concatenate3A_3044, %concatenate3A_3047 : vector<64x128xi1>, vector<64x128xi32>
    %gt3A_3049 = arith.cmpf ogt, %select_n3A_3027, %select_n3A_3041 : vector<64x128xf32>
    %eq3A_3050 = arith.cmpf oeq, %select_n3A_3027, %select_n3A_3041 : vector<64x128xf32>
    %lt3A_3051 = arith.cmpi slt, %select_n3A_3028, %select_n3A_3048 : vector<64x128xi32>
    %and3A_3052 = arith.andi %eq3A_3050, %lt3A_3051 : vector<64x128xi1>
    %or3A_3053 = arith.ori %gt3A_3049, %and3A_3052 : vector<64x128xi1>
    %and3A_3054 = arith.constant 2048 : i32
    %and3A_3055 = vector.broadcast %and3A_3054 : i32 to vector<64x128xi32>
    %and3A_3056 = arith.andi %add3A_2638, %and3A_3055 : vector<64x128xi32>
    %eq3A_3057 = arith.constant 0 : i32
    %eq3A_3058 = vector.broadcast %eq3A_3057 : i32 to vector<64x128xi32>
    %eq3A_3059 = arith.cmpi eq, %and3A_3056, %eq3A_3058 : vector<64x128xi32>
    %eq3A_3060 = arith.xori %eq3A_3059, %eq3A_3034 : vector<64x128xi1>
    %eq3A_3061 = arith.constant dense<true> : vector<64x128xi1>
    %eq3A_3062 = arith.xori %eq3A_3060, %eq3A_3061 : vector<64x128xi1>
    %eq3A_3063 = arith.xori %or3A_3053, %eq3A_3062 : vector<64x128xi1>
    %eq3A_3064 = arith.constant dense<true> : vector<64x128xi1>
    %eq3A_3065 = arith.xori %eq3A_3063, %eq3A_3064 : vector<64x128xi1>
    %select_n3A_3066 = arith.select %eq3A_3065, %select_n3A_3027, %select_n3A_3041 : vector<64x128xi1>, vector<64x128xf32>
    %select_n3A_3067 = arith.select %eq3A_3065, %select_n3A_3028, %select_n3A_3048 : vector<64x128xi1>, vector<64x128xi32>
    %iota3A_3068 = tpu.iota {dimensions = array<i32: 0>} : vector<64x128xi32>
    %mul3A_3069 = arith.constant 128 : i32
    %mul3A_3070 = vector.broadcast %mul3A_3069 : i32 to vector<64x128xi32>
    %mul3A_3071 = arith.muli %iota3A_3068, %mul3A_3070 : vector<64x128xi32>
    %iota3A_3072 = tpu.iota {dimensions = array<i32: 1>} : vector<64x128xi32>
    %add3A_3073 = arith.addi %mul3A_3071, %iota3A_3072 : vector<64x128xi32>
    %and3A_3074 = arith.constant 2048 : i32
    %and3A_3075 = vector.broadcast %and3A_3074 : i32 to vector<64x128xi32>
    %and3A_3076 = arith.andi %add3A_3073, %and3A_3075 : vector<64x128xi32>
    %eq3A_3077 = arith.constant 0 : i32
    %eq3A_3078 = vector.broadcast %eq3A_3077 : i32 to vector<64x128xi32>
    %eq3A_3079 = arith.cmpi eq, %and3A_3076, %eq3A_3078 : vector<64x128xi32>
    %slice3A_3080 = vector.extract_strided_slice %select_n3A_3066 {offsets = [16, 0], sizes = [48, 128], strides = [1, 1]} : vector<64x128xf32> to vector<48x128xf32>
    %slice3A_3081 = vector.extract_strided_slice %select_n3A_3066 {offsets = [0, 0], sizes = [16, 128], strides = [1, 1]} : vector<64x128xf32> to vector<16x128xf32>
    %concatenate3A_3082 = tpu.concatenate %slice3A_3080, %slice3A_3081 in 0 : vector<48x128xf32>, vector<16x128xf32> -> vector<64x128xf32>
    %slice3A_3083 = vector.extract_strided_slice %select_n3A_3066 {offsets = [48, 0], sizes = [16, 128], strides = [1, 1]} : vector<64x128xf32> to vector<16x128xf32>
    %slice3A_3084 = vector.extract_strided_slice %select_n3A_3066 {offsets = [0, 0], sizes = [48, 128], strides = [1, 1]} : vector<64x128xf32> to vector<48x128xf32>
    %concatenate3A_3085 = tpu.concatenate %slice3A_3083, %slice3A_3084 in 0 : vector<16x128xf32>, vector<48x128xf32> -> vector<64x128xf32>
    %select_n3A_3086 = arith.select %eq3A_3079, %concatenate3A_3082, %concatenate3A_3085 : vector<64x128xi1>, vector<64x128xf32>
    %slice3A_3087 = vector.extract_strided_slice %select_n3A_3067 {offsets = [16, 0], sizes = [48, 128], strides = [1, 1]} : vector<64x128xi32> to vector<48x128xi32>
    %slice3A_3088 = vector.extract_strided_slice %select_n3A_3067 {offsets = [0, 0], sizes = [16, 128], strides = [1, 1]} : vector<64x128xi32> to vector<16x128xi32>
    %concatenate3A_3089 = tpu.concatenate %slice3A_3087, %slice3A_3088 in 0 : vector<48x128xi32>, vector<16x128xi32> -> vector<64x128xi32>
    %slice3A_3090 = vector.extract_strided_slice %select_n3A_3067 {offsets = [48, 0], sizes = [16, 128], strides = [1, 1]} : vector<64x128xi32> to vector<16x128xi32>
    %slice3A_3091 = vector.extract_strided_slice %select_n3A_3067 {offsets = [0, 0], sizes = [48, 128], strides = [1, 1]} : vector<64x128xi32> to vector<48x128xi32>
    %concatenate3A_3092 = tpu.concatenate %slice3A_3090, %slice3A_3091 in 0 : vector<16x128xi32>, vector<48x128xi32> -> vector<64x128xi32>
    %select_n3A_3093 = arith.select %eq3A_3079, %concatenate3A_3089, %concatenate3A_3092 : vector<64x128xi1>, vector<64x128xi32>
    %gt3A_3094 = arith.cmpf ogt, %select_n3A_3066, %select_n3A_3086 : vector<64x128xf32>
    %eq3A_3095 = arith.cmpf oeq, %select_n3A_3066, %select_n3A_3086 : vector<64x128xf32>
    %lt3A_3096 = arith.cmpi slt, %select_n3A_3067, %select_n3A_3093 : vector<64x128xi32>
    %and3A_3097 = arith.andi %eq3A_3095, %lt3A_3096 : vector<64x128xi1>
    %or3A_3098 = arith.ori %gt3A_3094, %and3A_3097 : vector<64x128xi1>
    %and3A_3099 = arith.constant 4096 : i32
    %and3A_3100 = vector.broadcast %and3A_3099 : i32 to vector<64x128xi32>
    %and3A_3101 = arith.andi %add3A_3073, %and3A_3100 : vector<64x128xi32>
    %eq3A_3102 = arith.constant 0 : i32
    %eq3A_3103 = vector.broadcast %eq3A_3102 : i32 to vector<64x128xi32>
    %eq3A_3104 = arith.cmpi eq, %and3A_3101, %eq3A_3103 : vector<64x128xi32>
    %eq3A_3105 = arith.xori %eq3A_3104, %eq3A_3079 : vector<64x128xi1>
    %eq3A_3106 = arith.constant dense<true> : vector<64x128xi1>
    %eq3A_3107 = arith.xori %eq3A_3105, %eq3A_3106 : vector<64x128xi1>
    %eq3A_3108 = arith.xori %or3A_3098, %eq3A_3107 : vector<64x128xi1>
    %eq3A_3109 = arith.constant dense<true> : vector<64x128xi1>
    %eq3A_3110 = arith.xori %eq3A_3108, %eq3A_3109 : vector<64x128xi1>
    %select_n3A_3111 = arith.select %eq3A_3110, %select_n3A_3066, %select_n3A_3086 : vector<64x128xi1>, vector<64x128xf32>
    %select_n3A_3112 = arith.select %eq3A_3110, %select_n3A_3067, %select_n3A_3093 : vector<64x128xi1>, vector<64x128xi32>
    %slice3A_3113 = vector.extract_strided_slice %select_n3A_3111 {offsets = [0, 0], sizes = [16, 128], strides = [1, 1]} : vector<64x128xf32> to vector<16x128xf32>
    %slice3A_3114 = vector.extract_strided_slice %select_n3A_3111 {offsets = [48, 0], sizes = [16, 128], strides = [1, 1]} : vector<64x128xf32> to vector<16x128xf32>
    %concatenate3A_3115 = tpu.concatenate %slice3A_3113, %slice3A_3114 in 0 : vector<16x128xf32>, vector<16x128xf32> -> vector<32x128xf32>
    %slice3A_3116 = vector.extract_strided_slice %select_n3A_3112 {offsets = [0, 0], sizes = [16, 128], strides = [1, 1]} : vector<64x128xi32> to vector<16x128xi32>
    %slice3A_3117 = vector.extract_strided_slice %select_n3A_3112 {offsets = [48, 0], sizes = [16, 128], strides = [1, 1]} : vector<64x128xi32> to vector<16x128xi32>
    %concatenate3A_3118 = tpu.concatenate %slice3A_3116, %slice3A_3117 in 0 : vector<16x128xi32>, vector<16x128xi32> -> vector<32x128xi32>
    %iota3A_3119 = tpu.iota {dimensions = array<i32: 0>} : vector<32x128xi32>
    %mul3A_3120 = arith.constant 128 : i32
    %mul3A_3121 = vector.broadcast %mul3A_3120 : i32 to vector<32x128xi32>
    %mul3A_3122 = arith.muli %iota3A_3119, %mul3A_3121 : vector<32x128xi32>
    %iota3A_3123 = tpu.iota {dimensions = array<i32: 1>} : vector<32x128xi32>
    %add3A_3124 = arith.addi %mul3A_3122, %iota3A_3123 : vector<32x128xi32>
    %and3A_3125 = arith.constant 1024 : i32
    %and3A_3126 = vector.broadcast %and3A_3125 : i32 to vector<32x128xi32>
    %and3A_3127 = arith.andi %add3A_3124, %and3A_3126 : vector<32x128xi32>
    %eq3A_3128 = arith.constant 0 : i32
    %eq3A_3129 = vector.broadcast %eq3A_3128 : i32 to vector<32x128xi32>
    %eq3A_3130 = arith.cmpi eq, %and3A_3127, %eq3A_3129 : vector<32x128xi32>
    %slice3A_3131 = vector.extract_strided_slice %concatenate3A_3115 {offsets = [8, 0], sizes = [24, 128], strides = [1, 1]} : vector<32x128xf32> to vector<24x128xf32>
    %slice3A_3132 = vector.extract_strided_slice %concatenate3A_3115 {offsets = [0, 0], sizes = [8, 128], strides = [1, 1]} : vector<32x128xf32> to vector<8x128xf32>
    %concatenate3A_3133 = tpu.concatenate %slice3A_3131, %slice3A_3132 in 0 : vector<24x128xf32>, vector<8x128xf32> -> vector<32x128xf32>
    %slice3A_3134 = vector.extract_strided_slice %concatenate3A_3115 {offsets = [24, 0], sizes = [8, 128], strides = [1, 1]} : vector<32x128xf32> to vector<8x128xf32>
    %slice3A_3135 = vector.extract_strided_slice %concatenate3A_3115 {offsets = [0, 0], sizes = [24, 128], strides = [1, 1]} : vector<32x128xf32> to vector<24x128xf32>
    %concatenate3A_3136 = tpu.concatenate %slice3A_3134, %slice3A_3135 in 0 : vector<8x128xf32>, vector<24x128xf32> -> vector<32x128xf32>
    %select_n3A_3137 = arith.select %eq3A_3130, %concatenate3A_3133, %concatenate3A_3136 : vector<32x128xi1>, vector<32x128xf32>
    %slice3A_3138 = vector.extract_strided_slice %concatenate3A_3118 {offsets = [8, 0], sizes = [24, 128], strides = [1, 1]} : vector<32x128xi32> to vector<24x128xi32>
    %slice3A_3139 = vector.extract_strided_slice %concatenate3A_3118 {offsets = [0, 0], sizes = [8, 128], strides = [1, 1]} : vector<32x128xi32> to vector<8x128xi32>
    %concatenate3A_3140 = tpu.concatenate %slice3A_3138, %slice3A_3139 in 0 : vector<24x128xi32>, vector<8x128xi32> -> vector<32x128xi32>
    %slice3A_3141 = vector.extract_strided_slice %concatenate3A_3118 {offsets = [24, 0], sizes = [8, 128], strides = [1, 1]} : vector<32x128xi32> to vector<8x128xi32>
    %slice3A_3142 = vector.extract_strided_slice %concatenate3A_3118 {offsets = [0, 0], sizes = [24, 128], strides = [1, 1]} : vector<32x128xi32> to vector<24x128xi32>
    %concatenate3A_3143 = tpu.concatenate %slice3A_3141, %slice3A_3142 in 0 : vector<8x128xi32>, vector<24x128xi32> -> vector<32x128xi32>
    %select_n3A_3144 = arith.select %eq3A_3130, %concatenate3A_3140, %concatenate3A_3143 : vector<32x128xi1>, vector<32x128xi32>
    %gt3A_3145 = arith.cmpf ogt, %concatenate3A_3115, %select_n3A_3137 : vector<32x128xf32>
    %eq3A_3146 = arith.cmpf oeq, %concatenate3A_3115, %select_n3A_3137 : vector<32x128xf32>
    %lt3A_3147 = arith.cmpi slt, %concatenate3A_3118, %select_n3A_3144 : vector<32x128xi32>
    %and3A_3148 = arith.andi %eq3A_3146, %lt3A_3147 : vector<32x128xi1>
    %or3A_3149 = arith.ori %gt3A_3145, %and3A_3148 : vector<32x128xi1>
    %and3A_3150 = arith.constant 2048 : i32
    %and3A_3151 = vector.broadcast %and3A_3150 : i32 to vector<32x128xi32>
    %and3A_3152 = arith.andi %add3A_3124, %and3A_3151 : vector<32x128xi32>
    %eq3A_3153 = arith.constant 0 : i32
    %eq3A_3154 = vector.broadcast %eq3A_3153 : i32 to vector<32x128xi32>
    %eq3A_3155 = arith.cmpi eq, %and3A_3152, %eq3A_3154 : vector<32x128xi32>
    %eq3A_3156 = arith.xori %eq3A_3155, %eq3A_3130 : vector<32x128xi1>
    %eq3A_3157 = arith.constant dense<true> : vector<32x128xi1>
    %eq3A_3158 = arith.xori %eq3A_3156, %eq3A_3157 : vector<32x128xi1>
    %eq3A_3159 = arith.xori %or3A_3149, %eq3A_3158 : vector<32x128xi1>
    %eq3A_3160 = arith.constant dense<true> : vector<32x128xi1>
    %eq3A_3161 = arith.xori %eq3A_3159, %eq3A_3160 : vector<32x128xi1>
    %select_n3A_3162 = arith.select %eq3A_3161, %concatenate3A_3115, %select_n3A_3137 : vector<32x128xi1>, vector<32x128xf32>
    %select_n3A_3163 = arith.select %eq3A_3161, %concatenate3A_3118, %select_n3A_3144 : vector<32x128xi1>, vector<32x128xi32>
    %and3A_3164 = arith.constant 512 : i32
    %and3A_3165 = vector.broadcast %and3A_3164 : i32 to vector<32x128xi32>
    %and3A_3166 = arith.andi %add3A_3124, %and3A_3165 : vector<32x128xi32>
    %eq3A_3167 = arith.constant 0 : i32
    %eq3A_3168 = vector.broadcast %eq3A_3167 : i32 to vector<32x128xi32>
    %eq3A_3169 = arith.cmpi eq, %and3A_3166, %eq3A_3168 : vector<32x128xi32>
    %slice3A_3170 = vector.extract_strided_slice %select_n3A_3162 {offsets = [4, 0], sizes = [28, 128], strides = [1, 1]} : vector<32x128xf32> to vector<28x128xf32>
    %slice3A_3171 = vector.extract_strided_slice %select_n3A_3162 {offsets = [0, 0], sizes = [4, 128], strides = [1, 1]} : vector<32x128xf32> to vector<4x128xf32>
    %concatenate3A_3172 = tpu.concatenate %slice3A_3170, %slice3A_3171 in 0 : vector<28x128xf32>, vector<4x128xf32> -> vector<32x128xf32>
    %slice3A_3173 = vector.extract_strided_slice %select_n3A_3162 {offsets = [28, 0], sizes = [4, 128], strides = [1, 1]} : vector<32x128xf32> to vector<4x128xf32>
    %slice3A_3174 = vector.extract_strided_slice %select_n3A_3162 {offsets = [0, 0], sizes = [28, 128], strides = [1, 1]} : vector<32x128xf32> to vector<28x128xf32>
    %concatenate3A_3175 = tpu.concatenate %slice3A_3173, %slice3A_3174 in 0 : vector<4x128xf32>, vector<28x128xf32> -> vector<32x128xf32>
    %select_n3A_3176 = arith.select %eq3A_3169, %concatenate3A_3172, %concatenate3A_3175 : vector<32x128xi1>, vector<32x128xf32>
    %slice3A_3177 = vector.extract_strided_slice %select_n3A_3163 {offsets = [4, 0], sizes = [28, 128], strides = [1, 1]} : vector<32x128xi32> to vector<28x128xi32>
    %slice3A_3178 = vector.extract_strided_slice %select_n3A_3163 {offsets = [0, 0], sizes = [4, 128], strides = [1, 1]} : vector<32x128xi32> to vector<4x128xi32>
    %concatenate3A_3179 = tpu.concatenate %slice3A_3177, %slice3A_3178 in 0 : vector<28x128xi32>, vector<4x128xi32> -> vector<32x128xi32>
    %slice3A_3180 = vector.extract_strided_slice %select_n3A_3163 {offsets = [28, 0], sizes = [4, 128], strides = [1, 1]} : vector<32x128xi32> to vector<4x128xi32>
    %slice3A_3181 = vector.extract_strided_slice %select_n3A_3163 {offsets = [0, 0], sizes = [28, 128], strides = [1, 1]} : vector<32x128xi32> to vector<28x128xi32>
    %concatenate3A_3182 = tpu.concatenate %slice3A_3180, %slice3A_3181 in 0 : vector<4x128xi32>, vector<28x128xi32> -> vector<32x128xi32>
    %select_n3A_3183 = arith.select %eq3A_3169, %concatenate3A_3179, %concatenate3A_3182 : vector<32x128xi1>, vector<32x128xi32>
    %gt3A_3184 = arith.cmpf ogt, %select_n3A_3162, %select_n3A_3176 : vector<32x128xf32>
    %eq3A_3185 = arith.cmpf oeq, %select_n3A_3162, %select_n3A_3176 : vector<32x128xf32>
    %lt3A_3186 = arith.cmpi slt, %select_n3A_3163, %select_n3A_3183 : vector<32x128xi32>
    %and3A_3187 = arith.andi %eq3A_3185, %lt3A_3186 : vector<32x128xi1>
    %or3A_3188 = arith.ori %gt3A_3184, %and3A_3187 : vector<32x128xi1>
    %and3A_3189 = arith.constant 2048 : i32
    %and3A_3190 = vector.broadcast %and3A_3189 : i32 to vector<32x128xi32>
    %and3A_3191 = arith.andi %add3A_3124, %and3A_3190 : vector<32x128xi32>
    %eq3A_3192 = arith.constant 0 : i32
    %eq3A_3193 = vector.broadcast %eq3A_3192 : i32 to vector<32x128xi32>
    %eq3A_3194 = arith.cmpi eq, %and3A_3191, %eq3A_3193 : vector<32x128xi32>
    %eq3A_3195 = arith.xori %eq3A_3194, %eq3A_3169 : vector<32x128xi1>
    %eq3A_3196 = arith.constant dense<true> : vector<32x128xi1>
    %eq3A_3197 = arith.xori %eq3A_3195, %eq3A_3196 : vector<32x128xi1>
    %eq3A_3198 = arith.xori %or3A_3188, %eq3A_3197 : vector<32x128xi1>
    %eq3A_3199 = arith.constant dense<true> : vector<32x128xi1>
    %eq3A_3200 = arith.xori %eq3A_3198, %eq3A_3199 : vector<32x128xi1>
    %select_n3A_3201 = arith.select %eq3A_3200, %select_n3A_3162, %select_n3A_3176 : vector<32x128xi1>, vector<32x128xf32>
    %select_n3A_3202 = arith.select %eq3A_3200, %select_n3A_3163, %select_n3A_3183 : vector<32x128xi1>, vector<32x128xi32>
    %and3A_3203 = arith.constant 256 : i32
    %and3A_3204 = vector.broadcast %and3A_3203 : i32 to vector<32x128xi32>
    %and3A_3205 = arith.andi %add3A_3124, %and3A_3204 : vector<32x128xi32>
    %eq3A_3206 = arith.constant 0 : i32
    %eq3A_3207 = vector.broadcast %eq3A_3206 : i32 to vector<32x128xi32>
    %eq3A_3208 = arith.cmpi eq, %and3A_3205, %eq3A_3207 : vector<32x128xi32>
    %slice3A_3209 = vector.extract_strided_slice %select_n3A_3201 {offsets = [2, 0], sizes = [30, 128], strides = [1, 1]} : vector<32x128xf32> to vector<30x128xf32>
    %slice3A_3210 = vector.extract_strided_slice %select_n3A_3201 {offsets = [0, 0], sizes = [2, 128], strides = [1, 1]} : vector<32x128xf32> to vector<2x128xf32>
    %concatenate3A_3211 = tpu.concatenate %slice3A_3209, %slice3A_3210 in 0 : vector<30x128xf32>, vector<2x128xf32> -> vector<32x128xf32>
    %slice3A_3212 = vector.extract_strided_slice %select_n3A_3201 {offsets = [30, 0], sizes = [2, 128], strides = [1, 1]} : vector<32x128xf32> to vector<2x128xf32>
    %slice3A_3213 = vector.extract_strided_slice %select_n3A_3201 {offsets = [0, 0], sizes = [30, 128], strides = [1, 1]} : vector<32x128xf32> to vector<30x128xf32>
    %concatenate3A_3214 = tpu.concatenate %slice3A_3212, %slice3A_3213 in 0 : vector<2x128xf32>, vector<30x128xf32> -> vector<32x128xf32>
    %select_n3A_3215 = arith.select %eq3A_3208, %concatenate3A_3211, %concatenate3A_3214 : vector<32x128xi1>, vector<32x128xf32>
    %slice3A_3216 = vector.extract_strided_slice %select_n3A_3202 {offsets = [2, 0], sizes = [30, 128], strides = [1, 1]} : vector<32x128xi32> to vector<30x128xi32>
    %slice3A_3217 = vector.extract_strided_slice %select_n3A_3202 {offsets = [0, 0], sizes = [2, 128], strides = [1, 1]} : vector<32x128xi32> to vector<2x128xi32>
    %concatenate3A_3218 = tpu.concatenate %slice3A_3216, %slice3A_3217 in 0 : vector<30x128xi32>, vector<2x128xi32> -> vector<32x128xi32>
    %slice3A_3219 = vector.extract_strided_slice %select_n3A_3202 {offsets = [30, 0], sizes = [2, 128], strides = [1, 1]} : vector<32x128xi32> to vector<2x128xi32>
    %slice3A_3220 = vector.extract_strided_slice %select_n3A_3202 {offsets = [0, 0], sizes = [30, 128], strides = [1, 1]} : vector<32x128xi32> to vector<30x128xi32>
    %concatenate3A_3221 = tpu.concatenate %slice3A_3219, %slice3A_3220 in 0 : vector<2x128xi32>, vector<30x128xi32> -> vector<32x128xi32>
    %select_n3A_3222 = arith.select %eq3A_3208, %concatenate3A_3218, %concatenate3A_3221 : vector<32x128xi1>, vector<32x128xi32>
    %gt3A_3223 = arith.cmpf ogt, %select_n3A_3201, %select_n3A_3215 : vector<32x128xf32>
    %eq3A_3224 = arith.cmpf oeq, %select_n3A_3201, %select_n3A_3215 : vector<32x128xf32>
    %lt3A_3225 = arith.cmpi slt, %select_n3A_3202, %select_n3A_3222 : vector<32x128xi32>
    %and3A_3226 = arith.andi %eq3A_3224, %lt3A_3225 : vector<32x128xi1>
    %or3A_3227 = arith.ori %gt3A_3223, %and3A_3226 : vector<32x128xi1>
    %and3A_3228 = arith.constant 2048 : i32
    %and3A_3229 = vector.broadcast %and3A_3228 : i32 to vector<32x128xi32>
    %and3A_3230 = arith.andi %add3A_3124, %and3A_3229 : vector<32x128xi32>
    %eq3A_3231 = arith.constant 0 : i32
    %eq3A_3232 = vector.broadcast %eq3A_3231 : i32 to vector<32x128xi32>
    %eq3A_3233 = arith.cmpi eq, %and3A_3230, %eq3A_3232 : vector<32x128xi32>
    %eq3A_3234 = arith.xori %eq3A_3233, %eq3A_3208 : vector<32x128xi1>
    %eq3A_3235 = arith.constant dense<true> : vector<32x128xi1>
    %eq3A_3236 = arith.xori %eq3A_3234, %eq3A_3235 : vector<32x128xi1>
    %eq3A_3237 = arith.xori %or3A_3227, %eq3A_3236 : vector<32x128xi1>
    %eq3A_3238 = arith.constant dense<true> : vector<32x128xi1>
    %eq3A_3239 = arith.xori %eq3A_3237, %eq3A_3238 : vector<32x128xi1>
    %select_n3A_3240 = arith.select %eq3A_3239, %select_n3A_3201, %select_n3A_3215 : vector<32x128xi1>, vector<32x128xf32>
    %select_n3A_3241 = arith.select %eq3A_3239, %select_n3A_3202, %select_n3A_3222 : vector<32x128xi1>, vector<32x128xi32>
    %and3A_3242 = arith.constant 128 : i32
    %and3A_3243 = vector.broadcast %and3A_3242 : i32 to vector<32x128xi32>
    %and3A_3244 = arith.andi %add3A_3124, %and3A_3243 : vector<32x128xi32>
    %eq3A_3245 = arith.constant 0 : i32
    %eq3A_3246 = vector.broadcast %eq3A_3245 : i32 to vector<32x128xi32>
    %eq3A_3247 = arith.cmpi eq, %and3A_3244, %eq3A_3246 : vector<32x128xi32>
    %slice3A_3248 = vector.extract_strided_slice %select_n3A_3240 {offsets = [1, 0], sizes = [31, 128], strides = [1, 1]} : vector<32x128xf32> to vector<31x128xf32>
    %slice3A_3249 = vector.extract_strided_slice %select_n3A_3240 {offsets = [0, 0], sizes = [1, 128], strides = [1, 1]} : vector<32x128xf32> to vector<1x128xf32>
    %concatenate3A_3250 = tpu.concatenate %slice3A_3248, %slice3A_3249 in 0 : vector<31x128xf32>, vector<1x128xf32> -> vector<32x128xf32>
    %slice3A_3251 = vector.extract_strided_slice %select_n3A_3240 {offsets = [31, 0], sizes = [1, 128], strides = [1, 1]} : vector<32x128xf32> to vector<1x128xf32>
    %slice3A_3252 = vector.extract_strided_slice %select_n3A_3240 {offsets = [0, 0], sizes = [31, 128], strides = [1, 1]} : vector<32x128xf32> to vector<31x128xf32>
    %concatenate3A_3253 = tpu.concatenate %slice3A_3251, %slice3A_3252 in 0 : vector<1x128xf32>, vector<31x128xf32> -> vector<32x128xf32>
    %select_n3A_3254 = arith.select %eq3A_3247, %concatenate3A_3250, %concatenate3A_3253 : vector<32x128xi1>, vector<32x128xf32>
    %slice3A_3255 = vector.extract_strided_slice %select_n3A_3241 {offsets = [1, 0], sizes = [31, 128], strides = [1, 1]} : vector<32x128xi32> to vector<31x128xi32>
    %slice3A_3256 = vector.extract_strided_slice %select_n3A_3241 {offsets = [0, 0], sizes = [1, 128], strides = [1, 1]} : vector<32x128xi32> to vector<1x128xi32>
    %concatenate3A_3257 = tpu.concatenate %slice3A_3255, %slice3A_3256 in 0 : vector<31x128xi32>, vector<1x128xi32> -> vector<32x128xi32>
    %slice3A_3258 = vector.extract_strided_slice %select_n3A_3241 {offsets = [31, 0], sizes = [1, 128], strides = [1, 1]} : vector<32x128xi32> to vector<1x128xi32>
    %slice3A_3259 = vector.extract_strided_slice %select_n3A_3241 {offsets = [0, 0], sizes = [31, 128], strides = [1, 1]} : vector<32x128xi32> to vector<31x128xi32>
    %concatenate3A_3260 = tpu.concatenate %slice3A_3258, %slice3A_3259 in 0 : vector<1x128xi32>, vector<31x128xi32> -> vector<32x128xi32>
    %select_n3A_3261 = arith.select %eq3A_3247, %concatenate3A_3257, %concatenate3A_3260 : vector<32x128xi1>, vector<32x128xi32>
    %gt3A_3262 = arith.cmpf ogt, %select_n3A_3240, %select_n3A_3254 : vector<32x128xf32>
    %eq3A_3263 = arith.cmpf oeq, %select_n3A_3240, %select_n3A_3254 : vector<32x128xf32>
    %lt3A_3264 = arith.cmpi slt, %select_n3A_3241, %select_n3A_3261 : vector<32x128xi32>
    %and3A_3265 = arith.andi %eq3A_3263, %lt3A_3264 : vector<32x128xi1>
    %or3A_3266 = arith.ori %gt3A_3262, %and3A_3265 : vector<32x128xi1>
    %and3A_3267 = arith.constant 2048 : i32
    %and3A_3268 = vector.broadcast %and3A_3267 : i32 to vector<32x128xi32>
    %and3A_3269 = arith.andi %add3A_3124, %and3A_3268 : vector<32x128xi32>
    %eq3A_3270 = arith.constant 0 : i32
    %eq3A_3271 = vector.broadcast %eq3A_3270 : i32 to vector<32x128xi32>
    %eq3A_3272 = arith.cmpi eq, %and3A_3269, %eq3A_3271 : vector<32x128xi32>
    %eq3A_3273 = arith.xori %eq3A_3272, %eq3A_3247 : vector<32x128xi1>
    %eq3A_3274 = arith.constant dense<true> : vector<32x128xi1>
    %eq3A_3275 = arith.xori %eq3A_3273, %eq3A_3274 : vector<32x128xi1>
    %eq3A_3276 = arith.xori %or3A_3266, %eq3A_3275 : vector<32x128xi1>
    %eq3A_3277 = arith.constant dense<true> : vector<32x128xi1>
    %eq3A_3278 = arith.xori %eq3A_3276, %eq3A_3277 : vector<32x128xi1>
    %select_n3A_3279 = arith.select %eq3A_3278, %select_n3A_3240, %select_n3A_3254 : vector<32x128xi1>, vector<32x128xf32>
    %select_n3A_3280 = arith.select %eq3A_3278, %select_n3A_3241, %select_n3A_3261 : vector<32x128xi1>, vector<32x128xi32>
    %and3A_3281 = arith.constant 64 : i32
    %and3A_3282 = vector.broadcast %and3A_3281 : i32 to vector<32x128xi32>
    %and3A_3283 = arith.andi %add3A_3124, %and3A_3282 : vector<32x128xi32>
    %eq3A_3284 = arith.constant 0 : i32
    %eq3A_3285 = vector.broadcast %eq3A_3284 : i32 to vector<32x128xi32>
    %eq3A_3286 = arith.cmpi eq, %and3A_3283, %eq3A_3285 : vector<32x128xi32>
    %slice3A_3287 = vector.extract_strided_slice %select_n3A_3279 {offsets = [0, 64], sizes = [32, 64], strides = [1, 1]} : vector<32x128xf32> to vector<32x64xf32>
    %slice3A_3288 = vector.extract_strided_slice %select_n3A_3279 {offsets = [0, 0], sizes = [32, 64], strides = [1, 1]} : vector<32x128xf32> to vector<32x64xf32>
    %concatenate3A_3289 = tpu.concatenate %slice3A_3287, %slice3A_3288 in 1 : vector<32x64xf32>, vector<32x64xf32> -> vector<32x128xf32>
    %slice3A_3290 = vector.extract_strided_slice %select_n3A_3279 {offsets = [0, 64], sizes = [32, 64], strides = [1, 1]} : vector<32x128xf32> to vector<32x64xf32>
    %slice3A_3291 = vector.extract_strided_slice %select_n3A_3279 {offsets = [0, 0], sizes = [32, 64], strides = [1, 1]} : vector<32x128xf32> to vector<32x64xf32>
    %concatenate3A_3292 = tpu.concatenate %slice3A_3290, %slice3A_3291 in 1 : vector<32x64xf32>, vector<32x64xf32> -> vector<32x128xf32>
    %select_n3A_3293 = arith.select %eq3A_3286, %concatenate3A_3289, %concatenate3A_3292 : vector<32x128xi1>, vector<32x128xf32>
    %slice3A_3294 = vector.extract_strided_slice %select_n3A_3280 {offsets = [0, 64], sizes = [32, 64], strides = [1, 1]} : vector<32x128xi32> to vector<32x64xi32>
    %slice3A_3295 = vector.extract_strided_slice %select_n3A_3280 {offsets = [0, 0], sizes = [32, 64], strides = [1, 1]} : vector<32x128xi32> to vector<32x64xi32>
    %concatenate3A_3296 = tpu.concatenate %slice3A_3294, %slice3A_3295 in 1 : vector<32x64xi32>, vector<32x64xi32> -> vector<32x128xi32>
    %slice3A_3297 = vector.extract_strided_slice %select_n3A_3280 {offsets = [0, 64], sizes = [32, 64], strides = [1, 1]} : vector<32x128xi32> to vector<32x64xi32>
    %slice3A_3298 = vector.extract_strided_slice %select_n3A_3280 {offsets = [0, 0], sizes = [32, 64], strides = [1, 1]} : vector<32x128xi32> to vector<32x64xi32>
    %concatenate3A_3299 = tpu.concatenate %slice3A_3297, %slice3A_3298 in 1 : vector<32x64xi32>, vector<32x64xi32> -> vector<32x128xi32>
    %select_n3A_3300 = arith.select %eq3A_3286, %concatenate3A_3296, %concatenate3A_3299 : vector<32x128xi1>, vector<32x128xi32>
    %gt3A_3301 = arith.cmpf ogt, %select_n3A_3279, %select_n3A_3293 : vector<32x128xf32>
    %eq3A_3302 = arith.cmpf oeq, %select_n3A_3279, %select_n3A_3293 : vector<32x128xf32>
    %lt3A_3303 = arith.cmpi slt, %select_n3A_3280, %select_n3A_3300 : vector<32x128xi32>
    %and3A_3304 = arith.andi %eq3A_3302, %lt3A_3303 : vector<32x128xi1>
    %or3A_3305 = arith.ori %gt3A_3301, %and3A_3304 : vector<32x128xi1>
    %and3A_3306 = arith.constant 2048 : i32
    %and3A_3307 = vector.broadcast %and3A_3306 : i32 to vector<32x128xi32>
    %and3A_3308 = arith.andi %add3A_3124, %and3A_3307 : vector<32x128xi32>
    %eq3A_3309 = arith.constant 0 : i32
    %eq3A_3310 = vector.broadcast %eq3A_3309 : i32 to vector<32x128xi32>
    %eq3A_3311 = arith.cmpi eq, %and3A_3308, %eq3A_3310 : vector<32x128xi32>
    %eq3A_3312 = arith.xori %eq3A_3311, %eq3A_3286 : vector<32x128xi1>
    %eq3A_3313 = arith.constant dense<true> : vector<32x128xi1>
    %eq3A_3314 = arith.xori %eq3A_3312, %eq3A_3313 : vector<32x128xi1>
    %eq3A_3315 = arith.xori %or3A_3305, %eq3A_3314 : vector<32x128xi1>
    %eq3A_3316 = arith.constant dense<true> : vector<32x128xi1>
    %eq3A_3317 = arith.xori %eq3A_3315, %eq3A_3316 : vector<32x128xi1>
    %select_n3A_3318 = arith.select %eq3A_3317, %select_n3A_3279, %select_n3A_3293 : vector<32x128xi1>, vector<32x128xf32>
    %select_n3A_3319 = arith.select %eq3A_3317, %select_n3A_3280, %select_n3A_3300 : vector<32x128xi1>, vector<32x128xi32>
    %and3A_3320 = arith.constant 32 : i32
    %and3A_3321 = vector.broadcast %and3A_3320 : i32 to vector<32x128xi32>
    %and3A_3322 = arith.andi %add3A_3124, %and3A_3321 : vector<32x128xi32>
    %eq3A_3323 = arith.constant 0 : i32
    %eq3A_3324 = vector.broadcast %eq3A_3323 : i32 to vector<32x128xi32>
    %eq3A_3325 = arith.cmpi eq, %and3A_3322, %eq3A_3324 : vector<32x128xi32>
    %slice3A_3326 = vector.extract_strided_slice %select_n3A_3318 {offsets = [0, 32], sizes = [32, 96], strides = [1, 1]} : vector<32x128xf32> to vector<32x96xf32>
    %slice3A_3327 = vector.extract_strided_slice %select_n3A_3318 {offsets = [0, 0], sizes = [32, 32], strides = [1, 1]} : vector<32x128xf32> to vector<32x32xf32>
    %concatenate3A_3328 = tpu.concatenate %slice3A_3326, %slice3A_3327 in 1 : vector<32x96xf32>, vector<32x32xf32> -> vector<32x128xf32>
    %slice3A_3329 = vector.extract_strided_slice %select_n3A_3318 {offsets = [0, 96], sizes = [32, 32], strides = [1, 1]} : vector<32x128xf32> to vector<32x32xf32>
    %slice3A_3330 = vector.extract_strided_slice %select_n3A_3318 {offsets = [0, 0], sizes = [32, 96], strides = [1, 1]} : vector<32x128xf32> to vector<32x96xf32>
    %concatenate3A_3331 = tpu.concatenate %slice3A_3329, %slice3A_3330 in 1 : vector<32x32xf32>, vector<32x96xf32> -> vector<32x128xf32>
    %select_n3A_3332 = arith.select %eq3A_3325, %concatenate3A_3328, %concatenate3A_3331 : vector<32x128xi1>, vector<32x128xf32>
    %slice3A_3333 = vector.extract_strided_slice %select_n3A_3319 {offsets = [0, 32], sizes = [32, 96], strides = [1, 1]} : vector<32x128xi32> to vector<32x96xi32>
    %slice3A_3334 = vector.extract_strided_slice %select_n3A_3319 {offsets = [0, 0], sizes = [32, 32], strides = [1, 1]} : vector<32x128xi32> to vector<32x32xi32>
    %concatenate3A_3335 = tpu.concatenate %slice3A_3333, %slice3A_3334 in 1 : vector<32x96xi32>, vector<32x32xi32> -> vector<32x128xi32>
    %slice3A_3336 = vector.extract_strided_slice %select_n3A_3319 {offsets = [0, 96], sizes = [32, 32], strides = [1, 1]} : vector<32x128xi32> to vector<32x32xi32>
    %slice3A_3337 = vector.extract_strided_slice %select_n3A_3319 {offsets = [0, 0], sizes = [32, 96], strides = [1, 1]} : vector<32x128xi32> to vector<32x96xi32>
    %concatenate3A_3338 = tpu.concatenate %slice3A_3336, %slice3A_3337 in 1 : vector<32x32xi32>, vector<32x96xi32> -> vector<32x128xi32>
    %select_n3A_3339 = arith.select %eq3A_3325, %concatenate3A_3335, %concatenate3A_3338 : vector<32x128xi1>, vector<32x128xi32>
    %gt3A_3340 = arith.cmpf ogt, %select_n3A_3318, %select_n3A_3332 : vector<32x128xf32>
    %eq3A_3341 = arith.cmpf oeq, %select_n3A_3318, %select_n3A_3332 : vector<32x128xf32>
    %lt3A_3342 = arith.cmpi slt, %select_n3A_3319, %select_n3A_3339 : vector<32x128xi32>
    %and3A_3343 = arith.andi %eq3A_3341, %lt3A_3342 : vector<32x128xi1>
    %or3A_3344 = arith.ori %gt3A_3340, %and3A_3343 : vector<32x128xi1>
    %and3A_3345 = arith.constant 2048 : i32
    %and3A_3346 = vector.broadcast %and3A_3345 : i32 to vector<32x128xi32>
    %and3A_3347 = arith.andi %add3A_3124, %and3A_3346 : vector<32x128xi32>
    %eq3A_3348 = arith.constant 0 : i32
    %eq3A_3349 = vector.broadcast %eq3A_3348 : i32 to vector<32x128xi32>
    %eq3A_3350 = arith.cmpi eq, %and3A_3347, %eq3A_3349 : vector<32x128xi32>
    %eq3A_3351 = arith.xori %eq3A_3350, %eq3A_3325 : vector<32x128xi1>
    %eq3A_3352 = arith.constant dense<true> : vector<32x128xi1>
    %eq3A_3353 = arith.xori %eq3A_3351, %eq3A_3352 : vector<32x128xi1>
    %eq3A_3354 = arith.xori %or3A_3344, %eq3A_3353 : vector<32x128xi1>
    %eq3A_3355 = arith.constant dense<true> : vector<32x128xi1>
    %eq3A_3356 = arith.xori %eq3A_3354, %eq3A_3355 : vector<32x128xi1>
    %select_n3A_3357 = arith.select %eq3A_3356, %select_n3A_3318, %select_n3A_3332 : vector<32x128xi1>, vector<32x128xf32>
    %select_n3A_3358 = arith.select %eq3A_3356, %select_n3A_3319, %select_n3A_3339 : vector<32x128xi1>, vector<32x128xi32>
    %and3A_3359 = arith.constant 16 : i32
    %and3A_3360 = vector.broadcast %and3A_3359 : i32 to vector<32x128xi32>
    %and3A_3361 = arith.andi %add3A_3124, %and3A_3360 : vector<32x128xi32>
    %eq3A_3362 = arith.constant 0 : i32
    %eq3A_3363 = vector.broadcast %eq3A_3362 : i32 to vector<32x128xi32>
    %eq3A_3364 = arith.cmpi eq, %and3A_3361, %eq3A_3363 : vector<32x128xi32>
    %slice3A_3365 = vector.extract_strided_slice %select_n3A_3357 {offsets = [0, 16], sizes = [32, 112], strides = [1, 1]} : vector<32x128xf32> to vector<32x112xf32>
    %slice3A_3366 = vector.extract_strided_slice %select_n3A_3357 {offsets = [0, 0], sizes = [32, 16], strides = [1, 1]} : vector<32x128xf32> to vector<32x16xf32>
    %concatenate3A_3367 = tpu.concatenate %slice3A_3365, %slice3A_3366 in 1 : vector<32x112xf32>, vector<32x16xf32> -> vector<32x128xf32>
    %slice3A_3368 = vector.extract_strided_slice %select_n3A_3357 {offsets = [0, 112], sizes = [32, 16], strides = [1, 1]} : vector<32x128xf32> to vector<32x16xf32>
    %slice3A_3369 = vector.extract_strided_slice %select_n3A_3357 {offsets = [0, 0], sizes = [32, 112], strides = [1, 1]} : vector<32x128xf32> to vector<32x112xf32>
    %concatenate3A_3370 = tpu.concatenate %slice3A_3368, %slice3A_3369 in 1 : vector<32x16xf32>, vector<32x112xf32> -> vector<32x128xf32>
    %select_n3A_3371 = arith.select %eq3A_3364, %concatenate3A_3367, %concatenate3A_3370 : vector<32x128xi1>, vector<32x128xf32>
    %slice3A_3372 = vector.extract_strided_slice %select_n3A_3358 {offsets = [0, 16], sizes = [32, 112], strides = [1, 1]} : vector<32x128xi32> to vector<32x112xi32>
    %slice3A_3373 = vector.extract_strided_slice %select_n3A_3358 {offsets = [0, 0], sizes = [32, 16], strides = [1, 1]} : vector<32x128xi32> to vector<32x16xi32>
    %concatenate3A_3374 = tpu.concatenate %slice3A_3372, %slice3A_3373 in 1 : vector<32x112xi32>, vector<32x16xi32> -> vector<32x128xi32>
    %slice3A_3375 = vector.extract_strided_slice %select_n3A_3358 {offsets = [0, 112], sizes = [32, 16], strides = [1, 1]} : vector<32x128xi32> to vector<32x16xi32>
    %slice3A_3376 = vector.extract_strided_slice %select_n3A_3358 {offsets = [0, 0], sizes = [32, 112], strides = [1, 1]} : vector<32x128xi32> to vector<32x112xi32>
    %concatenate3A_3377 = tpu.concatenate %slice3A_3375, %slice3A_3376 in 1 : vector<32x16xi32>, vector<32x112xi32> -> vector<32x128xi32>
    %select_n3A_3378 = arith.select %eq3A_3364, %concatenate3A_3374, %concatenate3A_3377 : vector<32x128xi1>, vector<32x128xi32>
    %gt3A_3379 = arith.cmpf ogt, %select_n3A_3357, %select_n3A_3371 : vector<32x128xf32>
    %eq3A_3380 = arith.cmpf oeq, %select_n3A_3357, %select_n3A_3371 : vector<32x128xf32>
    %lt3A_3381 = arith.cmpi slt, %select_n3A_3358, %select_n3A_3378 : vector<32x128xi32>
    %and3A_3382 = arith.andi %eq3A_3380, %lt3A_3381 : vector<32x128xi1>
    %or3A_3383 = arith.ori %gt3A_3379, %and3A_3382 : vector<32x128xi1>
    %and3A_3384 = arith.constant 2048 : i32
    %and3A_3385 = vector.broadcast %and3A_3384 : i32 to vector<32x128xi32>
    %and3A_3386 = arith.andi %add3A_3124, %and3A_3385 : vector<32x128xi32>
    %eq3A_3387 = arith.constant 0 : i32
    %eq3A_3388 = vector.broadcast %eq3A_3387 : i32 to vector<32x128xi32>
    %eq3A_3389 = arith.cmpi eq, %and3A_3386, %eq3A_3388 : vector<32x128xi32>
    %eq3A_3390 = arith.xori %eq3A_3389, %eq3A_3364 : vector<32x128xi1>
    %eq3A_3391 = arith.constant dense<true> : vector<32x128xi1>
    %eq3A_3392 = arith.xori %eq3A_3390, %eq3A_3391 : vector<32x128xi1>
    %eq3A_3393 = arith.xori %or3A_3383, %eq3A_3392 : vector<32x128xi1>
    %eq3A_3394 = arith.constant dense<true> : vector<32x128xi1>
    %eq3A_3395 = arith.xori %eq3A_3393, %eq3A_3394 : vector<32x128xi1>
    %select_n3A_3396 = arith.select %eq3A_3395, %select_n3A_3357, %select_n3A_3371 : vector<32x128xi1>, vector<32x128xf32>
    %select_n3A_3397 = arith.select %eq3A_3395, %select_n3A_3358, %select_n3A_3378 : vector<32x128xi1>, vector<32x128xi32>
    %and3A_3398 = arith.constant 8 : i32
    %and3A_3399 = vector.broadcast %and3A_3398 : i32 to vector<32x128xi32>
    %and3A_3400 = arith.andi %add3A_3124, %and3A_3399 : vector<32x128xi32>
    %eq3A_3401 = arith.constant 0 : i32
    %eq3A_3402 = vector.broadcast %eq3A_3401 : i32 to vector<32x128xi32>
    %eq3A_3403 = arith.cmpi eq, %and3A_3400, %eq3A_3402 : vector<32x128xi32>
    %slice3A_3404 = vector.extract_strided_slice %select_n3A_3396 {offsets = [0, 8], sizes = [32, 120], strides = [1, 1]} : vector<32x128xf32> to vector<32x120xf32>
    %slice3A_3405 = vector.extract_strided_slice %select_n3A_3396 {offsets = [0, 0], sizes = [32, 8], strides = [1, 1]} : vector<32x128xf32> to vector<32x8xf32>
    %concatenate3A_3406 = tpu.concatenate %slice3A_3404, %slice3A_3405 in 1 : vector<32x120xf32>, vector<32x8xf32> -> vector<32x128xf32>
    %slice3A_3407 = vector.extract_strided_slice %select_n3A_3396 {offsets = [0, 120], sizes = [32, 8], strides = [1, 1]} : vector<32x128xf32> to vector<32x8xf32>
    %slice3A_3408 = vector.extract_strided_slice %select_n3A_3396 {offsets = [0, 0], sizes = [32, 120], strides = [1, 1]} : vector<32x128xf32> to vector<32x120xf32>
    %concatenate3A_3409 = tpu.concatenate %slice3A_3407, %slice3A_3408 in 1 : vector<32x8xf32>, vector<32x120xf32> -> vector<32x128xf32>
    %select_n3A_3410 = arith.select %eq3A_3403, %concatenate3A_3406, %concatenate3A_3409 : vector<32x128xi1>, vector<32x128xf32>
    %slice3A_3411 = vector.extract_strided_slice %select_n3A_3397 {offsets = [0, 8], sizes = [32, 120], strides = [1, 1]} : vector<32x128xi32> to vector<32x120xi32>
    %slice3A_3412 = vector.extract_strided_slice %select_n3A_3397 {offsets = [0, 0], sizes = [32, 8], strides = [1, 1]} : vector<32x128xi32> to vector<32x8xi32>
    %concatenate3A_3413 = tpu.concatenate %slice3A_3411, %slice3A_3412 in 1 : vector<32x120xi32>, vector<32x8xi32> -> vector<32x128xi32>
    %slice3A_3414 = vector.extract_strided_slice %select_n3A_3397 {offsets = [0, 120], sizes = [32, 8], strides = [1, 1]} : vector<32x128xi32> to vector<32x8xi32>
    %slice3A_3415 = vector.extract_strided_slice %select_n3A_3397 {offsets = [0, 0], sizes = [32, 120], strides = [1, 1]} : vector<32x128xi32> to vector<32x120xi32>
    %concatenate3A_3416 = tpu.concatenate %slice3A_3414, %slice3A_3415 in 1 : vector<32x8xi32>, vector<32x120xi32> -> vector<32x128xi32>
    %select_n3A_3417 = arith.select %eq3A_3403, %concatenate3A_3413, %concatenate3A_3416 : vector<32x128xi1>, vector<32x128xi32>
    %gt3A_3418 = arith.cmpf ogt, %select_n3A_3396, %select_n3A_3410 : vector<32x128xf32>
    %eq3A_3419 = arith.cmpf oeq, %select_n3A_3396, %select_n3A_3410 : vector<32x128xf32>
    %lt3A_3420 = arith.cmpi slt, %select_n3A_3397, %select_n3A_3417 : vector<32x128xi32>
    %and3A_3421 = arith.andi %eq3A_3419, %lt3A_3420 : vector<32x128xi1>
    %or3A_3422 = arith.ori %gt3A_3418, %and3A_3421 : vector<32x128xi1>
    %and3A_3423 = arith.constant 2048 : i32
    %and3A_3424 = vector.broadcast %and3A_3423 : i32 to vector<32x128xi32>
    %and3A_3425 = arith.andi %add3A_3124, %and3A_3424 : vector<32x128xi32>
    %eq3A_3426 = arith.constant 0 : i32
    %eq3A_3427 = vector.broadcast %eq3A_3426 : i32 to vector<32x128xi32>
    %eq3A_3428 = arith.cmpi eq, %and3A_3425, %eq3A_3427 : vector<32x128xi32>
    %eq3A_3429 = arith.xori %eq3A_3428, %eq3A_3403 : vector<32x128xi1>
    %eq3A_3430 = arith.constant dense<true> : vector<32x128xi1>
    %eq3A_3431 = arith.xori %eq3A_3429, %eq3A_3430 : vector<32x128xi1>
    %eq3A_3432 = arith.xori %or3A_3422, %eq3A_3431 : vector<32x128xi1>
    %eq3A_3433 = arith.constant dense<true> : vector<32x128xi1>
    %eq3A_3434 = arith.xori %eq3A_3432, %eq3A_3433 : vector<32x128xi1>
    %select_n3A_3435 = arith.select %eq3A_3434, %select_n3A_3396, %select_n3A_3410 : vector<32x128xi1>, vector<32x128xf32>
    %select_n3A_3436 = arith.select %eq3A_3434, %select_n3A_3397, %select_n3A_3417 : vector<32x128xi1>, vector<32x128xi32>
    %and3A_3437 = arith.constant 4 : i32
    %and3A_3438 = vector.broadcast %and3A_3437 : i32 to vector<32x128xi32>
    %and3A_3439 = arith.andi %add3A_3124, %and3A_3438 : vector<32x128xi32>
    %eq3A_3440 = arith.constant 0 : i32
    %eq3A_3441 = vector.broadcast %eq3A_3440 : i32 to vector<32x128xi32>
    %eq3A_3442 = arith.cmpi eq, %and3A_3439, %eq3A_3441 : vector<32x128xi32>
    %slice3A_3443 = vector.extract_strided_slice %select_n3A_3435 {offsets = [0, 4], sizes = [32, 124], strides = [1, 1]} : vector<32x128xf32> to vector<32x124xf32>
    %slice3A_3444 = vector.extract_strided_slice %select_n3A_3435 {offsets = [0, 0], sizes = [32, 4], strides = [1, 1]} : vector<32x128xf32> to vector<32x4xf32>
    %concatenate3A_3445 = tpu.concatenate %slice3A_3443, %slice3A_3444 in 1 : vector<32x124xf32>, vector<32x4xf32> -> vector<32x128xf32>
    %slice3A_3446 = vector.extract_strided_slice %select_n3A_3435 {offsets = [0, 124], sizes = [32, 4], strides = [1, 1]} : vector<32x128xf32> to vector<32x4xf32>
    %slice3A_3447 = vector.extract_strided_slice %select_n3A_3435 {offsets = [0, 0], sizes = [32, 124], strides = [1, 1]} : vector<32x128xf32> to vector<32x124xf32>
    %concatenate3A_3448 = tpu.concatenate %slice3A_3446, %slice3A_3447 in 1 : vector<32x4xf32>, vector<32x124xf32> -> vector<32x128xf32>
    %select_n3A_3449 = arith.select %eq3A_3442, %concatenate3A_3445, %concatenate3A_3448 : vector<32x128xi1>, vector<32x128xf32>
    %slice3A_3450 = vector.extract_strided_slice %select_n3A_3436 {offsets = [0, 4], sizes = [32, 124], strides = [1, 1]} : vector<32x128xi32> to vector<32x124xi32>
    %slice3A_3451 = vector.extract_strided_slice %select_n3A_3436 {offsets = [0, 0], sizes = [32, 4], strides = [1, 1]} : vector<32x128xi32> to vector<32x4xi32>
    %concatenate3A_3452 = tpu.concatenate %slice3A_3450, %slice3A_3451 in 1 : vector<32x124xi32>, vector<32x4xi32> -> vector<32x128xi32>
    %slice3A_3453 = vector.extract_strided_slice %select_n3A_3436 {offsets = [0, 124], sizes = [32, 4], strides = [1, 1]} : vector<32x128xi32> to vector<32x4xi32>
    %slice3A_3454 = vector.extract_strided_slice %select_n3A_3436 {offsets = [0, 0], sizes = [32, 124], strides = [1, 1]} : vector<32x128xi32> to vector<32x124xi32>
    %concatenate3A_3455 = tpu.concatenate %slice3A_3453, %slice3A_3454 in 1 : vector<32x4xi32>, vector<32x124xi32> -> vector<32x128xi32>
    %select_n3A_3456 = arith.select %eq3A_3442, %concatenate3A_3452, %concatenate3A_3455 : vector<32x128xi1>, vector<32x128xi32>
    %gt3A_3457 = arith.cmpf ogt, %select_n3A_3435, %select_n3A_3449 : vector<32x128xf32>
    %eq3A_3458 = arith.cmpf oeq, %select_n3A_3435, %select_n3A_3449 : vector<32x128xf32>
    %lt3A_3459 = arith.cmpi slt, %select_n3A_3436, %select_n3A_3456 : vector<32x128xi32>
    %and3A_3460 = arith.andi %eq3A_3458, %lt3A_3459 : vector<32x128xi1>
    %or3A_3461 = arith.ori %gt3A_3457, %and3A_3460 : vector<32x128xi1>
    %and3A_3462 = arith.constant 2048 : i32
    %and3A_3463 = vector.broadcast %and3A_3462 : i32 to vector<32x128xi32>
    %and3A_3464 = arith.andi %add3A_3124, %and3A_3463 : vector<32x128xi32>
    %eq3A_3465 = arith.constant 0 : i32
    %eq3A_3466 = vector.broadcast %eq3A_3465 : i32 to vector<32x128xi32>
    %eq3A_3467 = arith.cmpi eq, %and3A_3464, %eq3A_3466 : vector<32x128xi32>
    %eq3A_3468 = arith.xori %eq3A_3467, %eq3A_3442 : vector<32x128xi1>
    %eq3A_3469 = arith.constant dense<true> : vector<32x128xi1>
    %eq3A_3470 = arith.xori %eq3A_3468, %eq3A_3469 : vector<32x128xi1>
    %eq3A_3471 = arith.xori %or3A_3461, %eq3A_3470 : vector<32x128xi1>
    %eq3A_3472 = arith.constant dense<true> : vector<32x128xi1>
    %eq3A_3473 = arith.xori %eq3A_3471, %eq3A_3472 : vector<32x128xi1>
    %select_n3A_3474 = arith.select %eq3A_3473, %select_n3A_3435, %select_n3A_3449 : vector<32x128xi1>, vector<32x128xf32>
    %select_n3A_3475 = arith.select %eq3A_3473, %select_n3A_3436, %select_n3A_3456 : vector<32x128xi1>, vector<32x128xi32>
    %and3A_3476 = arith.constant 2 : i32
    %and3A_3477 = vector.broadcast %and3A_3476 : i32 to vector<32x128xi32>
    %and3A_3478 = arith.andi %add3A_3124, %and3A_3477 : vector<32x128xi32>
    %eq3A_3479 = arith.constant 0 : i32
    %eq3A_3480 = vector.broadcast %eq3A_3479 : i32 to vector<32x128xi32>
    %eq3A_3481 = arith.cmpi eq, %and3A_3478, %eq3A_3480 : vector<32x128xi32>
    %slice3A_3482 = vector.extract_strided_slice %select_n3A_3474 {offsets = [0, 2], sizes = [32, 126], strides = [1, 1]} : vector<32x128xf32> to vector<32x126xf32>
    %slice3A_3483 = vector.extract_strided_slice %select_n3A_3474 {offsets = [0, 0], sizes = [32, 2], strides = [1, 1]} : vector<32x128xf32> to vector<32x2xf32>
    %concatenate3A_3484 = tpu.concatenate %slice3A_3482, %slice3A_3483 in 1 : vector<32x126xf32>, vector<32x2xf32> -> vector<32x128xf32>
    %slice3A_3485 = vector.extract_strided_slice %select_n3A_3474 {offsets = [0, 126], sizes = [32, 2], strides = [1, 1]} : vector<32x128xf32> to vector<32x2xf32>
    %slice3A_3486 = vector.extract_strided_slice %select_n3A_3474 {offsets = [0, 0], sizes = [32, 126], strides = [1, 1]} : vector<32x128xf32> to vector<32x126xf32>
    %concatenate3A_3487 = tpu.concatenate %slice3A_3485, %slice3A_3486 in 1 : vector<32x2xf32>, vector<32x126xf32> -> vector<32x128xf32>
    %select_n3A_3488 = arith.select %eq3A_3481, %concatenate3A_3484, %concatenate3A_3487 : vector<32x128xi1>, vector<32x128xf32>
    %slice3A_3489 = vector.extract_strided_slice %select_n3A_3475 {offsets = [0, 2], sizes = [32, 126], strides = [1, 1]} : vector<32x128xi32> to vector<32x126xi32>
    %slice3A_3490 = vector.extract_strided_slice %select_n3A_3475 {offsets = [0, 0], sizes = [32, 2], strides = [1, 1]} : vector<32x128xi32> to vector<32x2xi32>
    %concatenate3A_3491 = tpu.concatenate %slice3A_3489, %slice3A_3490 in 1 : vector<32x126xi32>, vector<32x2xi32> -> vector<32x128xi32>
    %slice3A_3492 = vector.extract_strided_slice %select_n3A_3475 {offsets = [0, 126], sizes = [32, 2], strides = [1, 1]} : vector<32x128xi32> to vector<32x2xi32>
    %slice3A_3493 = vector.extract_strided_slice %select_n3A_3475 {offsets = [0, 0], sizes = [32, 126], strides = [1, 1]} : vector<32x128xi32> to vector<32x126xi32>
    %concatenate3A_3494 = tpu.concatenate %slice3A_3492, %slice3A_3493 in 1 : vector<32x2xi32>, vector<32x126xi32> -> vector<32x128xi32>
    %select_n3A_3495 = arith.select %eq3A_3481, %concatenate3A_3491, %concatenate3A_3494 : vector<32x128xi1>, vector<32x128xi32>
    %gt3A_3496 = arith.cmpf ogt, %select_n3A_3474, %select_n3A_3488 : vector<32x128xf32>
    %eq3A_3497 = arith.cmpf oeq, %select_n3A_3474, %select_n3A_3488 : vector<32x128xf32>
    %lt3A_3498 = arith.cmpi slt, %select_n3A_3475, %select_n3A_3495 : vector<32x128xi32>
    %and3A_3499 = arith.andi %eq3A_3497, %lt3A_3498 : vector<32x128xi1>
    %or3A_3500 = arith.ori %gt3A_3496, %and3A_3499 : vector<32x128xi1>
    %and3A_3501 = arith.constant 2048 : i32
    %and3A_3502 = vector.broadcast %and3A_3501 : i32 to vector<32x128xi32>
    %and3A_3503 = arith.andi %add3A_3124, %and3A_3502 : vector<32x128xi32>
    %eq3A_3504 = arith.constant 0 : i32
    %eq3A_3505 = vector.broadcast %eq3A_3504 : i32 to vector<32x128xi32>
    %eq3A_3506 = arith.cmpi eq, %and3A_3503, %eq3A_3505 : vector<32x128xi32>
    %eq3A_3507 = arith.xori %eq3A_3506, %eq3A_3481 : vector<32x128xi1>
    %eq3A_3508 = arith.constant dense<true> : vector<32x128xi1>
    %eq3A_3509 = arith.xori %eq3A_3507, %eq3A_3508 : vector<32x128xi1>
    %eq3A_3510 = arith.xori %or3A_3500, %eq3A_3509 : vector<32x128xi1>
    %eq3A_3511 = arith.constant dense<true> : vector<32x128xi1>
    %eq3A_3512 = arith.xori %eq3A_3510, %eq3A_3511 : vector<32x128xi1>
    %select_n3A_3513 = arith.select %eq3A_3512, %select_n3A_3474, %select_n3A_3488 : vector<32x128xi1>, vector<32x128xf32>
    %select_n3A_3514 = arith.select %eq3A_3512, %select_n3A_3475, %select_n3A_3495 : vector<32x128xi1>, vector<32x128xi32>
    %and3A_3515 = arith.constant 1 : i32
    %and3A_3516 = vector.broadcast %and3A_3515 : i32 to vector<32x128xi32>
    %and3A_3517 = arith.andi %add3A_3124, %and3A_3516 : vector<32x128xi32>
    %eq3A_3518 = arith.constant 0 : i32
    %eq3A_3519 = vector.broadcast %eq3A_3518 : i32 to vector<32x128xi32>
    %eq3A_3520 = arith.cmpi eq, %and3A_3517, %eq3A_3519 : vector<32x128xi32>
    %slice3A_3521 = vector.extract_strided_slice %select_n3A_3513 {offsets = [0, 1], sizes = [32, 127], strides = [1, 1]} : vector<32x128xf32> to vector<32x127xf32>
    %slice3A_3522 = vector.extract_strided_slice %select_n3A_3513 {offsets = [0, 0], sizes = [32, 1], strides = [1, 1]} : vector<32x128xf32> to vector<32x1xf32>
    %concatenate3A_3523 = tpu.concatenate %slice3A_3521, %slice3A_3522 in 1 : vector<32x127xf32>, vector<32x1xf32> -> vector<32x128xf32>
    %slice3A_3524 = vector.extract_strided_slice %select_n3A_3513 {offsets = [0, 127], sizes = [32, 1], strides = [1, 1]} : vector<32x128xf32> to vector<32x1xf32>
    %slice3A_3525 = vector.extract_strided_slice %select_n3A_3513 {offsets = [0, 0], sizes = [32, 127], strides = [1, 1]} : vector<32x128xf32> to vector<32x127xf32>
    %concatenate3A_3526 = tpu.concatenate %slice3A_3524, %slice3A_3525 in 1 : vector<32x1xf32>, vector<32x127xf32> -> vector<32x128xf32>
    %select_n3A_3527 = arith.select %eq3A_3520, %concatenate3A_3523, %concatenate3A_3526 : vector<32x128xi1>, vector<32x128xf32>
    %slice3A_3528 = vector.extract_strided_slice %select_n3A_3514 {offsets = [0, 1], sizes = [32, 127], strides = [1, 1]} : vector<32x128xi32> to vector<32x127xi32>
    %slice3A_3529 = vector.extract_strided_slice %select_n3A_3514 {offsets = [0, 0], sizes = [32, 1], strides = [1, 1]} : vector<32x128xi32> to vector<32x1xi32>
    %concatenate3A_3530 = tpu.concatenate %slice3A_3528, %slice3A_3529 in 1 : vector<32x127xi32>, vector<32x1xi32> -> vector<32x128xi32>
    %slice3A_3531 = vector.extract_strided_slice %select_n3A_3514 {offsets = [0, 127], sizes = [32, 1], strides = [1, 1]} : vector<32x128xi32> to vector<32x1xi32>
    %slice3A_3532 = vector.extract_strided_slice %select_n3A_3514 {offsets = [0, 0], sizes = [32, 127], strides = [1, 1]} : vector<32x128xi32> to vector<32x127xi32>
    %concatenate3A_3533 = tpu.concatenate %slice3A_3531, %slice3A_3532 in 1 : vector<32x1xi32>, vector<32x127xi32> -> vector<32x128xi32>
    %select_n3A_3534 = arith.select %eq3A_3520, %concatenate3A_3530, %concatenate3A_3533 : vector<32x128xi1>, vector<32x128xi32>
    %gt3A_3535 = arith.cmpf ogt, %select_n3A_3513, %select_n3A_3527 : vector<32x128xf32>
    %eq3A_3536 = arith.cmpf oeq, %select_n3A_3513, %select_n3A_3527 : vector<32x128xf32>
    %lt3A_3537 = arith.cmpi slt, %select_n3A_3514, %select_n3A_3534 : vector<32x128xi32>
    %and3A_3538 = arith.andi %eq3A_3536, %lt3A_3537 : vector<32x128xi1>
    %or3A_3539 = arith.ori %gt3A_3535, %and3A_3538 : vector<32x128xi1>
    %and3A_3540 = arith.constant 2048 : i32
    %and3A_3541 = vector.broadcast %and3A_3540 : i32 to vector<32x128xi32>
    %and3A_3542 = arith.andi %add3A_3124, %and3A_3541 : vector<32x128xi32>
    %eq3A_3543 = arith.constant 0 : i32
    %eq3A_3544 = vector.broadcast %eq3A_3543 : i32 to vector<32x128xi32>
    %eq3A_3545 = arith.cmpi eq, %and3A_3542, %eq3A_3544 : vector<32x128xi32>
    %eq3A_3546 = arith.xori %eq3A_3545, %eq3A_3520 : vector<32x128xi1>
    %eq3A_3547 = arith.constant dense<true> : vector<32x128xi1>
    %eq3A_3548 = arith.xori %eq3A_3546, %eq3A_3547 : vector<32x128xi1>
    %eq3A_3549 = arith.xori %or3A_3539, %eq3A_3548 : vector<32x128xi1>
    %eq3A_3550 = arith.constant dense<true> : vector<32x128xi1>
    %eq3A_3551 = arith.xori %eq3A_3549, %eq3A_3550 : vector<32x128xi1>
    %select_n3A_3552 = arith.select %eq3A_3551, %select_n3A_3513, %select_n3A_3527 : vector<32x128xi1>, vector<32x128xf32>
    %select_n3A_3553 = arith.select %eq3A_3551, %select_n3A_3514, %select_n3A_3534 : vector<32x128xi1>, vector<32x128xi32>
    %iota3A_3554 = tpu.iota {dimensions = array<i32: 0>} : vector<32x128xi32>
    %mul3A_3555 = arith.constant 128 : i32
    %mul3A_3556 = vector.broadcast %mul3A_3555 : i32 to vector<32x128xi32>
    %mul3A_3557 = arith.muli %iota3A_3554, %mul3A_3556 : vector<32x128xi32>
    %iota3A_3558 = tpu.iota {dimensions = array<i32: 1>} : vector<32x128xi32>
    %add3A_3559 = arith.addi %mul3A_3557, %iota3A_3558 : vector<32x128xi32>
    %and3A_3560 = arith.constant 2048 : i32
    %and3A_3561 = vector.broadcast %and3A_3560 : i32 to vector<32x128xi32>
    %and3A_3562 = arith.andi %add3A_3559, %and3A_3561 : vector<32x128xi32>
    %eq3A_3563 = arith.constant 0 : i32
    %eq3A_3564 = vector.broadcast %eq3A_3563 : i32 to vector<32x128xi32>
    %eq3A_3565 = arith.cmpi eq, %and3A_3562, %eq3A_3564 : vector<32x128xi32>
    %slice3A_3566 = vector.extract_strided_slice %select_n3A_3552 {offsets = [16, 0], sizes = [16, 128], strides = [1, 1]} : vector<32x128xf32> to vector<16x128xf32>
    %slice3A_3567 = vector.extract_strided_slice %select_n3A_3552 {offsets = [0, 0], sizes = [16, 128], strides = [1, 1]} : vector<32x128xf32> to vector<16x128xf32>
    %concatenate3A_3568 = tpu.concatenate %slice3A_3566, %slice3A_3567 in 0 : vector<16x128xf32>, vector<16x128xf32> -> vector<32x128xf32>
    %slice3A_3569 = vector.extract_strided_slice %select_n3A_3552 {offsets = [16, 0], sizes = [16, 128], strides = [1, 1]} : vector<32x128xf32> to vector<16x128xf32>
    %slice3A_3570 = vector.extract_strided_slice %select_n3A_3552 {offsets = [0, 0], sizes = [16, 128], strides = [1, 1]} : vector<32x128xf32> to vector<16x128xf32>
    %concatenate3A_3571 = tpu.concatenate %slice3A_3569, %slice3A_3570 in 0 : vector<16x128xf32>, vector<16x128xf32> -> vector<32x128xf32>
    %select_n3A_3572 = arith.select %eq3A_3565, %concatenate3A_3568, %concatenate3A_3571 : vector<32x128xi1>, vector<32x128xf32>
    %slice3A_3573 = vector.extract_strided_slice %select_n3A_3553 {offsets = [16, 0], sizes = [16, 128], strides = [1, 1]} : vector<32x128xi32> to vector<16x128xi32>
    %slice3A_3574 = vector.extract_strided_slice %select_n3A_3553 {offsets = [0, 0], sizes = [16, 128], strides = [1, 1]} : vector<32x128xi32> to vector<16x128xi32>
    %concatenate3A_3575 = tpu.concatenate %slice3A_3573, %slice3A_3574 in 0 : vector<16x128xi32>, vector<16x128xi32> -> vector<32x128xi32>
    %slice3A_3576 = vector.extract_strided_slice %select_n3A_3553 {offsets = [16, 0], sizes = [16, 128], strides = [1, 1]} : vector<32x128xi32> to vector<16x128xi32>
    %slice3A_3577 = vector.extract_strided_slice %select_n3A_3553 {offsets = [0, 0], sizes = [16, 128], strides = [1, 1]} : vector<32x128xi32> to vector<16x128xi32>
    %concatenate3A_3578 = tpu.concatenate %slice3A_3576, %slice3A_3577 in 0 : vector<16x128xi32>, vector<16x128xi32> -> vector<32x128xi32>
    %select_n3A_3579 = arith.select %eq3A_3565, %concatenate3A_3575, %concatenate3A_3578 : vector<32x128xi1>, vector<32x128xi32>
    %gt3A_3580 = arith.cmpf ogt, %select_n3A_3552, %select_n3A_3572 : vector<32x128xf32>
    %eq3A_3581 = arith.cmpf oeq, %select_n3A_3552, %select_n3A_3572 : vector<32x128xf32>
    %lt3A_3582 = arith.cmpi slt, %select_n3A_3553, %select_n3A_3579 : vector<32x128xi32>
    %and3A_3583 = arith.andi %eq3A_3581, %lt3A_3582 : vector<32x128xi1>
    %or3A_3584 = arith.ori %gt3A_3580, %and3A_3583 : vector<32x128xi1>
    %and3A_3585 = arith.constant 4096 : i32
    %and3A_3586 = vector.broadcast %and3A_3585 : i32 to vector<32x128xi32>
    %and3A_3587 = arith.andi %add3A_3559, %and3A_3586 : vector<32x128xi32>
    %eq3A_3588 = arith.constant 0 : i32
    %eq3A_3589 = vector.broadcast %eq3A_3588 : i32 to vector<32x128xi32>
    %eq3A_3590 = arith.cmpi eq, %and3A_3587, %eq3A_3589 : vector<32x128xi32>
    %eq3A_3591 = arith.xori %eq3A_3590, %eq3A_3565 : vector<32x128xi1>
    %eq3A_3592 = arith.constant dense<true> : vector<32x128xi1>
    %eq3A_3593 = arith.xori %eq3A_3591, %eq3A_3592 : vector<32x128xi1>
    %eq3A_3594 = arith.xori %or3A_3584, %eq3A_3593 : vector<32x128xi1>
    %eq3A_3595 = arith.constant dense<true> : vector<32x128xi1>
    %eq3A_3596 = arith.xori %eq3A_3594, %eq3A_3595 : vector<32x128xi1>
    %select_n3A_3597 = arith.select %eq3A_3596, %select_n3A_3552, %select_n3A_3572 : vector<32x128xi1>, vector<32x128xf32>
    %select_n3A_3598 = arith.select %eq3A_3596, %select_n3A_3553, %select_n3A_3579 : vector<32x128xi1>, vector<32x128xi32>
    %slice3A_3599 = vector.extract_strided_slice %select_n3A_3597 {offsets = [0, 0], sizes = [16, 128], strides = [1, 1]} : vector<32x128xf32> to vector<16x128xf32>
    %slice3A_3600 = vector.extract_strided_slice %select_n3A_3598 {offsets = [0, 0], sizes = [16, 128], strides = [1, 1]} : vector<32x128xi32> to vector<16x128xi32>
    %iota3A_3601 = tpu.iota {dimensions = array<i32: 0>} : vector<16x128xi32>
    %mul3A_3602 = arith.constant 128 : i32
    %mul3A_3603 = vector.broadcast %mul3A_3602 : i32 to vector<16x128xi32>
    %mul3A_3604 = arith.muli %iota3A_3601, %mul3A_3603 : vector<16x128xi32>
    %iota3A_3605 = tpu.iota {dimensions = array<i32: 1>} : vector<16x128xi32>
    %add3A_3606 = arith.addi %mul3A_3604, %iota3A_3605 : vector<16x128xi32>
    %and3A_3607 = arith.constant 1024 : i32
    %and3A_3608 = vector.broadcast %and3A_3607 : i32 to vector<16x128xi32>
    %and3A_3609 = arith.andi %add3A_3606, %and3A_3608 : vector<16x128xi32>
    %eq3A_3610 = arith.constant 0 : i32
    %eq3A_3611 = vector.broadcast %eq3A_3610 : i32 to vector<16x128xi32>
    %eq3A_3612 = arith.cmpi eq, %and3A_3609, %eq3A_3611 : vector<16x128xi32>
    %slice3A_3613 = vector.extract_strided_slice %slice3A_3599 {offsets = [8, 0], sizes = [8, 128], strides = [1, 1]} : vector<16x128xf32> to vector<8x128xf32>
    %slice3A_3614 = vector.extract_strided_slice %slice3A_3599 {offsets = [0, 0], sizes = [8, 128], strides = [1, 1]} : vector<16x128xf32> to vector<8x128xf32>
    %concatenate3A_3615 = tpu.concatenate %slice3A_3613, %slice3A_3614 in 0 : vector<8x128xf32>, vector<8x128xf32> -> vector<16x128xf32>
    %slice3A_3616 = vector.extract_strided_slice %slice3A_3599 {offsets = [8, 0], sizes = [8, 128], strides = [1, 1]} : vector<16x128xf32> to vector<8x128xf32>
    %slice3A_3617 = vector.extract_strided_slice %slice3A_3599 {offsets = [0, 0], sizes = [8, 128], strides = [1, 1]} : vector<16x128xf32> to vector<8x128xf32>
    %concatenate3A_3618 = tpu.concatenate %slice3A_3616, %slice3A_3617 in 0 : vector<8x128xf32>, vector<8x128xf32> -> vector<16x128xf32>
    %select_n3A_3619 = arith.select %eq3A_3612, %concatenate3A_3615, %concatenate3A_3618 : vector<16x128xi1>, vector<16x128xf32>
    %slice3A_3620 = vector.extract_strided_slice %slice3A_3600 {offsets = [8, 0], sizes = [8, 128], strides = [1, 1]} : vector<16x128xi32> to vector<8x128xi32>
    %slice3A_3621 = vector.extract_strided_slice %slice3A_3600 {offsets = [0, 0], sizes = [8, 128], strides = [1, 1]} : vector<16x128xi32> to vector<8x128xi32>
    %concatenate3A_3622 = tpu.concatenate %slice3A_3620, %slice3A_3621 in 0 : vector<8x128xi32>, vector<8x128xi32> -> vector<16x128xi32>
    %slice3A_3623 = vector.extract_strided_slice %slice3A_3600 {offsets = [8, 0], sizes = [8, 128], strides = [1, 1]} : vector<16x128xi32> to vector<8x128xi32>
    %slice3A_3624 = vector.extract_strided_slice %slice3A_3600 {offsets = [0, 0], sizes = [8, 128], strides = [1, 1]} : vector<16x128xi32> to vector<8x128xi32>
    %concatenate3A_3625 = tpu.concatenate %slice3A_3623, %slice3A_3624 in 0 : vector<8x128xi32>, vector<8x128xi32> -> vector<16x128xi32>
    %select_n3A_3626 = arith.select %eq3A_3612, %concatenate3A_3622, %concatenate3A_3625 : vector<16x128xi1>, vector<16x128xi32>
    %gt3A_3627 = arith.cmpf ogt, %slice3A_3599, %select_n3A_3619 : vector<16x128xf32>
    %eq3A_3628 = arith.cmpf oeq, %slice3A_3599, %select_n3A_3619 : vector<16x128xf32>
    %lt3A_3629 = arith.cmpi slt, %slice3A_3600, %select_n3A_3626 : vector<16x128xi32>
    %and3A_3630 = arith.andi %eq3A_3628, %lt3A_3629 : vector<16x128xi1>
    %or3A_3631 = arith.ori %gt3A_3627, %and3A_3630 : vector<16x128xi1>
    %and3A_3632 = arith.constant 2048 : i32
    %and3A_3633 = vector.broadcast %and3A_3632 : i32 to vector<16x128xi32>
    %and3A_3634 = arith.andi %add3A_3606, %and3A_3633 : vector<16x128xi32>
    %eq3A_3635 = arith.constant 0 : i32
    %eq3A_3636 = vector.broadcast %eq3A_3635 : i32 to vector<16x128xi32>
    %eq3A_3637 = arith.cmpi eq, %and3A_3634, %eq3A_3636 : vector<16x128xi32>
    %eq3A_3638 = arith.xori %eq3A_3637, %eq3A_3612 : vector<16x128xi1>
    %eq3A_3639 = arith.constant dense<true> : vector<16x128xi1>
    %eq3A_3640 = arith.xori %eq3A_3638, %eq3A_3639 : vector<16x128xi1>
    %eq3A_3641 = arith.xori %or3A_3631, %eq3A_3640 : vector<16x128xi1>
    %eq3A_3642 = arith.constant dense<true> : vector<16x128xi1>
    %eq3A_3643 = arith.xori %eq3A_3641, %eq3A_3642 : vector<16x128xi1>
    %select_n3A_3644 = arith.select %eq3A_3643, %slice3A_3599, %select_n3A_3619 : vector<16x128xi1>, vector<16x128xf32>
    %select_n3A_3645 = arith.select %eq3A_3643, %slice3A_3600, %select_n3A_3626 : vector<16x128xi1>, vector<16x128xi32>
    %and3A_3646 = arith.constant 512 : i32
    %and3A_3647 = vector.broadcast %and3A_3646 : i32 to vector<16x128xi32>
    %and3A_3648 = arith.andi %add3A_3606, %and3A_3647 : vector<16x128xi32>
    %eq3A_3649 = arith.constant 0 : i32
    %eq3A_3650 = vector.broadcast %eq3A_3649 : i32 to vector<16x128xi32>
    %eq3A_3651 = arith.cmpi eq, %and3A_3648, %eq3A_3650 : vector<16x128xi32>
    %slice3A_3652 = vector.extract_strided_slice %select_n3A_3644 {offsets = [4, 0], sizes = [12, 128], strides = [1, 1]} : vector<16x128xf32> to vector<12x128xf32>
    %slice3A_3653 = vector.extract_strided_slice %select_n3A_3644 {offsets = [0, 0], sizes = [4, 128], strides = [1, 1]} : vector<16x128xf32> to vector<4x128xf32>
    %concatenate3A_3654 = tpu.concatenate %slice3A_3652, %slice3A_3653 in 0 : vector<12x128xf32>, vector<4x128xf32> -> vector<16x128xf32>
    %slice3A_3655 = vector.extract_strided_slice %select_n3A_3644 {offsets = [12, 0], sizes = [4, 128], strides = [1, 1]} : vector<16x128xf32> to vector<4x128xf32>
    %slice3A_3656 = vector.extract_strided_slice %select_n3A_3644 {offsets = [0, 0], sizes = [12, 128], strides = [1, 1]} : vector<16x128xf32> to vector<12x128xf32>
    %concatenate3A_3657 = tpu.concatenate %slice3A_3655, %slice3A_3656 in 0 : vector<4x128xf32>, vector<12x128xf32> -> vector<16x128xf32>
    %select_n3A_3658 = arith.select %eq3A_3651, %concatenate3A_3654, %concatenate3A_3657 : vector<16x128xi1>, vector<16x128xf32>
    %slice3A_3659 = vector.extract_strided_slice %select_n3A_3645 {offsets = [4, 0], sizes = [12, 128], strides = [1, 1]} : vector<16x128xi32> to vector<12x128xi32>
    %slice3A_3660 = vector.extract_strided_slice %select_n3A_3645 {offsets = [0, 0], sizes = [4, 128], strides = [1, 1]} : vector<16x128xi32> to vector<4x128xi32>
    %concatenate3A_3661 = tpu.concatenate %slice3A_3659, %slice3A_3660 in 0 : vector<12x128xi32>, vector<4x128xi32> -> vector<16x128xi32>
    %slice3A_3662 = vector.extract_strided_slice %select_n3A_3645 {offsets = [12, 0], sizes = [4, 128], strides = [1, 1]} : vector<16x128xi32> to vector<4x128xi32>
    %slice3A_3663 = vector.extract_strided_slice %select_n3A_3645 {offsets = [0, 0], sizes = [12, 128], strides = [1, 1]} : vector<16x128xi32> to vector<12x128xi32>
    %concatenate3A_3664 = tpu.concatenate %slice3A_3662, %slice3A_3663 in 0 : vector<4x128xi32>, vector<12x128xi32> -> vector<16x128xi32>
    %select_n3A_3665 = arith.select %eq3A_3651, %concatenate3A_3661, %concatenate3A_3664 : vector<16x128xi1>, vector<16x128xi32>
    %gt3A_3666 = arith.cmpf ogt, %select_n3A_3644, %select_n3A_3658 : vector<16x128xf32>
    %eq3A_3667 = arith.cmpf oeq, %select_n3A_3644, %select_n3A_3658 : vector<16x128xf32>
    %lt3A_3668 = arith.cmpi slt, %select_n3A_3645, %select_n3A_3665 : vector<16x128xi32>
    %and3A_3669 = arith.andi %eq3A_3667, %lt3A_3668 : vector<16x128xi1>
    %or3A_3670 = arith.ori %gt3A_3666, %and3A_3669 : vector<16x128xi1>
    %and3A_3671 = arith.constant 2048 : i32
    %and3A_3672 = vector.broadcast %and3A_3671 : i32 to vector<16x128xi32>
    %and3A_3673 = arith.andi %add3A_3606, %and3A_3672 : vector<16x128xi32>
    %eq3A_3674 = arith.constant 0 : i32
    %eq3A_3675 = vector.broadcast %eq3A_3674 : i32 to vector<16x128xi32>
    %eq3A_3676 = arith.cmpi eq, %and3A_3673, %eq3A_3675 : vector<16x128xi32>
    %eq3A_3677 = arith.xori %eq3A_3676, %eq3A_3651 : vector<16x128xi1>
    %eq3A_3678 = arith.constant dense<true> : vector<16x128xi1>
    %eq3A_3679 = arith.xori %eq3A_3677, %eq3A_3678 : vector<16x128xi1>
    %eq3A_3680 = arith.xori %or3A_3670, %eq3A_3679 : vector<16x128xi1>
    %eq3A_3681 = arith.constant dense<true> : vector<16x128xi1>
    %eq3A_3682 = arith.xori %eq3A_3680, %eq3A_3681 : vector<16x128xi1>
    %select_n3A_3683 = arith.select %eq3A_3682, %select_n3A_3644, %select_n3A_3658 : vector<16x128xi1>, vector<16x128xf32>
    %select_n3A_3684 = arith.select %eq3A_3682, %select_n3A_3645, %select_n3A_3665 : vector<16x128xi1>, vector<16x128xi32>
    %and3A_3685 = arith.constant 256 : i32
    %and3A_3686 = vector.broadcast %and3A_3685 : i32 to vector<16x128xi32>
    %and3A_3687 = arith.andi %add3A_3606, %and3A_3686 : vector<16x128xi32>
    %eq3A_3688 = arith.constant 0 : i32
    %eq3A_3689 = vector.broadcast %eq3A_3688 : i32 to vector<16x128xi32>
    %eq3A_3690 = arith.cmpi eq, %and3A_3687, %eq3A_3689 : vector<16x128xi32>
    %slice3A_3691 = vector.extract_strided_slice %select_n3A_3683 {offsets = [2, 0], sizes = [14, 128], strides = [1, 1]} : vector<16x128xf32> to vector<14x128xf32>
    %slice3A_3692 = vector.extract_strided_slice %select_n3A_3683 {offsets = [0, 0], sizes = [2, 128], strides = [1, 1]} : vector<16x128xf32> to vector<2x128xf32>
    %concatenate3A_3693 = tpu.concatenate %slice3A_3691, %slice3A_3692 in 0 : vector<14x128xf32>, vector<2x128xf32> -> vector<16x128xf32>
    %slice3A_3694 = vector.extract_strided_slice %select_n3A_3683 {offsets = [14, 0], sizes = [2, 128], strides = [1, 1]} : vector<16x128xf32> to vector<2x128xf32>
    %slice3A_3695 = vector.extract_strided_slice %select_n3A_3683 {offsets = [0, 0], sizes = [14, 128], strides = [1, 1]} : vector<16x128xf32> to vector<14x128xf32>
    %concatenate3A_3696 = tpu.concatenate %slice3A_3694, %slice3A_3695 in 0 : vector<2x128xf32>, vector<14x128xf32> -> vector<16x128xf32>
    %select_n3A_3697 = arith.select %eq3A_3690, %concatenate3A_3693, %concatenate3A_3696 : vector<16x128xi1>, vector<16x128xf32>
    %slice3A_3698 = vector.extract_strided_slice %select_n3A_3684 {offsets = [2, 0], sizes = [14, 128], strides = [1, 1]} : vector<16x128xi32> to vector<14x128xi32>
    %slice3A_3699 = vector.extract_strided_slice %select_n3A_3684 {offsets = [0, 0], sizes = [2, 128], strides = [1, 1]} : vector<16x128xi32> to vector<2x128xi32>
    %concatenate3A_3700 = tpu.concatenate %slice3A_3698, %slice3A_3699 in 0 : vector<14x128xi32>, vector<2x128xi32> -> vector<16x128xi32>
    %slice3A_3701 = vector.extract_strided_slice %select_n3A_3684 {offsets = [14, 0], sizes = [2, 128], strides = [1, 1]} : vector<16x128xi32> to vector<2x128xi32>
    %slice3A_3702 = vector.extract_strided_slice %select_n3A_3684 {offsets = [0, 0], sizes = [14, 128], strides = [1, 1]} : vector<16x128xi32> to vector<14x128xi32>
    %concatenate3A_3703 = tpu.concatenate %slice3A_3701, %slice3A_3702 in 0 : vector<2x128xi32>, vector<14x128xi32> -> vector<16x128xi32>
    %select_n3A_3704 = arith.select %eq3A_3690, %concatenate3A_3700, %concatenate3A_3703 : vector<16x128xi1>, vector<16x128xi32>
    %gt3A_3705 = arith.cmpf ogt, %select_n3A_3683, %select_n3A_3697 : vector<16x128xf32>
    %eq3A_3706 = arith.cmpf oeq, %select_n3A_3683, %select_n3A_3697 : vector<16x128xf32>
    %lt3A_3707 = arith.cmpi slt, %select_n3A_3684, %select_n3A_3704 : vector<16x128xi32>
    %and3A_3708 = arith.andi %eq3A_3706, %lt3A_3707 : vector<16x128xi1>
    %or3A_3709 = arith.ori %gt3A_3705, %and3A_3708 : vector<16x128xi1>
    %and3A_3710 = arith.constant 2048 : i32
    %and3A_3711 = vector.broadcast %and3A_3710 : i32 to vector<16x128xi32>
    %and3A_3712 = arith.andi %add3A_3606, %and3A_3711 : vector<16x128xi32>
    %eq3A_3713 = arith.constant 0 : i32
    %eq3A_3714 = vector.broadcast %eq3A_3713 : i32 to vector<16x128xi32>
    %eq3A_3715 = arith.cmpi eq, %and3A_3712, %eq3A_3714 : vector<16x128xi32>
    %eq3A_3716 = arith.xori %eq3A_3715, %eq3A_3690 : vector<16x128xi1>
    %eq3A_3717 = arith.constant dense<true> : vector<16x128xi1>
    %eq3A_3718 = arith.xori %eq3A_3716, %eq3A_3717 : vector<16x128xi1>
    %eq3A_3719 = arith.xori %or3A_3709, %eq3A_3718 : vector<16x128xi1>
    %eq3A_3720 = arith.constant dense<true> : vector<16x128xi1>
    %eq3A_3721 = arith.xori %eq3A_3719, %eq3A_3720 : vector<16x128xi1>
    %select_n3A_3722 = arith.select %eq3A_3721, %select_n3A_3683, %select_n3A_3697 : vector<16x128xi1>, vector<16x128xf32>
    %select_n3A_3723 = arith.select %eq3A_3721, %select_n3A_3684, %select_n3A_3704 : vector<16x128xi1>, vector<16x128xi32>
    %and3A_3724 = arith.constant 128 : i32
    %and3A_3725 = vector.broadcast %and3A_3724 : i32 to vector<16x128xi32>
    %and3A_3726 = arith.andi %add3A_3606, %and3A_3725 : vector<16x128xi32>
    %eq3A_3727 = arith.constant 0 : i32
    %eq3A_3728 = vector.broadcast %eq3A_3727 : i32 to vector<16x128xi32>
    %eq3A_3729 = arith.cmpi eq, %and3A_3726, %eq3A_3728 : vector<16x128xi32>
    %slice3A_3730 = vector.extract_strided_slice %select_n3A_3722 {offsets = [1, 0], sizes = [15, 128], strides = [1, 1]} : vector<16x128xf32> to vector<15x128xf32>
    %slice3A_3731 = vector.extract_strided_slice %select_n3A_3722 {offsets = [0, 0], sizes = [1, 128], strides = [1, 1]} : vector<16x128xf32> to vector<1x128xf32>
    %concatenate3A_3732 = tpu.concatenate %slice3A_3730, %slice3A_3731 in 0 : vector<15x128xf32>, vector<1x128xf32> -> vector<16x128xf32>
    %slice3A_3733 = vector.extract_strided_slice %select_n3A_3722 {offsets = [15, 0], sizes = [1, 128], strides = [1, 1]} : vector<16x128xf32> to vector<1x128xf32>
    %slice3A_3734 = vector.extract_strided_slice %select_n3A_3722 {offsets = [0, 0], sizes = [15, 128], strides = [1, 1]} : vector<16x128xf32> to vector<15x128xf32>
    %concatenate3A_3735 = tpu.concatenate %slice3A_3733, %slice3A_3734 in 0 : vector<1x128xf32>, vector<15x128xf32> -> vector<16x128xf32>
    %select_n3A_3736 = arith.select %eq3A_3729, %concatenate3A_3732, %concatenate3A_3735 : vector<16x128xi1>, vector<16x128xf32>
    %slice3A_3737 = vector.extract_strided_slice %select_n3A_3723 {offsets = [1, 0], sizes = [15, 128], strides = [1, 1]} : vector<16x128xi32> to vector<15x128xi32>
    %slice3A_3738 = vector.extract_strided_slice %select_n3A_3723 {offsets = [0, 0], sizes = [1, 128], strides = [1, 1]} : vector<16x128xi32> to vector<1x128xi32>
    %concatenate3A_3739 = tpu.concatenate %slice3A_3737, %slice3A_3738 in 0 : vector<15x128xi32>, vector<1x128xi32> -> vector<16x128xi32>
    %slice3A_3740 = vector.extract_strided_slice %select_n3A_3723 {offsets = [15, 0], sizes = [1, 128], strides = [1, 1]} : vector<16x128xi32> to vector<1x128xi32>
    %slice3A_3741 = vector.extract_strided_slice %select_n3A_3723 {offsets = [0, 0], sizes = [15, 128], strides = [1, 1]} : vector<16x128xi32> to vector<15x128xi32>
    %concatenate3A_3742 = tpu.concatenate %slice3A_3740, %slice3A_3741 in 0 : vector<1x128xi32>, vector<15x128xi32> -> vector<16x128xi32>
    %select_n3A_3743 = arith.select %eq3A_3729, %concatenate3A_3739, %concatenate3A_3742 : vector<16x128xi1>, vector<16x128xi32>
    %gt3A_3744 = arith.cmpf ogt, %select_n3A_3722, %select_n3A_3736 : vector<16x128xf32>
    %eq3A_3745 = arith.cmpf oeq, %select_n3A_3722, %select_n3A_3736 : vector<16x128xf32>
    %lt3A_3746 = arith.cmpi slt, %select_n3A_3723, %select_n3A_3743 : vector<16x128xi32>
    %and3A_3747 = arith.andi %eq3A_3745, %lt3A_3746 : vector<16x128xi1>
    %or3A_3748 = arith.ori %gt3A_3744, %and3A_3747 : vector<16x128xi1>
    %and3A_3749 = arith.constant 2048 : i32
    %and3A_3750 = vector.broadcast %and3A_3749 : i32 to vector<16x128xi32>
    %and3A_3751 = arith.andi %add3A_3606, %and3A_3750 : vector<16x128xi32>
    %eq3A_3752 = arith.constant 0 : i32
    %eq3A_3753 = vector.broadcast %eq3A_3752 : i32 to vector<16x128xi32>
    %eq3A_3754 = arith.cmpi eq, %and3A_3751, %eq3A_3753 : vector<16x128xi32>
    %eq3A_3755 = arith.xori %eq3A_3754, %eq3A_3729 : vector<16x128xi1>
    %eq3A_3756 = arith.constant dense<true> : vector<16x128xi1>
    %eq3A_3757 = arith.xori %eq3A_3755, %eq3A_3756 : vector<16x128xi1>
    %eq3A_3758 = arith.xori %or3A_3748, %eq3A_3757 : vector<16x128xi1>
    %eq3A_3759 = arith.constant dense<true> : vector<16x128xi1>
    %eq3A_3760 = arith.xori %eq3A_3758, %eq3A_3759 : vector<16x128xi1>
    %select_n3A_3761 = arith.select %eq3A_3760, %select_n3A_3722, %select_n3A_3736 : vector<16x128xi1>, vector<16x128xf32>
    %select_n3A_3762 = arith.select %eq3A_3760, %select_n3A_3723, %select_n3A_3743 : vector<16x128xi1>, vector<16x128xi32>
    %and3A_3763 = arith.constant 64 : i32
    %and3A_3764 = vector.broadcast %and3A_3763 : i32 to vector<16x128xi32>
    %and3A_3765 = arith.andi %add3A_3606, %and3A_3764 : vector<16x128xi32>
    %eq3A_3766 = arith.constant 0 : i32
    %eq3A_3767 = vector.broadcast %eq3A_3766 : i32 to vector<16x128xi32>
    %eq3A_3768 = arith.cmpi eq, %and3A_3765, %eq3A_3767 : vector<16x128xi32>
    %slice3A_3769 = vector.extract_strided_slice %select_n3A_3761 {offsets = [0, 64], sizes = [16, 64], strides = [1, 1]} : vector<16x128xf32> to vector<16x64xf32>
    %slice3A_3770 = vector.extract_strided_slice %select_n3A_3761 {offsets = [0, 0], sizes = [16, 64], strides = [1, 1]} : vector<16x128xf32> to vector<16x64xf32>
    %concatenate3A_3771 = tpu.concatenate %slice3A_3769, %slice3A_3770 in 1 : vector<16x64xf32>, vector<16x64xf32> -> vector<16x128xf32>
    %slice3A_3772 = vector.extract_strided_slice %select_n3A_3761 {offsets = [0, 64], sizes = [16, 64], strides = [1, 1]} : vector<16x128xf32> to vector<16x64xf32>
    %slice3A_3773 = vector.extract_strided_slice %select_n3A_3761 {offsets = [0, 0], sizes = [16, 64], strides = [1, 1]} : vector<16x128xf32> to vector<16x64xf32>
    %concatenate3A_3774 = tpu.concatenate %slice3A_3772, %slice3A_3773 in 1 : vector<16x64xf32>, vector<16x64xf32> -> vector<16x128xf32>
    %select_n3A_3775 = arith.select %eq3A_3768, %concatenate3A_3771, %concatenate3A_3774 : vector<16x128xi1>, vector<16x128xf32>
    %slice3A_3776 = vector.extract_strided_slice %select_n3A_3762 {offsets = [0, 64], sizes = [16, 64], strides = [1, 1]} : vector<16x128xi32> to vector<16x64xi32>
    %slice3A_3777 = vector.extract_strided_slice %select_n3A_3762 {offsets = [0, 0], sizes = [16, 64], strides = [1, 1]} : vector<16x128xi32> to vector<16x64xi32>
    %concatenate3A_3778 = tpu.concatenate %slice3A_3776, %slice3A_3777 in 1 : vector<16x64xi32>, vector<16x64xi32> -> vector<16x128xi32>
    %slice3A_3779 = vector.extract_strided_slice %select_n3A_3762 {offsets = [0, 64], sizes = [16, 64], strides = [1, 1]} : vector<16x128xi32> to vector<16x64xi32>
    %slice3A_3780 = vector.extract_strided_slice %select_n3A_3762 {offsets = [0, 0], sizes = [16, 64], strides = [1, 1]} : vector<16x128xi32> to vector<16x64xi32>
    %concatenate3A_3781 = tpu.concatenate %slice3A_3779, %slice3A_3780 in 1 : vector<16x64xi32>, vector<16x64xi32> -> vector<16x128xi32>
    %select_n3A_3782 = arith.select %eq3A_3768, %concatenate3A_3778, %concatenate3A_3781 : vector<16x128xi1>, vector<16x128xi32>
    %gt3A_3783 = arith.cmpf ogt, %select_n3A_3761, %select_n3A_3775 : vector<16x128xf32>
    %eq3A_3784 = arith.cmpf oeq, %select_n3A_3761, %select_n3A_3775 : vector<16x128xf32>
    %lt3A_3785 = arith.cmpi slt, %select_n3A_3762, %select_n3A_3782 : vector<16x128xi32>
    %and3A_3786 = arith.andi %eq3A_3784, %lt3A_3785 : vector<16x128xi1>
    %or3A_3787 = arith.ori %gt3A_3783, %and3A_3786 : vector<16x128xi1>
    %and3A_3788 = arith.constant 2048 : i32
    %and3A_3789 = vector.broadcast %and3A_3788 : i32 to vector<16x128xi32>
    %and3A_3790 = arith.andi %add3A_3606, %and3A_3789 : vector<16x128xi32>
    %eq3A_3791 = arith.constant 0 : i32
    %eq3A_3792 = vector.broadcast %eq3A_3791 : i32 to vector<16x128xi32>
    %eq3A_3793 = arith.cmpi eq, %and3A_3790, %eq3A_3792 : vector<16x128xi32>
    %eq3A_3794 = arith.xori %eq3A_3793, %eq3A_3768 : vector<16x128xi1>
    %eq3A_3795 = arith.constant dense<true> : vector<16x128xi1>
    %eq3A_3796 = arith.xori %eq3A_3794, %eq3A_3795 : vector<16x128xi1>
    %eq3A_3797 = arith.xori %or3A_3787, %eq3A_3796 : vector<16x128xi1>
    %eq3A_3798 = arith.constant dense<true> : vector<16x128xi1>
    %eq3A_3799 = arith.xori %eq3A_3797, %eq3A_3798 : vector<16x128xi1>
    %select_n3A_3800 = arith.select %eq3A_3799, %select_n3A_3761, %select_n3A_3775 : vector<16x128xi1>, vector<16x128xf32>
    %select_n3A_3801 = arith.select %eq3A_3799, %select_n3A_3762, %select_n3A_3782 : vector<16x128xi1>, vector<16x128xi32>
    %and3A_3802 = arith.constant 32 : i32
    %and3A_3803 = vector.broadcast %and3A_3802 : i32 to vector<16x128xi32>
    %and3A_3804 = arith.andi %add3A_3606, %and3A_3803 : vector<16x128xi32>
    %eq3A_3805 = arith.constant 0 : i32
    %eq3A_3806 = vector.broadcast %eq3A_3805 : i32 to vector<16x128xi32>
    %eq3A_3807 = arith.cmpi eq, %and3A_3804, %eq3A_3806 : vector<16x128xi32>
    %slice3A_3808 = vector.extract_strided_slice %select_n3A_3800 {offsets = [0, 32], sizes = [16, 96], strides = [1, 1]} : vector<16x128xf32> to vector<16x96xf32>
    %slice3A_3809 = vector.extract_strided_slice %select_n3A_3800 {offsets = [0, 0], sizes = [16, 32], strides = [1, 1]} : vector<16x128xf32> to vector<16x32xf32>
    %concatenate3A_3810 = tpu.concatenate %slice3A_3808, %slice3A_3809 in 1 : vector<16x96xf32>, vector<16x32xf32> -> vector<16x128xf32>
    %slice3A_3811 = vector.extract_strided_slice %select_n3A_3800 {offsets = [0, 96], sizes = [16, 32], strides = [1, 1]} : vector<16x128xf32> to vector<16x32xf32>
    %slice3A_3812 = vector.extract_strided_slice %select_n3A_3800 {offsets = [0, 0], sizes = [16, 96], strides = [1, 1]} : vector<16x128xf32> to vector<16x96xf32>
    %concatenate3A_3813 = tpu.concatenate %slice3A_3811, %slice3A_3812 in 1 : vector<16x32xf32>, vector<16x96xf32> -> vector<16x128xf32>
    %select_n3A_3814 = arith.select %eq3A_3807, %concatenate3A_3810, %concatenate3A_3813 : vector<16x128xi1>, vector<16x128xf32>
    %slice3A_3815 = vector.extract_strided_slice %select_n3A_3801 {offsets = [0, 32], sizes = [16, 96], strides = [1, 1]} : vector<16x128xi32> to vector<16x96xi32>
    %slice3A_3816 = vector.extract_strided_slice %select_n3A_3801 {offsets = [0, 0], sizes = [16, 32], strides = [1, 1]} : vector<16x128xi32> to vector<16x32xi32>
    %concatenate3A_3817 = tpu.concatenate %slice3A_3815, %slice3A_3816 in 1 : vector<16x96xi32>, vector<16x32xi32> -> vector<16x128xi32>
    %slice3A_3818 = vector.extract_strided_slice %select_n3A_3801 {offsets = [0, 96], sizes = [16, 32], strides = [1, 1]} : vector<16x128xi32> to vector<16x32xi32>
    %slice3A_3819 = vector.extract_strided_slice %select_n3A_3801 {offsets = [0, 0], sizes = [16, 96], strides = [1, 1]} : vector<16x128xi32> to vector<16x96xi32>
    %concatenate3A_3820 = tpu.concatenate %slice3A_3818, %slice3A_3819 in 1 : vector<16x32xi32>, vector<16x96xi32> -> vector<16x128xi32>
    %select_n3A_3821 = arith.select %eq3A_3807, %concatenate3A_3817, %concatenate3A_3820 : vector<16x128xi1>, vector<16x128xi32>
    %gt3A_3822 = arith.cmpf ogt, %select_n3A_3800, %select_n3A_3814 : vector<16x128xf32>
    %eq3A_3823 = arith.cmpf oeq, %select_n3A_3800, %select_n3A_3814 : vector<16x128xf32>
    %lt3A_3824 = arith.cmpi slt, %select_n3A_3801, %select_n3A_3821 : vector<16x128xi32>
    %and3A_3825 = arith.andi %eq3A_3823, %lt3A_3824 : vector<16x128xi1>
    %or3A_3826 = arith.ori %gt3A_3822, %and3A_3825 : vector<16x128xi1>
    %and3A_3827 = arith.constant 2048 : i32
    %and3A_3828 = vector.broadcast %and3A_3827 : i32 to vector<16x128xi32>
    %and3A_3829 = arith.andi %add3A_3606, %and3A_3828 : vector<16x128xi32>
    %eq3A_3830 = arith.constant 0 : i32
    %eq3A_3831 = vector.broadcast %eq3A_3830 : i32 to vector<16x128xi32>
    %eq3A_3832 = arith.cmpi eq, %and3A_3829, %eq3A_3831 : vector<16x128xi32>
    %eq3A_3833 = arith.xori %eq3A_3832, %eq3A_3807 : vector<16x128xi1>
    %eq3A_3834 = arith.constant dense<true> : vector<16x128xi1>
    %eq3A_3835 = arith.xori %eq3A_3833, %eq3A_3834 : vector<16x128xi1>
    %eq3A_3836 = arith.xori %or3A_3826, %eq3A_3835 : vector<16x128xi1>
    %eq3A_3837 = arith.constant dense<true> : vector<16x128xi1>
    %eq3A_3838 = arith.xori %eq3A_3836, %eq3A_3837 : vector<16x128xi1>
    %select_n3A_3839 = arith.select %eq3A_3838, %select_n3A_3800, %select_n3A_3814 : vector<16x128xi1>, vector<16x128xf32>
    %select_n3A_3840 = arith.select %eq3A_3838, %select_n3A_3801, %select_n3A_3821 : vector<16x128xi1>, vector<16x128xi32>
    %and3A_3841 = arith.constant 16 : i32
    %and3A_3842 = vector.broadcast %and3A_3841 : i32 to vector<16x128xi32>
    %and3A_3843 = arith.andi %add3A_3606, %and3A_3842 : vector<16x128xi32>
    %eq3A_3844 = arith.constant 0 : i32
    %eq3A_3845 = vector.broadcast %eq3A_3844 : i32 to vector<16x128xi32>
    %eq3A_3846 = arith.cmpi eq, %and3A_3843, %eq3A_3845 : vector<16x128xi32>
    %slice3A_3847 = vector.extract_strided_slice %select_n3A_3839 {offsets = [0, 16], sizes = [16, 112], strides = [1, 1]} : vector<16x128xf32> to vector<16x112xf32>
    %slice3A_3848 = vector.extract_strided_slice %select_n3A_3839 {offsets = [0, 0], sizes = [16, 16], strides = [1, 1]} : vector<16x128xf32> to vector<16x16xf32>
    %concatenate3A_3849 = tpu.concatenate %slice3A_3847, %slice3A_3848 in 1 : vector<16x112xf32>, vector<16x16xf32> -> vector<16x128xf32>
    %slice3A_3850 = vector.extract_strided_slice %select_n3A_3839 {offsets = [0, 112], sizes = [16, 16], strides = [1, 1]} : vector<16x128xf32> to vector<16x16xf32>
    %slice3A_3851 = vector.extract_strided_slice %select_n3A_3839 {offsets = [0, 0], sizes = [16, 112], strides = [1, 1]} : vector<16x128xf32> to vector<16x112xf32>
    %concatenate3A_3852 = tpu.concatenate %slice3A_3850, %slice3A_3851 in 1 : vector<16x16xf32>, vector<16x112xf32> -> vector<16x128xf32>
    %select_n3A_3853 = arith.select %eq3A_3846, %concatenate3A_3849, %concatenate3A_3852 : vector<16x128xi1>, vector<16x128xf32>
    %slice3A_3854 = vector.extract_strided_slice %select_n3A_3840 {offsets = [0, 16], sizes = [16, 112], strides = [1, 1]} : vector<16x128xi32> to vector<16x112xi32>
    %slice3A_3855 = vector.extract_strided_slice %select_n3A_3840 {offsets = [0, 0], sizes = [16, 16], strides = [1, 1]} : vector<16x128xi32> to vector<16x16xi32>
    %concatenate3A_3856 = tpu.concatenate %slice3A_3854, %slice3A_3855 in 1 : vector<16x112xi32>, vector<16x16xi32> -> vector<16x128xi32>
    %slice3A_3857 = vector.extract_strided_slice %select_n3A_3840 {offsets = [0, 112], sizes = [16, 16], strides = [1, 1]} : vector<16x128xi32> to vector<16x16xi32>
    %slice3A_3858 = vector.extract_strided_slice %select_n3A_3840 {offsets = [0, 0], sizes = [16, 112], strides = [1, 1]} : vector<16x128xi32> to vector<16x112xi32>
    %concatenate3A_3859 = tpu.concatenate %slice3A_3857, %slice3A_3858 in 1 : vector<16x16xi32>, vector<16x112xi32> -> vector<16x128xi32>
    %select_n3A_3860 = arith.select %eq3A_3846, %concatenate3A_3856, %concatenate3A_3859 : vector<16x128xi1>, vector<16x128xi32>
    %gt3A_3861 = arith.cmpf ogt, %select_n3A_3839, %select_n3A_3853 : vector<16x128xf32>
    %eq3A_3862 = arith.cmpf oeq, %select_n3A_3839, %select_n3A_3853 : vector<16x128xf32>
    %lt3A_3863 = arith.cmpi slt, %select_n3A_3840, %select_n3A_3860 : vector<16x128xi32>
    %and3A_3864 = arith.andi %eq3A_3862, %lt3A_3863 : vector<16x128xi1>
    %or3A_3865 = arith.ori %gt3A_3861, %and3A_3864 : vector<16x128xi1>
    %and3A_3866 = arith.constant 2048 : i32
    %and3A_3867 = vector.broadcast %and3A_3866 : i32 to vector<16x128xi32>
    %and3A_3868 = arith.andi %add3A_3606, %and3A_3867 : vector<16x128xi32>
    %eq3A_3869 = arith.constant 0 : i32
    %eq3A_3870 = vector.broadcast %eq3A_3869 : i32 to vector<16x128xi32>
    %eq3A_3871 = arith.cmpi eq, %and3A_3868, %eq3A_3870 : vector<16x128xi32>
    %eq3A_3872 = arith.xori %eq3A_3871, %eq3A_3846 : vector<16x128xi1>
    %eq3A_3873 = arith.constant dense<true> : vector<16x128xi1>
    %eq3A_3874 = arith.xori %eq3A_3872, %eq3A_3873 : vector<16x128xi1>
    %eq3A_3875 = arith.xori %or3A_3865, %eq3A_3874 : vector<16x128xi1>
    %eq3A_3876 = arith.constant dense<true> : vector<16x128xi1>
    %eq3A_3877 = arith.xori %eq3A_3875, %eq3A_3876 : vector<16x128xi1>
    %select_n3A_3878 = arith.select %eq3A_3877, %select_n3A_3839, %select_n3A_3853 : vector<16x128xi1>, vector<16x128xf32>
    %select_n3A_3879 = arith.select %eq3A_3877, %select_n3A_3840, %select_n3A_3860 : vector<16x128xi1>, vector<16x128xi32>
    %and3A_3880 = arith.constant 8 : i32
    %and3A_3881 = vector.broadcast %and3A_3880 : i32 to vector<16x128xi32>
    %and3A_3882 = arith.andi %add3A_3606, %and3A_3881 : vector<16x128xi32>
    %eq3A_3883 = arith.constant 0 : i32
    %eq3A_3884 = vector.broadcast %eq3A_3883 : i32 to vector<16x128xi32>
    %eq3A_3885 = arith.cmpi eq, %and3A_3882, %eq3A_3884 : vector<16x128xi32>
    %slice3A_3886 = vector.extract_strided_slice %select_n3A_3878 {offsets = [0, 8], sizes = [16, 120], strides = [1, 1]} : vector<16x128xf32> to vector<16x120xf32>
    %slice3A_3887 = vector.extract_strided_slice %select_n3A_3878 {offsets = [0, 0], sizes = [16, 8], strides = [1, 1]} : vector<16x128xf32> to vector<16x8xf32>
    %concatenate3A_3888 = tpu.concatenate %slice3A_3886, %slice3A_3887 in 1 : vector<16x120xf32>, vector<16x8xf32> -> vector<16x128xf32>
    %slice3A_3889 = vector.extract_strided_slice %select_n3A_3878 {offsets = [0, 120], sizes = [16, 8], strides = [1, 1]} : vector<16x128xf32> to vector<16x8xf32>
    %slice3A_3890 = vector.extract_strided_slice %select_n3A_3878 {offsets = [0, 0], sizes = [16, 120], strides = [1, 1]} : vector<16x128xf32> to vector<16x120xf32>
    %concatenate3A_3891 = tpu.concatenate %slice3A_3889, %slice3A_3890 in 1 : vector<16x8xf32>, vector<16x120xf32> -> vector<16x128xf32>
    %select_n3A_3892 = arith.select %eq3A_3885, %concatenate3A_3888, %concatenate3A_3891 : vector<16x128xi1>, vector<16x128xf32>
    %slice3A_3893 = vector.extract_strided_slice %select_n3A_3879 {offsets = [0, 8], sizes = [16, 120], strides = [1, 1]} : vector<16x128xi32> to vector<16x120xi32>
    %slice3A_3894 = vector.extract_strided_slice %select_n3A_3879 {offsets = [0, 0], sizes = [16, 8], strides = [1, 1]} : vector<16x128xi32> to vector<16x8xi32>
    %concatenate3A_3895 = tpu.concatenate %slice3A_3893, %slice3A_3894 in 1 : vector<16x120xi32>, vector<16x8xi32> -> vector<16x128xi32>
    %slice3A_3896 = vector.extract_strided_slice %select_n3A_3879 {offsets = [0, 120], sizes = [16, 8], strides = [1, 1]} : vector<16x128xi32> to vector<16x8xi32>
    %slice3A_3897 = vector.extract_strided_slice %select_n3A_3879 {offsets = [0, 0], sizes = [16, 120], strides = [1, 1]} : vector<16x128xi32> to vector<16x120xi32>
    %concatenate3A_3898 = tpu.concatenate %slice3A_3896, %slice3A_3897 in 1 : vector<16x8xi32>, vector<16x120xi32> -> vector<16x128xi32>
    %select_n3A_3899 = arith.select %eq3A_3885, %concatenate3A_3895, %concatenate3A_3898 : vector<16x128xi1>, vector<16x128xi32>
    %gt3A_3900 = arith.cmpf ogt, %select_n3A_3878, %select_n3A_3892 : vector<16x128xf32>
    %eq3A_3901 = arith.cmpf oeq, %select_n3A_3878, %select_n3A_3892 : vector<16x128xf32>
    %lt3A_3902 = arith.cmpi slt, %select_n3A_3879, %select_n3A_3899 : vector<16x128xi32>
    %and3A_3903 = arith.andi %eq3A_3901, %lt3A_3902 : vector<16x128xi1>
    %or3A_3904 = arith.ori %gt3A_3900, %and3A_3903 : vector<16x128xi1>
    %and3A_3905 = arith.constant 2048 : i32
    %and3A_3906 = vector.broadcast %and3A_3905 : i32 to vector<16x128xi32>
    %and3A_3907 = arith.andi %add3A_3606, %and3A_3906 : vector<16x128xi32>
    %eq3A_3908 = arith.constant 0 : i32
    %eq3A_3909 = vector.broadcast %eq3A_3908 : i32 to vector<16x128xi32>
    %eq3A_3910 = arith.cmpi eq, %and3A_3907, %eq3A_3909 : vector<16x128xi32>
    %eq3A_3911 = arith.xori %eq3A_3910, %eq3A_3885 : vector<16x128xi1>
    %eq3A_3912 = arith.constant dense<true> : vector<16x128xi1>
    %eq3A_3913 = arith.xori %eq3A_3911, %eq3A_3912 : vector<16x128xi1>
    %eq3A_3914 = arith.xori %or3A_3904, %eq3A_3913 : vector<16x128xi1>
    %eq3A_3915 = arith.constant dense<true> : vector<16x128xi1>
    %eq3A_3916 = arith.xori %eq3A_3914, %eq3A_3915 : vector<16x128xi1>
    %select_n3A_3917 = arith.select %eq3A_3916, %select_n3A_3878, %select_n3A_3892 : vector<16x128xi1>, vector<16x128xf32>
    %select_n3A_3918 = arith.select %eq3A_3916, %select_n3A_3879, %select_n3A_3899 : vector<16x128xi1>, vector<16x128xi32>
    %and3A_3919 = arith.constant 4 : i32
    %and3A_3920 = vector.broadcast %and3A_3919 : i32 to vector<16x128xi32>
    %and3A_3921 = arith.andi %add3A_3606, %and3A_3920 : vector<16x128xi32>
    %eq3A_3922 = arith.constant 0 : i32
    %eq3A_3923 = vector.broadcast %eq3A_3922 : i32 to vector<16x128xi32>
    %eq3A_3924 = arith.cmpi eq, %and3A_3921, %eq3A_3923 : vector<16x128xi32>
    %slice3A_3925 = vector.extract_strided_slice %select_n3A_3917 {offsets = [0, 4], sizes = [16, 124], strides = [1, 1]} : vector<16x128xf32> to vector<16x124xf32>
    %slice3A_3926 = vector.extract_strided_slice %select_n3A_3917 {offsets = [0, 0], sizes = [16, 4], strides = [1, 1]} : vector<16x128xf32> to vector<16x4xf32>
    %concatenate3A_3927 = tpu.concatenate %slice3A_3925, %slice3A_3926 in 1 : vector<16x124xf32>, vector<16x4xf32> -> vector<16x128xf32>
    %slice3A_3928 = vector.extract_strided_slice %select_n3A_3917 {offsets = [0, 124], sizes = [16, 4], strides = [1, 1]} : vector<16x128xf32> to vector<16x4xf32>
    %slice3A_3929 = vector.extract_strided_slice %select_n3A_3917 {offsets = [0, 0], sizes = [16, 124], strides = [1, 1]} : vector<16x128xf32> to vector<16x124xf32>
    %concatenate3A_3930 = tpu.concatenate %slice3A_3928, %slice3A_3929 in 1 : vector<16x4xf32>, vector<16x124xf32> -> vector<16x128xf32>
    %select_n3A_3931 = arith.select %eq3A_3924, %concatenate3A_3927, %concatenate3A_3930 : vector<16x128xi1>, vector<16x128xf32>
    %slice3A_3932 = vector.extract_strided_slice %select_n3A_3918 {offsets = [0, 4], sizes = [16, 124], strides = [1, 1]} : vector<16x128xi32> to vector<16x124xi32>
    %slice3A_3933 = vector.extract_strided_slice %select_n3A_3918 {offsets = [0, 0], sizes = [16, 4], strides = [1, 1]} : vector<16x128xi32> to vector<16x4xi32>
    %concatenate3A_3934 = tpu.concatenate %slice3A_3932, %slice3A_3933 in 1 : vector<16x124xi32>, vector<16x4xi32> -> vector<16x128xi32>
    %slice3A_3935 = vector.extract_strided_slice %select_n3A_3918 {offsets = [0, 124], sizes = [16, 4], strides = [1, 1]} : vector<16x128xi32> to vector<16x4xi32>
    %slice3A_3936 = vector.extract_strided_slice %select_n3A_3918 {offsets = [0, 0], sizes = [16, 124], strides = [1, 1]} : vector<16x128xi32> to vector<16x124xi32>
    %concatenate3A_3937 = tpu.concatenate %slice3A_3935, %slice3A_3936 in 1 : vector<16x4xi32>, vector<16x124xi32> -> vector<16x128xi32>
    %select_n3A_3938 = arith.select %eq3A_3924, %concatenate3A_3934, %concatenate3A_3937 : vector<16x128xi1>, vector<16x128xi32>
    %gt3A_3939 = arith.cmpf ogt, %select_n3A_3917, %select_n3A_3931 : vector<16x128xf32>
    %eq3A_3940 = arith.cmpf oeq, %select_n3A_3917, %select_n3A_3931 : vector<16x128xf32>
    %lt3A_3941 = arith.cmpi slt, %select_n3A_3918, %select_n3A_3938 : vector<16x128xi32>
    %and3A_3942 = arith.andi %eq3A_3940, %lt3A_3941 : vector<16x128xi1>
    %or3A_3943 = arith.ori %gt3A_3939, %and3A_3942 : vector<16x128xi1>
    %and3A_3944 = arith.constant 2048 : i32
    %and3A_3945 = vector.broadcast %and3A_3944 : i32 to vector<16x128xi32>
    %and3A_3946 = arith.andi %add3A_3606, %and3A_3945 : vector<16x128xi32>
    %eq3A_3947 = arith.constant 0 : i32
    %eq3A_3948 = vector.broadcast %eq3A_3947 : i32 to vector<16x128xi32>
    %eq3A_3949 = arith.cmpi eq, %and3A_3946, %eq3A_3948 : vector<16x128xi32>
    %eq3A_3950 = arith.xori %eq3A_3949, %eq3A_3924 : vector<16x128xi1>
    %eq3A_3951 = arith.constant dense<true> : vector<16x128xi1>
    %eq3A_3952 = arith.xori %eq3A_3950, %eq3A_3951 : vector<16x128xi1>
    %eq3A_3953 = arith.xori %or3A_3943, %eq3A_3952 : vector<16x128xi1>
    %eq3A_3954 = arith.constant dense<true> : vector<16x128xi1>
    %eq3A_3955 = arith.xori %eq3A_3953, %eq3A_3954 : vector<16x128xi1>
    %select_n3A_3956 = arith.select %eq3A_3955, %select_n3A_3917, %select_n3A_3931 : vector<16x128xi1>, vector<16x128xf32>
    %select_n3A_3957 = arith.select %eq3A_3955, %select_n3A_3918, %select_n3A_3938 : vector<16x128xi1>, vector<16x128xi32>
    %and3A_3958 = arith.constant 2 : i32
    %and3A_3959 = vector.broadcast %and3A_3958 : i32 to vector<16x128xi32>
    %and3A_3960 = arith.andi %add3A_3606, %and3A_3959 : vector<16x128xi32>
    %eq3A_3961 = arith.constant 0 : i32
    %eq3A_3962 = vector.broadcast %eq3A_3961 : i32 to vector<16x128xi32>
    %eq3A_3963 = arith.cmpi eq, %and3A_3960, %eq3A_3962 : vector<16x128xi32>
    %slice3A_3964 = vector.extract_strided_slice %select_n3A_3956 {offsets = [0, 2], sizes = [16, 126], strides = [1, 1]} : vector<16x128xf32> to vector<16x126xf32>
    %slice3A_3965 = vector.extract_strided_slice %select_n3A_3956 {offsets = [0, 0], sizes = [16, 2], strides = [1, 1]} : vector<16x128xf32> to vector<16x2xf32>
    %concatenate3A_3966 = tpu.concatenate %slice3A_3964, %slice3A_3965 in 1 : vector<16x126xf32>, vector<16x2xf32> -> vector<16x128xf32>
    %slice3A_3967 = vector.extract_strided_slice %select_n3A_3956 {offsets = [0, 126], sizes = [16, 2], strides = [1, 1]} : vector<16x128xf32> to vector<16x2xf32>
    %slice3A_3968 = vector.extract_strided_slice %select_n3A_3956 {offsets = [0, 0], sizes = [16, 126], strides = [1, 1]} : vector<16x128xf32> to vector<16x126xf32>
    %concatenate3A_3969 = tpu.concatenate %slice3A_3967, %slice3A_3968 in 1 : vector<16x2xf32>, vector<16x126xf32> -> vector<16x128xf32>
    %select_n3A_3970 = arith.select %eq3A_3963, %concatenate3A_3966, %concatenate3A_3969 : vector<16x128xi1>, vector<16x128xf32>
    %slice3A_3971 = vector.extract_strided_slice %select_n3A_3957 {offsets = [0, 2], sizes = [16, 126], strides = [1, 1]} : vector<16x128xi32> to vector<16x126xi32>
    %slice3A_3972 = vector.extract_strided_slice %select_n3A_3957 {offsets = [0, 0], sizes = [16, 2], strides = [1, 1]} : vector<16x128xi32> to vector<16x2xi32>
    %concatenate3A_3973 = tpu.concatenate %slice3A_3971, %slice3A_3972 in 1 : vector<16x126xi32>, vector<16x2xi32> -> vector<16x128xi32>
    %slice3A_3974 = vector.extract_strided_slice %select_n3A_3957 {offsets = [0, 126], sizes = [16, 2], strides = [1, 1]} : vector<16x128xi32> to vector<16x2xi32>
    %slice3A_3975 = vector.extract_strided_slice %select_n3A_3957 {offsets = [0, 0], sizes = [16, 126], strides = [1, 1]} : vector<16x128xi32> to vector<16x126xi32>
    %concatenate3A_3976 = tpu.concatenate %slice3A_3974, %slice3A_3975 in 1 : vector<16x2xi32>, vector<16x126xi32> -> vector<16x128xi32>
    %select_n3A_3977 = arith.select %eq3A_3963, %concatenate3A_3973, %concatenate3A_3976 : vector<16x128xi1>, vector<16x128xi32>
    %gt3A_3978 = arith.cmpf ogt, %select_n3A_3956, %select_n3A_3970 : vector<16x128xf32>
    %eq3A_3979 = arith.cmpf oeq, %select_n3A_3956, %select_n3A_3970 : vector<16x128xf32>
    %lt3A_3980 = arith.cmpi slt, %select_n3A_3957, %select_n3A_3977 : vector<16x128xi32>
    %and3A_3981 = arith.andi %eq3A_3979, %lt3A_3980 : vector<16x128xi1>
    %or3A_3982 = arith.ori %gt3A_3978, %and3A_3981 : vector<16x128xi1>
    %and3A_3983 = arith.constant 2048 : i32
    %and3A_3984 = vector.broadcast %and3A_3983 : i32 to vector<16x128xi32>
    %and3A_3985 = arith.andi %add3A_3606, %and3A_3984 : vector<16x128xi32>
    %eq3A_3986 = arith.constant 0 : i32
    %eq3A_3987 = vector.broadcast %eq3A_3986 : i32 to vector<16x128xi32>
    %eq3A_3988 = arith.cmpi eq, %and3A_3985, %eq3A_3987 : vector<16x128xi32>
    %eq3A_3989 = arith.xori %eq3A_3988, %eq3A_3963 : vector<16x128xi1>
    %eq3A_3990 = arith.constant dense<true> : vector<16x128xi1>
    %eq3A_3991 = arith.xori %eq3A_3989, %eq3A_3990 : vector<16x128xi1>
    %eq3A_3992 = arith.xori %or3A_3982, %eq3A_3991 : vector<16x128xi1>
    %eq3A_3993 = arith.constant dense<true> : vector<16x128xi1>
    %eq3A_3994 = arith.xori %eq3A_3992, %eq3A_3993 : vector<16x128xi1>
    %select_n3A_3995 = arith.select %eq3A_3994, %select_n3A_3956, %select_n3A_3970 : vector<16x128xi1>, vector<16x128xf32>
    %select_n3A_3996 = arith.select %eq3A_3994, %select_n3A_3957, %select_n3A_3977 : vector<16x128xi1>, vector<16x128xi32>
    %and3A_3997 = arith.constant 1 : i32
    %and3A_3998 = vector.broadcast %and3A_3997 : i32 to vector<16x128xi32>
    %and3A_3999 = arith.andi %add3A_3606, %and3A_3998 : vector<16x128xi32>
    %eq3A_4000 = arith.constant 0 : i32
    %eq3A_4001 = vector.broadcast %eq3A_4000 : i32 to vector<16x128xi32>
    %eq3A_4002 = arith.cmpi eq, %and3A_3999, %eq3A_4001 : vector<16x128xi32>
    %slice3A_4003 = vector.extract_strided_slice %select_n3A_3995 {offsets = [0, 1], sizes = [16, 127], strides = [1, 1]} : vector<16x128xf32> to vector<16x127xf32>
    %slice3A_4004 = vector.extract_strided_slice %select_n3A_3995 {offsets = [0, 0], sizes = [16, 1], strides = [1, 1]} : vector<16x128xf32> to vector<16x1xf32>
    %concatenate3A_4005 = tpu.concatenate %slice3A_4003, %slice3A_4004 in 1 : vector<16x127xf32>, vector<16x1xf32> -> vector<16x128xf32>
    %slice3A_4006 = vector.extract_strided_slice %select_n3A_3995 {offsets = [0, 127], sizes = [16, 1], strides = [1, 1]} : vector<16x128xf32> to vector<16x1xf32>
    %slice3A_4007 = vector.extract_strided_slice %select_n3A_3995 {offsets = [0, 0], sizes = [16, 127], strides = [1, 1]} : vector<16x128xf32> to vector<16x127xf32>
    %concatenate3A_4008 = tpu.concatenate %slice3A_4006, %slice3A_4007 in 1 : vector<16x1xf32>, vector<16x127xf32> -> vector<16x128xf32>
    %select_n3A_4009 = arith.select %eq3A_4002, %concatenate3A_4005, %concatenate3A_4008 : vector<16x128xi1>, vector<16x128xf32>
    %slice3A_4010 = vector.extract_strided_slice %select_n3A_3996 {offsets = [0, 1], sizes = [16, 127], strides = [1, 1]} : vector<16x128xi32> to vector<16x127xi32>
    %slice3A_4011 = vector.extract_strided_slice %select_n3A_3996 {offsets = [0, 0], sizes = [16, 1], strides = [1, 1]} : vector<16x128xi32> to vector<16x1xi32>
    %concatenate3A_4012 = tpu.concatenate %slice3A_4010, %slice3A_4011 in 1 : vector<16x127xi32>, vector<16x1xi32> -> vector<16x128xi32>
    %slice3A_4013 = vector.extract_strided_slice %select_n3A_3996 {offsets = [0, 127], sizes = [16, 1], strides = [1, 1]} : vector<16x128xi32> to vector<16x1xi32>
    %slice3A_4014 = vector.extract_strided_slice %select_n3A_3996 {offsets = [0, 0], sizes = [16, 127], strides = [1, 1]} : vector<16x128xi32> to vector<16x127xi32>
    %concatenate3A_4015 = tpu.concatenate %slice3A_4013, %slice3A_4014 in 1 : vector<16x1xi32>, vector<16x127xi32> -> vector<16x128xi32>
    %select_n3A_4016 = arith.select %eq3A_4002, %concatenate3A_4012, %concatenate3A_4015 : vector<16x128xi1>, vector<16x128xi32>
    %gt3A_4017 = arith.cmpf ogt, %select_n3A_3995, %select_n3A_4009 : vector<16x128xf32>
    %eq3A_4018 = arith.cmpf oeq, %select_n3A_3995, %select_n3A_4009 : vector<16x128xf32>
    %lt3A_4019 = arith.cmpi slt, %select_n3A_3996, %select_n3A_4016 : vector<16x128xi32>
    %and3A_4020 = arith.andi %eq3A_4018, %lt3A_4019 : vector<16x128xi1>
    %or3A_4021 = arith.ori %gt3A_4017, %and3A_4020 : vector<16x128xi1>
    %and3A_4022 = arith.constant 2048 : i32
    %and3A_4023 = vector.broadcast %and3A_4022 : i32 to vector<16x128xi32>
    %and3A_4024 = arith.andi %add3A_3606, %and3A_4023 : vector<16x128xi32>
    %eq3A_4025 = arith.constant 0 : i32
    %eq3A_4026 = vector.broadcast %eq3A_4025 : i32 to vector<16x128xi32>
    %eq3A_4027 = arith.cmpi eq, %and3A_4024, %eq3A_4026 : vector<16x128xi32>
    %eq3A_4028 = arith.xori %eq3A_4027, %eq3A_4002 : vector<16x128xi1>
    %eq3A_4029 = arith.constant dense<true> : vector<16x128xi1>
    %eq3A_4030 = arith.xori %eq3A_4028, %eq3A_4029 : vector<16x128xi1>
    %eq3A_4031 = arith.xori %or3A_4021, %eq3A_4030 : vector<16x128xi1>
    %eq3A_4032 = arith.constant dense<true> : vector<16x128xi1>
    %eq3A_4033 = arith.xori %eq3A_4031, %eq3A_4032 : vector<16x128xi1>
    %select_n3A_4034 = arith.select %eq3A_4033, %select_n3A_3995, %select_n3A_4009 : vector<16x128xi1>, vector<16x128xf32>
    %select_n3A_4035 = arith.select %eq3A_4033, %select_n3A_3996, %select_n3A_4016 : vector<16x128xi1>, vector<16x128xi32>
    %tanh3A = math.tanh %select_n3A_4034 : vector<16x128xf32>
    %swap3A = arith.constant 0 : index
    %swap3A_4036 = arith.constant 0 : index
    %swap3A_4037 = vector.load %arg1[%swap3A, %swap3A_4036] : memref<16x128xf32, #tpu.memory_space<vmem>>, vector<16x128xf32>
    tpu.vector_store %arg1[%swap3A, %swap3A_4036], %tanh3A {strides = array<i32>} : memref<16x128xf32, #tpu.memory_space<vmem>>, vector<16x128xf32>,
    %swap3A_4038 = arith.constant 0 : index
    %swap3A_4039 = arith.constant 0 : index
    %swap3A_4040 = vector.load %arg2[%swap3A_4038, %swap3A_4039] : memref<16x128xi32, #tpu.memory_space<vmem>>, vector<16x128xi32>
    tpu.vector_store %arg2[%swap3A_4038, %swap3A_4039], %select_n3A_4035 {strides = array<i32>} : memref<16x128xi32, #tpu.memory_space<vmem>>, vector<16x128xi32>,
    return
  }
}

module attributes {stable_mosaic.version = 14 : i64} {
  func.func @_scale_body(%arg0: memref<2048x128xf32, #tpu.memory_space<vmem>>, %arg1: memref<2048x1xf32, #tpu.memory_space<vmem>>, %arg2: memref<2048x128xf32, #tpu.memory_space<vmem>>) attributes {dimension_semantics = [], scalar_prefetch = 0 : i64, scratch_operands = 0 : i64, tpu.core_type = #tpu.core_type<tc>} {
    %get3A = arith.constant 0 : index
    %get3A_0 = arith.constant 0 : index
    %get3A_1 = vector.load %arg0[%get3A, %get3A_0] : memref<2048x128xf32, #tpu.memory_space<vmem>>, vector<2048x128xf32>
    %get3A_2 = arith.constant 0 : index
    %get3A_3 = arith.constant 0 : index
    %get3A_4 = vector.load %arg1[%get3A_2, %get3A_3] : memref<2048x1xf32, #tpu.memory_space<vmem>>, vector<2048x1xf32>
    %mul3A = vector.broadcast %get3A_4 : vector<2048x1xf32> to vector<2048x128xf32>
    %mul3A_5 = arith.mulf %get3A_1, %mul3A : vector<2048x128xf32>
    %swap3A = arith.constant 0 : index
    %swap3A_6 = arith.constant 0 : index
    %swap3A_7 = vector.load %arg2[%swap3A, %swap3A_6] : memref<2048x128xf32, #tpu.memory_space<vmem>>, vector<2048x128xf32>
    tpu.vector_store %arg2[%swap3A, %swap3A_6], %mul3A_5 {strides = array<i32>} : memref<2048x128xf32, #tpu.memory_space<vmem>>, vector<2048x128xf32>,
    return
  }
}

</mosaic_0001>

<sc_bundles>
// kernel: kernel.5.cloned.1.call-start
scs
__scs_entry_jumppad:
0x0: {  	(pc) =	sbr.rel $0x88, $3  }
0x1: {  	(tag) =	ssettag $0x0;
	lr =	simm.s32 $0x1  }
0x2: {  	[smem:$0x3F9B] =	sst lr;
	_ =	strace $0xD0000000  }
0x3: {  	_ = 	snop  }
0x4: {  	_ = 	snop  }
0x5: {  	_ = 	snop  }
0x6: {  	_ = 	snop  }
0x7: {  	_ = 	snop  }
__scs_overlays_trampoline_lowered:
0x8: {  	[smem:$0x3FAA] =	sst s0  }
0x9: {  	[smem:$0x3FAB] =	sst s1  }
0xa: {  	[smem:$0x3FAC] =	sst s2  }
0xb: {  	[smem:$0x3FAD] =	sst s3  }
0xc: {  	[smem:$0x3FAE] =	sst s4  }
0xd: {  	[smem:$0x3FAF] =	sst s5  }
0xe: {  	[smem:$0x3FB0] =	sst s6  }
0xf: {  	[smem:$0x3FB1] =	sst s7  }
0x10: {  	[smem:$0x3FB2] =	sst s8  }
0x11: {  	[smem:$0x3FB3] =	sst s9;
	s0 =	simm.s32 @!p0 $0x0  }
0x12: {  	s1 =	sld [smem:$0x3F99];
	s0 =	simm.s32 @p0 $0x1  }
0x13: {  	[smem:$0x3FB4] =	sst s0;
	s0 =	simm.s32 @!p1 $0x0  }
0x14: {  	s2 =	sld [smem:$0x3F98];
	s0 =	simm.s32 @p1 $0x1  }
0x15: {  	[smem:$0x3FB5] =	sst s0;
	s0 =	simm.s32 @!p2 $0x0  }
0x16: {  	s3 =	sld [smem:$0x3FDB];
	s0 =	simm.s32 @p2 $0x1  }
0x17: {  	s4 =	simm.s32 $0x1BF5;
	[smem:$0x3FB7] =	sst s0  }
0x18: {  	s0 =	sld [smem:$0x3F9A];
	_ =	swait.ge [sflag:s4], $0x0  }
0x19: {  	s7 =	sld [smem:$0x3F9B]  }
0x1a: {  	s8 =	sadd.s32 $0xFFFFE003, lr  }
0x1b: {  	s9 =	sadd.s32 $0xFFFFFEF7, lr;
	s5 =	simm.s32 $0xFFFFFFFF;
	p2 =	slt.u32 s8, $0xFFFFF086  }
0x1c: {  	p1 =	slt.u32 s9, $0xF7A;
	s5 =	simm.s32 @!p2 $0x0  }
0x1d: {  	s5 =	simm.s32 @p1 $0x1;
	p0 =	seq.s32 s7, s2  }
0x1e: {  	s7 =	smul.u32 @!p0 $0xF7A, s2;
	p2 =	seq.s32 @!p0 s5, $0x0  }
0x1f: {  	s9 =	smul.u32 $0xF7A, s1;
	s8 =	simm.s32 @!p0 $0x1BF5;
	p2 =	por !p2, p0  }
0x20: {  	[sflag:s8] =	ssyncset.s32 @!p0 $0xFFFFF086;
	s6 =	sadd.s32 @!p0 s3, s7;
	s7 =	simm.s32 @!p0 $0x108  }
0x21: {  	s3 =	sadd.s32 s3, s9;
	s6 =	sadd.s32 @!p0 $0x88, s6;
	s7 =	simm.s32 @p2 $0x1082  }
0x22: {  	[simem:s7], [sflag:s8] =	dma.local @!p0 [hbm:s6], $0xF7A  }
0x23: {  	s9 =	sor.u32 $0xD0000000, s2;
	s6 =	simm.s32 $0x108;
	_ =	swait.ge @!p0 [sflag:s8], $0x0  }
0x24: {  	s3 =	sadd.s32 $0x88, s3;
	s6 =	simm.s32 @!p1 $0x1082;
	[sflag:s4] =	ssyncset.s32 $0xFFFFF086  }
0x25: {  	[simem:s6], [sflag:s4] =	dma.local [hbm:s3], $0xF7A  }
0x26: {  	[smem:$0x3F9B] =	sst s1;
	(tag) =	ssettag s2;
	_ =	strace s9  }
0x27: {  	s1 =	sld [smem:$0x3FAB]  }
0x28: {  	s2 =	sld [smem:$0x3FAC]  }
0x29: {  	s4 =	sld [smem:$0x3FAE]  }
0x2a: {  	p0 =	seq.s32 s5, $0x0;
	s5 =	sld [smem:$0x3FAF]  }
0x2b: {  	s6 =	sld [smem:$0x3FB0]  }
0x2c: {  	s7 =	sld [smem:$0x3FB1]  }
0x2d: {  	s3 =	simm.s32 $0x108;
	s8 =	sld [smem:$0x3FB2]  }
0x2e: {  	s3 =	simm.s32 @!p0 $0x1082;
	s9 =	sld [smem:$0x3FB3]  }
0x2f: {  	lr =	sadd.s32 s0, s3;
	s0 =	sld [smem:$0x3FAA]  }
0x30: {  	s3 =	sld [smem:$0x3FAD]  }
0x31: {  	[smem:$0x3FB6] =	sst s10  }
0x32: {  	s10 =	sld [smem:$0x3FB4];
	_ =	sdelay $0x3  }
0x33: {  	p0 =	seq.s32 s10, $0x1;
	s10 =	sld [smem:$0x3FB6];
	_ =	sdelay $0x3  }
0x34: {  	[smem:$0x3FB6] =	sst s10  }
0x35: {  	s10 =	sld [smem:$0x3FB5];
	_ =	sdelay $0x3  }
0x36: {  	p1 =	seq.s32 s10, $0x1;
	s10 =	sld [smem:$0x3FB6];
	_ =	sdelay $0x3  }
0x37: {  	[smem:$0x3FB6] =	sst s10  }
0x38: {  	s10 =	sld [smem:$0x3FB7]  }
0x39: {  	_ = 	snop;
	(pc) =	sbr.ind lr, $3  }
0x3a: {  	_ = 	snop  }
0x3b: {  	_ = 	snop  }
0x3c: {  	p2 =	seq.s32 s10, $0x1;
	s10 =	sld [smem:$0x3FB6]  }
0x3d: {  	_ =	shalt  }
0x3e: {  	_ =	shalt  }
0x3f: {  	_ =	shalt  }
0x40: {  	_ =	shalt  }
0x41: {  	_ =	shalt  }
0x42: {  	_ =	shalt  }
0x43: {  	_ =	shalt  }
0x44: {  	_ =	shalt  }
0x45: {  	_ =	shalt  }
0x46: {  	_ =	shalt  }
0x47: {  	_ =	shalt  }
0x48: {  	_ =	shalt  }
0x49: {  	_ =	shalt  }
0x4a: {  	_ =	shalt  }
0x4b: {  	_ =	shalt  }
0x4c: {  	_ =	shalt  }
0x4d: {  	_ =	shalt  }
0x4e: {  	_ =	shalt  }
0x4f: {  	_ =	shalt  }
0x50: {  	_ =	shalt  }
0x51: {  	_ =	shalt  }
0x52: {  	_ =	shalt  }
0x53: {  	_ =	shalt  }
0x54: {  	_ =	shalt  }
0x55: {  	_ =	shalt  }
0x56: {  	_ =	shalt  }
0x57: {  	_ =	shalt  }
0x58: {  	_ =	shalt  }
0x59: {  	_ =	shalt  }
0x5a: {  	_ =	shalt  }
0x5b: {  	_ =	shalt  }
0x5c: {  	_ =	shalt  }
0x5d: {  	_ =	shalt  }
0x5e: {  	_ =	shalt  }
0x5f: {  	_ =	shalt  }
0x60: {  	_ =	shalt  }
0x61: {  	_ =	shalt  }
0x62: {  	_ =	shalt  }
0x63: {  	_ =	shalt  }
0x64: {  	_ =	shalt  }
0x65: {  	_ =	shalt  }
0x66: {  	_ =	shalt  }
0x67: {  	_ =	shalt  }
0x68: {  	_ =	shalt  }
0x69: {  	_ =	shalt  }
0x6a: {  	_ =	shalt  }
0x6b: {  	_ =	shalt  }
0x6c: {  	_ =	shalt  }
0x6d: {  	_ =	shalt  }
0x6e: {  	_ =	shalt  }
0x6f: {  	_ =	shalt  }
0x70: {  	_ =	shalt  }
0x71: {  	_ =	shalt  }
0x72: {  	_ =	shalt  }
0x73: {  	_ =	shalt  }
0x74: {  	_ =	shalt  }
0x75: {  	_ =	shalt  }
0x76: {  	_ =	shalt  }
0x77: {  	_ =	shalt  }
0x78: {  	_ =	shalt  }
0x79: {  	_ =	shalt  }
0x7a: {  	_ =	shalt  }
0x7b: {  	_ =	shalt  }
0x7c: {  	_ =	shalt  }
0x7d: {  	_ =	shalt  }
0x7e: {  	_ =	shalt  }
0x7f: {  	_ =	shalt  }
0x80: {  	_ =	shalt  }
0x81: {  	_ =	shalt  }
0x82: {  	_ =	shalt  }
0x83: {  	_ =	shalt  }
0x84: {  	_ =	shalt  }
0x85: {  	_ =	shalt  }
0x86: {  	_ =	shalt  }
0x87: {  	_ =	shalt  }
.Lfunc_end0:
.L_simem_size_0:
called_computation.1_lowered:
.L_overlay_start_0:
0x88: {  	s2 =	sld [smem:$0x3FD9]  }
0x89: {  	s3 =	sld [smem:$0x3FFE];
	_ =	sdelay $0x1  }
0x8a: {  	s1 =	srdreg.scid  }
0x8b: {  	s0 =	sand.u32 $0x1, s1  }
0x8c: {  	s14 =	sshll.u32 s0, $0xA;
	s2 =	sadd.s32 s3, s2  }
0x8d: {  	s2 =	sadd.s32 s2, s14  }
0x8e: {  	[smem:$0x3FC2] =	sst s2  }
0x8f: {  	_ = 	snop  }
0x90: {  	s2 =	sld [smem:$0x3FD0];
	_ =	sdelay $0x1  }
0x91: {  	s15 =	sld [smem:$0x3FC9]  }
0x92: {  	s5 =	simm.s32 $0xA;
	s6 =	simm.s32 $0x10;
	s4 =	sld [smem:$0x3FC7]  }
0x93: {  	[smem:s6], [sflag:s5] =	dma.local [hbm:s2], $0x1  }
0x94: {  	_ =	swait.eq [sflag:s5], $0x1  }
0x95: {  	[sflag:s5] =	ssyncset.done $0x0  }
0x96: {  	s16 =	sld [smem:$0x10];
	[sflag:s5] =	ssyncadd.s32 $0xFFFFFFFF  }
0x97: {  	s17 =	sld [smem:$0x11];
	(tm) =	ssettm $0x1  }
0x98: {  	s18 =	sld [smem:$0x3FFB];
	_ =	sdelay $0x3  }
0x99: {  	_ =	strace s18  }
0x9a: {  	s6 =	sld [smem:$0x3FFC];
	_ =	sdelay $0x3  }
0x9b: {  	_ =	strace s6  }
0x9c: {  	s6 =	sld [smem:$0x3FFD];
	_ =	sdelay $0x3  }
0x9d: {  	_ =	strace s6  }
0x9e: {  	_ =	strace $0x8FFFFFFF  }
0x9f: {  	s19 =	sld [smem:$0x3FDB];
	_ =	sdelay $0x1  }
0xa0: {  	s7 =	simm.s32 $_scs_section_size  }
0xa1: {  	s8 =	simm.s32 $_size__tile_overlayer_lowered;
	s9 =	simm.s32 $_tile_overlayer_lowered  }
0xa2: {  	s22 =	simm.s32 $0x1BFF;
	s21 =	sshll.u32 s9, $0x1;
	s6 =	sadd.s32 s7, s19  }
0xa3: {  	s10 =	simm.s32 $0x0;
	s20 =	sshll.u32 s8, $0x1;
	s8 =	sadd.s32 s21, s6  }
0xa4: {  	[timem:s10], [sflag:s22] =	dma.local [hbm:s8], s20  }
0xa5: {  	_ =	swait.ge [sflag:s22], s20  }
0xa6: {  	s7 =	ssub.s32 $0x0, s20;
	[sflag:s22] =	ssyncset.done $0x0  }
0xa7: {  	[sflag:s22] =	ssyncadd.s32 s7;
	_ =	sdelay $0x1  }
0xa8: {  	s23 =	simm.s32 $0x1B8B  }
0xa9: {  	_ =	swait.ge [sflag:s23], $0x1  }
0xaa: {  	[sflag:s23] =	ssyncset.done $0x0  }
0xab: {  	s25 =	simm.s32 $0x1B8E;
	s24 =	sld [smem:$0x3FFE];
	[sflag:s23] =	ssyncadd.s32 $0xFFFFFFFF  }
0xac: {  	s26 =	simm.s32 $execute0_lowered;
	[smem:$0x3FD2] =	sst s25  }
0xad: {  	s8 =	sshll.u32 s26, $0x1;
	_ =	strace $0x80000049;
	[dreg:$0x1] =	wrdreg $0xFFFFFFFF  }
0xae: {  	s28 =	simm.s32 $_size_execute0_lowered;
	s6 =	sadd.s32 s6, s8;
	[dreg:$0x0] =	wrdreg $0x0  }
0xaf: {  	s8 =	sshll.u32 s28, $0x1;
	[dreg:$0x2] =	wrdreg s6  }
0xb0: {  	[dreg:$0x3] =	wrdreg s8  }
0xb1: {  	[dreg:$0x4] =	wrdreg $0xC0  }
0xb2: {  	_ =	task [dreg:s10], $0x5FFFF  }
0xb3: {  	[dreg:$0x1] =	wrdreg $0xFFFFFFFF  }
0xb4: {  	[dreg:$0x0] =	wrdreg $0x60  }
0xb5: {  	[dreg:$0x2] =	wrdreg s15  }
0xb6: {  	[dreg:$0x3] =	wrdreg s24  }
0xb7: {  	[dreg:$0x4] =	wrdreg s4  }
0xb8: {  	[dreg:$0x5] =	wrdreg s16  }
0xb9: {  	[dreg:$0x6] =	wrdreg s17  }
0xba: {  	[dreg:$0x7] =	wrdreg $0x9  }
0xbb: {  	_ =	task.clear_ibuf [dreg:s10], $0x8FFFF;
	_ =	strace $0x90000049  }
0xbc: {  	s29 =	simm.s32 $0x9;
	_ =	strace $0x8000004B  }
0xbd: {  	_ =	swait.ge [sflag:s29], $0x1  }
0xbe: {  	[sflag:s29] =	ssyncadd.s32 $0xFFFFFFFF  }
0xbf: {  	_ =	strace $0x9000004B  }
0xc0: {  	_ =	sfence  }
0xc1: {  	s30 =	sld [smem:$0x0];
	_ =	sdelay $0x2  }
0xc2: {  	s31 =	sshll.u32 s1, $0xD;
	s1 =	sshrl.u32 s1, $0x2  }
0xc3: {  	s3 =	sand.u32 $0x4000, s31;
	s1 =	sadd.s32 s1, s30  }
0xc4: {  	s0 =	sor.u32 s3, s0;
	s1 =	sshll.u32 s1, $0x11  }
0xc5: {  	s0 =	sor.u32 s1, s0  }
0xc6: {  	s0 =	sadd.s32 $0x8F2B, s0  }
0xc7: {  	[sflag:s0] =	ssyncadd.remote.s32 $0x1  }
0xc8: {  	_ =	sfence.sel $0xFFFF  }
0xc9: {  	[dreg:$0x0] =	wrdreg $0xFFFFFFFF;
	(pc) =	sbr.abs _section_cstart, $3  }
0xca: {  	[dreg:$0x1] =	wrdreg $0xFFFFFFFF  }
0xcb: {  	_ =	task.clear_ibuf [dreg:s10], $0x2FFFF;
	_ =	strace $0x9FFFFFFF  }
0xcc: {  	(tm) =	ssettm $0x7FFFFFFF  }
0xcd: {  	_ =	shalt  }
tec
execute0_lowered:
.L_overlay_start_1:
0x0: {  	(tag) =	ssettag $0x1  }
0x1: {  	s1 =	rddreg [dreg:$0x0]  }
0x2: {  	s5 =	rddreg [dreg:$0x1]  }
0x3: {  	s2 =	rddreg [dreg:$0x2];
	s3 =	srdreg.scid  }
0x4: {  	s11 =	rddreg [dreg:$0x3];
	s0 =	stileid.u32;
	s12 =	sand.u32 $0x1, s3  }
0x5: {  	s13 =	rddreg [dreg:$0x4];
	s6 =	sshll.u32 s0, $0x7;
	s7 =	sshll.u32 s12, $0x6  }
0x6: {  	s4 =	simm.s32 $0x0;
	s3 =	rddreg [dreg:$0x5];
	s14 =	sor.u32 s7, s6  }
0x7: {  	[smem:$0x7FF] =	sst s4;
	s15 =	sshrl.u32 s14, $0x3  }
0x8: {  	_ =	strace $0x8000004A;
	s6 =	sadd.s32 s5, s15;
	s5 =	simm.s32 $0x2  }
0x9: {  	[tilespmem:s4], [sflag:$0x2] =	stream.linear.gather [hbm4b:s6+s4], $0x40, $0x38;
	[tilespmem:$0x2100] =	vst v63  }
0xa: {  	_ =	swait.ge [sflag:s5], $0x40  }
0xb: {  	s8 =	simm.s32 $0x80;
	[sflag:s5] =	ssyncset.done $0x0  }
0xc: {  	s9 =	simm.s32 $0x1;
	s7 =	simm.s32 $0x40;
	[sflag:s5] =	ssyncadd.s32 $0xFFFFFFC0  }
0xd: {  	[tilespmem:s8], [sflag:$0x1] =	stream.indirect.gather [hbm4b:s1+s7], $0x80, s4, s7, $0xb8;
	[tilespmem:$0x2100] =	vst v63  }
0xe: {  	_ =	swait.ge [sflag:s9], $0x2000  }
0xf: {  	[sflag:s9] =	ssyncset.done $0x0  }
0x10: {  	s10 =	simm.s32 $0x2080;
	s12 =	ssub.s32 $0x2, s12;
	[sflag:s9] =	ssyncadd.s32 $0xFFFFE000  }
0x11: {  	[tilespmem:s10], [sflag:$0x1] =	stream.indirect.gather [hbm4b:s2+s7], $0x1, s4, s7, $0xb8;
	[tilespmem:$0x2100] =	vst v63  }
0x12: {  	s30 =	sshrl.u32 s12, $0x1;
	s14 =	sshll.u32 s14, $0x4;
	_ =	swait.ge [sflag:s9], $0x40  }
0x13: {  	s11 =	sadd.s32 s11, s14;
	s14 =	ssub.s32 s12, s30;
	[sflag:s9] =	ssyncset.done $0x0  }
0x14: {  	s31 =	smax.u32 s14, $0x1;
	[sflag:s9] =	ssyncadd.s32 $0xFFFFFFC0  }
0x15: {  	[hbm4b:s11+s4] =	stream.linear.scatter [tilespmem:s8], [sflag:$0x2], $0x2000, $0x38;
	[tilespmem:$0x2100] =	vst v63  }
0x16: {  	p0 =	sne.s32 s31, $0x1;
	_ =	swait.ge [sflag:s5], $0x2000  }
.Ltmp0:
0x17: {  	[sflag:s5] =	ssyncset.done $0x0;
	(pc) =	sbr.rel @!p0 .LBB2_2-.Ltmp0, $4  }
0x18: {  	s12 =	sadd.s32 s13, s15;
	[sflag:s5] =	ssyncadd.s32 $0xFFFFE000  }
0x19: {  	[hbm4b:s12+s4] =	stream.linear.scatter [tilespmem:s10], [sflag:$0x2], $0x40, $0x38;
	[tilespmem:$0x2100] =	vst v63  }
0x1a: {  	_ =	swait.ge [sflag:s5], $0x40  }
0x1b: {  	s13 =	sadd.s32 $0xFFFFFFFF, s31;
	[sflag:s5] =	ssyncset.done $0x0  }
.LBB2_1:
0x1c: {  	p0 =	sne.s32 s13, $0x1;
	s13 =	sadd.s32 $0xFFFFFFFF, s13;
	[sflag:s5] =	ssyncadd.s32 $0xFFFFFFC0  }
0x1d: {  	[tilespmem:s4], [sflag:$0x2] =	stream.linear.gather [hbm4b:s6+s4], $0x40, $0x38;
	[tilespmem:$0x2100] =	vst v63  }
0x1e: {  	_ =	swait.ge [sflag:s5], $0x40  }
0x1f: {  	[sflag:s5] =	ssyncset.done $0x0  }
0x20: {  	[sflag:s5] =	ssyncadd.s32 $0xFFFFFFC0  }
0x21: {  	[tilespmem:s8], [sflag:$0x1] =	stream.indirect.gather [hbm4b:s1+s7], $0x80, s4, s7, $0xb8;
	[tilespmem:$0x2100] =	vst v63  }
0x22: {  	_ =	swait.ge [sflag:s9], $0x2000  }
0x23: {  	[sflag:s9] =	ssyncset.done $0x0  }
0x24: {  	[sflag:s9] =	ssyncadd.s32 $0xFFFFE000  }
0x25: {  	[tilespmem:s10], [sflag:$0x1] =	stream.indirect.gather [hbm4b:s2+s7], $0x1, s4, s7, $0xb8;
	[tilespmem:$0x2100] =	vst v63  }
0x26: {  	_ =	swait.ge [sflag:s9], $0x40  }
0x27: {  	[sflag:s9] =	ssyncset.done $0x0  }
0x28: {  	[sflag:s9] =	ssyncadd.s32 $0xFFFFFFC0  }
0x29: {  	[hbm4b:s11+s4] =	stream.linear.scatter [tilespmem:s8], [sflag:$0x2], $0x2000, $0x38;
	[tilespmem:$0x2100] =	vst v63  }
0x2a: {  	_ =	swait.ge [sflag:s5], $0x2000  }
.Ltmp1:
0x2b: {  	[sflag:s5] =	ssyncset.done $0x0;
	(pc) =	sbr.rel @p0 .LBB2_1-.Ltmp1, $4  }
0x2c: {  	[sflag:s5] =	ssyncadd.s32 $0xFFFFE000  }
0x2d: {  	[hbm4b:s12+s4] =	stream.linear.scatter [tilespmem:s10], [sflag:$0x2], $0x40, $0x38;
	[tilespmem:$0x2100] =	vst v63  }
0x2e: {  	_ =	swait.ge [sflag:s5], $0x40  }
0x2f: {  	[sflag:s5] =	ssyncset.done $0x0  }
.LBB2_2:
0x30: {  	[sflag:s5] =	ssyncadd.s32 $0xFFFFFFC0  }
0x31: {  	_ =	sfence.sel $0x180000  }
0x32: {  	[bflag:$0x0] =	sbarrier.arrive $0xFFFF  }
0x33: {  	p0 =	sne.s32 s0, $0x0;
	_ =	strace $0x9000004A  }
0x34: {  	s0 =	sadd.s32 @!p0 $0x100000, s3;
	[bflag:$0x2] =	sbarrier.arrive $0xFFFF  }
0x35: {  	[sflag:s0] =	ssyncadd.tile.s32 @!p0 $0x1;
	_ =	shalt  }
.Lfunc_end2:
_tile_overlayer_lowered:
.L_overlay_start_2:
0x36: {  	(tag) =	ssettag $0x2  }
0x37: {  	s0 =	rddreg [dreg:$0x0];
	s2 =	stileid.u32  }
0x38: {  	s1 =	rddreg [dreg:$0x1];
	p0 =	sne.s32 s2, $0x0  }
0x39: {  	s3 =	rddreg [dreg:$0x2];
	[bflag:$0x3] =	sbarrier.arrive $0xFFFF;
	s2 =	simm.s32 @!p0 $0x1C02  }
0x3a: {  	[timem:s3], [sflag:s2] =	dma.local @!p0 [hbm:s0], s1  }
0x3b: {  	s0 =	simm.s32 @!p0 $0x2  }
0x3c: {  	_ =	swait.ge @!p0 [sflag:s0], s1  }
0x3d: {  	s1 =	ssub.s32 @!p0 $0x0, s1;
	[sflag:s0] =	ssyncset.done @!p0 $0x0  }
0x3e: {  	[sflag:s0] =	ssyncadd.s32 @!p0 s1  }
0x3f: {  	[bflag:$0x3] =	sbarrier.arrive $0xFFFF  }
0x40: {  	_ =	shalt  }

// kernel: scatter_offload_async_start
scs
__scs_entry_jumppad:
0x0: {  	(pc) =	sbr.rel $0x88, $3  }
0x1: {  	(tag) =	ssettag $0x0;
	lr =	simm.s32 $0x1  }
0x2: {  	[smem:$0x3F9B] =	sst lr;
	_ =	strace $0xD0000000  }
0x3: {  	_ = 	snop  }
0x4: {  	_ = 	snop  }
0x5: {  	_ = 	snop  }
0x6: {  	_ = 	snop  }
0x7: {  	_ = 	snop  }
__scs_overlays_trampoline_lowered:
0x8: {  	[smem:$0x3FAA] =	sst s0  }
0x9: {  	[smem:$0x3FAB] =	sst s1  }
0xa: {  	[smem:$0x3FAC] =	sst s2  }
0xb: {  	[smem:$0x3FAD] =	sst s3  }
0xc: {  	[smem:$0x3FAE] =	sst s4  }
0xd: {  	[smem:$0x3FAF] =	sst s5  }
0xe: {  	[smem:$0x3FB0] =	sst s6  }
0xf: {  	[smem:$0x3FB1] =	sst s7  }
0x10: {  	[smem:$0x3FB2] =	sst s8  }
0x11: {  	[smem:$0x3FB3] =	sst s9;
	s0 =	simm.s32 @!p0 $0x0  }
0x12: {  	s1 =	sld [smem:$0x3F99];
	s0 =	simm.s32 @p0 $0x1  }
0x13: {  	[smem:$0x3FB4] =	sst s0;
	s0 =	simm.s32 @!p1 $0x0  }
0x14: {  	s2 =	sld [smem:$0x3F98];
	s0 =	simm.s32 @p1 $0x1  }
0x15: {  	[smem:$0x3FB5] =	sst s0;
	s0 =	simm.s32 @!p2 $0x0  }
0x16: {  	s3 =	sld [smem:$0x3FDB];
	s0 =	simm.s32 @p2 $0x1  }
0x17: {  	s4 =	simm.s32 $0x1BF5;
	[smem:$0x3FB7] =	sst s0  }
0x18: {  	s0 =	sld [smem:$0x3F9A];
	_ =	swait.ge [sflag:s4], $0x0  }
0x19: {  	s7 =	sld [smem:$0x3F9B]  }
0x1a: {  	s8 =	sadd.s32 $0xFFFFE003, lr  }
0x1b: {  	s9 =	sadd.s32 $0xFFFFFEF7, lr;
	s5 =	simm.s32 $0xFFFFFFFF;
	p2 =	slt.u32 s8, $0xFFFFF086  }
0x1c: {  	p1 =	slt.u32 s9, $0xF7A;
	s5 =	simm.s32 @!p2 $0x0  }
0x1d: {  	s5 =	simm.s32 @p1 $0x1;
	p0 =	seq.s32 s7, s2  }
0x1e: {  	s7 =	smul.u32 @!p0 $0xF7A, s2;
	p2 =	seq.s32 @!p0 s5, $0x0  }
0x1f: {  	s9 =	smul.u32 $0xF7A, s1;
	s8 =	simm.s32 @!p0 $0x1BF5;
	p2 =	por !p2, p0  }
0x20: {  	[sflag:s8] =	ssyncset.s32 @!p0 $0xFFFFF086;
	s6 =	sadd.s32 @!p0 s3, s7;
	s7 =	simm.s32 @!p0 $0x108  }
0x21: {  	s3 =	sadd.s32 s3, s9;
	s6 =	sadd.s32 @!p0 $0x88, s6;
	s7 =	simm.s32 @p2 $0x1082  }
0x22: {  	[simem:s7], [sflag:s8] =	dma.local @!p0 [hbm:s6], $0xF7A  }
0x23: {  	s9 =	sor.u32 $0xD0000000, s2;
	s6 =	simm.s32 $0x108;
	_ =	swait.ge @!p0 [sflag:s8], $0x0  }
0x24: {  	s3 =	sadd.s32 $0x88, s3;
	s6 =	simm.s32 @!p1 $0x1082;
	[sflag:s4] =	ssyncset.s32 $0xFFFFF086  }
0x25: {  	[simem:s6], [sflag:s4] =	dma.local [hbm:s3], $0xF7A  }
0x26: {  	[smem:$0x3F9B] =	sst s1;
	(tag) =	ssettag s2;
	_ =	strace s9  }
0x27: {  	s1 =	sld [smem:$0x3FAB]  }
0x28: {  	s2 =	sld [smem:$0x3FAC]  }
0x29: {  	s4 =	sld [smem:$0x3FAE]  }
0x2a: {  	p0 =	seq.s32 s5, $0x0;
	s5 =	sld [smem:$0x3FAF]  }
0x2b: {  	s6 =	sld [smem:$0x3FB0]  }
0x2c: {  	s7 =	sld [smem:$0x3FB1]  }
0x2d: {  	s3 =	simm.s32 $0x108;
	s8 =	sld [smem:$0x3FB2]  }
0x2e: {  	s3 =	simm.s32 @!p0 $0x1082;
	s9 =	sld [smem:$0x3FB3]  }
0x2f: {  	lr =	sadd.s32 s0, s3;
	s0 =	sld [smem:$0x3FAA]  }
0x30: {  	s3 =	sld [smem:$0x3FAD]  }
0x31: {  	[smem:$0x3FB6] =	sst s10  }
0x32: {  	s10 =	sld [smem:$0x3FB4];
	_ =	sdelay $0x3  }
0x33: {  	p0 =	seq.s32 s10, $0x1;
	s10 =	sld [smem:$0x3FB6];
	_ =	sdelay $0x3  }
0x34: {  	[smem:$0x3FB6] =	sst s10  }
0x35: {  	s10 =	sld [smem:$0x3FB5];
	_ =	sdelay $0x3  }
0x36: {  	p1 =	seq.s32 s10, $0x1;
	s10 =	sld [smem:$0x3FB6];
	_ =	sdelay $0x3  }
0x37: {  	[smem:$0x3FB6] =	sst s10  }
0x38: {  	s10 =	sld [smem:$0x3FB7]  }
0x39: {  	_ = 	snop;
	(pc) =	sbr.ind lr, $3  }
0x3a: {  	_ = 	snop  }
0x3b: {  	_ = 	snop  }
0x3c: {  	p2 =	seq.s32 s10, $0x1;
	s10 =	sld [smem:$0x3FB6]  }
0x3d: {  	_ =	shalt  }
0x3e: {  	_ =	shalt  }
0x3f: {  	_ =	shalt  }
0x40: {  	_ =	shalt  }
0x41: {  	_ =	shalt  }
0x42: {  	_ =	shalt  }
0x43: {  	_ =	shalt  }
0x44: {  	_ =	shalt  }
0x45: {  	_ =	shalt  }
0x46: {  	_ =	shalt  }
0x47: {  	_ =	shalt  }
0x48: {  	_ =	shalt  }
0x49: {  	_ =	shalt  }
0x4a: {  	_ =	shalt  }
0x4b: {  	_ =	shalt  }
0x4c: {  	_ =	shalt  }
0x4d: {  	_ =	shalt  }
0x4e: {  	_ =	shalt  }
0x4f: {  	_ =	shalt  }
0x50: {  	_ =	shalt  }
0x51: {  	_ =	shalt  }
0x52: {  	_ =	shalt  }
0x53: {  	_ =	shalt  }
0x54: {  	_ =	shalt  }
0x55: {  	_ =	shalt  }
0x56: {  	_ =	shalt  }
0x57: {  	_ =	shalt  }
0x58: {  	_ =	shalt  }
0x59: {  	_ =	shalt  }
0x5a: {  	_ =	shalt  }
0x5b: {  	_ =	shalt  }
0x5c: {  	_ =	shalt  }
0x5d: {  	_ =	shalt  }
0x5e: {  	_ =	shalt  }
0x5f: {  	_ =	shalt  }
0x60: {  	_ =	shalt  }
0x61: {  	_ =	shalt  }
0x62: {  	_ =	shalt  }
0x63: {  	_ =	shalt  }
0x64: {  	_ =	shalt  }
0x65: {  	_ =	shalt  }
0x66: {  	_ =	shalt  }
0x67: {  	_ =	shalt  }
0x68: {  	_ =	shalt  }
0x69: {  	_ =	shalt  }
0x6a: {  	_ =	shalt  }
0x6b: {  	_ =	shalt  }
0x6c: {  	_ =	shalt  }
0x6d: {  	_ =	shalt  }
0x6e: {  	_ =	shalt  }
0x6f: {  	_ =	shalt  }
0x70: {  	_ =	shalt  }
0x71: {  	_ =	shalt  }
0x72: {  	_ =	shalt  }
0x73: {  	_ =	shalt  }
0x74: {  	_ =	shalt  }
0x75: {  	_ =	shalt  }
0x76: {  	_ =	shalt  }
0x77: {  	_ =	shalt  }
0x78: {  	_ =	shalt  }
0x79: {  	_ =	shalt  }
0x7a: {  	_ =	shalt  }
0x7b: {  	_ =	shalt  }
0x7c: {  	_ =	shalt  }
0x7d: {  	_ =	shalt  }
0x7e: {  	_ =	shalt  }
0x7f: {  	_ =	shalt  }
0x80: {  	_ =	shalt  }
0x81: {  	_ =	shalt  }
0x82: {  	_ =	shalt  }
0x83: {  	_ =	shalt  }
0x84: {  	_ =	shalt  }
0x85: {  	_ =	shalt  }
0x86: {  	_ =	shalt  }
0x87: {  	_ =	shalt  }
.Lfunc_end0:
.L_simem_size_0:
called_computation_lowered:
.L_overlay_start_0:
0x88: {  	s2 =	sld [smem:$0x3FD9]  }
0x89: {  	s3 =	sld [smem:$0x3FFE];
	_ =	sdelay $0x1  }
0x8a: {  	s1 =	srdreg.scid  }
0x8b: {  	s0 =	sand.u32 $0x1, s1  }
0x8c: {  	s15 =	sshll.u32 s0, $0xA;
	s2 =	sadd.s32 s3, s2  }
0x8d: {  	s2 =	sadd.s32 s2, s15  }
0x8e: {  	[smem:$0x3FC2] =	sst s2  }
0x8f: {  	_ = 	snop  }
0x90: {  	(tm) =	ssettm $0x1  }
0x91: {  	s16 =	sld [smem:$0x3FFB];
	_ =	sdelay $0x3  }
0x92: {  	_ =	strace s16  }
0x93: {  	s2 =	sld [smem:$0x3FFC];
	_ =	sdelay $0x3  }
0x94: {  	_ =	strace s2  }
0x95: {  	s2 =	sld [smem:$0x3FFD];
	_ =	sdelay $0x3  }
0x96: {  	_ =	strace s2  }
0x97: {  	_ =	strace $0x8FFFFFFF  }
0x98: {  	s17 =	sld [smem:$0x3FDB];
	_ =	sdelay $0x1  }
0x99: {  	s18 =	simm.s32 $_scs_section_size  }
0x9a: {  	s4 =	simm.s32 $_size__tile_overlayer_lowered;
	s5 =	simm.s32 $_tile_overlayer_lowered  }
0x9b: {  	s21 =	simm.s32 $0x1BFF;
	s20 =	sshll.u32 s5, $0x1;
	s2 =	sadd.s32 s18, s17  }
0x9c: {  	s6 =	simm.s32 $0x0;
	s19 =	sshll.u32 s4, $0x1;
	s4 =	sadd.s32 s20, s2  }
0x9d: {  	[timem:s6], [sflag:s21] =	dma.local [hbm:s4], s19  }
0x9e: {  	_ =	swait.ge [sflag:s21], s19  }
0x9f: {  	s3 =	ssub.s32 $0x0, s19;
	[sflag:s21] =	ssyncset.done $0x0  }
0xa0: {  	[sflag:s21] =	ssyncadd.s32 s3;
	_ =	sdelay $0x1  }
0xa1: {  	s22 =	simm.s32 $0x1B8B  }
0xa2: {  	_ =	swait.ge [sflag:s22], $0x1  }
0xa3: {  	[sflag:s22] =	ssyncset.done $0x0  }
0xa4: {  	s23 =	sld [smem:$0x3FFE];
	[sflag:s22] =	ssyncadd.s32 $0xFFFFFFFF  }
0xa5: {  	s25 =	simm.s32 $0x1B8E;
	s24 =	sld [smem:$0x0]  }
0xa6: {  	s26 =	simm.s32 $execute0_lowered;
	[smem:$0x3FD2] =	sst s25  }
0xa7: {  	s5 =	sshll.u32 s26, $0x1;
	_ =	strace $0x80000046;
	[dreg:$0x1] =	wrdreg $0xFFFFFFFF  }
0xa8: {  	s28 =	simm.s32 $_size_execute0_lowered;
	s2 =	sadd.s32 s2, s5;
	[dreg:$0x0] =	wrdreg $0x0  }
0xa9: {  	s5 =	sshll.u32 s28, $0x1;
	[dreg:$0x2] =	wrdreg s2  }
0xaa: {  	[dreg:$0x3] =	wrdreg s5  }
0xab: {  	[dreg:$0x4] =	wrdreg $0xC0  }
0xac: {  	_ =	task [dreg:s6], $0x5FFFF  }
0xad: {  	[dreg:$0x1] =	wrdreg $0xFFFFFFFF  }
0xae: {  	[dreg:$0x0] =	wrdreg $0x60  }
0xaf: {  	[dreg:$0x2] =	wrdreg s23  }
0xb0: {  	[dreg:$0x3] =	wrdreg s1  }
0xb1: {  	[dreg:$0x4] =	wrdreg s24  }
0xb2: {  	[dreg:$0x5] =	wrdreg $0x9  }
0xb3: {  	_ =	task.clear_ibuf [dreg:s6], $0x6FFFF;
	_ =	strace $0x90000046  }
0xb4: {  	s29 =	simm.s32 $0x9;
	_ =	strace $0x80000048  }
0xb5: {  	_ =	swait.ge [sflag:s29], $0x1  }
0xb6: {  	[sflag:s29] =	ssyncadd.s32 $0xFFFFFFFF  }
0xb7: {  	_ =	strace $0x90000048  }
0xb8: {  	_ =	sfence  }
0xb9: {  	s30 =	sld [smem:$0x0];
	_ =	sdelay $0x2  }
0xba: {  	s31 =	sshll.u32 s1, $0xD;
	s1 =	sshrl.u32 s1, $0x2  }
0xbb: {  	s3 =	sand.u32 $0x4000, s31;
	s1 =	sadd.s32 s1, s30  }
0xbc: {  	s0 =	sor.u32 s3, s0;
	s1 =	sshll.u32 s1, $0x11  }
0xbd: {  	s0 =	sor.u32 s1, s0  }
0xbe: {  	s0 =	sadd.s32 $0x8F2B, s0  }
0xbf: {  	[sflag:s0] =	ssyncadd.remote.s32 $0x1  }
0xc0: {  	_ =	sfence.sel $0xFFFF  }
0xc1: {  	[dreg:$0x0] =	wrdreg $0xFFFFFFFF;
	(pc) =	sbr.abs _section_cstart, $3  }
0xc2: {  	[dreg:$0x1] =	wrdreg $0xFFFFFFFF  }
0xc3: {  	_ =	task.clear_ibuf [dreg:s6], $0x2FFFF;
	_ =	strace $0x9FFFFFFF  }
0xc4: {  	(tm) =	ssettm $0x7FFFFFFF  }
0xc5: {  	_ =	shalt  }
tec
execute0_lowered:
.L_overlay_start_1:
0x0: {  	(tag) =	ssettag $0x1  }
0x1: {  	s15 =	rddreg [dreg:$0x0]  }
0x2: {  	s2 =	rddreg [dreg:$0x1];
	_ =	strace $0x80000047;
	s0 =	simm.s32 $0x1  }
0x3: {  	v0 =	vimm.s32 $0x0;
	[sflag:s0] =	ssyncpa.u1 $0x0;
	s0 =	simm.s32 $0x108  }
0x4: {  	[tilespmem:s0+$0x70] =	vst v0  }
0x5: {  	[tilespmem:s0+$0x60] =	vst v0  }
0x6: {  	[tilespmem:s0+$0x50] =	vst v0  }
0x7: {  	[tilespmem:s0+$0x40] =	vst v0  }
0x8: {  	[tilespmem:s0+$0x30] =	vst v0  }
0x9: {  	s3 =	simm.s32 $0x40;
	s1 =	sadd.s32 $0x4F5C00, s15;
	[tilespmem:s0+$0x20] =	vst v0  }
0xa: {  	s6 =	sadd.s32 $0x13C00, s15;
	s14 =	sadd.s32 $0x9E00, s15;
	s5 =	sand.u32 $0x1, s2;
	[tilespmem:s0+$0x10] =	vst v0  }
.LBB2_1:
0xb: {  	s3 =	sadd.s32 $0x40, s3;
	[tilespmem:s0+$0x0] =	vst v0;
	s0 =	sadd.s32 $0x80, s0  }
0xc: {  	p0 =	slt.u32 s3, $0x3C40;
	[tilespmem:s0+$0x70] =	vst v0  }
0xd: {  	[tilespmem:s0+$0x60] =	vst v0  }
.Ltmp0:
0xe: {  	[tilespmem:s0+$0x50] =	vst v0;
	(pc) =	sbr.rel @p0 .LBB2_1-.Ltmp0, $4  }
0xf: {  	[tilespmem:s0+$0x40] =	vst v0  }
0x10: {  	[tilespmem:s0+$0x30] =	vst v0  }
0x11: {  	[tilespmem:s0+$0x20] =	vst v0  }
0x12: {  	[tilespmem:s0+$0x10] =	vst v0  }
0x13: {  	s9 =	stileid.u32  }
0x14: {  	s2 =	smul.u32 $0x29, s9  }
0x15: {  	s3 =	smin.u32 s9, $0xB  }
0x16: {  	s2 =	sadd.s32 s3, s2  }
0x17: {  	p0 =	slt.u32 s9, $0xB;
	s7 =	smul.u32 $0xF0, s2;
	s2 =	simm.s32 $0x2760  }
0x18: {  	s2 =	simm.s32 @!p0 $0x2670  }
0x19: {  	s2 =	sadd.s32 s2, s7  }
0x1a: {  	s8 =	smin.u32 s2, $0x27100  }
0x1b: {  	s2 =	ssub.s32 s8, s7  }
0x1c: {  	p0 =	sgt.s32 s2, $0x0  }
0x1d: {  	s29 =	simm.s32 $0x2;
	s10 =	simm.s32 $0x9;
	s2 =	simm.s32 @!p0 $0x0  }
0x1e: {  	s4 =	simm.s32 $0xA;
	s11 =	simm.s32 $0xB;
	s28 =	smulhi.u32 $0x88888889, s2  }
0x1f: {  	[dreg:$0x4] =	wrdreg s5;
	s31 =	smul.u32 $0x4E20, s5;
	s12 =	simm.s32 $0x1  }
0x20: {  	s22 =	simm.s32 $0x0;
	s18 =	simm.s32 $0xC;
	s30 =	sshrl.u32 s28, $0x7  }
0x21: {  	s20 =	simm.s32 $0x0;
	s21 =	simm.s32 $0x0;
	s3 =	smul.u32 $0xF0, s30  }
.Ltmp1:
0x22: {  	[tilespmem:s0+$0x0] =	vst v0;
	v0 =	vimm.s32 $0xFFFFFFFF;
	[sflag:s29] =	ssyncpa.u1 $0x0;
	s16 =	sshll.u32 s9, $0x8;
	(pc) =	sbr.rel .LBB2_3-.Ltmp1, $4  }
0x23: {  	[tilespmem:$0xF208] =	vst v0;
	[sflag:s10] =	ssyncpa.u1 $0x0;
	p0 =	sne.s32 s2, s3;
	s2 =	simm.s32 $0x1  }
0x24: {  	s14 =	sadd.s32 s31, s14;
	[sflag:s4] =	ssyncpa.u1 $0x0;
	s2 =	simm.s32 @!p0 $0x0  }
0x25: {  	s15 =	sadd.s32 s31, s15;
	[sflag:s11] =	ssyncpa.u1 $0x0;
	s13 =	sadd.s32 s2, s30  }
0x26: {  	v0 =	vlaneseq.u32;
	s19 =	smov.u32 s7;
	p0 =	por $0x0, $0x0;
	s17 =	sadd.s32 $0x1, s13  }
.LBB2_18:
0x27: {  	s0 =	sshrl.u32 s31, $0x2  }
.LBB2_20:
0x28: {  	_ =	swait.ge [sflag:s18], s0  }
0x29: {  	s31 =	ssub.s32 $0x0, s0;
	v1 =	vmov s24;
	vm0 =	veq.s32 v0, $0x0;
	[sflag:s18] =	ssyncset.done $0x0  }
0x2a: {  	vm15 =	veq.s32 v0, $0x2;
	v1 =	vsel vm0, s30, v1;
	[sflag:s18] =	ssyncadd.s32 s31  }
0x2b: {  	v1 =	vsel vm15, s22, v1;
	[sflag:s18] =	ssyncpa.u1 $0x1  }
0x2c: {  	[tilespmem:$0xF208] =	vst v1  }
.LBB2_21:
0x2d: {  	s0 =	sadd.s32 $0xF0, s19  }
0x2e: {  	s2 =	smov.u32 s7;
	p1 =	slt.s32 s0, s8  }
0x2f: {  	s2 =	smov.u32 @p1 s0;
	p1 =	sne.s32 s21, s17  }
.Ltmp2:
0x30: {  	_ = 	snop;
	(pc) =	sbr.rel @!p1 .LBB2_22-.Ltmp2, $3  }
0x31: {  	_ =	sdelay $0x1  }
0x32: {  	s22 =	smov.u32 s20;
	s31 =	sadd.s32 $0x1, s21;
	s20 =	smov.u32 s19  }
0x33: {  	p0 =	por !p0, !p0;
	s21 =	smov.u32 s31;
	s19 =	smov.u32 s2  }
.LBB2_3:
0x34: {  	p1 =	sge.u32 s21, s13  }
0x35: {  	s0 =	smulhi.u32 @!p1 $0xAAAAAAAB, s21  }
0x36: {  	s2 =	smov.u32 s19;
	p2 =	sgt.s32 @!p1 s19, $0x27010  }
0x37: {  	s3 =	sshra.s32 @!p1 s19, $0x1F;
	p2 =	por !p2, p1;
	s0 =	sshrl.u32 @!p1 s0, $0x1  }
0x38: {  	s3 =	sand.u32 @!p1 s3, s19;
	s2 =	simm.s32 @p2 $0x27010;
	s0 =	smul.u32 @!p1 $0x3, s0  }
0x39: {  	s2 =	ssub.s32 @!p1 s2, s3  }
0x3a: {  	s2 =	sadd.s32 @!p1 $0xFFFD8FF0, s2;
	s0 =	ssub.s32 @!p1 s21, s0  }
0x3b: {  	s3 =	sshll.u32 @!p1 s2, $0x2;
	p2 =	sgt.s32 @!p1 s2, $0xEF;
	s0 =	smul.u32 @!p1 $0x3C0, s0  }
0x3c: {  	s4 =	sand.u32 @!p1 $0x7, s19;
	s2 =	ssub.s32 @!p1 $0x3C0, s3;
	p2 =	por !p2, p1  }
0x3d: {  	s3 =	sshrl.u32 @!p1 s19, $0x3;
	s2 =	sshrl.u32 @!p1 s2, $0x2;
	s0 =	sshrl.u32 @!p1 s0, $0x2  }
0x3e: {  	s3 =	sadd.s32 @!p1 s3, s14;
	s2 =	simm.s32 @!p2 $0x0;
	s0 =	sadd.s32 @!p1 $0x10248, s0  }
0x3f: {  	[tilespmem:s0], [sflag:$0xA] =	stream.linear.gather @!p1 [hbm4b:s3+s4], s2, $0x38;
	[tilespmem:$0x1F6F8] =	vst v63  }
0x40: {  	s0 =	sadd.s32 $0xFFFFFFFF, s21  }
0x41: {  	p1 =	sge.u32 s0, s13  }
0x42: {  	p2 =	sgt.s32 @!p1 s20, $0x27010  }
0x43: {  	s2 =	smov.u32 s20;
	s3 =	sshra.s32 @!p1 s20, $0x1F;
	p2 =	por !p2, p1  }
0x44: {  	s3 =	sand.u32 @!p1 s3, s20;
	s2 =	simm.s32 @p2 $0x27010  }
0x45: {  	s2 =	ssub.s32 @!p1 s2, s3  }
0x46: {  	s2 =	sadd.s32 @!p1 $0xFFFD8FF0, s2  }
0x47: {  	s4 =	sand.u32 @!p1 $0x1, s0;
	s3 =	sshll.u32 @!p1 s2, $0x2  }
0x48: {  	p2 =	sgt.s32 @!p1 s2, $0xEF;
	s2 =	ssub.s32 @!p1 $0x3C0, s3;
	s3 =	smulhi.u32 @!p1 $0xAAAAAAAB, s0  }
0x49: {  	s23 =	smul.u32 @!p1 $0x3C0, s4;
	p2 =	por !p2, p1;
	s2 =	sshrl.u32 @!p1 s2, $0x2  }
0x4a: {  	s5 =	simm.s32 @!p1 $0xA;
	s2 =	simm.s32 @!p2 $0x0;
	s3 =	sshrl.u32 @!p1 s3, $0x1  }
0x4b: {  	s23 =	sshrl.u32 @!p1 s23, $0x2;
	_ =	swait.ge @!p1 [sflag:s5], s2;
	s3 =	smul.u32 @!p1 $0x3, s3  }
0x4c: {  	s23 =	sadd.s32 @!p1 $0x10518, s23;
	s24 =	ssub.s32 @!p1 $0x0, s2;
	[sflag:s5] =	ssyncset.done @!p1 $0x0  }
0x4d: {  	[sflag:s5] =	ssyncadd.s32 @!p1 s24;
	s5 =	sshrl.u32 @!p1 s20, $0x3;
	s0 =	ssub.s32 @!p1 s0, s3  }
0x4e: {  	s24 =	sand.u32 @!p1 $0x7, s20;
	s5 =	sadd.s32 @!p1 s5, s15;
	s0 =	smul.u32 @!p1 $0x3C0, s0  }
0x4f: {  	[tilespmem:s23], [sflag:$0xB] =	stream.linear.gather @!p1 [hbm4b:s5+s24], s2, $0x38;
	[tilespmem:$0x1F6F8] =	vst v63  }
0x50: {  	s3 =	ssub.s32 @!p1 $0x27100, s20;
	s2 =	smul.u32 @!p1 $0x1E000, s4  }
0x51: {  	p2 =	slt.s32 @!p1 s3, $0xF0  }
0x52: {  	p2 =	por !p2, p1;
	s0 =	sshrl.u32 @!p1 s0, $0x2;
	s2 =	sshrl.u32 @!p1 s2, $0x2  }
0x53: {  	s3 =	simm.s32 @p2 $0xF0;
	s0 =	sadd.s32 @!p1 $0x10248, s0;
	s2 =	sor.u32 @!p1 $0x106F8, s2  }
0x54: {  	[tilespmem:s2], [sflag:$0x9] =	stream.indirect.gather @!p1 [hbm4b:s6+s3], $0x80, s0, s3, $0xb8;
	[tilespmem:$0x1F6F8] =	vst v63  }
0x55: {  	p1 =	slt.u32 s21, $0x2  }
.Ltmp3:
0x56: {  	_ = 	snop;
	(pc) =	sbr.rel @p1 .LBB2_21-.Ltmp3, $1  }
0x57: {  	_ =	sdelay $0x3  }
0x58: {  	p1 =	sgt.s32 s22, $0x27010  }
0x59: {  	s0 =	smov.u32 s22;
	s2 =	sshra.s32 s22, $0x1F;
	s3 =	ssub.s32 $0x27100, s22  }
0x5a: {  	s0 =	simm.s32 @!p1 $0x27010;
	s2 =	sand.u32 s2, s22;
	p1 =	slt.s32 s3, $0xF0  }
0x5b: {  	s0 =	ssub.s32 s0, s2;
	s3 =	simm.s32 @!p1 $0xF0  }
0x5c: {  	s0 =	sadd.s32 $0xFFFD8FF0, s0;
	s25 =	sshll.u32 s3, $0x7  }
0x5d: {  	s26 =	sshll.u32 s0, $0x2;
	s2 =	sand.u32 $0x3FFFFF80, s25  }
0x5e: {  	p1 =	sgt.s32 s0, $0xEF;
	s29 =	ssub.s32 $0x3C0, s26;
	_ =	swait.ge [sflag:s10], s2  }
0x5f: {  	s2 =	ssub.s32 $0x0, s2;
	[sflag:s10] =	ssyncset.done $0x0;
	s0 =	sshrl.u32 s29, $0x2  }
0x60: {  	[sflag:s10] =	ssyncadd.s32 s2;
	s0 =	simm.s32 @p1 $0x0  }
0x61: {  	_ =	swait.ge [sflag:s11], s0  }
0x62: {  	s0 =	ssub.s32 $0x0, s0;
	[sflag:s11] =	ssyncset.done $0x0  }
0x63: {  	[sflag:s11] =	ssyncadd.s32 s0  }
0x64: {  	v1 =	vld [tilespmem:$0xF208];
	_ =	sdelay $0x4  }
0x65: {  	(v2sf) =	vpush v1, $0x0  }
0x66: {  	(v2sf) =	vpush v1, $0x1  }
0x67: {  	(v2sf) =	vpush v1, $0x2;
	_ =	sdelay $0x3  }
0x68: {  	s0 =	sadd.s32 $0xF0, s22  }
0x69: {  	s2 =	ssub.s32 $0x4E200, s22;
	p1 =	slt.s32 s8, s0  }
0x6a: {  	s0 =	smov.u32 @p1 s8;
	p1 =	sgt.s32 s2, $0x0  }
0x6b: {  	s26 =	ssub.s32 s0, s22;
	s2 =	simm.s32 @!p1 $0x0  }
0x6c: {  	p1 =	slt.s32 s2, s26  }
0x6d: {  	s26 =	smov.u32 @p1 s2  }
0x6e: {  	s25 =	simm.s32 $0x1;
	p1 =	slt.s32 s26, $0x1  }
.Ltmp4:
0x6f: {  	s25 =	simm.s32 @!p0 $0x0;
	(pc) =	sbr.rel @p1 .LBB2_8-.Ltmp4, $4  }
0x70: {  	s31 =	smul.u32 $0x3C0, s25  }
0x71: {  	s28 =	spop (v2sf)  }
0x72: {  	s0 =	sshrl.u32 s31, $0x2;
	s30 =	spop (v2sf)  }
0x73: {  	s23 =	sadd.s32 $0x10518, s0;
	s22 =	spop (v2sf)  }
0x74: {  	s0 =	smin.u32 s26, $0x10  }
0x75: {  	v1 =	vmov s0  }
0x76: {  	p2 =	sgt.s32 s26, $0x10;
	vm1 =	vgt.u32 v1, v0  }
.Ltmp5:
0x77: {  	_ = 	snop;
	(pc) =	sbr.rel @!p2 .LBB2_7-.Ltmp5, $2  }
0x78: {  	_ =	sdelay $0x2  }
0x79: {  	s4 =	simm.s32 $0x10;
	s24 =	sadd.s32 $0xFFFFFFF0, s26;
	s0 =	smov.u32 s23;
	vm0 =	vmmov vm1  }
.LBB2_6:
0x7a: {  	s2 =	smin.u32 s24, $0x10;
	s4 =	sadd.s32 $0x10, s4;
	v1 =	vld.msk [tilespmem:s0+$0x0 ss:$0x1], vm1  }
0x7b: {  	v2 =	vmov s2;
	p2 =	slt.s32 s4, s26  }
0x7c: {  	vm1 =	vgt.u32 v2, v0  }
.Ltmp6:
0x7d: {  	(pc) =	sbr.rel @p2 .LBB2_6-.Ltmp6, $3  }
0x7e: {  	_ =	sdelay $0x1  }
0x7f: {  	v1 =	vshll.u32 v1, $0x4  }
0x80: {  	s24 =	sadd.s32 $0xFFFFFFF0, s24;
	[tilespmem:s0+$0x0] =	vst.msk vm0, v1;
	s0 =	sadd.s32 $0x10, s0;
	vm0 =	vmmov vm1  }
.LBB2_7:
0x81: {  	_ =	sdelay $0x4  }
0x82: {  	v1 =	vld.msk [tilespmem:s0+$0x0 ss:$0x1], vm1;
	_ =	sdelay $0x4  }
0x83: {  	v1 =	vshll.u32 v1, $0x4  }
0x84: {  	[tilespmem:s0+$0x0] =	vst.msk vm0, v1  }
.LBB2_8:
0x85: {  	s0 =	sand.u32 $0x1, s21  }
0x86: {  	s0 =	smul.u32 $0xF0, s0  }
0x87: {  	p2 =	sne.s32 s30, $0xFFFFFFFF  }
0x88: {  	v1 =	vld.msk @!p2 [tilespmem:s0+$0x10518], $0x1;
	_ =	sdelay $0x4  }
0x89: {  	(v2sf) =	vpush @!p2 v1, $0x0;
	_ =	sdelay $0xc  }
.Ltmp7:
0x8a: {  	_ = 	snop;
	(pc) =	sbr.rel @p1 .LBB2_19-.Ltmp7, $4  }
0x8b: {  	_ = 	snop  }
0x8c: {  	s29 =	spop @!p2 (v2sf)  }
0x8d: {  	s22 =	simm.s32 @!p2 $0x0;
	s24 =	smov.u32 s29  }
0x8e: {  	[sflag:s18] =	ssyncpa.u1 $0x0;
	s29 =	smov.u32 @p2 s28;
	s24 =	smov.u32 @p2 s30  }
0x8f: {  	v1 =	vld.msk [tilespmem:s23+$0x0], $0x1;
	_ =	sdelay $0x4  }
0x90: {  	(v2sf) =	vpush v1, $0x0;
	_ =	sdelay $0xe  }
0x91: {  	s2 =	smul.u32 $0x1E000, s25;
	s0 =	spop (v2sf)  }
0x92: {  	s26 =	ssub.s32 $0x0, s26;
	p1 =	seq.s32 s29, s0  }
0x93: {  	s30 =	sadd.s32 $0x1, s26;
	s2 =	sshrl.u32 s2, $0x2;
	p2 =	sgt.s32 @!p1 s29, $0x0  }
0x94: {  	s25 =	sor.u32 $0x10738, s2;
	s2 =	smov.u32 s29;
	p2 =	por !p2, p1  }
0x95: {  	s2 =	simm.s32 @p2 $0x0;
	p2 =	seq.s32 s30, $0x0  }
.Ltmp8:
0x96: {  	_ = 	snop;
	(pc) =	sbr.rel @p2 .LBB2_11-.Ltmp8, $4  }
0x97: {  	_ = 	snop  }
0x98: {  	s28 =	simm.s32 $0x0;
	s31 =	sadd.s32 $0x1, s23;
	s2 =	smin.u32 @!p1 s2, $0x270F0  }
0x99: {  	s4 =	simm.s32 @!p1 $0x1;
	s5 =	simm.s32 @!p1 $0x7988;
	s3 =	sand.u32 @!p1 $0x3FFF8, s2  }
0x9a: {  	s4 =	smov.u32 @p1 s28;
	s2 =	sand.u32 @!p1 $0x7, s2;
	s3 =	sadd.s32 @!p1 s1, s3  }
.LBB2_10:
0x9b: {  	s9 =	smov.u32 s4  }
0x9c: {  	[tilespmem:s5], [sflag:$0x2] =	stream.linear.gather @!p1 [hbm4b:s3+s2], $0x80, $0x38;
	[tilespmem:$0x1F6F8] =	vst v63  }
0x9d: {  	s30 =	sadd.s32 $0x1, s30;
	s2 =	smov.u32 s0;
	v1 =	vld.msk [tilespmem:s31+$0x0], $0x1  }
0x9e: {  	p2 =	seq.s32 s30, $0x0;
	_ =	sdelay $0x3  }
0x9f: {  	(v2sf) =	vpush v1, $0x0;
	_ =	sdelay $0xe  }
0xa0: {  	s0 =	spop (v2sf)  }
0xa1: {  	p1 =	seq.s32 s2, s0  }
0xa2: {  	p3 =	sgt.s32 @!p1 s2, $0x0;
	s3 =	sshll.u32 @!p1 s4, $0x9;
	s4 =	sadd.s32 @!p1 $0x1, s4  }
.Ltmp9:
0xa3: {  	p3 =	por !p3, p1;
	s3 =	sshra.s32 @!p1 s3, $0x2;
	(pc) =	sbr.rel @!p2 .LBB2_10-.Ltmp9, $4  }
0xa4: {  	s4 =	smov.u32 @p1 s9;
	s2 =	simm.s32 @p3 $0x0;
	s5 =	sadd.s32 @!p1 $0x7988, s3  }
0xa5: {  	s2 =	smin.u32 @!p1 s2, $0x270F0  }
0xa6: {  	s3 =	sand.u32 @!p1 $0x3FFF8, s2;
	s2 =	sand.u32 @!p1 $0x7, s2  }
0xa7: {  	s31 =	sadd.s32 $0x1, s31;
	s3 =	sadd.s32 @!p1 s1, s3  }
.LBB2_11:
0xa8: {  	[tilespmem:s5], [sflag:$0x2] =	stream.linear.gather @!p1 [hbm4b:s3+s2], $0x80, $0x38;
	[tilespmem:$0x1F6F8] =	vst v63  }
.Ltmp10:
0xa9: {  	s0 =	sshll.u32 s4, $0x7;
	(pc) =	sbr.rel .LBB2_12-.Ltmp10, $4  }
0xaa: {  	s30 =	simm.s32 $0x2;
	s0 =	sand.u32 $0x3FFFFF80, s0  }
0xab: {  	_ =	swait.ge [sflag:s30], s0  }
0xac: {  	s0 =	ssub.s32 $0x0, s0;
	[sflag:s30] =	ssyncset.done $0x0  }
0xad: {  	s31 =	simm.s32 $0x0;
	[sflag:s30] =	ssyncadd.s32 s0  }
.LBB2_13:
0xae: {  	v1 =	vld [tilespmem:s25+$0xFFFFFFC0];
	_ =	sdelay $0x3  }
0xaf: {  	s0 =	sshra.s32 s0, $0x2  }
0xb0: {  	[tilespmem:s0+$0x108] =	vst.add.f32.msk $0xffff, v1  }
0xb1: {  	v1 =	vld [tilespmem:s25+$0xFFFFFFD0];
	_ =	sdelay $0x4  }
0xb2: {  	[tilespmem:s0+$0x118] =	vst.add.f32.msk $0xffff, v1  }
0xb3: {  	v1 =	vld [tilespmem:s25+$0xFFFFFFE0];
	_ =	sdelay $0x4  }
0xb4: {  	[tilespmem:s0+$0x128] =	vst.add.f32.msk $0xffff, v1  }
0xb5: {  	v1 =	vld [tilespmem:s25+$0xFFFFFFF0];
	_ =	sdelay $0x4  }
0xb6: {  	[tilespmem:s0+$0x138] =	vst.add.f32.msk $0xffff, v1  }
0xb7: {  	v1 =	vld [tilespmem:s25+$0x0];
	_ =	sdelay $0x4  }
0xb8: {  	[tilespmem:s0+$0x148] =	vst.add.f32.msk $0xffff, v1  }
0xb9: {  	v1 =	vld [tilespmem:s25+$0x10];
	_ =	sdelay $0x4  }
0xba: {  	[tilespmem:s0+$0x158] =	vst.add.f32.msk $0xffff, v1  }
0xbb: {  	v1 =	vld [tilespmem:s25+$0x20];
	_ =	sdelay $0x4  }
0xbc: {  	[tilespmem:s0+$0x168] =	vst.add.f32.msk $0xffff, v1  }
0xbd: {  	v1 =	vld [tilespmem:s25+$0x30];
	_ =	sdelay $0x4  }
0xbe: {  	[tilespmem:s0+$0x178] =	vst.add.f32.msk $0xffff, v1  }
.LBB2_17:
0xbf: {  	s26 =	sadd.s32 $0x1, s26  }
0xc0: {  	p1 =	seq.s32 s26, $0x0  }
.Ltmp11:
0xc1: {  	_ = 	snop;
	(pc) =	sbr.rel @p1 .LBB2_18-.Ltmp11, $2  }
0xc2: {  	_ =	sdelay $0x2  }
0xc3: {  	s23 =	sadd.s32 $0x1, s23;
	s25 =	sadd.s32 $0x80, s25;
	s29 =	smov.u32 s30  }
.LBB2_12:
0xc4: {  	v1 =	vld.msk [tilespmem:s23+$0x0], $0x1;
	_ =	sdelay $0x4  }
0xc5: {  	(v2sf) =	vpush v1, $0x0;
	_ =	sdelay $0xe  }
0xc6: {  	s30 =	spop (v2sf)  }
0xc7: {  	p1 =	sne.s32 s29, s30  }
.Ltmp12:
0xc8: {  	_ = 	snop;
	(pc) =	sbr.rel @!p1 .LBB2_13-.Ltmp12, $2  }
0xc9: {  	_ =	sdelay $0x2  }
0xca: {  	s0 =	sshll.u32 s22, $0x9  }
0xcb: {  	p1 =	seq.s32 s29, s24  }
.Ltmp13:
0xcc: {  	_ = 	snop;
	(pc) =	sbr.rel @!p1 .LBB2_15-.Ltmp13, $1  }
0xcd: {  	_ =	sdelay $0x3  }
0xce: {  	s0 =	sshra.s32 s0, $0x2  }
.Ltmp14:
0xcf: {  	s0 =	sadd.s32 $0x108, s0;
	(pc) =	sbr.rel .LBB2_16-.Ltmp14, $4  }
0xd0: {  	[spmem:s16] =	stream.linear.scatter [tilespmem:s0], [sflag:$0x1], $0x80, $0x38;
	[tilespmem:$0x1F6F8] =	vst v63  }
0xd1: {  	_ =	swait.ge [sflag:s12], $0x80  }
0xd2: {  	[sflag:s12] =	ssyncset.done $0x0  }
0xd3: {  	[sflag:s12] =	ssyncadd.s32 $0xFFFFFF80  }
.LBB2_15:
0xd4: {  	s2 =	sshll.u32 s28, $0x9  }
0xd5: {  	s2 =	sshra.s32 s2, $0x2  }
0xd6: {  	v1 =	vld [tilespmem:s2+$0x7988];
	_ =	sdelay $0x3  }
0xd7: {  	s0 =	sshra.s32 s0, $0x2  }
0xd8: {  	[tilespmem:s0+$0x108] =	vst.add.f32.msk $0xffff, v1  }
0xd9: {  	v1 =	vld [tilespmem:s2+$0x7998];
	_ =	sdelay $0x4  }
0xda: {  	[tilespmem:s0+$0x118] =	vst.add.f32.msk $0xffff, v1  }
0xdb: {  	v1 =	vld [tilespmem:s2+$0x79A8];
	_ =	sdelay $0x4  }
0xdc: {  	[tilespmem:s0+$0x128] =	vst.add.f32.msk $0xffff, v1  }
0xdd: {  	v1 =	vld [tilespmem:s2+$0x79B8];
	_ =	sdelay $0x4  }
0xde: {  	[tilespmem:s0+$0x138] =	vst.add.f32.msk $0xffff, v1  }
0xdf: {  	v1 =	vld [tilespmem:s2+$0x79C8];
	_ =	sdelay $0x4  }
0xe0: {  	[tilespmem:s0+$0x148] =	vst.add.f32.msk $0xffff, v1  }
0xe1: {  	v1 =	vld [tilespmem:s2+$0x79D8];
	_ =	sdelay $0x4  }
0xe2: {  	[tilespmem:s0+$0x158] =	vst.add.f32.msk $0xffff, v1  }
0xe3: {  	v1 =	vld [tilespmem:s2+$0x79E8];
	_ =	sdelay $0x4  }
0xe4: {  	[tilespmem:s0+$0x168] =	vst.add.f32.msk $0xffff, v1  }
0xe5: {  	v1 =	vld [tilespmem:s2+$0x79F8];
	_ =	sdelay $0x2  }
0xe6: {  	p1 =	sgt.u32 s29, $0x270F0  }
0xe7: {  	s2 =	sand.u32 @!p1 $0x3FFF8, s29  }
0xe8: {  	s3 =	sadd.s32 $0x108, s0;
	[tilespmem:s0+$0x178] =	vst.add.f32.msk $0xffff, v1;
	s0 =	sadd.s32 @!p1 s1, s2;
	s2 =	sand.u32 @!p1 $0x7, s29  }
0xe9: {  	[hbm4b:s0+s2] =	stream.linear.scatter @!p1 [tilespmem:s3], [sflag:$0xC], $0x80, $0x38;
	[tilespmem:$0x1F6F8] =	vst v63  }
0xea: {  	s0 =	simm.s32 $0x0  }
0xeb: {  	s0 =	simm.s32 @!p1 $0x200  }
0xec: {  	s31 =	sadd.s32 s0, s31  }
.LBB2_16:
0xed: {  	s0 =	sadd.s32 $0x1, s22  }
0xee: {  	s2 =	smulhi.u32 $0x88888889, s0;
	_ =	sdelay $0x1  }
0xef: {  	v1 =	vld [tilespmem:s25+$0xFFFFFFC0];
	s2 =	sshrl.u32 s2, $0x7  }
0xf0: {  	s2 =	smul.u32 $0xF0, s2;
	_ =	sdelay $0x1  }
0xf1: {  	s22 =	ssub.s32 s0, s2  }
0xf2: {  	s0 =	sshll.u32 s22, $0x7  }
0xf3: {  	[tilespmem:s0+$0x108] =	vst v1  }
0xf4: {  	v1 =	vld [tilespmem:s25+$0xFFFFFFD0];
	_ =	sdelay $0x4  }
0xf5: {  	[tilespmem:s0+$0x118] =	vst v1  }
0xf6: {  	v1 =	vld [tilespmem:s25+$0xFFFFFFE0];
	_ =	sdelay $0x4  }
0xf7: {  	[tilespmem:s0+$0x128] =	vst v1  }
0xf8: {  	v1 =	vld [tilespmem:s25+$0xFFFFFFF0];
	_ =	sdelay $0x4  }
0xf9: {  	[tilespmem:s0+$0x138] =	vst v1  }
0xfa: {  	v1 =	vld [tilespmem:s25+$0x0];
	_ =	sdelay $0x4  }
0xfb: {  	[tilespmem:s0+$0x148] =	vst v1  }
0xfc: {  	v1 =	vld [tilespmem:s25+$0x10];
	_ =	sdelay $0x4  }
0xfd: {  	[tilespmem:s0+$0x158] =	vst v1  }
0xfe: {  	v1 =	vld [tilespmem:s25+$0x20];
	_ =	sdelay $0x4  }
0xff: {  	[tilespmem:s0+$0x168] =	vst v1  }
0x100: {  	v1 =	vld [tilespmem:s25+$0x30]  }
.Ltmp15:
0x101: {  	_ = 	snop;
	(pc) =	sbr.rel .LBB2_17-.Ltmp15, $2  }
0x102: {  	_ =	sdelay $0x2  }
0x103: {  	s28 =	sadd.s32 $0x1, s28;
	[tilespmem:s0+$0x178] =	vst v1  }
.LBB2_19:
.Ltmp16:
0x104: {  	(pc) =	sbr.rel .LBB2_20-.Ltmp16, $4  }
0x105: {  	_ = 	snop  }
0x106: {  	s0 =	simm.s32 $0x2  }
0x107: {  	_ =	swait.ge [sflag:s0], $0x0  }
0x108: {  	s30 =	smov.u32 s29;
	[sflag:s0] =	ssyncset.done $0x0;
	s0 =	simm.s32 $0x0  }
.LBB2_22:
0x109: {  	_ =	sfence.sel $0x180000  }
0x10a: {  	s0 =	simm.s32 $0x9;
	[bflag:$0x0] =	sbarrier.arrive $0xFFFF  }
0x10b: {  	s24 =	simm.s32 $0xA;
	[sflag:s0] =	ssyncpa.u1 $0x1  }
0x10c: {  	s25 =	simm.s32 $0xB;
	[sflag:s24] =	ssyncpa.u1 $0x1  }
0x10d: {  	s26 =	simm.s32 $0x2;
	[sflag:s25] =	ssyncpa.u1 $0x1  }
0x10e: {  	[sflag:s26] =	ssyncpa.u1 $0x1  }
0x10f: {  	v0 =	vld [tilespmem:$0xF208];
	_ =	sdelay $0x4  }
0x110: {  	(v2sf) =	vpush v0, $0x0  }
0x111: {  	(v2sf) =	vpush v0, $0x1;
	_ =	sdelay $0x1  }
0x112: {  	(v2sf) =	vpush v0, $0x2;
	_ =	sdelay $0xb  }
0x113: {  	s0 =	spop (v2sf)  }
0x114: {  	s2 =	spop (v2sf)  }
0x115: {  	s3 =	smov.u32 s0;
	p0 =	sne.s32 s0, s2  }
0x116: {  	s4 =	spop (v2sf);
	s3 =	simm.s32 @!p0 $0xFFFFFFFF  }
0x117: {  	v2 =	vimm.s32 $0x1;
	v3 =	vlaneseq.u32;
	p0 =	seq.s32 s4, $0xFFFFFFFF;
	v1 =	vmov s3  }
0x118: {  	s16 =	stileid.u32;
	v0 =	vperm.xlane v0, v2;
	p1 =	sne.s32 @!p0 s0, s2;
	v1 =	vperm.xlane v1, v3  }
0x119: {  	vm0 =	vcmask $0x3F04;
	s6 =	simm.s32 $0xF208;
	s0 =	simm.s32 @!p0 $0x1;
	p1 =	por !p1, p0  }
0x11a: {  	s3 =	sshll.u32 s16, $0x1;
	s2 =	sshll.u32 @!p0 s4, $0x9;
	s0 =	simm.s32 @p1 $0x0;
	v0 =	vsel vm0, v1, v0  }
0x11b: {  	s5 =	sor.u32 $0x1000, s3;
	s2 =	sshra.s32 @!p0 s2, $0x2;
	s0 =	sor.u32 @!p0 s0, s3;
	[tilespmem:$0xF208] =	vst v0  }
0x11c: {  	[spmem:s5] =	stream.linear.scatter [tilespmem:s6], [sflag:$0x1], $0x2, $0x38;
	[tilespmem:$0x1F6F8] =	vst v63  }
0x11d: {  	s2 =	sadd.s32 @!p0 $0x108, s2;
	s0 =	sshll.u32 @!p0 s0, $0x7  }
0x11e: {  	[spmem:s0] =	stream.linear.scatter @!p0 [tilespmem:s2], [sflag:$0x1], $0x80, $0x38;
	[tilespmem:$0x1F6F8] =	vst v63  }
0x11f: {  	s0 =	simm.s32 @!p0 $0x82  }
0x120: {  	s28 =	simm.s32 $0x1;
	s0 =	simm.s32 @p0 $0x2  }
0x121: {  	_ =	swait.ge [sflag:s28], s0  }
0x122: {  	s0 =	ssub.s32 $0x0, s0;
	[sflag:s28] =	ssyncset.done $0x0  }
0x123: {  	p0 =	sne.s32 s16, $0x0;
	[sflag:s28] =	ssyncadd.s32 s0  }
.Ltmp17:
0x124: {  	_ =	sfence.stream.spmem;
	(pc) =	sbr.rel @p0 .LBB2_39-.Ltmp17, $4  }
0x125: {  	s29 =	simm.s32 $0x3;
	[bflag:$0x0] =	sbarrier.arrive $0xFFFF  }
0x126: {  	s30 =	simm.s32 $0x4;
	[sflag:s29] =	ssyncpa.u1 $0x1  }
0x127: {  	s31 =	simm.s32 $0x3C;
	[sflag:s30] =	ssyncpa.u1 $0x1  }
0x128: {  	s15 =	rddreg [dreg:$0x4];
	[sflag:s31] =	ssyncpa.u1 $0x1  }
0x129: {  	_ =	sfence.stream.spmem;
	s0 =	simm.s32 $0x5  }
0x12a: {  	s2 =	simm.s32 $0x1000;
	s3 =	simm.s32 $0xF218;
	[sflag:s0] =	ssyncpa.u1 $0x0  }
0x12b: {  	[tilespmem:s3], [sflag:$0x5] =	stream.linear.gather [spmem:s2], $0x20, $0x38;
	[tilespmem:$0x1F6F8] =	vst v63  }
0x12c: {  	s26 =	simm.s32 $0x0;
	s28 =	simm.s32 $0xF238  }
0x12d: {  	[tilespmem:s28], [sflag:$0x5] =	stream.linear.gather [spmem:s26], $0x1000, $0x38;
	[tilespmem:$0x1F6F8] =	vst v63  }
0x12e: {  	_ =	swait.ge [sflag:s0], $0x1020  }
0x12f: {  	[sflag:s0] =	ssyncset.done $0x0  }
0x130: {  	s29 =	simm.s32 $0x0;
	[sflag:s0] =	ssyncadd.s32 $0xFFFFEFE0  }
0x131: {  	v0 =	vld.msk [tilespmem:s29+$0xF218], $0x1;
	_ =	sdelay $0x1  }
0x132: {  	s30 =	simm.s32 $0x1  }
0x133: {  	v1 =	vld.msk [tilespmem:s30+$0xF218], $0x1;
	_ =	sdelay $0x1  }
0x134: {  	(v2sf) =	vpush v0, $0x0;
	_ =	sdelay $0x2  }
0x135: {  	(v2sf) =	vpush v1, $0x0;
	_ =	sdelay $0x2  }
0x136: {  	s31 =	simm.s32 $0x2  }
0x137: {  	v0 =	vld.msk [tilespmem:s31+$0xF218], $0x1;
	_ =	sdelay $0x2  }
0x138: {  	s4 =	simm.s32 $0xFFFFFFFF;
	s5 =	simm.s32 $0xFFFFFFFF;
	s0 =	simm.s32 $0xC  }
.LBB2_24:
0x139: {  	s2 =	smov.u32 s5;
	s3 =	smov.u32 s4  }
0x13a: {  	s4 =	sshra.s32 s0, $0x2;
	p1 =	sne.s32 s0, $0x7C;
	s0 =	sadd.s32 $0x4, s0;
	(v2sf) =	vpush v0, $0x0  }
0x13b: {  	v0 =	vld.msk [tilespmem:s4+$0xF218], $0x1  }
.Ltmp18:
0x13c: {  	(pc) =	sbr.rel @p1 .LBB2_24-.Ltmp18, $4  }
0x13d: {  	s5 =	spop (v2sf)  }
0x13e: {  	p2 =	sne.s32 s3, $0xFFFFFFFF;
	s4 =	smov.u32 s5  }
0x13f: {  	p3 =	seq.s32 s5, $0xFFFFFFFF;
	s4 =	smov.u32 @p2 s3  }
0x140: {  	s5 =	smov.u32 @p3 s2;
	s4 =	smov.u32 @p3 s3  }
0x141: {  	(v2sf) =	vpush v0, $0x0;
	_ =	sdelay $0x8  }
0x142: {  	s0 =	spop (v2sf)  }
0x143: {  	p1 =	sne.s32 s4, $0xFFFFFFFF;
	s2 =	smov.u32 s0  }
0x144: {  	s9 =	simm.s32 $0x6;
	p2 =	seq.s32 s0, $0xFFFFFFFF;
	s2 =	smov.u32 @p1 s4  }
0x145: {  	s6 =	simm.s32 $0x0;
	s2 =	smov.u32 @p2 s4;
	s3 =	spop (v2sf)  }
0x146: {  	s0 =	smov.u32 @p2 s5;
	p1 =	sne.s32 s2, $0xFFFFFFFF;
	s4 =	smov.u32 s3  }
.Ltmp19:
0x147: {  	p2 =	seq.s32 s3, $0xFFFFFFFF;
	s4 =	smov.u32 @p1 s2;
	(pc) =	sbr.rel .LBB2_26-.Ltmp19, $4  }
0x148: {  	s10 =	simm.s32 $0xF188;
	s4 =	smov.u32 @p2 s2;
	s7 =	spop (v2sf)  }
0x149: {  	s11 =	simm.s32 $0x0;
	p1 =	sne.s32 s4, $0xFFFFFFFF;
	s8 =	smov.u32 s7  }
0x14a: {  	s3 =	smov.u32 @p2 s0;
	p2 =	seq.s32 s7, $0xFFFFFFFF;
	s8 =	smov.u32 @p1 s4  }
0x14b: {  	[sflag:s9] =	ssyncpa.u1 $0x0;
	s7 =	smov.u32 @p2 s3;
	s8 =	smov.u32 @p2 s4  }
.LBB2_32:
0x14c: {  	p1 =	sgt.u32 s12, $0x270F0  }
0x14d: {  	p2 =	seq.s32 @!p1 s12, s8  }
0x14e: {  	p1 =	por p1, p2  }
0x14f: {  	p2 =	sne.s32 @!p1 s12, s7  }
0x150: {  	p1 =	por p1, !p2  }
0x151: {  	s0 =	sshll.u32 @p1 s11, $0x9  }
0x152: {  	s0 =	sand.u32 @!p1 $0x3FFF8, s12  }
0x153: {  	s2 =	sand.u32 @!p1 $0x7, s12;
	s0 =	sadd.s32 @!p1 s1, s0  }
0x154: {  	[tilespmem:s10], [sflag:$0x6] =	stream.linear.gather @!p1 [hbm4b:s0+s2], $0x80, $0x38;
	[tilespmem:$0x1F6F8] =	vst v63  }
0x155: {  	_ =	swait.ge @!p1 [sflag:s9], $0x80  }
0x156: {  	[sflag:s9] =	ssyncset.done @!p1 $0x0  }
0x157: {  	[sflag:s9] =	ssyncadd.s32 @!p1 $0xFFFFFF80  }
0x158: {  	v1 =	vld @!p1 [tilespmem:$0xF188];
	_ =	sdelay $0x2  }
0x159: {  	s0 =	sshll.u32 @!p1 s11, $0x9  }
0x15a: {  	s2 =	sshrl.u32 @!p1 s0, $0x2  }
0x15b: {  	[tilespmem:s2+$0xF238] =	vst.add.f32.msk @!p1 $0xffff, v1  }
0x15c: {  	v1 =	vld @!p1 [tilespmem:$0xF198];
	_ =	sdelay $0x4  }
0x15d: {  	[tilespmem:s2+$0xF248] =	vst.add.f32.msk @!p1 $0xffff, v1  }
0x15e: {  	v1 =	vld @!p1 [tilespmem:$0xF1A8];
	_ =	sdelay $0x4  }
0x15f: {  	[tilespmem:s2+$0xF258] =	vst.add.f32.msk @!p1 $0xffff, v1  }
0x160: {  	v1 =	vld @!p1 [tilespmem:$0xF1B8];
	_ =	sdelay $0x4  }
0x161: {  	[tilespmem:s2+$0xF268] =	vst.add.f32.msk @!p1 $0xffff, v1  }
0x162: {  	v1 =	vld @!p1 [tilespmem:$0xF1C8];
	_ =	sdelay $0x4  }
0x163: {  	[tilespmem:s2+$0xF278] =	vst.add.f32.msk @!p1 $0xffff, v1  }
0x164: {  	v1 =	vld @!p1 [tilespmem:$0xF1D8];
	_ =	sdelay $0x4  }
0x165: {  	[tilespmem:s2+$0xF288] =	vst.add.f32.msk @!p1 $0xffff, v1  }
0x166: {  	v1 =	vld @!p1 [tilespmem:$0xF1E8];
	_ =	sdelay $0x4  }
0x167: {  	[tilespmem:s2+$0xF298] =	vst.add.f32.msk @!p1 $0xffff, v1  }
0x168: {  	v1 =	vld @!p1 [tilespmem:$0xF1F8];
	_ =	sdelay $0x4  }
0x169: {  	[tilespmem:s2+$0xF2A8] =	vst.add.f32.msk @!p1 $0xffff, v1  }
0x16a: {  	s0 =	sshrl.u32 s0, $0x2;
	[tilespmem:s6+$0xF218] =	vst.msk $0x1, v0  }
0x16b: {  	v0 =	vld [tilespmem:s0+$0xF238];
	_ =	sdelay $0x2  }
0x16c: {  	s31 =	sshll.u32 s6, $0x9  }
0x16d: {  	s2 =	sshra.s32 s31, $0x2  }
0x16e: {  	[tilespmem:s2+$0xF238] =	vst v0  }
0x16f: {  	v0 =	vld [tilespmem:s0+$0xF248];
	_ =	sdelay $0x4  }
0x170: {  	[tilespmem:s2+$0xF248] =	vst v0  }
0x171: {  	v0 =	vld [tilespmem:s0+$0xF258];
	_ =	sdelay $0x4  }
0x172: {  	[tilespmem:s2+$0xF258] =	vst v0  }
0x173: {  	v0 =	vld [tilespmem:s0+$0xF268];
	_ =	sdelay $0x4  }
0x174: {  	[tilespmem:s2+$0xF268] =	vst v0  }
0x175: {  	v0 =	vld [tilespmem:s0+$0xF278];
	_ =	sdelay $0x4  }
0x176: {  	[tilespmem:s2+$0xF278] =	vst v0  }
0x177: {  	v0 =	vld [tilespmem:s0+$0xF288];
	_ =	sdelay $0x4  }
0x178: {  	[tilespmem:s2+$0xF288] =	vst v0  }
0x179: {  	v0 =	vld [tilespmem:s0+$0xF298];
	_ =	sdelay $0x4  }
0x17a: {  	[tilespmem:s2+$0xF298] =	vst v0  }
0x17b: {  	v0 =	vld [tilespmem:s0+$0xF2A8];
	_ =	sdelay $0x4  }
0x17c: {  	s6 =	sadd.s32 $0x1, s6;
	[tilespmem:s2+$0xF2A8] =	vst v0  }
.LBB2_33:
0x17d: {  	s11 =	sadd.s32 $0x1, s11  }
0x17e: {  	p1 =	sne.s32 s11, $0x20  }
.Ltmp20:
0x17f: {  	_ = 	snop;
	(pc) =	sbr.rel @!p1 .LBB2_34-.Ltmp20, $1  }
0x180: {  	_ =	sdelay $0x3  }
.LBB2_26:
0x181: {  	v0 =	vld.msk [tilespmem:s11+$0xF218], $0x1;
	_ =	sdelay $0x4  }
0x182: {  	(v2sf) =	vpush v0, $0x0;
	_ =	sdelay $0xe  }
0x183: {  	s12 =	spop (v2sf)  }
0x184: {  	p1 =	seq.s32 s12, $0xFFFFFFFF  }
.Ltmp21:
0x185: {  	_ = 	snop;
	(pc) =	sbr.rel @p1 .LBB2_33-.Ltmp21, $1  }
0x186: {  	_ =	sdelay $0x3  }
0x187: {  	p1 =	slt.s32 s6, $0x1  }
.Ltmp22:
0x188: {  	_ = 	snop;
	(pc) =	sbr.rel @p1 .LBB2_32-.Ltmp22, $1  }
0x189: {  	_ =	sdelay $0x3  }
0x18a: {  	s13 =	simm.s32 $0xF218;
	p1 =	por $0x0, $0x0  }
0x18b: {  	v1 =	vld.msk @!p1 [tilespmem:s13+$0x0], $0x1;
	_ =	sdelay $0x4  }
0x18c: {  	(v2sf) =	vpush @!p1 v1, $0x0;
	_ =	sdelay $0xd  }
0x18d: {  	p3 =	sne.s32 s6, $0x1  }
.Ltmp23:
0x18e: {  	s0 =	spop @!p1 (v2sf);
	(pc) =	sbr.rel @!p3 .LBB2_30-.Ltmp23, $4  }
0x18f: {  	p2 =	seq.s32 @!p1 s12, s0  }
0x190: {  	s14 =	simm.s32 $0x0;
	p2 =	por !p2, p1  }
0x191: {  	s2 =	simm.s32 $0xFFFFFFFF;
	s14 =	simm.s32 @p2 $0xFFFFFFFF  }
0x192: {  	s0 =	simm.s32 $0x1;
	s14 =	smov.u32 @p1 s2  }
.LBB2_29:
0x193: {  	s2 =	smov.u32 s14;
	p1 =	sne.s32 s14, $0xFFFFFFFF  }
0x194: {  	s13 =	sadd.s32 $0x1, s13;
	s14 =	smov.u32 s0;
	s0 =	sadd.s32 $0x1, s0  }
0x195: {  	p2 =	sne.s32 s6, s0;
	v1 =	vld.msk @!p1 [tilespmem:s13+$0x0], $0x1;
	_ =	sdelay $0x4  }
0x196: {  	(v2sf) =	vpush @!p1 v1, $0x0;
	_ =	sdelay $0xe  }
.Ltmp24:
0x197: {  	s3 =	spop @!p1 (v2sf);
	(pc) =	sbr.rel @p2 .LBB2_29-.Ltmp24, $4  }
0x198: {  	p3 =	seq.s32 @!p1 s12, s3  }
0x199: {  	p3 =	por !p3, p1  }
0x19a: {  	s14 =	simm.s32 @p3 $0xFFFFFFFF  }
0x19b: {  	s14 =	smov.u32 @p1 s2  }
.LBB2_30:
0x19c: {  	p1 =	seq.s32 s14, $0xFFFFFFFF  }
.Ltmp25:
0x19d: {  	_ = 	snop;
	(pc) =	sbr.rel @p1 .LBB2_32-.Ltmp25, $1  }
0x19e: {  	_ =	sdelay $0x3  }
0x19f: {  	s0 =	sshll.u32 s11, $0x7  }
0x1a0: {  	s0 =	sand.u32 $0x3FFFFF80, s0  }
0x1a1: {  	v0 =	vld [tilespmem:s0+$0xF238];
	_ =	sdelay $0x2  }
0x1a2: {  	s2 =	sshll.u32 s14, $0x9  }
0x1a3: {  	s2 =	sshra.s32 s2, $0x2  }
0x1a4: {  	[tilespmem:s2+$0xF238] =	vst.add.f32.msk $0xffff, v0  }
0x1a5: {  	v0 =	vld [tilespmem:s0+$0xF248];
	_ =	sdelay $0x4  }
0x1a6: {  	[tilespmem:s2+$0xF248] =	vst.add.f32.msk $0xffff, v0  }
0x1a7: {  	v0 =	vld [tilespmem:s0+$0xF258];
	_ =	sdelay $0x4  }
0x1a8: {  	[tilespmem:s2+$0xF258] =	vst.add.f32.msk $0xffff, v0  }
0x1a9: {  	v0 =	vld [tilespmem:s0+$0xF268];
	_ =	sdelay $0x4  }
0x1aa: {  	[tilespmem:s2+$0xF268] =	vst.add.f32.msk $0xffff, v0  }
0x1ab: {  	v0 =	vld [tilespmem:s0+$0xF278];
	_ =	sdelay $0x4  }
0x1ac: {  	[tilespmem:s2+$0xF278] =	vst.add.f32.msk $0xffff, v0  }
0x1ad: {  	v0 =	vld [tilespmem:s0+$0xF288];
	_ =	sdelay $0x4  }
0x1ae: {  	[tilespmem:s2+$0xF288] =	vst.add.f32.msk $0xffff, v0  }
0x1af: {  	v0 =	vld [tilespmem:s0+$0xF298];
	_ =	sdelay $0x4  }
0x1b0: {  	[tilespmem:s2+$0xF298] =	vst.add.f32.msk $0xffff, v0  }
0x1b1: {  	v0 =	vld [tilespmem:s0+$0xF2A8]  }
.Ltmp26:
0x1b2: {  	_ = 	snop;
	(pc) =	sbr.rel .LBB2_33-.Ltmp26, $2  }
0x1b3: {  	_ =	sdelay $0x2  }
0x1b4: {  	[tilespmem:s2+$0xF2A8] =	vst.add.f32.msk $0xffff, v0  }
.LBB2_34:
0x1b5: {  	s0 =	simm.s32 $0x6;
	p1 =	seq.s32 s6, $0x0  }
0x1b6: {  	[sflag:s0] =	ssyncpa.u1 $0x1;
	v0 =	vimm.s32 @p1 $0xFFFFFFFF  }
0x1b7: {  	s9 =	sadd.s32 $0xFFFFFFFF, s6;
	[tilespmem:$0x10238] =	vst @p1 v0  }
0x1b8: {  	v0 =	vld.msk @!p1 [tilespmem:s9+$0xF218], $0x1;
	_ =	sdelay $0x1  }
0x1b9: {  	v1 =	vld.msk @!p1 [tilespmem:$0xF218], $0x1;
	_ =	sdelay $0x2  }
0x1ba: {  	p2 =	seq.s32 @!p1 s9, $0x0;
	v0 =	vbroadcast @!p1 v0, $0x0  }
0x1bb: {  	vm0 =	vmmov @!p1 $0x1;
	p2 =	por !p2, p1  }
0x1bc: {  	v1 =	vnsel @!p1 vm0, $0xFFFFFFFF, v1;
	vm0 =	vcmask @!p1 $0x308;
	v0 =	vpsel !p2, $0xFFFFFFFF, v0  }
0x1bd: {  	p2 =	sne.s32 @!p1 s8, s7;
	v0 =	vsel @!p1 vm0, v1, v0  }
0x1be: {  	s0 =	simm.s32 @!p1 $0xF238;
	s2 =	simm.s32 @!p1 $0x0;
	p3 =	por !p2, p1;
	[tilespmem:$0x10238] =	vst @!p1 v0  }
0x1bf: {  	[spmem:s2] =	stream.linear.scatter @!p1 [tilespmem:s0], [sflag:$0x1], $0x80, $0x38;
	[tilespmem:$0x1F6F8] =	vst v63  }
0x1c0: {  	s0 =	sshll.u32 @!p3 s9, $0x9  }
0x1c1: {  	s0 =	sshra.s32 @!p3 s0, $0x2  }
0x1c2: {  	s2 =	simm.s32 @!p3 $0x80;
	s0 =	sadd.s32 @!p3 $0xF238, s0  }
0x1c3: {  	[spmem:s2] =	stream.linear.scatter @!p3 [tilespmem:s0], [sflag:$0x1], $0x80, $0x38;
	[tilespmem:$0x1F6F8] =	vst v63  }
0x1c4: {  	s0 =	simm.s32 @!p3 $0x1  }
0x1c5: {  	_ =	swait.ge @!p3 [sflag:s0], $0x100  }
0x1c6: {  	p1 =	por p2, p1;
	[sflag:s0] =	ssyncset.done @!p3 $0x0  }
0x1c7: {  	[sflag:s0] =	ssyncadd.s32 @!p3 $0xFFFFFF00;
	s0 =	simm.s32 @!p1 $0x1  }
0x1c8: {  	_ =	swait.ge @!p1 [sflag:s0], $0x80  }
0x1c9: {  	s29 =	simm.s32 $0x10238;
	[sflag:s0] =	ssyncset.done @!p1 $0x0  }
0x1ca: {  	s30 =	simm.s32 $0x1000;
	s31 =	simm.s32 $0x1;
	[sflag:s0] =	ssyncadd.s32 @!p1 $0xFFFFFF80  }
0x1cb: {  	[spmem:s30] =	stream.linear.scatter [tilespmem:s29], [sflag:$0x1], $0x10, $0x38;
	[tilespmem:$0x1F6F8] =	vst v63  }
0x1cc: {  	_ =	swait.ge [sflag:s31], $0x10  }
0x1cd: {  	[sflag:s31] =	ssyncset.done $0x0  }
0x1ce: {  	p1 =	seq.s32 s15, $0x0;
	s8 =	rddreg [dreg:$0x1];
	[sflag:s31] =	ssyncadd.s32 $0xFFFFFFF0  }
0x1cf: {  	s2 =	sshll.u32 @p1 s8, $0xE;
	s7 =	rddreg [dreg:$0x2]  }
0x1d0: {  	s0 =	sadd.s32 @p1 $0x15C3C, s2;
	s2 =	sshll.u32 @p1 s7, $0x11  }
0x1d1: {  	_ =	sfence.stream.spmem;
	s0 =	sor.u32 @p1 s2, s0  }
0x1d2: {  	[sflag:s0] =	ssyncadd.remote.s32 @p1 $0x1;
	s0 =	simm.s32 @p1 $0x4  }
0x1d3: {  	s3 =	simm.s32 @!p1 $0x3C;
	s2 =	sand.u32 $0xFFFFFFFE, s8;
	_ =	swait.ge @p1 [sflag:s0], $0x22  }
0x1d4: {  	s4 =	simm.s32 @!p1 $0x0;
	s2 =	sadd.s32 @!p1 $0x4, s2;
	[sflag:s0] =	ssyncset.done @p1 $0x0  }
0x1d5: {  	s5 =	simm.s32 @!p1 $0x100;
	[sflag:s0] =	ssyncadd.s32 @p1 $0xFFFFFFDE;
	s0 =	sshll.u32 @!p1 s2, $0x1A  }
0x1d6: {  	s2 =	sshll.u32 @!p1 s2, $0xD;
	s0 =	sor.u32 @!p1 s0, s7;
	_ =	swait.eq @!p1 [sflag:s3], $0x1  }
0x1d7: {  	s2 =	sor.u32 @!p1 $0x1C04, s2;
	s3 =	simm.s32 @!p1 $0x1C03;
	s0 =	sor.u32 @!p1 $0x80004000, s0  }
0x1d8: {  	[spmem:s5], [sflag:s2] =	dma.general @!p1 [spmem:s4], [sflag:s3], length:$0x20, [dreg:$0x0], stride_count:$0x0, ici_dest:s0, dma_misc:DstOpCode:WRITE  }
0x1d9: {  	p2 =	slt.s32 s9, $0x2;
	s4 =	simm.s32 @!p1 $0x200;
	s5 =	simm.s32 @!p1 $0x202  }
0x1da: {  	[spmem:s5], [sflag:s2] =	dma.general @!p1 [spmem:s4], [sflag:s3], length:$0x2, [dreg:$0x0], stride_count:$0x0, ici_dest:s0, dma_misc:DstOpCode:WRITE  }
.Ltmp27:
0x1db: {  	s0 =	simm.s32 @!p1 $0x3;
	(pc) =	sbr.rel @p2 .LBB2_38-.Ltmp27, $4  }
0x1dc: {  	s2 =	sshll.u32 @!p1 s8, $0xE;
	_ =	swait.ge @!p1 [sflag:s0], $0x22  }
0x1dd: {  	s3 =	sshll.u32 @!p1 s7, $0x11;
	s2 =	sadd.s32 @!p1 $0x11C3C, s2;
	[sflag:s0] =	ssyncset.done @!p1 $0x0  }
0x1de: {  	[sflag:s0] =	ssyncadd.s32 @!p1 $0xFFFFFFDE;
	s0 =	sor.u32 @!p1 s3, s2  }
0x1df: {  	[sflag:s0] =	ssyncadd.remote.s32 @!p1 $0xFFFFFFFF;
	s0 =	simm.s32 $0x0  }
0x1e0: {  	s0 =	simm.s32 $0xF219  }
0x1e1: {  	v0 =	vld.msk [tilespmem:s0+$0x0], $0x1;
	_ =	sdelay $0x4  }
0x1e2: {  	(v2sf) =	vpush v0, $0x0;
	_ =	sdelay $0xb  }
0x1e3: {  	s31 =	sadd.s32 $0xFFFFFFFE, s6  }
0x1e4: {  	s0 =	sadd.s32 $0xFFFFFFFF, s31  }
0x1e5: {  	p2 =	sne.s32 s0, $0x0  }
.Ltmp28:
0x1e6: {  	s2 =	spop (v2sf);
	(pc) =	sbr.rel @!p2 .LBB2_37-.Ltmp28, $4  }
0x1e7: {  	s4 =	simm.s32 $0xF2B8;
	s7 =	simm.s32 $0x0;
	p1 =	sgt.u32 s2, $0x270F0  }
0x1e8: {  	s5 =	simm.s32 $0x0;
	s6 =	simm.s32 $0xF21A;
	s3 =	sand.u32 @!p1 $0x3FFF8, s2  }
0x1e9: {  	s2 =	sand.u32 @!p1 $0x7, s2;
	s7 =	simm.s32 @!p1 $0x200;
	s3 =	sadd.s32 @!p1 s1, s3  }
0x1ea: {  	[hbm4b:s3+s2] =	stream.linear.scatter @!p1 [tilespmem:s4], [sflag:$0x5], $0x80, $0x38;
	[tilespmem:$0x1F6F8] =	vst v63  }
.LBB2_36:
0x1eb: {  	v0 =	vld.msk [tilespmem:s6+$0x0], $0x1;
	s0 =	sadd.s32 $0xFFFFFFFF, s0;
	s5 =	sadd.s32 s5, s7  }
0x1ec: {  	p1 =	sne.s32 s0, $0x0;
	_ =	sdelay $0x3  }
0x1ed: {  	(v2sf) =	vpush v0, $0x0;
	_ =	sdelay $0xe  }
.Ltmp29:
0x1ee: {  	s2 =	spop (v2sf);
	(pc) =	sbr.rel @p1 .LBB2_36-.Ltmp29, $4  }
0x1ef: {  	s7 =	simm.s32 $0x0;
	p2 =	sgt.u32 s2, $0x270F0  }
0x1f0: {  	s4 =	sadd.s32 $0x80, s4;
	s7 =	simm.s32 @!p2 $0x200;
	s3 =	sand.u32 @!p2 $0x3FFF8, s2  }
0x1f1: {  	s6 =	sadd.s32 $0x1, s6;
	s2 =	sand.u32 @!p2 $0x7, s2;
	s3 =	sadd.s32 @!p2 s1, s3  }
0x1f2: {  	[hbm4b:s3+s2] =	stream.linear.scatter @!p2 [tilespmem:s4], [sflag:$0x5], $0x80, $0x38;
	[tilespmem:$0x1F6F8] =	vst v63  }
.LBB2_37:
0x1f3: {  	s0 =	sadd.s32 s5, s7  }
0x1f4: {  	s0 =	sshrl.u32 s0, $0x2  }
.LBB2_38:
0x1f5: {  	s2 =	simm.s32 $0x5  }
0x1f6: {  	_ =	swait.ge [sflag:s2], s0  }
0x1f7: {  	s31 =	ssub.s32 $0x0, s0;
	[sflag:s2] =	ssyncset.done $0x0  }
0x1f8: {  	[sflag:s2] =	ssyncadd.s32 s31  }
0x1f9: {  	[sflag:s2] =	ssyncpa.u1 $0x1  }
.LBB2_39:
0x1fa: {  	s0 =	sor.u32 s15, s16  }
0x1fb: {  	p1 =	sne.s32 s0, $0x0  }
.Ltmp30:
0x1fc: {  	_ = 	snop;
	(pc) =	sbr.rel @p1 .LBB2_54-.Ltmp30, $3  }
0x1fd: {  	_ =	sdelay $0x1  }
0x1fe: {  	[bflag:$0x0] =	sbarrier.arrive $0xFFFF  }
0x1ff: {  	_ =	sfence  }
0x200: {  	s0 =	simm.s32 $0x7  }
0x201: {  	s2 =	simm.s32 $0x1000;
	s3 =	simm.s32 $0xF218;
	[sflag:s0] =	ssyncpa.u1 $0x0  }
0x202: {  	[tilespmem:s3], [sflag:$0x7] =	stream.linear.gather [spmem:s2], $0x20, $0x38;
	[tilespmem:$0x1F6F8] =	vst v63  }
0x203: {  	s30 =	simm.s32 $0xF238;
	s2 =	simm.s32 $0x0  }
0x204: {  	[tilespmem:s30], [sflag:$0x7] =	stream.linear.gather [spmem:s2], $0x1000, $0x38;
	[tilespmem:$0x1F6F8] =	vst v63  }
.Ltmp31:
0x205: {  	_ = 	snop;
	(pc) =	sbr.rel .LBB2_41-.Ltmp31, $4  }
0x206: {  	_ =	swait.ge [sflag:s0], $0x1020  }
0x207: {  	[sflag:s0] =	ssyncset.done $0x0  }
0x208: {  	s31 =	simm.s32 $0x8;
	[sflag:s0] =	ssyncadd.s32 $0xFFFFEFE0  }
0x209: {  	s3 =	simm.s32 $0x0;
	[sflag:s31] =	ssyncpa.u1 $0x0  }
.LBB2_47:
0x20a: {  	p1 =	slt.u32 s4, $0x270F1  }
0x20b: {  	s0 =	sand.u32 @p1 $0x3FFF8, s4  }
0x20c: {  	s4 =	sand.u32 @p1 $0x7, s4;
	s5 =	simm.s32 @p1 $0xF188;
	s0 =	sadd.s32 @p1 s1, s0  }
0x20d: {  	[tilespmem:s5], [sflag:$0x8] =	stream.linear.gather @p1 [hbm4b:s0+s4], $0x80, $0x38;
	[tilespmem:$0x1F6F8] =	vst v63  }
0x20e: {  	s0 =	simm.s32 @p1 $0x8  }
0x20f: {  	_ =	swait.ge @p1 [sflag:s0], $0x80  }
0x210: {  	[sflag:s0] =	ssyncset.done @p1 $0x0  }
0x211: {  	[sflag:s0] =	ssyncadd.s32 @p1 $0xFFFFFF80  }
0x212: {  	v1 =	vld @p1 [tilespmem:$0xF188];
	_ =	sdelay $0x2  }
0x213: {  	s0 =	sshll.u32 @p1 s3, $0x9  }
0x214: {  	s4 =	sshrl.u32 @p1 s0, $0x2  }
0x215: {  	[tilespmem:s4+$0xF238] =	vst.add.f32.msk @p1 $0xffff, v1  }
0x216: {  	v1 =	vld @p1 [tilespmem:$0xF198];
	_ =	sdelay $0x4  }
0x217: {  	[tilespmem:s4+$0xF248] =	vst.add.f32.msk @p1 $0xffff, v1  }
0x218: {  	v1 =	vld @p1 [tilespmem:$0xF1A8];
	_ =	sdelay $0x4  }
0x219: {  	[tilespmem:s4+$0xF258] =	vst.add.f32.msk @p1 $0xffff, v1  }
0x21a: {  	v1 =	vld @p1 [tilespmem:$0xF1B8];
	_ =	sdelay $0x4  }
0x21b: {  	[tilespmem:s4+$0xF268] =	vst.add.f32.msk @p1 $0xffff, v1  }
0x21c: {  	v1 =	vld @p1 [tilespmem:$0xF1C8];
	_ =	sdelay $0x4  }
0x21d: {  	[tilespmem:s4+$0xF278] =	vst.add.f32.msk @p1 $0xffff, v1  }
0x21e: {  	v1 =	vld @p1 [tilespmem:$0xF1D8];
	_ =	sdelay $0x4  }
0x21f: {  	[tilespmem:s4+$0xF288] =	vst.add.f32.msk @p1 $0xffff, v1  }
0x220: {  	v1 =	vld @p1 [tilespmem:$0xF1E8];
	_ =	sdelay $0x4  }
0x221: {  	[tilespmem:s4+$0xF298] =	vst.add.f32.msk @p1 $0xffff, v1  }
0x222: {  	v1 =	vld @p1 [tilespmem:$0xF1F8];
	_ =	sdelay $0x3  }
0x223: {  	s5 =	sshll.u32 @!p1 s3, $0x9  }
0x224: {  	s5 =	smov.u32 @p1 s0;
	[tilespmem:s4+$0xF2A8] =	vst.add.f32.msk @p1 $0xffff, v1  }
0x225: {  	s0 =	sshrl.u32 s5, $0x2;
	[tilespmem:s2+$0xF218] =	vst.msk $0x1, v0  }
0x226: {  	v0 =	vld [tilespmem:s0+$0xF238];
	_ =	sdelay $0x2  }
0x227: {  	s31 =	sshll.u32 s2, $0x9  }
0x228: {  	s4 =	sshra.s32 s31, $0x2  }
0x229: {  	[tilespmem:s4+$0xF238] =	vst v0  }
0x22a: {  	v0 =	vld [tilespmem:s0+$0xF248];
	_ =	sdelay $0x4  }
0x22b: {  	[tilespmem:s4+$0xF248] =	vst v0  }
0x22c: {  	v0 =	vld [tilespmem:s0+$0xF258];
	_ =	sdelay $0x4  }
0x22d: {  	[tilespmem:s4+$0xF258] =	vst v0  }
0x22e: {  	v0 =	vld [tilespmem:s0+$0xF268];
	_ =	sdelay $0x4  }
0x22f: {  	[tilespmem:s4+$0xF268] =	vst v0  }
0x230: {  	v0 =	vld [tilespmem:s0+$0xF278];
	_ =	sdelay $0x4  }
0x231: {  	[tilespmem:s4+$0xF278] =	vst v0  }
0x232: {  	v0 =	vld [tilespmem:s0+$0xF288];
	_ =	sdelay $0x4  }
0x233: {  	[tilespmem:s4+$0xF288] =	vst v0  }
0x234: {  	v0 =	vld [tilespmem:s0+$0xF298];
	_ =	sdelay $0x4  }
0x235: {  	[tilespmem:s4+$0xF298] =	vst v0  }
0x236: {  	v0 =	vld [tilespmem:s0+$0xF2A8];
	_ =	sdelay $0x4  }
0x237: {  	s2 =	sadd.s32 $0x1, s2;
	[tilespmem:s4+$0xF2A8] =	vst v0  }
.LBB2_48:
0x238: {  	s3 =	sadd.s32 $0x1, s3  }
0x239: {  	p1 =	sne.s32 s3, $0x20  }
.Ltmp32:
0x23a: {  	_ = 	snop;
	(pc) =	sbr.rel @!p1 .LBB2_49-.Ltmp32, $1  }
0x23b: {  	_ =	sdelay $0x3  }
.LBB2_41:
0x23c: {  	v0 =	vld.msk [tilespmem:s3+$0xF218], $0x1;
	_ =	sdelay $0x4  }
0x23d: {  	(v2sf) =	vpush v0, $0x0;
	_ =	sdelay $0xe  }
0x23e: {  	s4 =	spop (v2sf)  }
0x23f: {  	p1 =	seq.s32 s4, $0xFFFFFFFF  }
.Ltmp33:
0x240: {  	_ = 	snop;
	(pc) =	sbr.rel @p1 .LBB2_48-.Ltmp33, $1  }
0x241: {  	_ =	sdelay $0x3  }
0x242: {  	p1 =	slt.s32 s2, $0x1  }
.Ltmp34:
0x243: {  	_ = 	snop;
	(pc) =	sbr.rel @p1 .LBB2_47-.Ltmp34, $1  }
0x244: {  	_ =	sdelay $0x3  }
0x245: {  	s5 =	simm.s32 $0xF218;
	p1 =	por $0x0, $0x0  }
0x246: {  	v1 =	vld.msk @!p1 [tilespmem:s5+$0x0], $0x1;
	_ =	sdelay $0x4  }
0x247: {  	(v2sf) =	vpush @!p1 v1, $0x0;
	_ =	sdelay $0xd  }
0x248: {  	p3 =	sne.s32 s2, $0x1  }
.Ltmp35:
0x249: {  	s0 =	spop @!p1 (v2sf);
	(pc) =	sbr.rel @!p3 .LBB2_45-.Ltmp35, $4  }
0x24a: {  	p2 =	seq.s32 @!p1 s4, s0  }
0x24b: {  	s6 =	simm.s32 $0x0;
	p2 =	por !p2, p1  }
0x24c: {  	s7 =	simm.s32 $0xFFFFFFFF;
	s6 =	simm.s32 @p2 $0xFFFFFFFF  }
0x24d: {  	s0 =	simm.s32 $0x1;
	s6 =	smov.u32 @p1 s7  }
.LBB2_44:
0x24e: {  	s7 =	smov.u32 s6;
	p1 =	sne.s32 s6, $0xFFFFFFFF  }
0x24f: {  	s5 =	sadd.s32 $0x1, s5;
	s6 =	smov.u32 s0;
	s0 =	sadd.s32 $0x1, s0  }
0x250: {  	p2 =	sne.s32 s2, s0;
	v1 =	vld.msk @!p1 [tilespmem:s5+$0x0], $0x1;
	_ =	sdelay $0x4  }
0x251: {  	(v2sf) =	vpush @!p1 v1, $0x0;
	_ =	sdelay $0xe  }
.Ltmp36:
0x252: {  	s8 =	spop @!p1 (v2sf);
	(pc) =	sbr.rel @p2 .LBB2_44-.Ltmp36, $4  }
0x253: {  	p3 =	seq.s32 @!p1 s4, s8  }
0x254: {  	p3 =	por !p3, p1  }
0x255: {  	s6 =	simm.s32 @p3 $0xFFFFFFFF  }
0x256: {  	s6 =	smov.u32 @p1 s7  }
.LBB2_45:
0x257: {  	p1 =	seq.s32 s6, $0xFFFFFFFF  }
.Ltmp37:
0x258: {  	_ = 	snop;
	(pc) =	sbr.rel @p1 .LBB2_47-.Ltmp37, $1  }
0x259: {  	_ =	sdelay $0x3  }
0x25a: {  	s0 =	sshll.u32 s3, $0x7  }
0x25b: {  	s0 =	sand.u32 $0x3FFFFF80, s0  }
0x25c: {  	v0 =	vld [tilespmem:s0+$0xF238];
	_ =	sdelay $0x2  }
0x25d: {  	s4 =	sshll.u32 s6, $0x9  }
0x25e: {  	s4 =	sshra.s32 s4, $0x2  }
0x25f: {  	[tilespmem:s4+$0xF238] =	vst.add.f32.msk $0xffff, v0  }
0x260: {  	v0 =	vld [tilespmem:s0+$0xF248];
	_ =	sdelay $0x4  }
0x261: {  	[tilespmem:s4+$0xF248] =	vst.add.f32.msk $0xffff, v0  }
0x262: {  	v0 =	vld [tilespmem:s0+$0xF258];
	_ =	sdelay $0x4  }
0x263: {  	[tilespmem:s4+$0xF258] =	vst.add.f32.msk $0xffff, v0  }
0x264: {  	v0 =	vld [tilespmem:s0+$0xF268];
	_ =	sdelay $0x4  }
0x265: {  	[tilespmem:s4+$0xF268] =	vst.add.f32.msk $0xffff, v0  }
0x266: {  	v0 =	vld [tilespmem:s0+$0xF278];
	_ =	sdelay $0x4  }
0x267: {  	[tilespmem:s4+$0xF278] =	vst.add.f32.msk $0xffff, v0  }
0x268: {  	v0 =	vld [tilespmem:s0+$0xF288];
	_ =	sdelay $0x4  }
0x269: {  	[tilespmem:s4+$0xF288] =	vst.add.f32.msk $0xffff, v0  }
0x26a: {  	v0 =	vld [tilespmem:s0+$0xF298];
	_ =	sdelay $0x4  }
0x26b: {  	[tilespmem:s4+$0xF298] =	vst.add.f32.msk $0xffff, v0  }
0x26c: {  	v0 =	vld [tilespmem:s0+$0xF2A8]  }
.Ltmp38:
0x26d: {  	_ = 	snop;
	(pc) =	sbr.rel .LBB2_48-.Ltmp38, $2  }
0x26e: {  	_ =	sdelay $0x2  }
0x26f: {  	[tilespmem:s4+$0xF2A8] =	vst.add.f32.msk $0xffff, v0  }
.LBB2_49:
0x270: {  	p1 =	slt.s32 s2, $0x1  }
.Ltmp39:
0x271: {  	_ = 	snop;
	(pc) =	sbr.rel @p1 .LBB2_53-.Ltmp39, $3  }
0x272: {  	_ =	sdelay $0x1  }
0x273: {  	s0 =	simm.s32 $0x8  }
0x274: {  	s3 =	simm.s32 $0x0;
	[sflag:s0] =	ssyncpa.u1 $0x1  }
0x275: {  	s0 =	simm.s32 $0xF218  }
0x276: {  	v0 =	vld.msk [tilespmem:s0+$0x0], $0x1;
	_ =	sdelay $0x4  }
0x277: {  	(v2sf) =	vpush v0, $0x0;
	_ =	sdelay $0xe  }
0x278: {  	s0 =	sadd.s32 $0xFFFFFFFF, s2;
	s5 =	spop (v2sf)  }
0x279: {  	p2 =	sne.s32 s0, $0x0;
	p1 =	sgt.u32 s5, $0x270F0  }
.Ltmp40:
0x27a: {  	s6 =	sand.u32 @!p1 $0x3FFF8, s5;
	(pc) =	sbr.rel @!p2 .LBB2_52-.Ltmp40, $4  }
0x27b: {  	s4 =	simm.s32 $0xF238;
	s5 =	sand.u32 @!p1 $0x7, s5;
	s2 =	sadd.s32 @!p1 s1, s6  }
0x27c: {  	[hbm4b:s2+s5] =	stream.linear.scatter @!p1 [tilespmem:s4], [sflag:$0x7], $0x80, $0x38;
	[tilespmem:$0x1F6F8] =	vst v63  }
0x27d: {  	s5 =	simm.s32 $0x0  }
0x27e: {  	s2 =	simm.s32 $0xF219;
	s5 =	simm.s32 @!p1 $0x200  }
.LBB2_51:
0x27f: {  	v0 =	vld.msk [tilespmem:s2+$0x0], $0x1;
	s0 =	sadd.s32 $0xFFFFFFFF, s0;
	s3 =	sadd.s32 s3, s5  }
0x280: {  	p1 =	sne.s32 s0, $0x0;
	_ =	sdelay $0x3  }
0x281: {  	(v2sf) =	vpush v0, $0x0;
	_ =	sdelay $0xe  }
.Ltmp41:
0x282: {  	s6 =	spop (v2sf);
	(pc) =	sbr.rel @p1 .LBB2_51-.Ltmp41, $4  }
0x283: {  	s5 =	simm.s32 $0x0;
	p2 =	sgt.u32 s6, $0x270F0  }
0x284: {  	s4 =	sadd.s32 $0x80, s4;
	s5 =	simm.s32 @!p2 $0x200;
	s7 =	sand.u32 @!p2 $0x3FFF8, s6  }
0x285: {  	s2 =	sadd.s32 $0x1, s2;
	s6 =	sand.u32 @!p2 $0x7, s6;
	s7 =	sadd.s32 @!p2 s1, s7  }
0x286: {  	[hbm4b:s7+s6] =	stream.linear.scatter @!p2 [tilespmem:s4], [sflag:$0x7], $0x80, $0x38;
	[tilespmem:$0x1F6F8] =	vst v63  }
.LBB2_52:
0x287: {  	s0 =	sadd.s32 s3, s5  }
0x288: {  	s3 =	sshrl.u32 s0, $0x2  }
.LBB2_53:
0x289: {  	s0 =	simm.s32 $0x7  }
0x28a: {  	_ =	swait.ge [sflag:s0], s3  }
0x28b: {  	s1 =	ssub.s32 $0x0, s3;
	[sflag:s0] =	ssyncset.done $0x0  }
0x28c: {  	[sflag:s0] =	ssyncadd.s32 s1  }
0x28d: {  	[sflag:s0] =	ssyncpa.u1 $0x1  }
.LBB2_54:
0x28e: {  	_ =	sfence;
	s0 =	simm.s32 $0x1  }
0x28f: {  	[sflag:s0] =	ssyncpa.u1 $0x1  }
0x290: {  	_ =	strace $0x90000047  }
0x291: {  	[bflag:$0x2] =	sbarrier.arrive $0xFFFF  }
0x292: {  	s0 =	rddreg [dreg:$0x3]  }
0x293: {  	s0 =	sadd.s32 @!p0 $0x100000, s0  }
0x294: {  	[sflag:s0] =	ssyncadd.tile.s32 @!p0 $0x1;
	_ =	shalt  }
.Lfunc_end2:
_tile_overlayer_lowered:
.L_overlay_start_2:
0x295: {  	(tag) =	ssettag $0x2  }
0x296: {  	s0 =	rddreg [dreg:$0x0];
	s2 =	stileid.u32  }
0x297: {  	s1 =	rddreg [dreg:$0x1];
	p0 =	sne.s32 s2, $0x0  }
0x298: {  	s3 =	rddreg [dreg:$0x2];
	[bflag:$0x3] =	sbarrier.arrive $0xFFFF;
	s2 =	simm.s32 @!p0 $0x1C01  }
0x299: {  	[timem:s3], [sflag:s2] =	dma.local @!p0 [hbm:s0], s1  }
0x29a: {  	s0 =	simm.s32 @!p0 $0x1  }
0x29b: {  	_ =	swait.ge @!p0 [sflag:s0], s1  }
0x29c: {  	s1 =	ssub.s32 @!p0 $0x0, s1;
	[sflag:s0] =	ssyncset.done @!p0 $0x0  }
0x29d: {  	[sflag:s0] =	ssyncadd.s32 @!p0 s1  }
0x29e: {  	[bflag:$0x3] =	sbarrier.arrive $0xFFFF  }
0x29f: {  	_ =	shalt  }

</sc_bundles>
